<compile_context>
chip_gen: v7x
topology: tpu7x:2x2x1
jax: 0.10.2.dev20260603
libtpu: 0.0.44.dev20260713+nightly
codegen_flags: <defaults>
</compile_context>

<pallas_src>
import functools

import jax
import jax.numpy as jnp
from jax import lax
from jax.experimental import pallas as pl
from jax.experimental.pallas import tpu as pltpu, tpu_sc as plsc

D = 1536
H = 8
HID = 256
N = 10000
E = 160000

NROW = 10240
NT = 10112
E_PAD = 163840
EPW_A = E_PAD // 32
NB_A = EPW_A // 8
NMB_A = EPW_A // 64
EPW_B = E_PAD // 16
NB_B = EPW_B // 16


def _mm_body(x_ref, w_ref, b_ref, o_ref):
    o_ref[...] = jnp.dot(x_ref[...], w_ref[...],
                         preferred_element_type=jnp.float32) + b_ref[...]


def _matmul(x, w, b, n_blk):
    m, k = x.shape
    n = w.shape[1]
    return pl.pallas_call(
        _mm_body,
        grid=(m // 1024, n // n_blk),
        in_specs=[
            pl.BlockSpec((1024, k), lambda i, j: (i, 0)),
            pl.BlockSpec((k, n_blk), lambda i, j: (0, j)),
            pl.BlockSpec((1, n_blk), lambda i, j: (0, j)),
        ],
        out_specs=pl.BlockSpec((1024, n_blk), lambda i, j: (i, j)),
        out_shape=jax.ShapeDtypeStruct((m, n), jnp.float32),
    )(x, w, b.reshape(1, n))


def _matmul_qk(x, w, b):
    m, k = x.shape
    return pl.pallas_call(
        _mm_body,
        grid=(m // 1024, 8),
        in_specs=[
            pl.BlockSpec((1024, k), lambda i, j: (i, 0)),
            pl.BlockSpec((k, 512), lambda i, j: (0, j)),
            pl.BlockSpec((1, 512), lambda i, j: (0, j)),
        ],
        out_specs=pl.BlockSpec(
            (1024, 512), lambda i, j: ((j // 4) * (m // 1024) + i, j % 4)),
        out_shape=jax.ShapeDtypeStruct((2 * m, 2048), jnp.float32),
    )(x, w, b.reshape(1, 4096))


def _matmul_v(x, w, b):
    m, k = x.shape
    return pl.pallas_call(
        _mm_body,
        grid=(m // 1024, 16),
        in_specs=[
            pl.BlockSpec((1024, k), lambda i, j: (i, 0)),
            pl.BlockSpec((k, 128), lambda i, j: (0, j)),
            pl.BlockSpec((1, 128), lambda i, j: (0, j)),
        ],
        out_specs=pl.BlockSpec(
            (1024, 128), lambda i, j: (j * (m // 1024) + i, 0)),
        out_shape=jax.ShapeDtypeStruct((16 * m, 128), jnp.float32),
    )(x, w, b.reshape(1, 2048))


def _tail_body(n0_ref, n1_ref, vs_ref, wl_ref, bl_ref, o_ref, acc_ref):
    i = pl.program_id(0)

    @pl.when(i == 0)
    def _():
        acc_ref[...] = jnp.zeros_like(acc_ref)

    x = jnp.concatenate([n0_ref[...], n1_ref[...]], axis=1) + vs_ref[...]
    r = jnp.maximum(x, 0.0)
    acc_ref[...] += jnp.sum(r.reshape(50, 8, 256), axis=0)

    @pl.when(i == 24)
    def _():
        t = jnp.sum(acc_ref[...], axis=0, keepdims=True) * (1.0 / N)
        g = jnp.dot(t, wl_ref[...], preferred_element_type=jnp.float32) + bl_ref[...]
        o_ref[...] = jnp.broadcast_to(g, (8, D))


def _tail(n0, n1, vs, wl, bl):
    return pl.pallas_call(
        _tail_body,
        grid=(25,),
        in_specs=[
            pl.BlockSpec((400, 128), lambda i: (i, 0)),
            pl.BlockSpec((400, 128), lambda i: (i, 0)),
            pl.BlockSpec((400, 256), lambda i: (i, 0)),
            pl.BlockSpec((256, D), lambda i: (0, 0)),
            pl.BlockSpec((1, D), lambda i: (0, 0)),
        ],
        out_specs=pl.BlockSpec((8, D), lambda i: (0, 0)),
        out_shape=jax.ShapeDtypeStruct((8, D), jnp.float32),
        scratch_shapes=[pltpu.VMEM((8, 256), jnp.float32)],
    )(n0, n1, vs, wl, bl.reshape(1, D))


@functools.lru_cache(maxsize=1)
def _mesh():
    return plsc.VectorSubcoreMesh(core_axis_name="c", subcore_axis_name="s",
                                  num_cores=2, num_subcores=16)


_IOTA16 = lambda: lax.iota(jnp.int32, 16)


def _vtake(x, idx):
    dnums = lax.GatherDimensionNumbers(
        offset_dims=(), collapsed_slice_dims=(0,), start_index_map=(0,))
    return lax.gather(x, idx[:, None], dnums, (1,),
                      mode=lax.GatherScatterMode.PROMISE_IN_BOUNDS)


def _phase_a(qk2, idx_qk, dst_a):

    @functools.partial(
        pl.kernel,
        out_type=[
            jax.ShapeDtypeStruct((E_PAD, 16), jnp.float32),
            jax.ShapeDtypeStruct((2, NT, 16), jnp.float32),
        ],
        mesh=_mesh(),
        compiler_params=pltpu.CompilerParams(use_tc_tiling_on_sc=False),
        scratch_types=[
            pltpu.VMEM((NB_A, 16), jnp.int32),
            pltpu.VMEM((NMB_A, 64), jnp.int32),
            pltpu.VMEM((2, 16, 2048), jnp.float32),
            pltpu.VMEM((2, 64, 16), jnp.float32),
            pltpu.VMEM((632, 16), jnp.float32),
            pltpu.VMEM_SHARED((NT, 16), jnp.float32),
            pltpu.SemaphoreType.DMA,
            pltpu.SemaphoreType.DMA,
            pltpu.SemaphoreType.DMA,
            pltpu.SemaphoreType.DMA,
        ],
    )
    def k(qk_hbm, idx_hbm, dsta_hbm, ex_hbm, den_hbm,
          idx_v, dsta_v, rows_v, exb_v, stage_v, den_sh,
          sem0, sem1, sem_s, sem_f):
        c = lax.axis_index("c")
        s = lax.axis_index("s")
        w = c * 16 + s
        pltpu.sync_copy(idx_hbm.at[w], idx_v)
        pltpu.sync_copy(dsta_hbm.at[w], dsta_v)

        def zrow(i, _):
            stage_v[i] = jnp.zeros((16,), jnp.float32)
            return 0
        lax.fori_loop(0, 632, zrow, 0)
        pltpu.sync_copy(stage_v, den_sh.at[pl.ds(s * 632, 632)])
        plsc.subcore_barrier()

        def gcopy(sb, slot, sem):
            return pltpu.make_async_copy(
                qk_hbm.at[idx_v.at[sb]], rows_v.at[slot], sem)

        def scat_start(m, p):
            pltpu.async_copy(exb_v.at[p], den_sh.at[dsta_v.at[m]], sem_s,
                             add=True)

        def scat_wait(m, p):
            pltpu.make_async_copy(
                exb_v.at[p], den_sh.at[dsta_v.at[m]], sem_s).wait()

        def flush(m, p):
            return pltpu.make_async_copy(
                exb_v.at[p], ex_hbm.at[pl.ds(w * EPW_A + m * 64, 64)], sem_f)

        gcopy(0, 0, sem0).start()
        sems = (sem0, sem1)
        perms = tuple(_IOTA16() ^ sh for sh in (8, 4, 2, 1))
        zero16 = jnp.zeros((16,), jnp.float32)

        def macro(bm2, _):
            for u in range(2):
                sb = bm2 * 2 + u
                m = sb >> 3
                mp = m & 1

                @pl.when((sb & 7) == 0)
                def _():
                    @pl.when(m >= 2)
                    def _():
                        scat_wait(m, mp)
                        flush(m, mp).wait()

                @pl.when(sb + 1 < NB_A)
                def _():
                    gcopy(sb + 1, 1 - u, sems[1 - u]).start()

                gcopy(sb, u, sems[u]).wait()

                def edge(e, _):
                    def head(hh, av):
                        acc = (rows_v[u, 2 * e, pl.ds(hh * 256, 16)] *
                               rows_v[u, 2 * e + 1, pl.ds(hh * 256, 16)])
                        for j in range(1, 16):
                            acc += (rows_v[u, 2 * e, pl.ds(hh * 256 + j * 16, 16)] *
                                    rows_v[u, 2 * e + 1, pl.ds(hh * 256 + j * 16, 16)])
                        for p in perms:
                            acc = acc + _vtake(acc, p)
                        return jnp.where(_IOTA16() == hh, acc, av)
                    av = lax.fori_loop(0, H, head, zero16)
                    exb_v[mp, (sb & 7) * 8 + e] = jnp.exp(av * 0.0625)
                    return 0
                lax.fori_loop(0, 8, edge, 0)

                @pl.when((sb & 7) == 7)
                def _():
                    scat_start(m, mp)
                    flush(m, mp).start()
            return 0

        lax.fori_loop(0, NB_A // 2, macro, 0)
        scat_wait(NMB_A - 2, 0)
        flush(NMB_A - 2, 0).wait()
        scat_wait(NMB_A - 1, 1)
        flush(NMB_A - 1, 1).wait()
        plsc.subcore_barrier()
        pltpu.sync_copy(den_sh.at[pl.ds(s * 632, 632)], stage_v)
        pltpu.sync_copy(stage_v, den_hbm.at[c, pl.ds(s * 632, 632)])

    return k(qk2, idx_qk, dst_a)


def _phase_b(v2, idx_v_tab, dst_b, ex, den0, den1):

    @functools.partial(
        pl.kernel,
        out_type=jax.ShapeDtypeStruct((2, NT, 128), jnp.float32),
        mesh=_mesh(),
        compiler_params=pltpu.CompilerParams(use_tc_tiling_on_sc=False),
        scratch_types=[
            pltpu.VMEM((32, 16), jnp.int32),
            pltpu.VMEM((32, 128), jnp.int32),
            pltpu.VMEM((2, 128, 128), jnp.float32),
            pltpu.VMEM((2, 16, 16), jnp.float32),
            pltpu.VMEM((2, 16, 16), jnp.float32),
            pltpu.VMEM((2, 16, 16), jnp.float32),
            pltpu.VMEM((2, 16, 128), jnp.float32),
            pltpu.VMEM((16, 128), jnp.float32),
            pltpu.VMEM_SHARED((NT, 128), jnp.float32),
            pltpu.SemaphoreType.DMA,
            pltpu.SemaphoreType.DMA,
            pltpu.SemaphoreType.DMA,
        ],
    )
    def k(v_hbm, idxv_hbm, dstb_hbm, ex_hbm, d0_hbm, d1_hbm, num_hbm,
          dstb_v, idxc_v, vrows_v, exs_v, d0_v, d1_v, contrib_v, zd_v,
          acc_sh, sem0, sem1, sem_s):
        c = lax.axis_index("c")
        s = lax.axis_index("s")
        w = c * 16 + s

        def zrow(i, _):
            for jv in range(8):
                zd_v[i, pl.ds(jv * 16, 16)] = jnp.zeros((16,), jnp.float32)
            return 0
        lax.fori_loop(0, 16, zrow, 0)

        def zchunk(t, _):
            pltpu.sync_copy(zd_v, acc_sh.at[pl.ds(s * 632 + t * 16, 16)])
            return 0
        lax.fori_loop(0, 39, zchunk, 0)
        pltpu.sync_copy(zd_v.at[pl.ds(0, 8)], acc_sh.at[pl.ds(s * 632 + 624, 8)])
        plsc.subcore_barrier()

        sems = (sem0, sem1)

        def copies(bl, b, slot, sem):
            return (
                pltpu.make_async_copy(v_hbm.at[idxc_v.at[bl]], vrows_v.at[slot], sem),
                pltpu.make_async_copy(ex_hbm.at[pl.ds(s * EPW_B + b * 16, 16)],
                                      exs_v.at[slot], sem),
                pltpu.make_async_copy(d0_hbm.at[dstb_v.at[bl]], d0_v.at[slot], sem),
                pltpu.make_async_copy(d1_hbm.at[dstb_v.at[bl]], d1_v.at[slot], sem),
            )

        def fire(bl, b, slot):
            for cp in copies(bl, b, slot, sems[slot]):
                cp.start()

        def drain(bl, b, slot):
            for cp in copies(bl, b, slot, sems[slot]):
                cp.wait()

        def cscat_start(bl, slot):
            pltpu.async_copy(contrib_v.at[slot], acc_sh.at[dstb_v.at[bl]],
                             sem_s, add=True)

        def cscat_wait(bl, slot):
            pltpu.make_async_copy(
                contrib_v.at[slot], acc_sh.at[dstb_v.at[bl]], sem_s).wait()

        hbc = tuple(jnp.full((16,), hh, jnp.int32) for hh in range(H))
        zero16 = jnp.zeros((16,), jnp.float32)

        def process(bl, b, slot):
            @pl.when(bl >= 2)
            def _():
                cscat_wait(bl, slot)

            def edge(e, _):
                exrow = exs_v[slot, e]
                den = d0_v[slot, e] + d1_v[slot, e]
                coef = exrow / (den + 1e-16) * 0.125
                accs = [zero16 for _ in range(8)]
                for hh in range(H):
                    ch = _vtake(coef, hbc[hh])
                    for jv in range(8):
                        accs[jv] += ch * vrows_v[slot, e * 8 + hh, pl.ds(jv * 16, 16)]
                for jv in range(8):
                    contrib_v[slot, e, pl.ds(jv * 16, 16)] = accs[jv]
                return 0
            lax.fori_loop(0, 16, edge, 0)
            cscat_start(bl, slot)

        def chunk(ci, _):
            off = ci * 32
            pltpu.sync_copy(idxv_hbm.at[w, pl.ds(off, 32)], idxc_v)
            pltpu.sync_copy(dstb_hbm.at[s, pl.ds(off, 32)], dstb_v)
            fire(0, off, 0)

            def macro(m, _):
                for u in range(2):
                    bl = m * 2 + u

                    @pl.when(bl + 1 < 32)
                    def _():
                        fire(bl + 1, off + bl + 1, 1 - u)

                    drain(bl, off + bl, u)
                    process(bl, off + bl, u)
                return 0

            lax.fori_loop(0, 16, macro, 0)
            cscat_wait(30, 0)
            cscat_wait(31, 1)
            return 0

        lax.fori_loop(0, 20, chunk, 0)
        plsc.subcore_barrier()

        def dump(t, _):
            pltpu.sync_copy(acc_sh.at[pl.ds(s * 632 + t * 16, 16)], zd_v)
            pltpu.sync_copy(zd_v, num_hbm.at[c, pl.ds(s * 632 + t * 16, 16)])
            return 0
        lax.fori_loop(0, 39, dump, 0)
        pltpu.sync_copy(acc_sh.at[pl.ds(s * 632 + 624, 8)], zd_v.at[pl.ds(0, 8)])
        pltpu.sync_copy(zd_v.at[pl.ds(0, 8)], num_hbm.at[c, pl.ds(s * 632 + 624, 8)])

    return k(v2, idx_v_tab, dst_b, ex, den0, den1)


def kernel(x_text, x_graph, edge_index, edge_attr, place_node,
           Wq, bq, Wk, bk, Wv, bv, Wskip, bskip, Wlin, blin):
    f32 = jnp.float32
    i32 = jnp.int32
    x = jnp.concatenate(
        [x_graph.astype(f32), jnp.zeros((NROW - N, D), f32)], axis=0)

    src = edge_index[0].astype(i32)
    dst = edge_index[1].astype(i32)
    src_p = jnp.concatenate([src, jnp.zeros((E_PAD - E,), i32)])
    dst_p = jnp.concatenate([dst, jnp.full((E_PAD - E,), N, i32)])
    idx_qk = jnp.stack([dst_p, NROW + src_p], axis=1).reshape(32, NB_A, 16)
    dst_a = dst_p.reshape(32, NMB_A, 64)
    dst_b = dst_p.reshape(16, NB_B, 16)
    harr = jnp.arange(H, dtype=i32)
    base = (2 * harr[None, :] * NROW + src_p[:, None]).reshape(-1)
    idx_v_tab = jnp.stack([base, base + NROW], axis=0).reshape(32, NB_B, 128)

    wqk = jnp.concatenate([Wq, Wk], axis=1)
    bqk = jnp.concatenate([bq, bk])
    qk2 = _matmul_qk(x, wqk, bqk)
    v_tab = _matmul_v(x, Wv, bv)
    skip = _matmul(x, Wskip, bskip, 256)

    ex, den = _phase_a(qk2, idx_qk, dst_a)
    numer = _phase_b(v_tab, idx_v_tab, dst_b, ex, den[0], den[1])

    out = _tail(numer[0], numer[1], skip, Wlin, blin)
    return (x_text, out[0])

# --- scband reference (transcript-rebuilt; emitter-appended) ---
"""Pipeline reference for scband-text-gcn-19877108646319 (READ-ONLY COPY).

The authoritative reference and input builder live on the scoring server;
editing this copy changes nothing except your own understanding.
"""

import jax, jax.numpy as jnp
import numpy as np

D = 1536
H = 8
HID = 256
N = 10000
E = 160000

def setup_inputs(seed: int = 0):
    key = jax.random.key(seed)
    ks = jax.random.split(key, 16)
    s = 0.02
    return {
        "x_text": jax.random.normal(ks[0], (4, D), dtype=jnp.float32),
        "x_graph": jax.random.normal(ks[1], (N, D), dtype=jnp.float32),
        "edge_index": jax.random.randint(ks[2], (2, E), 0, N),
        "edge_attr": jax.random.normal(ks[3], (E, 16), dtype=jnp.float32),
        "place_node": 0,
        "Wq": jax.random.normal(ks[4], (D, H * HID), dtype=jnp.float32) * s,
        "bq": jnp.zeros((H * HID,), dtype=jnp.float32),
        "Wk": jax.random.normal(ks[5], (D, H * HID), dtype=jnp.float32) * s,
        "bk": jnp.zeros((H * HID,), dtype=jnp.float32),
        "Wv": jax.random.normal(ks[6], (D, H * HID), dtype=jnp.float32) * s,
        "bv": jnp.zeros((H * HID,), dtype=jnp.float32),
        "Wskip": jax.random.normal(ks[7], (D, HID), dtype=jnp.float32) * s,
        "bskip": jnp.zeros((HID,), dtype=jnp.float32),
        "Wlin": jax.random.normal(ks[8], (HID, D), dtype=jnp.float32) * s,
        "blin": jnp.zeros((D,), dtype=jnp.float32),
    }

def _transformer_conv(x, edge_index, Wq, bq, Wk, bk, Wv, bv, Wskip, bskip):
    # PyG TransformerConv, heads=8, concat=False, root_weight=True, beta=False.
    # Dropout (p=0.7) is identity in eval mode.
    n = x.shape[0]
    src = edge_index[0]
    dst = edge_index[1]
    q = (x @ Wq + bq).reshape(n, H, HID)
    k = (x @ Wk + bk).reshape(n, H, HID)
    v = (x @ Wv + bv).reshape(n, H, HID)
    # per-edge attention logits [E, H]
    alpha = jnp.sum(q[dst] * k[src], axis=-1) / jnp.sqrt(float(HID))
    # softmax over incoming edges of each dst node
    amax = jax.ops.segment_max(alpha, dst, num_segments=n)
    amax = jnp.where(jnp.isfinite(amax), amax, 0.0)
    amax = jax.lax.stop_gradient(amax)
    ex = jnp.exp(alpha - amax[dst])
    denom = jax.ops.segment_sum(ex, dst, num_segments=n)
    coef = ex / (denom[dst] + 1e-16)
    out = jax.ops.segment_sum(coef[:, :, None] * v[src], dst, num_segments=n)
    out = jnp.mean(out, axis=1)  # concat=False -> average heads
    out = out + x @ Wskip + bskip  # root/skip connection
    return out

def reference(x_text, x_graph, edge_index, edge_attr, place_node, Wq, bq, Wk, bk, Wv, bv, Wskip, bskip, Wlin, blin):
    # edge_attr and place_node are accepted but unused, matching the torch forward.
    g = _transformer_conv(x_graph, edge_index, Wq, bq, Wk, bk, Wv, bv, Wskip, bskip)
    g = jax.nn.relu(g)
    g = g @ Wlin + blin
    g = jnp.mean(g, axis=0)
    return (x_text, g)

if __name__ == "__main__":
    import jax
    _d = setup_inputs()
    print(jax.jit(kernel)(*tuple(_d.values())))

</pallas_src>

<mosaic_0001>
#map = affine_map<(d0, d1) -> (0, 0)>
#map1 = affine_map<(d0, d1) -> (0, 0, 0)>
module attributes {stable_mosaic.version = 14 : i64} {
  func.func @k(%arg0: i32, %arg1: i32, %arg2: memref<163840x128xf32, #tpu.memory_space<hbm>>, %arg3: memref<32x640x128xi32, #tpu.memory_space<hbm>>, %arg4: memref<16x640x16xi32, #tpu.memory_space<hbm>>, %arg5: memref<163840x16xf32, #tpu.memory_space<hbm>>, %arg6: memref<10112x16xf32, #tpu.memory_space<hbm>>, %arg7: memref<10112x16xf32, #tpu.memory_space<hbm>>, %arg8: memref<2x10112x128xf32, #tpu.memory_space<hbm>>, %arg9: memref<32x16xi32, #tpu.memory_space<vmem>>, %arg10: memref<32x128xi32, #tpu.memory_space<vmem>>, %arg11: memref<2x128x128xf32, #tpu.memory_space<vmem>>, %arg12: memref<2x16x16xf32, #tpu.memory_space<vmem>>, %arg13: memref<2x16x16xf32, #tpu.memory_space<vmem>>, %arg14: memref<2x16x16xf32, #tpu.memory_space<vmem>>, %arg15: memref<2x16x128xf32, #tpu.memory_space<vmem>>, %arg16: memref<16x128xf32, #tpu.memory_space<vmem>>, %arg17: memref<10112x128xf32, #tpu.memory_space<vmem_shared>>, %arg18: memref<!tpu.dma_semaphore, #tpu.memory_space<semaphore_mem>>, %arg19: memref<!tpu.dma_semaphore, #tpu.memory_space<semaphore_mem>>, %arg20: memref<!tpu.dma_semaphore, #tpu.memory_space<semaphore_mem>>) attributes {dimension_semantics = [#tpu.dimension_semantics<core_parallel>, #tpu.dimension_semantics<subcore_parallel>], iteration_bounds = array<i64: 2, 16>, scalar_prefetch = 0 : i64, scratch_operands = 12 : i64, tpu.core_type = #tpu.core_type<sc_vector_subcore>, window_params = [{transform_indices = #map}, {transform_indices = #map1}, {transform_indices = #map1}, {transform_indices = #map}, {transform_indices = #map}, {transform_indices = #map}, {transform_indices = #map1}]} {
    %mul3A = arith.constant 16 : i32
    %mul3A_0 = arith.muli %arg0, %mul3A : i32
    %add3A = arith.addi %mul3A_0, %arg1 : i32
    %scan3A = arith.constant 0 : i32
    %scan3A_1 = arith.constant 0 : i32
    %scan3A_2 = arith.constant 16 : i32
    %scan3A_3 = arith.addi %scan3A_1, %scan3A_2 : i32
    %scan3A_4 = arith.constant 1 : i32
    %scan3A_5 = scf.for %scan3A_58 = %scan3A_1 to %scan3A_3 step %scan3A_4 iter_args(%scan3A_59 = %scan3A) -> (i32)  : i32 {
      %broadcast_in_dim3A_60 = arith.constant 0.000000e+00 : f32
      %broadcast_in_dim3A_61 = vector.broadcast %broadcast_in_dim3A_60 : f32 to vector<16xf32>
      %swap3A = arith.index_cast %scan3A_58 : i32 to index
      %swap3A_62 = arith.constant 0 : index
      %swap3A_63 = tpu.vector_load %arg16[%swap3A, %swap3A_62] {strides = array<i32>} : memref<16x128xf32, #tpu.memory_space<vmem>>, vector<1x16xf32>,
      %swap3A_64 = vector.shape_cast %swap3A_63 : vector<1x16xf32> to vector<16xf32>
      %swap3A_65 = vector.shape_cast %broadcast_in_dim3A_61 : vector<16xf32> to vector<1x16xf32>
      tpu.vector_store %arg16[%swap3A, %swap3A_62], %swap3A_65 {strides = array<i32>} : memref<16x128xf32, #tpu.memory_space<vmem>>, vector<1x16xf32>,
      %broadcast_in_dim3A_66 = arith.constant 0.000000e+00 : f32
      %broadcast_in_dim3A_67 = vector.broadcast %broadcast_in_dim3A_66 : f32 to vector<16xf32>
      %swap3A_68 = arith.index_cast %scan3A_58 : i32 to index
      %swap3A_69 = arith.constant 16 : index
      %swap3A_70 = tpu.vector_load %arg16[%swap3A_68, %swap3A_69] {strides = array<i32>} : memref<16x128xf32, #tpu.memory_space<vmem>>, vector<1x16xf32>,
      %swap3A_71 = vector.shape_cast %swap3A_70 : vector<1x16xf32> to vector<16xf32>
      %swap3A_72 = vector.shape_cast %broadcast_in_dim3A_67 : vector<16xf32> to vector<1x16xf32>
      tpu.vector_store %arg16[%swap3A_68, %swap3A_69], %swap3A_72 {strides = array<i32>} : memref<16x128xf32, #tpu.memory_space<vmem>>, vector<1x16xf32>,
      %broadcast_in_dim3A_73 = arith.constant 0.000000e+00 : f32
      %broadcast_in_dim3A_74 = vector.broadcast %broadcast_in_dim3A_73 : f32 to vector<16xf32>
      %swap3A_75 = arith.index_cast %scan3A_58 : i32 to index
      %swap3A_76 = arith.constant 32 : index
      %swap3A_77 = tpu.vector_load %arg16[%swap3A_75, %swap3A_76] {strides = array<i32>} : memref<16x128xf32, #tpu.memory_space<vmem>>, vector<1x16xf32>,
      %swap3A_78 = vector.shape_cast %swap3A_77 : vector<1x16xf32> to vector<16xf32>
      %swap3A_79 = vector.shape_cast %broadcast_in_dim3A_74 : vector<16xf32> to vector<1x16xf32>
      tpu.vector_store %arg16[%swap3A_75, %swap3A_76], %swap3A_79 {strides = array<i32>} : memref<16x128xf32, #tpu.memory_space<vmem>>, vector<1x16xf32>,
      %broadcast_in_dim3A_80 = arith.constant 0.000000e+00 : f32
      %broadcast_in_dim3A_81 = vector.broadcast %broadcast_in_dim3A_80 : f32 to vector<16xf32>
      %swap3A_82 = arith.index_cast %scan3A_58 : i32 to index
      %swap3A_83 = arith.constant 48 : index
      %swap3A_84 = tpu.vector_load %arg16[%swap3A_82, %swap3A_83] {strides = array<i32>} : memref<16x128xf32, #tpu.memory_space<vmem>>, vector<1x16xf32>,
      %swap3A_85 = vector.shape_cast %swap3A_84 : vector<1x16xf32> to vector<16xf32>
      %swap3A_86 = vector.shape_cast %broadcast_in_dim3A_81 : vector<16xf32> to vector<1x16xf32>
      tpu.vector_store %arg16[%swap3A_82, %swap3A_83], %swap3A_86 {strides = array<i32>} : memref<16x128xf32, #tpu.memory_space<vmem>>, vector<1x16xf32>,
      %broadcast_in_dim3A_87 = arith.constant 0.000000e+00 : f32
      %broadcast_in_dim3A_88 = vector.broadcast %broadcast_in_dim3A_87 : f32 to vector<16xf32>
      %swap3A_89 = arith.index_cast %scan3A_58 : i32 to index
      %swap3A_90 = arith.constant 64 : index
      %swap3A_91 = tpu.vector_load %arg16[%swap3A_89, %swap3A_90] {strides = array<i32>} : memref<16x128xf32, #tpu.memory_space<vmem>>, vector<1x16xf32>,
      %swap3A_92 = vector.shape_cast %swap3A_91 : vector<1x16xf32> to vector<16xf32>
      %swap3A_93 = vector.shape_cast %broadcast_in_dim3A_88 : vector<16xf32> to vector<1x16xf32>
      tpu.vector_store %arg16[%swap3A_89, %swap3A_90], %swap3A_93 {strides = array<i32>} : memref<16x128xf32, #tpu.memory_space<vmem>>, vector<1x16xf32>,
      %broadcast_in_dim3A_94 = arith.constant 0.000000e+00 : f32
      %broadcast_in_dim3A_95 = vector.broadcast %broadcast_in_dim3A_94 : f32 to vector<16xf32>
      %swap3A_96 = arith.index_cast %scan3A_58 : i32 to index
      %swap3A_97 = arith.constant 80 : index
      %swap3A_98 = tpu.vector_load %arg16[%swap3A_96, %swap3A_97] {strides = array<i32>} : memref<16x128xf32, #tpu.memory_space<vmem>>, vector<1x16xf32>,
      %swap3A_99 = vector.shape_cast %swap3A_98 : vector<1x16xf32> to vector<16xf32>
      %swap3A_100 = vector.shape_cast %broadcast_in_dim3A_95 : vector<16xf32> to vector<1x16xf32>
      tpu.vector_store %arg16[%swap3A_96, %swap3A_97], %swap3A_100 {strides = array<i32>} : memref<16x128xf32, #tpu.memory_space<vmem>>, vector<1x16xf32>,
      %broadcast_in_dim3A_101 = arith.constant 0.000000e+00 : f32
      %broadcast_in_dim3A_102 = vector.broadcast %broadcast_in_dim3A_101 : f32 to vector<16xf32>
      %swap3A_103 = arith.index_cast %scan3A_58 : i32 to index
      %swap3A_104 = arith.constant 96 : index
      %swap3A_105 = tpu.vector_load %arg16[%swap3A_103, %swap3A_104] {strides = array<i32>} : memref<16x128xf32, #tpu.memory_space<vmem>>, vector<1x16xf32>,
      %swap3A_106 = vector.shape_cast %swap3A_105 : vector<1x16xf32> to vector<16xf32>
      %swap3A_107 = vector.shape_cast %broadcast_in_dim3A_102 : vector<16xf32> to vector<1x16xf32>
      tpu.vector_store %arg16[%swap3A_103, %swap3A_104], %swap3A_107 {strides = array<i32>} : memref<16x128xf32, #tpu.memory_space<vmem>>, vector<1x16xf32>,
      %broadcast_in_dim3A_108 = arith.constant 0.000000e+00 : f32
      %broadcast_in_dim3A_109 = vector.broadcast %broadcast_in_dim3A_108 : f32 to vector<16xf32>
      %swap3A_110 = arith.index_cast %scan3A_58 : i32 to index
      %swap3A_111 = arith.constant 112 : index
      %swap3A_112 = tpu.vector_load %arg16[%swap3A_110, %swap3A_111] {strides = array<i32>} : memref<16x128xf32, #tpu.memory_space<vmem>>, vector<1x16xf32>,
      %swap3A_113 = vector.shape_cast %swap3A_112 : vector<1x16xf32> to vector<16xf32>
      %swap3A_114 = vector.shape_cast %broadcast_in_dim3A_109 : vector<16xf32> to vector<1x16xf32>
      tpu.vector_store %arg16[%swap3A_110, %swap3A_111], %swap3A_114 {strides = array<i32>} : memref<16x128xf32, #tpu.memory_space<vmem>>, vector<1x16xf32>,
      %scan3A_115 = arith.constant 0 : i32
      scf.yield %scan3A_115 : i32
    }
    %scan3A_6 = arith.constant 16 : i32
    %scan3A_7 = arith.constant 0 : i32
    %scan3A_8 = arith.constant 0 : i32
    %scan3A_9 = arith.constant 39 : i32
    %scan3A_10 = arith.addi %scan3A_8, %scan3A_9 : i32
    %scan3A_11 = arith.constant 1 : i32
    %scan3A_12 = scf.for %scan3A_58 = %scan3A_8 to %scan3A_10 step %scan3A_11 iter_args(%scan3A_59 = %scan3A_7) -> (i32)  : i32 {
      %mul3A_60 = arith.constant 632 : i32
      %mul3A_61 = arith.muli %arg1, %mul3A_60 : i32
      %mul3A_62 = arith.constant 16 : i32
      %mul3A_63 = arith.muli %scan3A_58, %mul3A_62 : i32
      %add3A_64 = arith.addi %mul3A_61, %mul3A_63 : i32
      "tpu.region"() ({
        %run_scoped3A = tpu.sem_alloc : memref<!tpu.dma_semaphore, #tpu.memory_space<semaphore_mem>>
        %dma_start3A = arith.constant 0 : i32
        %dma_start3A_66 = tpu.memref_slice %arg17[%add3A_64, %dma_start3A] : memref<10112x128xf32, #tpu.memory_space<vmem_shared>> -> memref<16x128xf32, #tpu.memory_space<vmem_shared>>
        %dma_start3A_67 = arith.constant 0 : i32
        %dma_start3A_68 = tpu.memref_slice %arg17[%add3A_64, %dma_start3A_67] : memref<10112x128xf32, #tpu.memory_space<vmem_shared>> -> memref<16x128xf32, #tpu.memory_space<vmem_shared>>
        tpu.enqueue_dma source(%arg16 : memref<16x128xf32, #tpu.memory_space<vmem>>) target(%dma_start3A_68 : memref<16x128xf32, #tpu.memory_space<vmem_shared>>) target_semaphore(%run_scoped3A : memref<!tpu.dma_semaphore, #tpu.memory_space<semaphore_mem>>)
        %dma_wait3A = arith.constant 0 : i32
        %dma_wait3A_69 = tpu.memref_slice %arg17[%add3A_64, %dma_wait3A] : memref<10112x128xf32, #tpu.memory_space<vmem_shared>> -> memref<16x128xf32, #tpu.memory_space<vmem_shared>>
        %dma_wait3A_70 = arith.constant 0 : i32
        %dma_wait3A_71 = tpu.memref_slice %arg17[%add3A_64, %dma_wait3A_70] : memref<10112x128xf32, #tpu.memory_space<vmem_shared>> -> memref<16x128xf32, #tpu.memory_space<vmem_shared>>
        tpu.wait_dma2 semaphore(%run_scoped3A : memref<!tpu.dma_semaphore, #tpu.memory_space<semaphore_mem>>) src(%arg16 : memref<16x128xf32, #tpu.memory_space<vmem>>) dst(%dma_wait3A_71 : memref<16x128xf32, #tpu.memory_space<vmem_shared>>)
        tpu.yield
      }) : () -> ()
      %scan3A_65 = arith.constant 0 : i32
      scf.yield %scan3A_65 : i32
    }
    %scan3A_13 = arith.constant 39 : i32
    %mul3A_14 = arith.constant 632 : i32
    %mul3A_15 = arith.muli %arg1, %mul3A_14 : i32
    %add3A_16 = arith.constant 624 : i32
    %add3A_17 = arith.addi %mul3A_15, %add3A_16 : i32
    "tpu.region"() ({
      %run_scoped3A = tpu.sem_alloc : memref<!tpu.dma_semaphore, #tpu.memory_space<semaphore_mem>>
      %dma_start3A = arith.constant 0 : i32
      %dma_start3A_58 = arith.constant 0 : i32
      %dma_start3A_59 = tpu.memref_slice %arg16[%dma_start3A, %dma_start3A_58] : memref<16x128xf32, #tpu.memory_space<vmem>> -> memref<8x128xf32, #tpu.memory_space<vmem>>
      %dma_start3A_60 = arith.constant 0 : i32
      %dma_start3A_61 = tpu.memref_slice %arg17[%add3A_17, %dma_start3A_60] : memref<10112x128xf32, #tpu.memory_space<vmem_shared>> -> memref<8x128xf32, #tpu.memory_space<vmem_shared>>
      %dma_start3A_62 = arith.constant 0 : i32
      %dma_start3A_63 = tpu.memref_slice %arg17[%add3A_17, %dma_start3A_62] : memref<10112x128xf32, #tpu.memory_space<vmem_shared>> -> memref<8x128xf32, #tpu.memory_space<vmem_shared>>
      %dma_start3A_64 = arith.constant 0 : i32
      %dma_start3A_65 = arith.constant 0 : i32
      %dma_start3A_66 = tpu.memref_slice %arg16[%dma_start3A_64, %dma_start3A_65] : memref<16x128xf32, #tpu.memory_space<vmem>> -> memref<8x128xf32, #tpu.memory_space<vmem>>
      tpu.enqueue_dma source(%dma_start3A_66 : memref<8x128xf32, #tpu.memory_space<vmem>>) target(%dma_start3A_63 : memref<8x128xf32, #tpu.memory_space<vmem_shared>>) target_semaphore(%run_scoped3A : memref<!tpu.dma_semaphore, #tpu.memory_space<semaphore_mem>>)
      %dma_wait3A = arith.constant 0 : i32
      %dma_wait3A_67 = arith.constant 0 : i32
      %dma_wait3A_68 = tpu.memref_slice %arg16[%dma_wait3A, %dma_wait3A_67] : memref<16x128xf32, #tpu.memory_space<vmem>> -> memref<8x128xf32, #tpu.memory_space<vmem>>
      %dma_wait3A_69 = arith.constant 0 : i32
      %dma_wait3A_70 = tpu.memref_slice %arg17[%add3A_17, %dma_wait3A_69] : memref<10112x128xf32, #tpu.memory_space<vmem_shared>> -> memref<8x128xf32, #tpu.memory_space<vmem_shared>>
      %dma_wait3A_71 = arith.constant 0 : i32
      %dma_wait3A_72 = tpu.memref_slice %arg17[%add3A_17, %dma_wait3A_71] : memref<10112x128xf32, #tpu.memory_space<vmem_shared>> -> memref<8x128xf32, #tpu.memory_space<vmem_shared>>
      %dma_wait3A_73 = arith.constant 0 : i32
      %dma_wait3A_74 = arith.constant 0 : i32
      %dma_wait3A_75 = tpu.memref_slice %arg16[%dma_wait3A_73, %dma_wait3A_74] : memref<16x128xf32, #tpu.memory_space<vmem>> -> memref<8x128xf32, #tpu.memory_space<vmem>>
      tpu.wait_dma2 semaphore(%run_scoped3A : memref<!tpu.dma_semaphore, #tpu.memory_space<semaphore_mem>>) src(%dma_wait3A_75 : memref<8x128xf32, #tpu.memory_space<vmem>>) dst(%dma_wait3A_72 : memref<8x128xf32, #tpu.memory_space<vmem_shared>>)
      tpu.yield
    }) : () -> ()
    %barrier3A = arith.constant 0 : index
    tpu.barrier barrier_id(%barrier3A)
    %broadcast_in_dim3A = arith.constant 0 : i32
    %broadcast_in_dim3A_18 = vector.broadcast %broadcast_in_dim3A : i32 to vector<16xi32>
    %broadcast_in_dim3A_19 = arith.constant 1 : i32
    %broadcast_in_dim3A_20 = vector.broadcast %broadcast_in_dim3A_19 : i32 to vector<16xi32>
    %broadcast_in_dim3A_21 = arith.constant 2 : i32
    %broadcast_in_dim3A_22 = vector.broadcast %broadcast_in_dim3A_21 : i32 to vector<16xi32>
    %broadcast_in_dim3A_23 = arith.constant 3 : i32
    %broadcast_in_dim3A_24 = vector.broadcast %broadcast_in_dim3A_23 : i32 to vector<16xi32>
    %broadcast_in_dim3A_25 = arith.constant 4 : i32
    %broadcast_in_dim3A_26 = vector.broadcast %broadcast_in_dim3A_25 : i32 to vector<16xi32>
    %broadcast_in_dim3A_27 = arith.constant 5 : i32
    %broadcast_in_dim3A_28 = vector.broadcast %broadcast_in_dim3A_27 : i32 to vector<16xi32>
    %broadcast_in_dim3A_29 = arith.constant 6 : i32
    %broadcast_in_dim3A_30 = vector.broadcast %broadcast_in_dim3A_29 : i32 to vector<16xi32>
    %broadcast_in_dim3A_31 = arith.constant 7 : i32
    %broadcast_in_dim3A_32 = vector.broadcast %broadcast_in_dim3A_31 : i32 to vector<16xi32>
    %broadcast_in_dim3A_33 = arith.constant 0.000000e+00 : f32
    %broadcast_in_dim3A_34 = vector.broadcast %broadcast_in_dim3A_33 : f32 to vector<16xf32>
    %scan3A_35 = arith.constant 0 : i32
    %scan3A_36 = arith.constant 0 : i32
    %scan3A_37 = arith.constant 20 : i32
    %scan3A_38 = arith.addi %scan3A_36, %scan3A_37 : i32
    %scan3A_39 = arith.constant 1 : i32
    %scan3A_40 = scf.for %scan3A_58 = %scan3A_36 to %scan3A_38 step %scan3A_39 iter_args(%scan3A_59 = %scan3A_35) -> (i32)  : i32 {
      %mul3A_60 = arith.constant 32 : i32
      %mul3A_61 = arith.muli %scan3A_58, %mul3A_60 : i32
      "tpu.region"() ({
        %run_scoped3A = tpu.sem_alloc : memref<!tpu.dma_semaphore, #tpu.memory_space<semaphore_mem>>
        %dma_start3A_146 = arith.constant 0 : i32
        %dma_start3A_147 = tpu.memref_slice %arg3[%add3A, %mul3A_61, %dma_start3A_146] : memref<32x640x128xi32, #tpu.memory_space<hbm>> -> memref<1x32x128xi32, #tpu.memory_space<hbm>>
        %dma_start3A_148 = tpu.memref_squeeze %dma_start3A_147 : memref<1x32x128xi32, #tpu.memory_space<hbm>> -> memref<32x128xi32, #tpu.memory_space<hbm>>
        %dma_start3A_149 = arith.constant 0 : i32
        %dma_start3A_150 = tpu.memref_slice %arg3[%add3A, %mul3A_61, %dma_start3A_149] : memref<32x640x128xi32, #tpu.memory_space<hbm>> -> memref<1x32x128xi32, #tpu.memory_space<hbm>>
        %dma_start3A_151 = tpu.memref_squeeze %dma_start3A_150 : memref<1x32x128xi32, #tpu.memory_space<hbm>> -> memref<32x128xi32, #tpu.memory_space<hbm>>
        tpu.enqueue_dma source(%dma_start3A_151 : memref<32x128xi32, #tpu.memory_space<hbm>>) target(%arg10 : memref<32x128xi32, #tpu.memory_space<vmem>>) target_semaphore(%run_scoped3A : memref<!tpu.dma_semaphore, #tpu.memory_space<semaphore_mem>>)
        %dma_wait3A_152 = arith.constant 0 : i32
        %dma_wait3A_153 = tpu.memref_slice %arg3[%add3A, %mul3A_61, %dma_wait3A_152] : memref<32x640x128xi32, #tpu.memory_space<hbm>> -> memref<1x32x128xi32, #tpu.memory_space<hbm>>
        %dma_wait3A_154 = tpu.memref_squeeze %dma_wait3A_153 : memref<1x32x128xi32, #tpu.memory_space<hbm>> -> memref<32x128xi32, #tpu.memory_space<hbm>>
        %dma_wait3A_155 = arith.constant 0 : i32
        %dma_wait3A_156 = tpu.memref_slice %arg3[%add3A, %mul3A_61, %dma_wait3A_155] : memref<32x640x128xi32, #tpu.memory_space<hbm>> -> memref<1x32x128xi32, #tpu.memory_space<hbm>>
        %dma_wait3A_157 = tpu.memref_squeeze %dma_wait3A_156 : memref<1x32x128xi32, #tpu.memory_space<hbm>> -> memref<32x128xi32, #tpu.memory_space<hbm>>
        tpu.wait_dma2 semaphore(%run_scoped3A : memref<!tpu.dma_semaphore, #tpu.memory_space<semaphore_mem>>) src(%dma_wait3A_157 : memref<32x128xi32, #tpu.memory_space<hbm>>) dst(%arg10 : memref<32x128xi32, #tpu.memory_space<vmem>>)
        tpu.yield
      }) : () -> ()
      "tpu.region"() ({
        %run_scoped3A = tpu.sem_alloc : memref<!tpu.dma_semaphore, #tpu.memory_space<semaphore_mem>>
        %dma_start3A_146 = arith.constant 0 : i32
        %dma_start3A_147 = tpu.memref_slice %arg4[%arg1, %mul3A_61, %dma_start3A_146] : memref<16x640x16xi32, #tpu.memory_space<hbm>> -> memref<1x32x16xi32, #tpu.memory_space<hbm>>
        %dma_start3A_148 = tpu.memref_squeeze %dma_start3A_147 : memref<1x32x16xi32, #tpu.memory_space<hbm>> -> memref<32x16xi32, #tpu.memory_space<hbm>>
        %dma_start3A_149 = arith.constant 0 : i32
        %dma_start3A_150 = tpu.memref_slice %arg4[%arg1, %mul3A_61, %dma_start3A_149] : memref<16x640x16xi32, #tpu.memory_space<hbm>> -> memref<1x32x16xi32, #tpu.memory_space<hbm>>
        %dma_start3A_151 = tpu.memref_squeeze %dma_start3A_150 : memref<1x32x16xi32, #tpu.memory_space<hbm>> -> memref<32x16xi32, #tpu.memory_space<hbm>>
        tpu.enqueue_dma source(%dma_start3A_151 : memref<32x16xi32, #tpu.memory_space<hbm>>) target(%arg9 : memref<32x16xi32, #tpu.memory_space<vmem>>) target_semaphore(%run_scoped3A : memref<!tpu.dma_semaphore, #tpu.memory_space<semaphore_mem>>)
        %dma_wait3A_152 = arith.constant 0 : i32
        %dma_wait3A_153 = tpu.memref_slice %arg4[%arg1, %mul3A_61, %dma_wait3A_152] : memref<16x640x16xi32, #tpu.memory_space<hbm>> -> memref<1x32x16xi32, #tpu.memory_space<hbm>>
        %dma_wait3A_154 = tpu.memref_squeeze %dma_wait3A_153 : memref<1x32x16xi32, #tpu.memory_space<hbm>> -> memref<32x16xi32, #tpu.memory_space<hbm>>
        %dma_wait3A_155 = arith.constant 0 : i32
        %dma_wait3A_156 = tpu.memref_slice %arg4[%arg1, %mul3A_61, %dma_wait3A_155] : memref<16x640x16xi32, #tpu.memory_space<hbm>> -> memref<1x32x16xi32, #tpu.memory_space<hbm>>
        %dma_wait3A_157 = tpu.memref_squeeze %dma_wait3A_156 : memref<1x32x16xi32, #tpu.memory_space<hbm>> -> memref<32x16xi32, #tpu.memory_space<hbm>>
        tpu.wait_dma2 semaphore(%run_scoped3A : memref<!tpu.dma_semaphore, #tpu.memory_space<semaphore_mem>>) src(%dma_wait3A_157 : memref<32x16xi32, #tpu.memory_space<hbm>>) dst(%arg9 : memref<32x16xi32, #tpu.memory_space<vmem>>)
        tpu.yield
      }) : () -> ()
      %mul3A_62 = arith.constant 10240 : i32
      %mul3A_63 = arith.muli %arg1, %mul3A_62 : i32
      %mul3A_64 = arith.constant 16 : i32
      %mul3A_65 = arith.muli %mul3A_61, %mul3A_64 : i32
      %add3A_66 = arith.addi %mul3A_63, %mul3A_65 : i32
      %dma_start3A = arith.constant 0 : i32
      %dma_start3A_67 = arith.constant 0 : i32
      %dma_start3A_68 = arith.constant 0 : i32
      %dma_start3A_69 = arith.constant 0 : i32
      %dma_start3A_70 = tpu.memref_slice %arg11[%dma_start3A_67, %dma_start3A_68, %dma_start3A_69] : memref<2x128x128xf32, #tpu.memory_space<vmem>> -> memref<1x128x128xf32, #tpu.memory_space<vmem>>
      %dma_start3A_71 = tpu.memref_squeeze %dma_start3A_70 : memref<1x128x128xf32, #tpu.memory_space<vmem>> -> memref<128x128xf32, #tpu.memory_space<vmem>>
      %dma_start3A_72 = arith.constant 0 : i32
      %dma_start3A_73 = tpu.memref_slice %arg10[%dma_start3A, %dma_start3A_72] : memref<32x128xi32, #tpu.memory_space<vmem>> -> memref<1x128xi32, #tpu.memory_space<vmem>>
      %dma_start3A_74 = tpu.memref_squeeze %dma_start3A_73 : memref<1x128xi32, #tpu.memory_space<vmem>> -> memref<128xi32, #tpu.memory_space<vmem>>
      %dma_start3A_75 = arith.constant 0 : i32
      %dma_start3A_76 = arith.constant 0 : i32
      %dma_start3A_77 = tpu.memref_slice %arg2[%dma_start3A_75, %dma_start3A_76] : memref<163840x128xf32, #tpu.memory_space<hbm>> -> memref<163840x128xf32, #tpu.memory_space<hbm>>
      tpu.enqueue_indirect_dma source(%dma_start3A_77 : memref<163840x128xf32, #tpu.memory_space<hbm>>) target(%dma_start3A_71 : memref<128x128xf32, #tpu.memory_space<vmem>>) offsets(%dma_start3A_74 : memref<128xi32, #tpu.memory_space<vmem>>) semaphore(%arg18 : memref<!tpu.dma_semaphore, #tpu.memory_space<semaphore_mem>>)
      %dma_start3A_78 = arith.constant 0 : i32
      %dma_start3A_79 = arith.constant 0 : i32
      %dma_start3A_80 = arith.constant 0 : i32
      %dma_start3A_81 = tpu.memref_slice %arg12[%dma_start3A_78, %dma_start3A_79, %dma_start3A_80] : memref<2x16x16xf32, #tpu.memory_space<vmem>> -> memref<1x16x16xf32, #tpu.memory_space<vmem>>
      %dma_start3A_82 = tpu.memref_squeeze %dma_start3A_81 : memref<1x16x16xf32, #tpu.memory_space<vmem>> -> memref<16x16xf32, #tpu.memory_space<vmem>>
      %dma_start3A_83 = arith.constant 0 : i32
      %dma_start3A_84 = tpu.memref_slice %arg5[%add3A_66, %dma_start3A_83] : memref<163840x16xf32, #tpu.memory_space<hbm>> -> memref<16x16xf32, #tpu.memory_space<hbm>>
      %dma_start3A_85 = arith.constant 0 : i32
      %dma_start3A_86 = arith.constant 0 : i32
      %dma_start3A_87 = tpu.memref_slice %arg12[%dma_start3A_78, %dma_start3A_85, %dma_start3A_86] : memref<2x16x16xf32, #tpu.memory_space<vmem>> -> memref<1x16x16xf32, #tpu.memory_space<vmem>>
      %dma_start3A_88 = tpu.memref_squeeze %dma_start3A_87 : memref<1x16x16xf32, #tpu.memory_space<vmem>> -> memref<16x16xf32, #tpu.memory_space<vmem>>
      %dma_start3A_89 = arith.constant 0 : i32
      %dma_start3A_90 = tpu.memref_slice %arg5[%add3A_66, %dma_start3A_89] : memref<163840x16xf32, #tpu.memory_space<hbm>> -> memref<16x16xf32, #tpu.memory_space<hbm>>
      tpu.enqueue_dma source(%dma_start3A_90 : memref<16x16xf32, #tpu.memory_space<hbm>>) target(%dma_start3A_88 : memref<16x16xf32, #tpu.memory_space<vmem>>) target_semaphore(%arg18 : memref<!tpu.dma_semaphore, #tpu.memory_space<semaphore_mem>>)
      %dma_start3A_91 = arith.constant 0 : i32
      %dma_start3A_92 = arith.constant 0 : i32
      %dma_start3A_93 = arith.constant 0 : i32
      %dma_start3A_94 = arith.constant 0 : i32
      %dma_start3A_95 = tpu.memref_slice %arg13[%dma_start3A_92, %dma_start3A_93, %dma_start3A_94] : memref<2x16x16xf32, #tpu.memory_space<vmem>> -> memref<1x16x16xf32, #tpu.memory_space<vmem>>
      %dma_start3A_96 = tpu.memref_squeeze %dma_start3A_95 : memref<1x16x16xf32, #tpu.memory_space<vmem>> -> memref<16x16xf32, #tpu.memory_space<vmem>>
      %dma_start3A_97 = arith.constant 0 : i32
      %dma_start3A_98 = tpu.memref_slice %arg9[%dma_start3A_91, %dma_start3A_97] : memref<32x16xi32, #tpu.memory_space<vmem>> -> memref<1x16xi32, #tpu.memory_space<vmem>>
      %dma_start3A_99 = tpu.memref_squeeze %dma_start3A_98 : memref<1x16xi32, #tpu.memory_space<vmem>> -> memref<16xi32, #tpu.memory_space<vmem>>
      %dma_start3A_100 = arith.constant 0 : i32
      %dma_start3A_101 = arith.constant 0 : i32
      %dma_start3A_102 = tpu.memref_slice %arg6[%dma_start3A_100, %dma_start3A_101] : memref<10112x16xf32, #tpu.memory_space<hbm>> -> memref<10112x16xf32, #tpu.memory_space<hbm>>
      tpu.enqueue_indirect_dma source(%dma_start3A_102 : memref<10112x16xf32, #tpu.memory_space<hbm>>) target(%dma_start3A_96 : memref<16x16xf32, #tpu.memory_space<vmem>>) offsets(%dma_start3A_99 : memref<16xi32, #tpu.memory_space<vmem>>) semaphore(%arg18 : memref<!tpu.dma_semaphore, #tpu.memory_space<semaphore_mem>>)
      %dma_start3A_103 = arith.constant 0 : i32
      %dma_start3A_104 = arith.constant 0 : i32
      %dma_start3A_105 = arith.constant 0 : i32
      %dma_start3A_106 = arith.constant 0 : i32
      %dma_start3A_107 = tpu.memref_slice %arg14[%dma_start3A_104, %dma_start3A_105, %dma_start3A_106] : memref<2x16x16xf32, #tpu.memory_space<vmem>> -> memref<1x16x16xf32, #tpu.memory_space<vmem>>
      %dma_start3A_108 = tpu.memref_squeeze %dma_start3A_107 : memref<1x16x16xf32, #tpu.memory_space<vmem>> -> memref<16x16xf32, #tpu.memory_space<vmem>>
      %dma_start3A_109 = arith.constant 0 : i32
      %dma_start3A_110 = tpu.memref_slice %arg9[%dma_start3A_103, %dma_start3A_109] : memref<32x16xi32, #tpu.memory_space<vmem>> -> memref<1x16xi32, #tpu.memory_space<vmem>>
      %dma_start3A_111 = tpu.memref_squeeze %dma_start3A_110 : memref<1x16xi32, #tpu.memory_space<vmem>> -> memref<16xi32, #tpu.memory_space<vmem>>
      %dma_start3A_112 = arith.constant 0 : i32
      %dma_start3A_113 = arith.constant 0 : i32
      %dma_start3A_114 = tpu.memref_slice %arg7[%dma_start3A_112, %dma_start3A_113] : memref<10112x16xf32, #tpu.memory_space<hbm>> -> memref<10112x16xf32, #tpu.memory_space<hbm>>
      tpu.enqueue_indirect_dma source(%dma_start3A_114 : memref<10112x16xf32, #tpu.memory_space<hbm>>) target(%dma_start3A_108 : memref<16x16xf32, #tpu.memory_space<vmem>>) offsets(%dma_start3A_111 : memref<16xi32, #tpu.memory_space<vmem>>) semaphore(%arg18 : memref<!tpu.dma_semaphore, #tpu.memory_space<semaphore_mem>>)
      %scan3A_115 = arith.constant 0 : i32
      %scan3A_116 = arith.constant 0 : i32
      %scan3A_117 = arith.constant 16 : i32
      %scan3A_118 = arith.addi %scan3A_116, %scan3A_117 : i32
      %scan3A_119 = arith.constant 1 : i32
      %scan3A_120 = scf.for %scan3A_146 = %scan3A_116 to %scan3A_118 step %scan3A_119 iter_args(%scan3A_147 = %scan3A_115) -> (i32)  : i32 {
        %mul3A_148 = arith.constant 2 : i32
        %mul3A_149 = arith.muli %scan3A_146, %mul3A_148 : i32
        %add3A_150 = arith.constant 0 : i32
        %add3A_151 = arith.addi %mul3A_149, %add3A_150 : i32
        %add3A_152 = arith.constant 1 : i32
        %add3A_153 = arith.addi %add3A_151, %add3A_152 : i32
        %lt3A = arith.constant 32 : i32
        %lt3A_154 = arith.cmpi slt, %add3A_153, %lt3A : i32
        %convert_element_type3A = arith.extui %lt3A_154 : i1 to i32
        %cond3A = arith.constant 0 : i32
        %cond3A_155 = arith.cmpi ne, %convert_element_type3A, %cond3A : i32
        scf.if %cond3A_155 {
          %add3A_319 = arith.constant 1 : i32
          %add3A_320 = arith.addi %add3A_151, %add3A_319 : i32
          %add3A_321 = arith.addi %mul3A_61, %add3A_151 : i32
          %add3A_322 = arith.constant 1 : i32
          %add3A_323 = arith.addi %add3A_321, %add3A_322 : i32
          %mul3A_324 = arith.constant 10240 : i32
          %mul3A_325 = arith.muli %arg1, %mul3A_324 : i32
          %mul3A_326 = arith.constant 16 : i32
          %mul3A_327 = arith.muli %add3A_323, %mul3A_326 : i32
          %add3A_328 = arith.addi %mul3A_325, %mul3A_327 : i32
          %dma_start3A_329 = arith.constant 1 : i32
          %dma_start3A_330 = arith.constant 0 : i32
          %dma_start3A_331 = arith.constant 0 : i32
          %dma_start3A_332 = tpu.memref_slice %arg11[%dma_start3A_329, %dma_start3A_330, %dma_start3A_331] : memref<2x128x128xf32, #tpu.memory_space<vmem>> -> memref<1x128x128xf32, #tpu.memory_space<vmem>>
          %dma_start3A_333 = tpu.memref_squeeze %dma_start3A_332 : memref<1x128x128xf32, #tpu.memory_space<vmem>> -> memref<128x128xf32, #tpu.memory_space<vmem>>
          %dma_start3A_334 = arith.constant 0 : i32
          %dma_start3A_335 = tpu.memref_slice %arg10[%add3A_320, %dma_start3A_334] : memref<32x128xi32, #tpu.memory_space<vmem>> -> memref<1x128xi32, #tpu.memory_space<vmem>>
          %dma_start3A_336 = tpu.memref_squeeze %dma_start3A_335 : memref<1x128xi32, #tpu.memory_space<vmem>> -> memref<128xi32, #tpu.memory_space<vmem>>
          %dma_start3A_337 = arith.constant 0 : i32
          %dma_start3A_338 = arith.constant 0 : i32
          %dma_start3A_339 = tpu.memref_slice %arg2[%dma_start3A_337, %dma_start3A_338] : memref<163840x128xf32, #tpu.memory_space<hbm>> -> memref<163840x128xf32, #tpu.memory_space<hbm>>
          tpu.enqueue_indirect_dma source(%dma_start3A_339 : memref<163840x128xf32, #tpu.memory_space<hbm>>) target(%dma_start3A_333 : memref<128x128xf32, #tpu.memory_space<vmem>>) offsets(%dma_start3A_336 : memref<128xi32, #tpu.memory_space<vmem>>) semaphore(%arg19 : memref<!tpu.dma_semaphore, #tpu.memory_space<semaphore_mem>>)
          %dma_start3A_340 = arith.constant 1 : i32
          %dma_start3A_341 = arith.constant 0 : i32
          %dma_start3A_342 = arith.constant 0 : i32
          %dma_start3A_343 = tpu.memref_slice %arg12[%dma_start3A_340, %dma_start3A_341, %dma_start3A_342] : memref<2x16x16xf32, #tpu.memory_space<vmem>> -> memref<1x16x16xf32, #tpu.memory_space<vmem>>
          %dma_start3A_344 = tpu.memref_squeeze %dma_start3A_343 : memref<1x16x16xf32, #tpu.memory_space<vmem>> -> memref<16x16xf32, #tpu.memory_space<vmem>>
          %dma_start3A_345 = arith.constant 0 : i32
          %dma_start3A_346 = tpu.memref_slice %arg5[%add3A_328, %dma_start3A_345] : memref<163840x16xf32, #tpu.memory_space<hbm>> -> memref<16x16xf32, #tpu.memory_space<hbm>>
          %dma_start3A_347 = arith.constant 0 : i32
          %dma_start3A_348 = arith.constant 0 : i32
          %dma_start3A_349 = tpu.memref_slice %arg12[%dma_start3A_340, %dma_start3A_347, %dma_start3A_348] : memref<2x16x16xf32, #tpu.memory_space<vmem>> -> memref<1x16x16xf32, #tpu.memory_space<vmem>>
          %dma_start3A_350 = tpu.memref_squeeze %dma_start3A_349 : memref<1x16x16xf32, #tpu.memory_space<vmem>> -> memref<16x16xf32, #tpu.memory_space<vmem>>
          %dma_start3A_351 = arith.constant 0 : i32
          %dma_start3A_352 = tpu.memref_slice %arg5[%add3A_328, %dma_start3A_351] : memref<163840x16xf32, #tpu.memory_space<hbm>> -> memref<16x16xf32, #tpu.memory_space<hbm>>
          tpu.enqueue_dma source(%dma_start3A_352 : memref<16x16xf32, #tpu.memory_space<hbm>>) target(%dma_start3A_350 : memref<16x16xf32, #tpu.memory_space<vmem>>) target_semaphore(%arg19 : memref<!tpu.dma_semaphore, #tpu.memory_space<semaphore_mem>>)
          %dma_start3A_353 = arith.constant 1 : i32
          %dma_start3A_354 = arith.constant 0 : i32
          %dma_start3A_355 = arith.constant 0 : i32
          %dma_start3A_356 = tpu.memref_slice %arg13[%dma_start3A_353, %dma_start3A_354, %dma_start3A_355] : memref<2x16x16xf32, #tpu.memory_space<vmem>> -> memref<1x16x16xf32, #tpu.memory_space<vmem>>
          %dma_start3A_357 = tpu.memref_squeeze %dma_start3A_356 : memref<1x16x16xf32, #tpu.memory_space<vmem>> -> memref<16x16xf32, #tpu.memory_space<vmem>>
          %dma_start3A_358 = arith.constant 0 : i32
          %dma_start3A_359 = tpu.memref_slice %arg9[%add3A_320, %dma_start3A_358] : memref<32x16xi32, #tpu.memory_space<vmem>> -> memref<1x16xi32, #tpu.memory_space<vmem>>
          %dma_start3A_360 = tpu.memref_squeeze %dma_start3A_359 : memref<1x16xi32, #tpu.memory_space<vmem>> -> memref<16xi32, #tpu.memory_space<vmem>>
          %dma_start3A_361 = arith.constant 0 : i32
          %dma_start3A_362 = arith.constant 0 : i32
          %dma_start3A_363 = tpu.memref_slice %arg6[%dma_start3A_361, %dma_start3A_362] : memref<10112x16xf32, #tpu.memory_space<hbm>> -> memref<10112x16xf32, #tpu.memory_space<hbm>>
          tpu.enqueue_indirect_dma source(%dma_start3A_363 : memref<10112x16xf32, #tpu.memory_space<hbm>>) target(%dma_start3A_357 : memref<16x16xf32, #tpu.memory_space<vmem>>) offsets(%dma_start3A_360 : memref<16xi32, #tpu.memory_space<vmem>>) semaphore(%arg19 : memref<!tpu.dma_semaphore, #tpu.memory_space<semaphore_mem>>)
          %dma_start3A_364 = arith.constant 1 : i32
          %dma_start3A_365 = arith.constant 0 : i32
          %dma_start3A_366 = arith.constant 0 : i32
          %dma_start3A_367 = tpu.memref_slice %arg14[%dma_start3A_364, %dma_start3A_365, %dma_start3A_366] : memref<2x16x16xf32, #tpu.memory_space<vmem>> -> memref<1x16x16xf32, #tpu.memory_space<vmem>>
          %dma_start3A_368 = tpu.memref_squeeze %dma_start3A_367 : memref<1x16x16xf32, #tpu.memory_space<vmem>> -> memref<16x16xf32, #tpu.memory_space<vmem>>
          %dma_start3A_369 = arith.constant 0 : i32
          %dma_start3A_370 = tpu.memref_slice %arg9[%add3A_320, %dma_start3A_369] : memref<32x16xi32, #tpu.memory_space<vmem>> -> memref<1x16xi32, #tpu.memory_space<vmem>>
          %dma_start3A_371 = tpu.memref_squeeze %dma_start3A_370 : memref<1x16xi32, #tpu.memory_space<vmem>> -> memref<16xi32, #tpu.memory_space<vmem>>
          %dma_start3A_372 = arith.constant 0 : i32
          %dma_start3A_373 = arith.constant 0 : i32
          %dma_start3A_374 = tpu.memref_slice %arg7[%dma_start3A_372, %dma_start3A_373] : memref<10112x16xf32, #tpu.memory_space<hbm>> -> memref<10112x16xf32, #tpu.memory_space<hbm>>
          tpu.enqueue_indirect_dma source(%dma_start3A_374 : memref<10112x16xf32, #tpu.memory_space<hbm>>) target(%dma_start3A_368 : memref<16x16xf32, #tpu.memory_space<vmem>>) offsets(%dma_start3A_371 : memref<16xi32, #tpu.memory_space<vmem>>) semaphore(%arg19 : memref<!tpu.dma_semaphore, #tpu.memory_space<semaphore_mem>>)
        } else {
        }
        %add3A_156 = arith.addi %mul3A_61, %add3A_151 : i32
        %mul3A_157 = arith.constant 10240 : i32
        %mul3A_158 = arith.muli %arg1, %mul3A_157 : i32
        %mul3A_159 = arith.constant 16 : i32
        %mul3A_160 = arith.muli %add3A_156, %mul3A_159 : i32
        %add3A_161 = arith.addi %mul3A_158, %mul3A_160 : i32
        %dma_wait3A_162 = arith.constant 0 : i32
        %dma_wait3A_163 = arith.constant 0 : i32
        %dma_wait3A_164 = arith.constant 0 : i32
        %dma_wait3A_165 = tpu.memref_slice %arg11[%dma_wait3A_162, %dma_wait3A_163, %dma_wait3A_164] : memref<2x128x128xf32, #tpu.memory_space<vmem>> -> memref<1x128x128xf32, #tpu.memory_space<vmem>>
        %dma_wait3A_166 = tpu.memref_squeeze %dma_wait3A_165 : memref<1x128x128xf32, #tpu.memory_space<vmem>> -> memref<128x128xf32, #tpu.memory_space<vmem>>
        %dma_wait3A_167 = arith.constant 0 : i32
        %dma_wait3A_168 = tpu.memref_slice %arg10[%add3A_151, %dma_wait3A_167] : memref<32x128xi32, #tpu.memory_space<vmem>> -> memref<1x128xi32, #tpu.memory_space<vmem>>
        %dma_wait3A_169 = tpu.memref_squeeze %dma_wait3A_168 : memref<1x128xi32, #tpu.memory_space<vmem>> -> memref<128xi32, #tpu.memory_space<vmem>>
        %dma_wait3A_170 = arith.constant 0 : i32
        %dma_wait3A_171 = arith.constant 0 : i32
        %dma_wait3A_172 = tpu.memref_slice %arg2[%dma_wait3A_170, %dma_wait3A_171] : memref<163840x128xf32, #tpu.memory_space<hbm>> -> memref<163840x128xf32, #tpu.memory_space<hbm>>
        tpu.wait_indirect_dma semaphore(%arg18 : memref<!tpu.dma_semaphore, #tpu.memory_space<semaphore_mem>>) src(%dma_wait3A_172 : memref<163840x128xf32, #tpu.memory_space<hbm>>) dst(%dma_wait3A_166 : memref<128x128xf32, #tpu.memory_space<vmem>>)
        %dma_wait3A_173 = arith.constant 0 : i32
        %dma_wait3A_174 = arith.constant 0 : i32
        %dma_wait3A_175 = arith.constant 0 : i32
        %dma_wait3A_176 = tpu.memref_slice %arg12[%dma_wait3A_173, %dma_wait3A_174, %dma_wait3A_175] : memref<2x16x16xf32, #tpu.memory_space<vmem>> -> memref<1x16x16xf32, #tpu.memory_space<vmem>>
        %dma_wait3A_177 = tpu.memref_squeeze %dma_wait3A_176 : memref<1x16x16xf32, #tpu.memory_space<vmem>> -> memref<16x16xf32, #tpu.memory_space<vmem>>
        %dma_wait3A_178 = arith.constant 0 : i32
        %dma_wait3A_179 = tpu.memref_slice %arg5[%add3A_161, %dma_wait3A_178] : memref<163840x16xf32, #tpu.memory_space<hbm>> -> memref<16x16xf32, #tpu.memory_space<hbm>>
        %dma_wait3A_180 = arith.constant 0 : i32
        %dma_wait3A_181 = arith.constant 0 : i32
        %dma_wait3A_182 = tpu.memref_slice %arg12[%dma_wait3A_173, %dma_wait3A_180, %dma_wait3A_181] : memref<2x16x16xf32, #tpu.memory_space<vmem>> -> memref<1x16x16xf32, #tpu.memory_space<vmem>>
        %dma_wait3A_183 = tpu.memref_squeeze %dma_wait3A_182 : memref<1x16x16xf32, #tpu.memory_space<vmem>> -> memref<16x16xf32, #tpu.memory_space<vmem>>
        %dma_wait3A_184 = arith.constant 0 : i32
        %dma_wait3A_185 = tpu.memref_slice %arg5[%add3A_161, %dma_wait3A_184] : memref<163840x16xf32, #tpu.memory_space<hbm>> -> memref<16x16xf32, #tpu.memory_space<hbm>>
        tpu.wait_dma2 semaphore(%arg18 : memref<!tpu.dma_semaphore, #tpu.memory_space<semaphore_mem>>) src(%dma_wait3A_185 : memref<16x16xf32, #tpu.memory_space<hbm>>) dst(%dma_wait3A_183 : memref<16x16xf32, #tpu.memory_space<vmem>>)
        %dma_wait3A_186 = arith.constant 0 : i32
        %dma_wait3A_187 = arith.constant 0 : i32
        %dma_wait3A_188 = arith.constant 0 : i32
        %dma_wait3A_189 = tpu.memref_slice %arg13[%dma_wait3A_186, %dma_wait3A_187, %dma_wait3A_188] : memref<2x16x16xf32, #tpu.memory_space<vmem>> -> memref<1x16x16xf32, #tpu.memory_space<vmem>>
        %dma_wait3A_190 = tpu.memref_squeeze %dma_wait3A_189 : memref<1x16x16xf32, #tpu.memory_space<vmem>> -> memref<16x16xf32, #tpu.memory_space<vmem>>
        %dma_wait3A_191 = arith.constant 0 : i32
        %dma_wait3A_192 = tpu.memref_slice %arg9[%add3A_151, %dma_wait3A_191] : memref<32x16xi32, #tpu.memory_space<vmem>> -> memref<1x16xi32, #tpu.memory_space<vmem>>
        %dma_wait3A_193 = tpu.memref_squeeze %dma_wait3A_192 : memref<1x16xi32, #tpu.memory_space<vmem>> -> memref<16xi32, #tpu.memory_space<vmem>>
        %dma_wait3A_194 = arith.constant 0 : i32
        %dma_wait3A_195 = arith.constant 0 : i32
        %dma_wait3A_196 = tpu.memref_slice %arg6[%dma_wait3A_194, %dma_wait3A_195] : memref<10112x16xf32, #tpu.memory_space<hbm>> -> memref<10112x16xf32, #tpu.memory_space<hbm>>
        tpu.wait_indirect_dma semaphore(%arg18 : memref<!tpu.dma_semaphore, #tpu.memory_space<semaphore_mem>>) src(%dma_wait3A_196 : memref<10112x16xf32, #tpu.memory_space<hbm>>) dst(%dma_wait3A_190 : memref<16x16xf32, #tpu.memory_space<vmem>>)
        %dma_wait3A_197 = arith.constant 0 : i32
        %dma_wait3A_198 = arith.constant 0 : i32
        %dma_wait3A_199 = arith.constant 0 : i32
        %dma_wait3A_200 = tpu.memref_slice %arg14[%dma_wait3A_197, %dma_wait3A_198, %dma_wait3A_199] : memref<2x16x16xf32, #tpu.memory_space<vmem>> -> memref<1x16x16xf32, #tpu.memory_space<vmem>>
        %dma_wait3A_201 = tpu.memref_squeeze %dma_wait3A_200 : memref<1x16x16xf32, #tpu.memory_space<vmem>> -> memref<16x16xf32, #tpu.memory_space<vmem>>
        %dma_wait3A_202 = arith.constant 0 : i32
        %dma_wait3A_203 = tpu.memref_slice %arg9[%add3A_151, %dma_wait3A_202] : memref<32x16xi32, #tpu.memory_space<vmem>> -> memref<1x16xi32, #tpu.memory_space<vmem>>
        %dma_wait3A_204 = tpu.memref_squeeze %dma_wait3A_203 : memref<1x16xi32, #tpu.memory_space<vmem>> -> memref<16xi32, #tpu.memory_space<vmem>>
        %dma_wait3A_205 = arith.constant 0 : i32
        %dma_wait3A_206 = arith.constant 0 : i32
        %dma_wait3A_207 = tpu.memref_slice %arg7[%dma_wait3A_205, %dma_wait3A_206] : memref<10112x16xf32, #tpu.memory_space<hbm>> -> memref<10112x16xf32, #tpu.memory_space<hbm>>
        tpu.wait_indirect_dma semaphore(%arg18 : memref<!tpu.dma_semaphore, #tpu.memory_space<semaphore_mem>>) src(%dma_wait3A_207 : memref<10112x16xf32, #tpu.memory_space<hbm>>) dst(%dma_wait3A_201 : memref<16x16xf32, #tpu.memory_space<vmem>>)
        %add3A_208 = arith.addi %mul3A_61, %add3A_151 : i32
        %ge3A = arith.constant 2 : i32
        %ge3A_209 = arith.cmpi sge, %add3A_151, %ge3A : i32
        %convert_element_type3A_210 = arith.extui %ge3A_209 : i1 to i32
        %cond3A_211 = arith.constant 0 : i32
        %cond3A_212 = arith.cmpi ne, %convert_element_type3A_210, %cond3A_211 : i32
        scf.if %cond3A_212 {
          %dma_wait3A_319 = arith.constant 0 : i32
          %dma_wait3A_320 = arith.constant 0 : i32
          %dma_wait3A_321 = arith.constant 0 : i32
          %dma_wait3A_322 = tpu.memref_slice %arg15[%dma_wait3A_319, %dma_wait3A_320, %dma_wait3A_321] : memref<2x16x128xf32, #tpu.memory_space<vmem>> -> memref<1x16x128xf32, #tpu.memory_space<vmem>>
          %dma_wait3A_323 = tpu.memref_squeeze %dma_wait3A_322 : memref<1x16x128xf32, #tpu.memory_space<vmem>> -> memref<16x128xf32, #tpu.memory_space<vmem>>
          %dma_wait3A_324 = arith.constant 0 : i32
          %dma_wait3A_325 = tpu.memref_slice %arg9[%add3A_151, %dma_wait3A_324] : memref<32x16xi32, #tpu.memory_space<vmem>> -> memref<1x16xi32, #tpu.memory_space<vmem>>
          %dma_wait3A_326 = tpu.memref_squeeze %dma_wait3A_325 : memref<1x16xi32, #tpu.memory_space<vmem>> -> memref<16xi32, #tpu.memory_space<vmem>>
          %dma_wait3A_327 = arith.constant 0 : i32
          %dma_wait3A_328 = arith.constant 0 : i32
          %dma_wait3A_329 = tpu.memref_slice %arg17[%dma_wait3A_327, %dma_wait3A_328] : memref<10112x128xf32, #tpu.memory_space<vmem_shared>> -> memref<10112x128xf32, #tpu.memory_space<vmem_shared>>
          tpu.wait_indirect_dma semaphore(%arg20 : memref<!tpu.dma_semaphore, #tpu.memory_space<semaphore_mem>>) src(%dma_wait3A_323 : memref<16x128xf32, #tpu.memory_space<vmem>>) dst(%dma_wait3A_329 : memref<10112x128xf32, #tpu.memory_space<vmem_shared>>)
        } else {
        }
        %scan3A_213 = arith.constant 0 : i32
        %scan3A_214 = arith.constant 0 : i32
        %scan3A_215 = arith.constant 16 : i32
        %scan3A_216 = arith.addi %scan3A_214, %scan3A_215 : i32
        %scan3A_217 = arith.constant 1 : i32
        %scan3A_218 = scf.for %scan3A_319 = %scan3A_214 to %scan3A_216 step %scan3A_217 iter_args(%scan3A_320 = %scan3A_213) -> (i32)  : i32 {
          %get3A = arith.constant 0 : i32
          %get3A_321 = arith.index_cast %get3A : i32 to index
          %get3A_322 = arith.index_cast %scan3A_319 : i32 to index
          %get3A_323 = arith.constant 0 : index
          %get3A_324 = tpu.vector_load %arg12[%get3A_321, %get3A_322, %get3A_323] {strides = array<i32>} : memref<2x16x16xf32, #tpu.memory_space<vmem>>, vector<1x1x16xf32>,
          %get3A_325 = vector.shape_cast %get3A_324 : vector<1x1x16xf32> to vector<16xf32>
          %get3A_326 = arith.constant 0 : i32
          %get3A_327 = arith.index_cast %get3A_326 : i32 to index
          %get3A_328 = arith.index_cast %scan3A_319 : i32 to index
          %get3A_329 = arith.constant 0 : index
          %get3A_330 = tpu.vector_load %arg13[%get3A_327, %get3A_328, %get3A_329] {strides = array<i32>} : memref<2x16x16xf32, #tpu.memory_space<vmem>>, vector<1x1x16xf32>,
          %get3A_331 = vector.shape_cast %get3A_330 : vector<1x1x16xf32> to vector<16xf32>
          %get3A_332 = arith.constant 0 : i32
          %get3A_333 = arith.index_cast %get3A_332 : i32 to index
          %get3A_334 = arith.index_cast %scan3A_319 : i32 to index
          %get3A_335 = arith.constant 0 : index
          %get3A_336 = tpu.vector_load %arg14[%get3A_333, %get3A_334, %get3A_335] {strides = array<i32>} : memref<2x16x16xf32, #tpu.memory_space<vmem>>, vector<1x1x16xf32>,
          %get3A_337 = vector.shape_cast %get3A_336 : vector<1x1x16xf32> to vector<16xf32>
          %add3A_338 = arith.addf %get3A_331, %get3A_337 : vector<16xf32>
          %add3A_339 = arith.constant 1.000000e-16 : f32
          %add3A_340 = vector.broadcast %add3A_339 : f32 to vector<16xf32>
          %add3A_341 = arith.addf %add3A_338, %add3A_340 : vector<16xf32>
          %div3A = arith.divf %get3A_325, %add3A_341 : vector<16xf32>
          %mul3A_342 = arith.constant 1.250000e-01 : f32
          %mul3A_343 = vector.broadcast %mul3A_342 : f32 to vector<16xf32>
          %mul3A_344 = arith.mulf %div3A, %mul3A_343 : vector<16xf32>
          %broadcast_in_dim3A_345 = vector.shape_cast %broadcast_in_dim3A_18 : vector<16xi32> to vector<16x1xi32>
          %gather3A = vector.shape_cast %broadcast_in_dim3A_345 : vector<16x1xi32> to vector<16xi32>
          %gather3A_346 = tpu.dynamic_gather %mul3A_344[%gather3A] in [0] : vector<16xf32>, vector<16xi32> -> vector<16xf32>
          %mul3A_347 = arith.constant 8 : i32
          %mul3A_348 = arith.muli %scan3A_319, %mul3A_347 : i32
          %add3A_349 = arith.constant 0 : i32
          %add3A_350 = arith.addi %mul3A_348, %add3A_349 : i32
          %get3A_351 = arith.constant 0 : i32
          %get3A_352 = arith.index_cast %get3A_351 : i32 to index
          %get3A_353 = arith.index_cast %add3A_350 : i32 to index
          %get3A_354 = arith.constant 0 : index
          %get3A_355 = tpu.vector_load %arg11[%get3A_352, %get3A_353, %get3A_354] {strides = array<i32>} : memref<2x128x128xf32, #tpu.memory_space<vmem>>, vector<1x1x16xf32>,
          %get3A_356 = vector.shape_cast %get3A_355 : vector<1x1x16xf32> to vector<16xf32>
          %mul3A_357 = arith.mulf %gather3A_346, %get3A_356 : vector<16xf32>
          %add3A_358 = arith.addf %broadcast_in_dim3A_34, %mul3A_357 : vector<16xf32>
          %mul3A_359 = arith.constant 8 : i32
          %mul3A_360 = arith.muli %scan3A_319, %mul3A_359 : i32
          %add3A_361 = arith.constant 0 : i32
          %add3A_362 = arith.addi %mul3A_360, %add3A_361 : i32
          %get3A_363 = arith.constant 0 : i32
          %get3A_364 = arith.index_cast %get3A_363 : i32 to index
          %get3A_365 = arith.index_cast %add3A_362 : i32 to index
          %get3A_366 = arith.constant 16 : index
          %get3A_367 = tpu.vector_load %arg11[%get3A_364, %get3A_365, %get3A_366] {strides = array<i32>} : memref<2x128x128xf32, #tpu.memory_space<vmem>>, vector<1x1x16xf32>,
          %get3A_368 = vector.shape_cast %get3A_367 : vector<1x1x16xf32> to vector<16xf32>
          %mul3A_369 = arith.mulf %gather3A_346, %get3A_368 : vector<16xf32>
          %add3A_370 = arith.addf %broadcast_in_dim3A_34, %mul3A_369 : vector<16xf32>
          %mul3A_371 = arith.constant 8 : i32
          %mul3A_372 = arith.muli %scan3A_319, %mul3A_371 : i32
          %add3A_373 = arith.constant 0 : i32
          %add3A_374 = arith.addi %mul3A_372, %add3A_373 : i32
          %get3A_375 = arith.constant 0 : i32
          %get3A_376 = arith.index_cast %get3A_375 : i32 to index
          %get3A_377 = arith.index_cast %add3A_374 : i32 to index
          %get3A_378 = arith.constant 32 : index
          %get3A_379 = tpu.vector_load %arg11[%get3A_376, %get3A_377, %get3A_378] {strides = array<i32>} : memref<2x128x128xf32, #tpu.memory_space<vmem>>, vector<1x1x16xf32>,
          %get3A_380 = vector.shape_cast %get3A_379 : vector<1x1x16xf32> to vector<16xf32>
          %mul3A_381 = arith.mulf %gather3A_346, %get3A_380 : vector<16xf32>
          %add3A_382 = arith.addf %broadcast_in_dim3A_34, %mul3A_381 : vector<16xf32>
          %mul3A_383 = arith.constant 8 : i32
          %mul3A_384 = arith.muli %scan3A_319, %mul3A_383 : i32
          %add3A_385 = arith.constant 0 : i32
          %add3A_386 = arith.addi %mul3A_384, %add3A_385 : i32
          %get3A_387 = arith.constant 0 : i32
          %get3A_388 = arith.index_cast %get3A_387 : i32 to index
          %get3A_389 = arith.index_cast %add3A_386 : i32 to index
          %get3A_390 = arith.constant 48 : index
          %get3A_391 = tpu.vector_load %arg11[%get3A_388, %get3A_389, %get3A_390] {strides = array<i32>} : memref<2x128x128xf32, #tpu.memory_space<vmem>>, vector<1x1x16xf32>,
          %get3A_392 = vector.shape_cast %get3A_391 : vector<1x1x16xf32> to vector<16xf32>
          %mul3A_393 = arith.mulf %gather3A_346, %get3A_392 : vector<16xf32>
          %add3A_394 = arith.addf %broadcast_in_dim3A_34, %mul3A_393 : vector<16xf32>
          %mul3A_395 = arith.constant 8 : i32
          %mul3A_396 = arith.muli %scan3A_319, %mul3A_395 : i32
          %add3A_397 = arith.constant 0 : i32
          %add3A_398 = arith.addi %mul3A_396, %add3A_397 : i32
          %get3A_399 = arith.constant 0 : i32
          %get3A_400 = arith.index_cast %get3A_399 : i32 to index
          %get3A_401 = arith.index_cast %add3A_398 : i32 to index
          %get3A_402 = arith.constant 64 : index
          %get3A_403 = tpu.vector_load %arg11[%get3A_400, %get3A_401, %get3A_402] {strides = array<i32>} : memref<2x128x128xf32, #tpu.memory_space<vmem>>, vector<1x1x16xf32>,
          %get3A_404 = vector.shape_cast %get3A_403 : vector<1x1x16xf32> to vector<16xf32>
          %mul3A_405 = arith.mulf %gather3A_346, %get3A_404 : vector<16xf32>
          %add3A_406 = arith.addf %broadcast_in_dim3A_34, %mul3A_405 : vector<16xf32>
          %mul3A_407 = arith.constant 8 : i32
          %mul3A_408 = arith.muli %scan3A_319, %mul3A_407 : i32
          %add3A_409 = arith.constant 0 : i32
          %add3A_410 = arith.addi %mul3A_408, %add3A_409 : i32
          %get3A_411 = arith.constant 0 : i32
          %get3A_412 = arith.index_cast %get3A_411 : i32 to index
          %get3A_413 = arith.index_cast %add3A_410 : i32 to index
          %get3A_414 = arith.constant 80 : index
          %get3A_415 = tpu.vector_load %arg11[%get3A_412, %get3A_413, %get3A_414] {strides = array<i32>} : memref<2x128x128xf32, #tpu.memory_space<vmem>>, vector<1x1x16xf32>,
          %get3A_416 = vector.shape_cast %get3A_415 : vector<1x1x16xf32> to vector<16xf32>
          %mul3A_417 = arith.mulf %gather3A_346, %get3A_416 : vector<16xf32>
          %add3A_418 = arith.addf %broadcast_in_dim3A_34, %mul3A_417 : vector<16xf32>
          %mul3A_419 = arith.constant 8 : i32
          %mul3A_420 = arith.muli %scan3A_319, %mul3A_419 : i32
          %add3A_421 = arith.constant 0 : i32
          %add3A_422 = arith.addi %mul3A_420, %add3A_421 : i32
          %get3A_423 = arith.constant 0 : i32
          %get3A_424 = arith.index_cast %get3A_423 : i32 to index
          %get3A_425 = arith.index_cast %add3A_422 : i32 to index
          %get3A_426 = arith.constant 96 : index
          %get3A_427 = tpu.vector_load %arg11[%get3A_424, %get3A_425, %get3A_426] {strides = array<i32>} : memref<2x128x128xf32, #tpu.memory_space<vmem>>, vector<1x1x16xf32>,
          %get3A_428 = vector.shape_cast %get3A_427 : vector<1x1x16xf32> to vector<16xf32>
          %mul3A_429 = arith.mulf %gather3A_346, %get3A_428 : vector<16xf32>
          %add3A_430 = arith.addf %broadcast_in_dim3A_34, %mul3A_429 : vector<16xf32>
          %mul3A_431 = arith.constant 8 : i32
          %mul3A_432 = arith.muli %scan3A_319, %mul3A_431 : i32
          %add3A_433 = arith.constant 0 : i32
          %add3A_434 = arith.addi %mul3A_432, %add3A_433 : i32
          %get3A_435 = arith.constant 0 : i32
          %get3A_436 = arith.index_cast %get3A_435 : i32 to index
          %get3A_437 = arith.index_cast %add3A_434 : i32 to index
          %get3A_438 = arith.constant 112 : index
          %get3A_439 = tpu.vector_load %arg11[%get3A_436, %get3A_437, %get3A_438] {strides = array<i32>} : memref<2x128x128xf32, #tpu.memory_space<vmem>>, vector<1x1x16xf32>,
          %get3A_440 = vector.shape_cast %get3A_439 : vector<1x1x16xf32> to vector<16xf32>
          %mul3A_441 = arith.mulf %gather3A_346, %get3A_440 : vector<16xf32>
          %add3A_442 = arith.addf %broadcast_in_dim3A_34, %mul3A_441 : vector<16xf32>
          %broadcast_in_dim3A_443 = vector.shape_cast %broadcast_in_dim3A_20 : vector<16xi32> to vector<16x1xi32>
          %gather3A_444 = vector.shape_cast %broadcast_in_dim3A_443 : vector<16x1xi32> to vector<16xi32>
          %gather3A_445 = tpu.dynamic_gather %mul3A_344[%gather3A_444] in [0] : vector<16xf32>, vector<16xi32> -> vector<16xf32>
          %mul3A_446 = arith.constant 8 : i32
          %mul3A_447 = arith.muli %scan3A_319, %mul3A_446 : i32
          %add3A_448 = arith.constant 1 : i32
          %add3A_449 = arith.addi %mul3A_447, %add3A_448 : i32
          %get3A_450 = arith.constant 0 : i32
          %get3A_451 = arith.index_cast %get3A_450 : i32 to index
          %get3A_452 = arith.index_cast %add3A_449 : i32 to index
          %get3A_453 = arith.constant 0 : index
          %get3A_454 = tpu.vector_load %arg11[%get3A_451, %get3A_452, %get3A_453] {strides = array<i32>} : memref<2x128x128xf32, #tpu.memory_space<vmem>>, vector<1x1x16xf32>,
          %get3A_455 = vector.shape_cast %get3A_454 : vector<1x1x16xf32> to vector<16xf32>
          %mul3A_456 = arith.mulf %gather3A_445, %get3A_455 : vector<16xf32>
          %add3A_457 = arith.addf %add3A_358, %mul3A_456 : vector<16xf32>
          %mul3A_458 = arith.constant 8 : i32
          %mul3A_459 = arith.muli %scan3A_319, %mul3A_458 : i32
          %add3A_460 = arith.constant 1 : i32
          %add3A_461 = arith.addi %mul3A_459, %add3A_460 : i32
          %get3A_462 = arith.constant 0 : i32
          %get3A_463 = arith.index_cast %get3A_462 : i32 to index
          %get3A_464 = arith.index_cast %add3A_461 : i32 to index
          %get3A_465 = arith.constant 16 : index
          %get3A_466 = tpu.vector_load %arg11[%get3A_463, %get3A_464, %get3A_465] {strides = array<i32>} : memref<2x128x128xf32, #tpu.memory_space<vmem>>, vector<1x1x16xf32>,
          %get3A_467 = vector.shape_cast %get3A_466 : vector<1x1x16xf32> to vector<16xf32>
          %mul3A_468 = arith.mulf %gather3A_445, %get3A_467 : vector<16xf32>
          %add3A_469 = arith.addf %add3A_370, %mul3A_468 : vector<16xf32>
          %mul3A_470 = arith.constant 8 : i32
          %mul3A_471 = arith.muli %scan3A_319, %mul3A_470 : i32
          %add3A_472 = arith.constant 1 : i32
          %add3A_473 = arith.addi %mul3A_471, %add3A_472 : i32
          %get3A_474 = arith.constant 0 : i32
          %get3A_475 = arith.index_cast %get3A_474 : i32 to index
          %get3A_476 = arith.index_cast %add3A_473 : i32 to index
          %get3A_477 = arith.constant 32 : index
          %get3A_478 = tpu.vector_load %arg11[%get3A_475, %get3A_476, %get3A_477] {strides = array<i32>} : memref<2x128x128xf32, #tpu.memory_space<vmem>>, vector<1x1x16xf32>,
          %get3A_479 = vector.shape_cast %get3A_478 : vector<1x1x16xf32> to vector<16xf32>
          %mul3A_480 = arith.mulf %gather3A_445, %get3A_479 : vector<16xf32>
          %add3A_481 = arith.addf %add3A_382, %mul3A_480 : vector<16xf32>
          %mul3A_482 = arith.constant 8 : i32
          %mul3A_483 = arith.muli %scan3A_319, %mul3A_482 : i32
          %add3A_484 = arith.constant 1 : i32
          %add3A_485 = arith.addi %mul3A_483, %add3A_484 : i32
          %get3A_486 = arith.constant 0 : i32
          %get3A_487 = arith.index_cast %get3A_486 : i32 to index
          %get3A_488 = arith.index_cast %add3A_485 : i32 to index
          %get3A_489 = arith.constant 48 : index
          %get3A_490 = tpu.vector_load %arg11[%get3A_487, %get3A_488, %get3A_489] {strides = array<i32>} : memref<2x128x128xf32, #tpu.memory_space<vmem>>, vector<1x1x16xf32>,
          %get3A_491 = vector.shape_cast %get3A_490 : vector<1x1x16xf32> to vector<16xf32>
          %mul3A_492 = arith.mulf %gather3A_445, %get3A_491 : vector<16xf32>
          %add3A_493 = arith.addf %add3A_394, %mul3A_492 : vector<16xf32>
          %mul3A_494 = arith.constant 8 : i32
          %mul3A_495 = arith.muli %scan3A_319, %mul3A_494 : i32
          %add3A_496 = arith.constant 1 : i32
          %add3A_497 = arith.addi %mul3A_495, %add3A_496 : i32
          %get3A_498 = arith.constant 0 : i32
          %get3A_499 = arith.index_cast %get3A_498 : i32 to index
          %get3A_500 = arith.index_cast %add3A_497 : i32 to index
          %get3A_501 = arith.constant 64 : index
          %get3A_502 = tpu.vector_load %arg11[%get3A_499, %get3A_500, %get3A_501] {strides = array<i32>} : memref<2x128x128xf32, #tpu.memory_space<vmem>>, vector<1x1x16xf32>,
          %get3A_503 = vector.shape_cast %get3A_502 : vector<1x1x16xf32> to vector<16xf32>
          %mul3A_504 = arith.mulf %gather3A_445, %get3A_503 : vector<16xf32>
          %add3A_505 = arith.addf %add3A_406, %mul3A_504 : vector<16xf32>
          %mul3A_506 = arith.constant 8 : i32
          %mul3A_507 = arith.muli %scan3A_319, %mul3A_506 : i32
          %add3A_508 = arith.constant 1 : i32
          %add3A_509 = arith.addi %mul3A_507, %add3A_508 : i32
          %get3A_510 = arith.constant 0 : i32
          %get3A_511 = arith.index_cast %get3A_510 : i32 to index
          %get3A_512 = arith.index_cast %add3A_509 : i32 to index
          %get3A_513 = arith.constant 80 : index
          %get3A_514 = tpu.vector_load %arg11[%get3A_511, %get3A_512, %get3A_513] {strides = array<i32>} : memref<2x128x128xf32, #tpu.memory_space<vmem>>, vector<1x1x16xf32>,
          %get3A_515 = vector.shape_cast %get3A_514 : vector<1x1x16xf32> to vector<16xf32>
          %mul3A_516 = arith.mulf %gather3A_445, %get3A_515 : vector<16xf32>
          %add3A_517 = arith.addf %add3A_418, %mul3A_516 : vector<16xf32>
          %mul3A_518 = arith.constant 8 : i32
          %mul3A_519 = arith.muli %scan3A_319, %mul3A_518 : i32
          %add3A_520 = arith.constant 1 : i32
          %add3A_521 = arith.addi %mul3A_519, %add3A_520 : i32
          %get3A_522 = arith.constant 0 : i32
          %get3A_523 = arith.index_cast %get3A_522 : i32 to index
          %get3A_524 = arith.index_cast %add3A_521 : i32 to index
          %get3A_525 = arith.constant 96 : index
          %get3A_526 = tpu.vector_load %arg11[%get3A_523, %get3A_524, %get3A_525] {strides = array<i32>} : memref<2x128x128xf32, #tpu.memory_space<vmem>>, vector<1x1x16xf32>,
          %get3A_527 = vector.shape_cast %get3A_526 : vector<1x1x16xf32> to vector<16xf32>
          %mul3A_528 = arith.mulf %gather3A_445, %get3A_527 : vector<16xf32>
          %add3A_529 = arith.addf %add3A_430, %mul3A_528 : vector<16xf32>
          %mul3A_530 = arith.constant 8 : i32
          %mul3A_531 = arith.muli %scan3A_319, %mul3A_530 : i32
          %add3A_532 = arith.constant 1 : i32
          %add3A_533 = arith.addi %mul3A_531, %add3A_532 : i32
          %get3A_534 = arith.constant 0 : i32
          %get3A_535 = arith.index_cast %get3A_534 : i32 to index
          %get3A_536 = arith.index_cast %add3A_533 : i32 to index
          %get3A_537 = arith.constant 112 : index
          %get3A_538 = tpu.vector_load %arg11[%get3A_535, %get3A_536, %get3A_537] {strides = array<i32>} : memref<2x128x128xf32, #tpu.memory_space<vmem>>, vector<1x1x16xf32>,
          %get3A_539 = vector.shape_cast %get3A_538 : vector<1x1x16xf32> to vector<16xf32>
          %mul3A_540 = arith.mulf %gather3A_445, %get3A_539 : vector<16xf32>
          %add3A_541 = arith.addf %add3A_442, %mul3A_540 : vector<16xf32>
          %broadcast_in_dim3A_542 = vector.shape_cast %broadcast_in_dim3A_22 : vector<16xi32> to vector<16x1xi32>
          %gather3A_543 = vector.shape_cast %broadcast_in_dim3A_542 : vector<16x1xi32> to vector<16xi32>
          %gather3A_544 = tpu.dynamic_gather %mul3A_344[%gather3A_543] in [0] : vector<16xf32>, vector<16xi32> -> vector<16xf32>
          %mul3A_545 = arith.constant 8 : i32
          %mul3A_546 = arith.muli %scan3A_319, %mul3A_545 : i32
          %add3A_547 = arith.constant 2 : i32
          %add3A_548 = arith.addi %mul3A_546, %add3A_547 : i32
          %get3A_549 = arith.constant 0 : i32
          %get3A_550 = arith.index_cast %get3A_549 : i32 to index
          %get3A_551 = arith.index_cast %add3A_548 : i32 to index
          %get3A_552 = arith.constant 0 : index
          %get3A_553 = tpu.vector_load %arg11[%get3A_550, %get3A_551, %get3A_552] {strides = array<i32>} : memref<2x128x128xf32, #tpu.memory_space<vmem>>, vector<1x1x16xf32>,
          %get3A_554 = vector.shape_cast %get3A_553 : vector<1x1x16xf32> to vector<16xf32>
          %mul3A_555 = arith.mulf %gather3A_544, %get3A_554 : vector<16xf32>
          %add3A_556 = arith.addf %add3A_457, %mul3A_555 : vector<16xf32>
          %mul3A_557 = arith.constant 8 : i32
          %mul3A_558 = arith.muli %scan3A_319, %mul3A_557 : i32
          %add3A_559 = arith.constant 2 : i32
          %add3A_560 = arith.addi %mul3A_558, %add3A_559 : i32
          %get3A_561 = arith.constant 0 : i32
          %get3A_562 = arith.index_cast %get3A_561 : i32 to index
          %get3A_563 = arith.index_cast %add3A_560 : i32 to index
          %get3A_564 = arith.constant 16 : index
          %get3A_565 = tpu.vector_load %arg11[%get3A_562, %get3A_563, %get3A_564] {strides = array<i32>} : memref<2x128x128xf32, #tpu.memory_space<vmem>>, vector<1x1x16xf32>,
          %get3A_566 = vector.shape_cast %get3A_565 : vector<1x1x16xf32> to vector<16xf32>
          %mul3A_567 = arith.mulf %gather3A_544, %get3A_566 : vector<16xf32>
          %add3A_568 = arith.addf %add3A_469, %mul3A_567 : vector<16xf32>
          %mul3A_569 = arith.constant 8 : i32
          %mul3A_570 = arith.muli %scan3A_319, %mul3A_569 : i32
          %add3A_571 = arith.constant 2 : i32
          %add3A_572 = arith.addi %mul3A_570, %add3A_571 : i32
          %get3A_573 = arith.constant 0 : i32
          %get3A_574 = arith.index_cast %get3A_573 : i32 to index
          %get3A_575 = arith.index_cast %add3A_572 : i32 to index
          %get3A_576 = arith.constant 32 : index
          %get3A_577 = tpu.vector_load %arg11[%get3A_574, %get3A_575, %get3A_576] {strides = array<i32>} : memref<2x128x128xf32, #tpu.memory_space<vmem>>, vector<1x1x16xf32>,
          %get3A_578 = vector.shape_cast %get3A_577 : vector<1x1x16xf32> to vector<16xf32>
          %mul3A_579 = arith.mulf %gather3A_544, %get3A_578 : vector<16xf32>
          %add3A_580 = arith.addf %add3A_481, %mul3A_579 : vector<16xf32>
          %mul3A_581 = arith.constant 8 : i32
          %mul3A_582 = arith.muli %scan3A_319, %mul3A_581 : i32
          %add3A_583 = arith.constant 2 : i32
          %add3A_584 = arith.addi %mul3A_582, %add3A_583 : i32
          %get3A_585 = arith.constant 0 : i32
          %get3A_586 = arith.index_cast %get3A_585 : i32 to index
          %get3A_587 = arith.index_cast %add3A_584 : i32 to index
          %get3A_588 = arith.constant 48 : index
          %get3A_589 = tpu.vector_load %arg11[%get3A_586, %get3A_587, %get3A_588] {strides = array<i32>} : memref<2x128x128xf32, #tpu.memory_space<vmem>>, vector<1x1x16xf32>,
          %get3A_590 = vector.shape_cast %get3A_589 : vector<1x1x16xf32> to vector<16xf32>
          %mul3A_591 = arith.mulf %gather3A_544, %get3A_590 : vector<16xf32>
          %add3A_592 = arith.addf %add3A_493, %mul3A_591 : vector<16xf32>
          %mul3A_593 = arith.constant 8 : i32
          %mul3A_594 = arith.muli %scan3A_319, %mul3A_593 : i32
          %add3A_595 = arith.constant 2 : i32
          %add3A_596 = arith.addi %mul3A_594, %add3A_595 : i32
          %get3A_597 = arith.constant 0 : i32
          %get3A_598 = arith.index_cast %get3A_597 : i32 to index
          %get3A_599 = arith.index_cast %add3A_596 : i32 to index
          %get3A_600 = arith.constant 64 : index
          %get3A_601 = tpu.vector_load %arg11[%get3A_598, %get3A_599, %get3A_600] {strides = array<i32>} : memref<2x128x128xf32, #tpu.memory_space<vmem>>, vector<1x1x16xf32>,
          %get3A_602 = vector.shape_cast %get3A_601 : vector<1x1x16xf32> to vector<16xf32>
          %mul3A_603 = arith.mulf %gather3A_544, %get3A_602 : vector<16xf32>
          %add3A_604 = arith.addf %add3A_505, %mul3A_603 : vector<16xf32>
          %mul3A_605 = arith.constant 8 : i32
          %mul3A_606 = arith.muli %scan3A_319, %mul3A_605 : i32
          %add3A_607 = arith.constant 2 : i32
          %add3A_608 = arith.addi %mul3A_606, %add3A_607 : i32
          %get3A_609 = arith.constant 0 : i32
          %get3A_610 = arith.index_cast %get3A_609 : i32 to index
          %get3A_611 = arith.index_cast %add3A_608 : i32 to index
          %get3A_612 = arith.constant 80 : index
          %get3A_613 = tpu.vector_load %arg11[%get3A_610, %get3A_611, %get3A_612] {strides = array<i32>} : memref<2x128x128xf32, #tpu.memory_space<vmem>>, vector<1x1x16xf32>,
          %get3A_614 = vector.shape_cast %get3A_613 : vector<1x1x16xf32> to vector<16xf32>
          %mul3A_615 = arith.mulf %gather3A_544, %get3A_614 : vector<16xf32>
          %add3A_616 = arith.addf %add3A_517, %mul3A_615 : vector<16xf32>
          %mul3A_617 = arith.constant 8 : i32
          %mul3A_618 = arith.muli %scan3A_319, %mul3A_617 : i32
          %add3A_619 = arith.constant 2 : i32
          %add3A_620 = arith.addi %mul3A_618, %add3A_619 : i32
          %get3A_621 = arith.constant 0 : i32
          %get3A_622 = arith.index_cast %get3A_621 : i32 to index
          %get3A_623 = arith.index_cast %add3A_620 : i32 to index
          %get3A_624 = arith.constant 96 : index
          %get3A_625 = tpu.vector_load %arg11[%get3A_622, %get3A_623, %get3A_624] {strides = array<i32>} : memref<2x128x128xf32, #tpu.memory_space<vmem>>, vector<1x1x16xf32>,
          %get3A_626 = vector.shape_cast %get3A_625 : vector<1x1x16xf32> to vector<16xf32>
          %mul3A_627 = arith.mulf %gather3A_544, %get3A_626 : vector<16xf32>
          %add3A_628 = arith.addf %add3A_529, %mul3A_627 : vector<16xf32>
          %mul3A_629 = arith.constant 8 : i32
          %mul3A_630 = arith.muli %scan3A_319, %mul3A_629 : i32
          %add3A_631 = arith.constant 2 : i32
          %add3A_632 = arith.addi %mul3A_630, %add3A_631 : i32
          %get3A_633 = arith.constant 0 : i32
          %get3A_634 = arith.index_cast %get3A_633 : i32 to index
          %get3A_635 = arith.index_cast %add3A_632 : i32 to index
          %get3A_636 = arith.constant 112 : index
          %get3A_637 = tpu.vector_load %arg11[%get3A_634, %get3A_635, %get3A_636] {strides = array<i32>} : memref<2x128x128xf32, #tpu.memory_space<vmem>>, vector<1x1x16xf32>,
          %get3A_638 = vector.shape_cast %get3A_637 : vector<1x1x16xf32> to vector<16xf32>
          %mul3A_639 = arith.mulf %gather3A_544, %get3A_638 : vector<16xf32>
          %add3A_640 = arith.addf %add3A_541, %mul3A_639 : vector<16xf32>
          %broadcast_in_dim3A_641 = vector.shape_cast %broadcast_in_dim3A_24 : vector<16xi32> to vector<16x1xi32>
          %gather3A_642 = vector.shape_cast %broadcast_in_dim3A_641 : vector<16x1xi32> to vector<16xi32>
          %gather3A_643 = tpu.dynamic_gather %mul3A_344[%gather3A_642] in [0] : vector<16xf32>, vector<16xi32> -> vector<16xf32>
          %mul3A_644 = arith.constant 8 : i32
          %mul3A_645 = arith.muli %scan3A_319, %mul3A_644 : i32
          %add3A_646 = arith.constant 3 : i32
          %add3A_647 = arith.addi %mul3A_645, %add3A_646 : i32
          %get3A_648 = arith.constant 0 : i32
          %get3A_649 = arith.index_cast %get3A_648 : i32 to index
          %get3A_650 = arith.index_cast %add3A_647 : i32 to index
          %get3A_651 = arith.constant 0 : index
          %get3A_652 = tpu.vector_load %arg11[%get3A_649, %get3A_650, %get3A_651] {strides = array<i32>} : memref<2x128x128xf32, #tpu.memory_space<vmem>>, vector<1x1x16xf32>,
          %get3A_653 = vector.shape_cast %get3A_652 : vector<1x1x16xf32> to vector<16xf32>
          %mul3A_654 = arith.mulf %gather3A_643, %get3A_653 : vector<16xf32>
          %add3A_655 = arith.addf %add3A_556, %mul3A_654 : vector<16xf32>
          %mul3A_656 = arith.constant 8 : i32
          %mul3A_657 = arith.muli %scan3A_319, %mul3A_656 : i32
          %add3A_658 = arith.constant 3 : i32
          %add3A_659 = arith.addi %mul3A_657, %add3A_658 : i32
          %get3A_660 = arith.constant 0 : i32
          %get3A_661 = arith.index_cast %get3A_660 : i32 to index
          %get3A_662 = arith.index_cast %add3A_659 : i32 to index
          %get3A_663 = arith.constant 16 : index
          %get3A_664 = tpu.vector_load %arg11[%get3A_661, %get3A_662, %get3A_663] {strides = array<i32>} : memref<2x128x128xf32, #tpu.memory_space<vmem>>, vector<1x1x16xf32>,
          %get3A_665 = vector.shape_cast %get3A_664 : vector<1x1x16xf32> to vector<16xf32>
          %mul3A_666 = arith.mulf %gather3A_643, %get3A_665 : vector<16xf32>
          %add3A_667 = arith.addf %add3A_568, %mul3A_666 : vector<16xf32>
          %mul3A_668 = arith.constant 8 : i32
          %mul3A_669 = arith.muli %scan3A_319, %mul3A_668 : i32
          %add3A_670 = arith.constant 3 : i32
          %add3A_671 = arith.addi %mul3A_669, %add3A_670 : i32
          %get3A_672 = arith.constant 0 : i32
          %get3A_673 = arith.index_cast %get3A_672 : i32 to index
          %get3A_674 = arith.index_cast %add3A_671 : i32 to index
          %get3A_675 = arith.constant 32 : index
          %get3A_676 = tpu.vector_load %arg11[%get3A_673, %get3A_674, %get3A_675] {strides = array<i32>} : memref<2x128x128xf32, #tpu.memory_space<vmem>>, vector<1x1x16xf32>,
          %get3A_677 = vector.shape_cast %get3A_676 : vector<1x1x16xf32> to vector<16xf32>
          %mul3A_678 = arith.mulf %gather3A_643, %get3A_677 : vector<16xf32>
          %add3A_679 = arith.addf %add3A_580, %mul3A_678 : vector<16xf32>
          %mul3A_680 = arith.constant 8 : i32
          %mul3A_681 = arith.muli %scan3A_319, %mul3A_680 : i32
          %add3A_682 = arith.constant 3 : i32
          %add3A_683 = arith.addi %mul3A_681, %add3A_682 : i32
          %get3A_684 = arith.constant 0 : i32
          %get3A_685 = arith.index_cast %get3A_684 : i32 to index
          %get3A_686 = arith.index_cast %add3A_683 : i32 to index
          %get3A_687 = arith.constant 48 : index
          %get3A_688 = tpu.vector_load %arg11[%get3A_685, %get3A_686, %get3A_687] {strides = array<i32>} : memref<2x128x128xf32, #tpu.memory_space<vmem>>, vector<1x1x16xf32>,
          %get3A_689 = vector.shape_cast %get3A_688 : vector<1x1x16xf32> to vector<16xf32>
          %mul3A_690 = arith.mulf %gather3A_643, %get3A_689 : vector<16xf32>
          %add3A_691 = arith.addf %add3A_592, %mul3A_690 : vector<16xf32>
          %mul3A_692 = arith.constant 8 : i32
          %mul3A_693 = arith.muli %scan3A_319, %mul3A_692 : i32
          %add3A_694 = arith.constant 3 : i32
          %add3A_695 = arith.addi %mul3A_693, %add3A_694 : i32
          %get3A_696 = arith.constant 0 : i32
          %get3A_697 = arith.index_cast %get3A_696 : i32 to index
          %get3A_698 = arith.index_cast %add3A_695 : i32 to index
          %get3A_699 = arith.constant 64 : index
          %get3A_700 = tpu.vector_load %arg11[%get3A_697, %get3A_698, %get3A_699] {strides = array<i32>} : memref<2x128x128xf32, #tpu.memory_space<vmem>>, vector<1x1x16xf32>,
          %get3A_701 = vector.shape_cast %get3A_700 : vector<1x1x16xf32> to vector<16xf32>
          %mul3A_702 = arith.mulf %gather3A_643, %get3A_701 : vector<16xf32>
          %add3A_703 = arith.addf %add3A_604, %mul3A_702 : vector<16xf32>
          %mul3A_704 = arith.constant 8 : i32
          %mul3A_705 = arith.muli %scan3A_319, %mul3A_704 : i32
          %add3A_706 = arith.constant 3 : i32
          %add3A_707 = arith.addi %mul3A_705, %add3A_706 : i32
          %get3A_708 = arith.constant 0 : i32
          %get3A_709 = arith.index_cast %get3A_708 : i32 to index
          %get3A_710 = arith.index_cast %add3A_707 : i32 to index
          %get3A_711 = arith.constant 80 : index
          %get3A_712 = tpu.vector_load %arg11[%get3A_709, %get3A_710, %get3A_711] {strides = array<i32>} : memref<2x128x128xf32, #tpu.memory_space<vmem>>, vector<1x1x16xf32>,
          %get3A_713 = vector.shape_cast %get3A_712 : vector<1x1x16xf32> to vector<16xf32>
          %mul3A_714 = arith.mulf %gather3A_643, %get3A_713 : vector<16xf32>
          %add3A_715 = arith.addf %add3A_616, %mul3A_714 : vector<16xf32>
          %mul3A_716 = arith.constant 8 : i32
          %mul3A_717 = arith.muli %scan3A_319, %mul3A_716 : i32
          %add3A_718 = arith.constant 3 : i32
          %add3A_719 = arith.addi %mul3A_717, %add3A_718 : i32
          %get3A_720 = arith.constant 0 : i32
          %get3A_721 = arith.index_cast %get3A_720 : i32 to index
          %get3A_722 = arith.index_cast %add3A_719 : i32 to index
          %get3A_723 = arith.constant 96 : index
          %get3A_724 = tpu.vector_load %arg11[%get3A_721, %get3A_722, %get3A_723] {strides = array<i32>} : memref<2x128x128xf32, #tpu.memory_space<vmem>>, vector<1x1x16xf32>,
          %get3A_725 = vector.shape_cast %get3A_724 : vector<1x1x16xf32> to vector<16xf32>
          %mul3A_726 = arith.mulf %gather3A_643, %get3A_725 : vector<16xf32>
          %add3A_727 = arith.addf %add3A_628, %mul3A_726 : vector<16xf32>
          %mul3A_728 = arith.constant 8 : i32
          %mul3A_729 = arith.muli %scan3A_319, %mul3A_728 : i32
          %add3A_730 = arith.constant 3 : i32
          %add3A_731 = arith.addi %mul3A_729, %add3A_730 : i32
          %get3A_732 = arith.constant 0 : i32
          %get3A_733 = arith.index_cast %get3A_732 : i32 to index
          %get3A_734 = arith.index_cast %add3A_731 : i32 to index
          %get3A_735 = arith.constant 112 : index
          %get3A_736 = tpu.vector_load %arg11[%get3A_733, %get3A_734, %get3A_735] {strides = array<i32>} : memref<2x128x128xf32, #tpu.memory_space<vmem>>, vector<1x1x16xf32>,
          %get3A_737 = vector.shape_cast %get3A_736 : vector<1x1x16xf32> to vector<16xf32>
          %mul3A_738 = arith.mulf %gather3A_643, %get3A_737 : vector<16xf32>
          %add3A_739 = arith.addf %add3A_640, %mul3A_738 : vector<16xf32>
          %broadcast_in_dim3A_740 = vector.shape_cast %broadcast_in_dim3A_26 : vector<16xi32> to vector<16x1xi32>
          %gather3A_741 = vector.shape_cast %broadcast_in_dim3A_740 : vector<16x1xi32> to vector<16xi32>
          %gather3A_742 = tpu.dynamic_gather %mul3A_344[%gather3A_741] in [0] : vector<16xf32>, vector<16xi32> -> vector<16xf32>
          %mul3A_743 = arith.constant 8 : i32
          %mul3A_744 = arith.muli %scan3A_319, %mul3A_743 : i32
          %add3A_745 = arith.constant 4 : i32
          %add3A_746 = arith.addi %mul3A_744, %add3A_745 : i32
          %get3A_747 = arith.constant 0 : i32
          %get3A_748 = arith.index_cast %get3A_747 : i32 to index
          %get3A_749 = arith.index_cast %add3A_746 : i32 to index
          %get3A_750 = arith.constant 0 : index
          %get3A_751 = tpu.vector_load %arg11[%get3A_748, %get3A_749, %get3A_750] {strides = array<i32>} : memref<2x128x128xf32, #tpu.memory_space<vmem>>, vector<1x1x16xf32>,
          %get3A_752 = vector.shape_cast %get3A_751 : vector<1x1x16xf32> to vector<16xf32>
          %mul3A_753 = arith.mulf %gather3A_742, %get3A_752 : vector<16xf32>
          %add3A_754 = arith.addf %add3A_655, %mul3A_753 : vector<16xf32>
          %mul3A_755 = arith.constant 8 : i32
          %mul3A_756 = arith.muli %scan3A_319, %mul3A_755 : i32
          %add3A_757 = arith.constant 4 : i32
          %add3A_758 = arith.addi %mul3A_756, %add3A_757 : i32
          %get3A_759 = arith.constant 0 : i32
          %get3A_760 = arith.index_cast %get3A_759 : i32 to index
          %get3A_761 = arith.index_cast %add3A_758 : i32 to index
          %get3A_762 = arith.constant 16 : index
          %get3A_763 = tpu.vector_load %arg11[%get3A_760, %get3A_761, %get3A_762] {strides = array<i32>} : memref<2x128x128xf32, #tpu.memory_space<vmem>>, vector<1x1x16xf32>,
          %get3A_764 = vector.shape_cast %get3A_763 : vector<1x1x16xf32> to vector<16xf32>
          %mul3A_765 = arith.mulf %gather3A_742, %get3A_764 : vector<16xf32>
          %add3A_766 = arith.addf %add3A_667, %mul3A_765 : vector<16xf32>
          %mul3A_767 = arith.constant 8 : i32
          %mul3A_768 = arith.muli %scan3A_319, %mul3A_767 : i32
          %add3A_769 = arith.constant 4 : i32
          %add3A_770 = arith.addi %mul3A_768, %add3A_769 : i32
          %get3A_771 = arith.constant 0 : i32
          %get3A_772 = arith.index_cast %get3A_771 : i32 to index
          %get3A_773 = arith.index_cast %add3A_770 : i32 to index
          %get3A_774 = arith.constant 32 : index
          %get3A_775 = tpu.vector_load %arg11[%get3A_772, %get3A_773, %get3A_774] {strides = array<i32>} : memref<2x128x128xf32, #tpu.memory_space<vmem>>, vector<1x1x16xf32>,
          %get3A_776 = vector.shape_cast %get3A_775 : vector<1x1x16xf32> to vector<16xf32>
          %mul3A_777 = arith.mulf %gather3A_742, %get3A_776 : vector<16xf32>
          %add3A_778 = arith.addf %add3A_679, %mul3A_777 : vector<16xf32>
          %mul3A_779 = arith.constant 8 : i32
          %mul3A_780 = arith.muli %scan3A_319, %mul3A_779 : i32
          %add3A_781 = arith.constant 4 : i32
          %add3A_782 = arith.addi %mul3A_780, %add3A_781 : i32
          %get3A_783 = arith.constant 0 : i32
          %get3A_784 = arith.index_cast %get3A_783 : i32 to index
          %get3A_785 = arith.index_cast %add3A_782 : i32 to index
          %get3A_786 = arith.constant 48 : index
          %get3A_787 = tpu.vector_load %arg11[%get3A_784, %get3A_785, %get3A_786] {strides = array<i32>} : memref<2x128x128xf32, #tpu.memory_space<vmem>>, vector<1x1x16xf32>,
          %get3A_788 = vector.shape_cast %get3A_787 : vector<1x1x16xf32> to vector<16xf32>
          %mul3A_789 = arith.mulf %gather3A_742, %get3A_788 : vector<16xf32>
          %add3A_790 = arith.addf %add3A_691, %mul3A_789 : vector<16xf32>
          %mul3A_791 = arith.constant 8 : i32
          %mul3A_792 = arith.muli %scan3A_319, %mul3A_791 : i32
          %add3A_793 = arith.constant 4 : i32
          %add3A_794 = arith.addi %mul3A_792, %add3A_793 : i32
          %get3A_795 = arith.constant 0 : i32
          %get3A_796 = arith.index_cast %get3A_795 : i32 to index
          %get3A_797 = arith.index_cast %add3A_794 : i32 to index
          %get3A_798 = arith.constant 64 : index
          %get3A_799 = tpu.vector_load %arg11[%get3A_796, %get3A_797, %get3A_798] {strides = array<i32>} : memref<2x128x128xf32, #tpu.memory_space<vmem>>, vector<1x1x16xf32>,
          %get3A_800 = vector.shape_cast %get3A_799 : vector<1x1x16xf32> to vector<16xf32>
          %mul3A_801 = arith.mulf %gather3A_742, %get3A_800 : vector<16xf32>
          %add3A_802 = arith.addf %add3A_703, %mul3A_801 : vector<16xf32>
          %mul3A_803 = arith.constant 8 : i32
          %mul3A_804 = arith.muli %scan3A_319, %mul3A_803 : i32
          %add3A_805 = arith.constant 4 : i32
          %add3A_806 = arith.addi %mul3A_804, %add3A_805 : i32
          %get3A_807 = arith.constant 0 : i32
          %get3A_808 = arith.index_cast %get3A_807 : i32 to index
          %get3A_809 = arith.index_cast %add3A_806 : i32 to index
          %get3A_810 = arith.constant 80 : index
          %get3A_811 = tpu.vector_load %arg11[%get3A_808, %get3A_809, %get3A_810] {strides = array<i32>} : memref<2x128x128xf32, #tpu.memory_space<vmem>>, vector<1x1x16xf32>,
          %get3A_812 = vector.shape_cast %get3A_811 : vector<1x1x16xf32> to vector<16xf32>
          %mul3A_813 = arith.mulf %gather3A_742, %get3A_812 : vector<16xf32>
          %add3A_814 = arith.addf %add3A_715, %mul3A_813 : vector<16xf32>
          %mul3A_815 = arith.constant 8 : i32
          %mul3A_816 = arith.muli %scan3A_319, %mul3A_815 : i32
          %add3A_817 = arith.constant 4 : i32
          %add3A_818 = arith.addi %mul3A_816, %add3A_817 : i32
          %get3A_819 = arith.constant 0 : i32
          %get3A_820 = arith.index_cast %get3A_819 : i32 to index
          %get3A_821 = arith.index_cast %add3A_818 : i32 to index
          %get3A_822 = arith.constant 96 : index
          %get3A_823 = tpu.vector_load %arg11[%get3A_820, %get3A_821, %get3A_822] {strides = array<i32>} : memref<2x128x128xf32, #tpu.memory_space<vmem>>, vector<1x1x16xf32>,
          %get3A_824 = vector.shape_cast %get3A_823 : vector<1x1x16xf32> to vector<16xf32>
          %mul3A_825 = arith.mulf %gather3A_742, %get3A_824 : vector<16xf32>
          %add3A_826 = arith.addf %add3A_727, %mul3A_825 : vector<16xf32>
          %mul3A_827 = arith.constant 8 : i32
          %mul3A_828 = arith.muli %scan3A_319, %mul3A_827 : i32
          %add3A_829 = arith.constant 4 : i32
          %add3A_830 = arith.addi %mul3A_828, %add3A_829 : i32
          %get3A_831 = arith.constant 0 : i32
          %get3A_832 = arith.index_cast %get3A_831 : i32 to index
          %get3A_833 = arith.index_cast %add3A_830 : i32 to index
          %get3A_834 = arith.constant 112 : index
          %get3A_835 = tpu.vector_load %arg11[%get3A_832, %get3A_833, %get3A_834] {strides = array<i32>} : memref<2x128x128xf32, #tpu.memory_space<vmem>>, vector<1x1x16xf32>,
          %get3A_836 = vector.shape_cast %get3A_835 : vector<1x1x16xf32> to vector<16xf32>
          %mul3A_837 = arith.mulf %gather3A_742, %get3A_836 : vector<16xf32>
          %add3A_838 = arith.addf %add3A_739, %mul3A_837 : vector<16xf32>
          %broadcast_in_dim3A_839 = vector.shape_cast %broadcast_in_dim3A_28 : vector<16xi32> to vector<16x1xi32>
          %gather3A_840 = vector.shape_cast %broadcast_in_dim3A_839 : vector<16x1xi32> to vector<16xi32>
          %gather3A_841 = tpu.dynamic_gather %mul3A_344[%gather3A_840] in [0] : vector<16xf32>, vector<16xi32> -> vector<16xf32>
          %mul3A_842 = arith.constant 8 : i32
          %mul3A_843 = arith.muli %scan3A_319, %mul3A_842 : i32
          %add3A_844 = arith.constant 5 : i32
          %add3A_845 = arith.addi %mul3A_843, %add3A_844 : i32
          %get3A_846 = arith.constant 0 : i32
          %get3A_847 = arith.index_cast %get3A_846 : i32 to index
          %get3A_848 = arith.index_cast %add3A_845 : i32 to index
          %get3A_849 = arith.constant 0 : index
          %get3A_850 = tpu.vector_load %arg11[%get3A_847, %get3A_848, %get3A_849] {strides = array<i32>} : memref<2x128x128xf32, #tpu.memory_space<vmem>>, vector<1x1x16xf32>,
          %get3A_851 = vector.shape_cast %get3A_850 : vector<1x1x16xf32> to vector<16xf32>
          %mul3A_852 = arith.mulf %gather3A_841, %get3A_851 : vector<16xf32>
          %add3A_853 = arith.addf %add3A_754, %mul3A_852 : vector<16xf32>
          %mul3A_854 = arith.constant 8 : i32
          %mul3A_855 = arith.muli %scan3A_319, %mul3A_854 : i32
          %add3A_856 = arith.constant 5 : i32
          %add3A_857 = arith.addi %mul3A_855, %add3A_856 : i32
          %get3A_858 = arith.constant 0 : i32
          %get3A_859 = arith.index_cast %get3A_858 : i32 to index
          %get3A_860 = arith.index_cast %add3A_857 : i32 to index
          %get3A_861 = arith.constant 16 : index
          %get3A_862 = tpu.vector_load %arg11[%get3A_859, %get3A_860, %get3A_861] {strides = array<i32>} : memref<2x128x128xf32, #tpu.memory_space<vmem>>, vector<1x1x16xf32>,
          %get3A_863 = vector.shape_cast %get3A_862 : vector<1x1x16xf32> to vector<16xf32>
          %mul3A_864 = arith.mulf %gather3A_841, %get3A_863 : vector<16xf32>
          %add3A_865 = arith.addf %add3A_766, %mul3A_864 : vector<16xf32>
          %mul3A_866 = arith.constant 8 : i32
          %mul3A_867 = arith.muli %scan3A_319, %mul3A_866 : i32
          %add3A_868 = arith.constant 5 : i32
          %add3A_869 = arith.addi %mul3A_867, %add3A_868 : i32
          %get3A_870 = arith.constant 0 : i32
          %get3A_871 = arith.index_cast %get3A_870 : i32 to index
          %get3A_872 = arith.index_cast %add3A_869 : i32 to index
          %get3A_873 = arith.constant 32 : index
          %get3A_874 = tpu.vector_load %arg11[%get3A_871, %get3A_872, %get3A_873] {strides = array<i32>} : memref<2x128x128xf32, #tpu.memory_space<vmem>>, vector<1x1x16xf32>,
          %get3A_875 = vector.shape_cast %get3A_874 : vector<1x1x16xf32> to vector<16xf32>
          %mul3A_876 = arith.mulf %gather3A_841, %get3A_875 : vector<16xf32>
          %add3A_877 = arith.addf %add3A_778, %mul3A_876 : vector<16xf32>
          %mul3A_878 = arith.constant 8 : i32
          %mul3A_879 = arith.muli %scan3A_319, %mul3A_878 : i32
          %add3A_880 = arith.constant 5 : i32
          %add3A_881 = arith.addi %mul3A_879, %add3A_880 : i32
          %get3A_882 = arith.constant 0 : i32
          %get3A_883 = arith.index_cast %get3A_882 : i32 to index
          %get3A_884 = arith.index_cast %add3A_881 : i32 to index
          %get3A_885 = arith.constant 48 : index
          %get3A_886 = tpu.vector_load %arg11[%get3A_883, %get3A_884, %get3A_885] {strides = array<i32>} : memref<2x128x128xf32, #tpu.memory_space<vmem>>, vector<1x1x16xf32>,
          %get3A_887 = vector.shape_cast %get3A_886 : vector<1x1x16xf32> to vector<16xf32>
          %mul3A_888 = arith.mulf %gather3A_841, %get3A_887 : vector<16xf32>
          %add3A_889 = arith.addf %add3A_790, %mul3A_888 : vector<16xf32>
          %mul3A_890 = arith.constant 8 : i32
          %mul3A_891 = arith.muli %scan3A_319, %mul3A_890 : i32
          %add3A_892 = arith.constant 5 : i32
          %add3A_893 = arith.addi %mul3A_891, %add3A_892 : i32
          %get3A_894 = arith.constant 0 : i32
          %get3A_895 = arith.index_cast %get3A_894 : i32 to index
          %get3A_896 = arith.index_cast %add3A_893 : i32 to index
          %get3A_897 = arith.constant 64 : index
          %get3A_898 = tpu.vector_load %arg11[%get3A_895, %get3A_896, %get3A_897] {strides = array<i32>} : memref<2x128x128xf32, #tpu.memory_space<vmem>>, vector<1x1x16xf32>,
          %get3A_899 = vector.shape_cast %get3A_898 : vector<1x1x16xf32> to vector<16xf32>
          %mul3A_900 = arith.mulf %gather3A_841, %get3A_899 : vector<16xf32>
          %add3A_901 = arith.addf %add3A_802, %mul3A_900 : vector<16xf32>
          %mul3A_902 = arith.constant 8 : i32
          %mul3A_903 = arith.muli %scan3A_319, %mul3A_902 : i32
          %add3A_904 = arith.constant 5 : i32
          %add3A_905 = arith.addi %mul3A_903, %add3A_904 : i32
          %get3A_906 = arith.constant 0 : i32
          %get3A_907 = arith.index_cast %get3A_906 : i32 to index
          %get3A_908 = arith.index_cast %add3A_905 : i32 to index
          %get3A_909 = arith.constant 80 : index
          %get3A_910 = tpu.vector_load %arg11[%get3A_907, %get3A_908, %get3A_909] {strides = array<i32>} : memref<2x128x128xf32, #tpu.memory_space<vmem>>, vector<1x1x16xf32>,
          %get3A_911 = vector.shape_cast %get3A_910 : vector<1x1x16xf32> to vector<16xf32>
          %mul3A_912 = arith.mulf %gather3A_841, %get3A_911 : vector<16xf32>
          %add3A_913 = arith.addf %add3A_814, %mul3A_912 : vector<16xf32>
          %mul3A_914 = arith.constant 8 : i32
          %mul3A_915 = arith.muli %scan3A_319, %mul3A_914 : i32
          %add3A_916 = arith.constant 5 : i32
          %add3A_917 = arith.addi %mul3A_915, %add3A_916 : i32
          %get3A_918 = arith.constant 0 : i32
          %get3A_919 = arith.index_cast %get3A_918 : i32 to index
          %get3A_920 = arith.index_cast %add3A_917 : i32 to index
          %get3A_921 = arith.constant 96 : index
          %get3A_922 = tpu.vector_load %arg11[%get3A_919, %get3A_920, %get3A_921] {strides = array<i32>} : memref<2x128x128xf32, #tpu.memory_space<vmem>>, vector<1x1x16xf32>,
          %get3A_923 = vector.shape_cast %get3A_922 : vector<1x1x16xf32> to vector<16xf32>
          %mul3A_924 = arith.mulf %gather3A_841, %get3A_923 : vector<16xf32>
          %add3A_925 = arith.addf %add3A_826, %mul3A_924 : vector<16xf32>
          %mul3A_926 = arith.constant 8 : i32
          %mul3A_927 = arith.muli %scan3A_319, %mul3A_926 : i32
          %add3A_928 = arith.constant 5 : i32
          %add3A_929 = arith.addi %mul3A_927, %add3A_928 : i32
          %get3A_930 = arith.constant 0 : i32
          %get3A_931 = arith.index_cast %get3A_930 : i32 to index
          %get3A_932 = arith.index_cast %add3A_929 : i32 to index
          %get3A_933 = arith.constant 112 : index
          %get3A_934 = tpu.vector_load %arg11[%get3A_931, %get3A_932, %get3A_933] {strides = array<i32>} : memref<2x128x128xf32, #tpu.memory_space<vmem>>, vector<1x1x16xf32>,
          %get3A_935 = vector.shape_cast %get3A_934 : vector<1x1x16xf32> to vector<16xf32>
          %mul3A_936 = arith.mulf %gather3A_841, %get3A_935 : vector<16xf32>
          %add3A_937 = arith.addf %add3A_838, %mul3A_936 : vector<16xf32>
          %broadcast_in_dim3A_938 = vector.shape_cast %broadcast_in_dim3A_30 : vector<16xi32> to vector<16x1xi32>
          %gather3A_939 = vector.shape_cast %broadcast_in_dim3A_938 : vector<16x1xi32> to vector<16xi32>
          %gather3A_940 = tpu.dynamic_gather %mul3A_344[%gather3A_939] in [0] : vector<16xf32>, vector<16xi32> -> vector<16xf32>
          %mul3A_941 = arith.constant 8 : i32
          %mul3A_942 = arith.muli %scan3A_319, %mul3A_941 : i32
          %add3A_943 = arith.constant 6 : i32
          %add3A_944 = arith.addi %mul3A_942, %add3A_943 : i32
          %get3A_945 = arith.constant 0 : i32
          %get3A_946 = arith.index_cast %get3A_945 : i32 to index
          %get3A_947 = arith.index_cast %add3A_944 : i32 to index
          %get3A_948 = arith.constant 0 : index
          %get3A_949 = tpu.vector_load %arg11[%get3A_946, %get3A_947, %get3A_948] {strides = array<i32>} : memref<2x128x128xf32, #tpu.memory_space<vmem>>, vector<1x1x16xf32>,
          %get3A_950 = vector.shape_cast %get3A_949 : vector<1x1x16xf32> to vector<16xf32>
          %mul3A_951 = arith.mulf %gather3A_940, %get3A_950 : vector<16xf32>
          %add3A_952 = arith.addf %add3A_853, %mul3A_951 : vector<16xf32>
          %mul3A_953 = arith.constant 8 : i32
          %mul3A_954 = arith.muli %scan3A_319, %mul3A_953 : i32
          %add3A_955 = arith.constant 6 : i32
          %add3A_956 = arith.addi %mul3A_954, %add3A_955 : i32
          %get3A_957 = arith.constant 0 : i32
          %get3A_958 = arith.index_cast %get3A_957 : i32 to index
          %get3A_959 = arith.index_cast %add3A_956 : i32 to index
          %get3A_960 = arith.constant 16 : index
          %get3A_961 = tpu.vector_load %arg11[%get3A_958, %get3A_959, %get3A_960] {strides = array<i32>} : memref<2x128x128xf32, #tpu.memory_space<vmem>>, vector<1x1x16xf32>,
          %get3A_962 = vector.shape_cast %get3A_961 : vector<1x1x16xf32> to vector<16xf32>
          %mul3A_963 = arith.mulf %gather3A_940, %get3A_962 : vector<16xf32>
          %add3A_964 = arith.addf %add3A_865, %mul3A_963 : vector<16xf32>
          %mul3A_965 = arith.constant 8 : i32
          %mul3A_966 = arith.muli %scan3A_319, %mul3A_965 : i32
          %add3A_967 = arith.constant 6 : i32
          %add3A_968 = arith.addi %mul3A_966, %add3A_967 : i32
          %get3A_969 = arith.constant 0 : i32
          %get3A_970 = arith.index_cast %get3A_969 : i32 to index
          %get3A_971 = arith.index_cast %add3A_968 : i32 to index
          %get3A_972 = arith.constant 32 : index
          %get3A_973 = tpu.vector_load %arg11[%get3A_970, %get3A_971, %get3A_972] {strides = array<i32>} : memref<2x128x128xf32, #tpu.memory_space<vmem>>, vector<1x1x16xf32>,
          %get3A_974 = vector.shape_cast %get3A_973 : vector<1x1x16xf32> to vector<16xf32>
          %mul3A_975 = arith.mulf %gather3A_940, %get3A_974 : vector<16xf32>
          %add3A_976 = arith.addf %add3A_877, %mul3A_975 : vector<16xf32>
          %mul3A_977 = arith.constant 8 : i32
          %mul3A_978 = arith.muli %scan3A_319, %mul3A_977 : i32
          %add3A_979 = arith.constant 6 : i32
          %add3A_980 = arith.addi %mul3A_978, %add3A_979 : i32
          %get3A_981 = arith.constant 0 : i32
          %get3A_982 = arith.index_cast %get3A_981 : i32 to index
          %get3A_983 = arith.index_cast %add3A_980 : i32 to index
          %get3A_984 = arith.constant 48 : index
          %get3A_985 = tpu.vector_load %arg11[%get3A_982, %get3A_983, %get3A_984] {strides = array<i32>} : memref<2x128x128xf32, #tpu.memory_space<vmem>>, vector<1x1x16xf32>,
          %get3A_986 = vector.shape_cast %get3A_985 : vector<1x1x16xf32> to vector<16xf32>
          %mul3A_987 = arith.mulf %gather3A_940, %get3A_986 : vector<16xf32>
          %add3A_988 = arith.addf %add3A_889, %mul3A_987 : vector<16xf32>
          %mul3A_989 = arith.constant 8 : i32
          %mul3A_990 = arith.muli %scan3A_319, %mul3A_989 : i32
          %add3A_991 = arith.constant 6 : i32
          %add3A_992 = arith.addi %mul3A_990, %add3A_991 : i32
          %get3A_993 = arith.constant 0 : i32
          %get3A_994 = arith.index_cast %get3A_993 : i32 to index
          %get3A_995 = arith.index_cast %add3A_992 : i32 to index
          %get3A_996 = arith.constant 64 : index
          %get3A_997 = tpu.vector_load %arg11[%get3A_994, %get3A_995, %get3A_996] {strides = array<i32>} : memref<2x128x128xf32, #tpu.memory_space<vmem>>, vector<1x1x16xf32>,
          %get3A_998 = vector.shape_cast %get3A_997 : vector<1x1x16xf32> to vector<16xf32>
          %mul3A_999 = arith.mulf %gather3A_940, %get3A_998 : vector<16xf32>
          %add3A_1000 = arith.addf %add3A_901, %mul3A_999 : vector<16xf32>
          %mul3A_1001 = arith.constant 8 : i32
          %mul3A_1002 = arith.muli %scan3A_319, %mul3A_1001 : i32
          %add3A_1003 = arith.constant 6 : i32
          %add3A_1004 = arith.addi %mul3A_1002, %add3A_1003 : i32
          %get3A_1005 = arith.constant 0 : i32
          %get3A_1006 = arith.index_cast %get3A_1005 : i32 to index
          %get3A_1007 = arith.index_cast %add3A_1004 : i32 to index
          %get3A_1008 = arith.constant 80 : index
          %get3A_1009 = tpu.vector_load %arg11[%get3A_1006, %get3A_1007, %get3A_1008] {strides = array<i32>} : memref<2x128x128xf32, #tpu.memory_space<vmem>>, vector<1x1x16xf32>,
          %get3A_1010 = vector.shape_cast %get3A_1009 : vector<1x1x16xf32> to vector<16xf32>
          %mul3A_1011 = arith.mulf %gather3A_940, %get3A_1010 : vector<16xf32>
          %add3A_1012 = arith.addf %add3A_913, %mul3A_1011 : vector<16xf32>
          %mul3A_1013 = arith.constant 8 : i32
          %mul3A_1014 = arith.muli %scan3A_319, %mul3A_1013 : i32
          %add3A_1015 = arith.constant 6 : i32
          %add3A_1016 = arith.addi %mul3A_1014, %add3A_1015 : i32
          %get3A_1017 = arith.constant 0 : i32
          %get3A_1018 = arith.index_cast %get3A_1017 : i32 to index
          %get3A_1019 = arith.index_cast %add3A_1016 : i32 to index
          %get3A_1020 = arith.constant 96 : index
          %get3A_1021 = tpu.vector_load %arg11[%get3A_1018, %get3A_1019, %get3A_1020] {strides = array<i32>} : memref<2x128x128xf32, #tpu.memory_space<vmem>>, vector<1x1x16xf32>,
          %get3A_1022 = vector.shape_cast %get3A_1021 : vector<1x1x16xf32> to vector<16xf32>
          %mul3A_1023 = arith.mulf %gather3A_940, %get3A_1022 : vector<16xf32>
          %add3A_1024 = arith.addf %add3A_925, %mul3A_1023 : vector<16xf32>
          %mul3A_1025 = arith.constant 8 : i32
          %mul3A_1026 = arith.muli %scan3A_319, %mul3A_1025 : i32
          %add3A_1027 = arith.constant 6 : i32
          %add3A_1028 = arith.addi %mul3A_1026, %add3A_1027 : i32
          %get3A_1029 = arith.constant 0 : i32
          %get3A_1030 = arith.index_cast %get3A_1029 : i32 to index
          %get3A_1031 = arith.index_cast %add3A_1028 : i32 to index
          %get3A_1032 = arith.constant 112 : index
          %get3A_1033 = tpu.vector_load %arg11[%get3A_1030, %get3A_1031, %get3A_1032] {strides = array<i32>} : memref<2x128x128xf32, #tpu.memory_space<vmem>>, vector<1x1x16xf32>,
          %get3A_1034 = vector.shape_cast %get3A_1033 : vector<1x1x16xf32> to vector<16xf32>
          %mul3A_1035 = arith.mulf %gather3A_940, %get3A_1034 : vector<16xf32>
          %add3A_1036 = arith.addf %add3A_937, %mul3A_1035 : vector<16xf32>
          %broadcast_in_dim3A_1037 = vector.shape_cast %broadcast_in_dim3A_32 : vector<16xi32> to vector<16x1xi32>
          %gather3A_1038 = vector.shape_cast %broadcast_in_dim3A_1037 : vector<16x1xi32> to vector<16xi32>
          %gather3A_1039 = tpu.dynamic_gather %mul3A_344[%gather3A_1038] in [0] : vector<16xf32>, vector<16xi32> -> vector<16xf32>
          %mul3A_1040 = arith.constant 8 : i32
          %mul3A_1041 = arith.muli %scan3A_319, %mul3A_1040 : i32
          %add3A_1042 = arith.constant 7 : i32
          %add3A_1043 = arith.addi %mul3A_1041, %add3A_1042 : i32
          %get3A_1044 = arith.constant 0 : i32
          %get3A_1045 = arith.index_cast %get3A_1044 : i32 to index
          %get3A_1046 = arith.index_cast %add3A_1043 : i32 to index
          %get3A_1047 = arith.constant 0 : index
          %get3A_1048 = tpu.vector_load %arg11[%get3A_1045, %get3A_1046, %get3A_1047] {strides = array<i32>} : memref<2x128x128xf32, #tpu.memory_space<vmem>>, vector<1x1x16xf32>,
          %get3A_1049 = vector.shape_cast %get3A_1048 : vector<1x1x16xf32> to vector<16xf32>
          %mul3A_1050 = arith.mulf %gather3A_1039, %get3A_1049 : vector<16xf32>
          %add3A_1051 = arith.addf %add3A_952, %mul3A_1050 : vector<16xf32>
          %mul3A_1052 = arith.constant 8 : i32
          %mul3A_1053 = arith.muli %scan3A_319, %mul3A_1052 : i32
          %add3A_1054 = arith.constant 7 : i32
          %add3A_1055 = arith.addi %mul3A_1053, %add3A_1054 : i32
          %get3A_1056 = arith.constant 0 : i32
          %get3A_1057 = arith.index_cast %get3A_1056 : i32 to index
          %get3A_1058 = arith.index_cast %add3A_1055 : i32 to index
          %get3A_1059 = arith.constant 16 : index
          %get3A_1060 = tpu.vector_load %arg11[%get3A_1057, %get3A_1058, %get3A_1059] {strides = array<i32>} : memref<2x128x128xf32, #tpu.memory_space<vmem>>, vector<1x1x16xf32>,
          %get3A_1061 = vector.shape_cast %get3A_1060 : vector<1x1x16xf32> to vector<16xf32>
          %mul3A_1062 = arith.mulf %gather3A_1039, %get3A_1061 : vector<16xf32>
          %add3A_1063 = arith.addf %add3A_964, %mul3A_1062 : vector<16xf32>
          %mul3A_1064 = arith.constant 8 : i32
          %mul3A_1065 = arith.muli %scan3A_319, %mul3A_1064 : i32
          %add3A_1066 = arith.constant 7 : i32
          %add3A_1067 = arith.addi %mul3A_1065, %add3A_1066 : i32
          %get3A_1068 = arith.constant 0 : i32
          %get3A_1069 = arith.index_cast %get3A_1068 : i32 to index
          %get3A_1070 = arith.index_cast %add3A_1067 : i32 to index
          %get3A_1071 = arith.constant 32 : index
          %get3A_1072 = tpu.vector_load %arg11[%get3A_1069, %get3A_1070, %get3A_1071] {strides = array<i32>} : memref<2x128x128xf32, #tpu.memory_space<vmem>>, vector<1x1x16xf32>,
          %get3A_1073 = vector.shape_cast %get3A_1072 : vector<1x1x16xf32> to vector<16xf32>
          %mul3A_1074 = arith.mulf %gather3A_1039, %get3A_1073 : vector<16xf32>
          %add3A_1075 = arith.addf %add3A_976, %mul3A_1074 : vector<16xf32>
          %mul3A_1076 = arith.constant 8 : i32
          %mul3A_1077 = arith.muli %scan3A_319, %mul3A_1076 : i32
          %add3A_1078 = arith.constant 7 : i32
          %add3A_1079 = arith.addi %mul3A_1077, %add3A_1078 : i32
          %get3A_1080 = arith.constant 0 : i32
          %get3A_1081 = arith.index_cast %get3A_1080 : i32 to index
          %get3A_1082 = arith.index_cast %add3A_1079 : i32 to index
          %get3A_1083 = arith.constant 48 : index
          %get3A_1084 = tpu.vector_load %arg11[%get3A_1081, %get3A_1082, %get3A_1083] {strides = array<i32>} : memref<2x128x128xf32, #tpu.memory_space<vmem>>, vector<1x1x16xf32>,
          %get3A_1085 = vector.shape_cast %get3A_1084 : vector<1x1x16xf32> to vector<16xf32>
          %mul3A_1086 = arith.mulf %gather3A_1039, %get3A_1085 : vector<16xf32>
          %add3A_1087 = arith.addf %add3A_988, %mul3A_1086 : vector<16xf32>
          %mul3A_1088 = arith.constant 8 : i32
          %mul3A_1089 = arith.muli %scan3A_319, %mul3A_1088 : i32
          %add3A_1090 = arith.constant 7 : i32
          %add3A_1091 = arith.addi %mul3A_1089, %add3A_1090 : i32
          %get3A_1092 = arith.constant 0 : i32
          %get3A_1093 = arith.index_cast %get3A_1092 : i32 to index
          %get3A_1094 = arith.index_cast %add3A_1091 : i32 to index
          %get3A_1095 = arith.constant 64 : index
          %get3A_1096 = tpu.vector_load %arg11[%get3A_1093, %get3A_1094, %get3A_1095] {strides = array<i32>} : memref<2x128x128xf32, #tpu.memory_space<vmem>>, vector<1x1x16xf32>,
          %get3A_1097 = vector.shape_cast %get3A_1096 : vector<1x1x16xf32> to vector<16xf32>
          %mul3A_1098 = arith.mulf %gather3A_1039, %get3A_1097 : vector<16xf32>
          %add3A_1099 = arith.addf %add3A_1000, %mul3A_1098 : vector<16xf32>
          %mul3A_1100 = arith.constant 8 : i32
          %mul3A_1101 = arith.muli %scan3A_319, %mul3A_1100 : i32
          %add3A_1102 = arith.constant 7 : i32
          %add3A_1103 = arith.addi %mul3A_1101, %add3A_1102 : i32
          %get3A_1104 = arith.constant 0 : i32
          %get3A_1105 = arith.index_cast %get3A_1104 : i32 to index
          %get3A_1106 = arith.index_cast %add3A_1103 : i32 to index
          %get3A_1107 = arith.constant 80 : index
          %get3A_1108 = tpu.vector_load %arg11[%get3A_1105, %get3A_1106, %get3A_1107] {strides = array<i32>} : memref<2x128x128xf32, #tpu.memory_space<vmem>>, vector<1x1x16xf32>,
          %get3A_1109 = vector.shape_cast %get3A_1108 : vector<1x1x16xf32> to vector<16xf32>
          %mul3A_1110 = arith.mulf %gather3A_1039, %get3A_1109 : vector<16xf32>
          %add3A_1111 = arith.addf %add3A_1012, %mul3A_1110 : vector<16xf32>
          %mul3A_1112 = arith.constant 8 : i32
          %mul3A_1113 = arith.muli %scan3A_319, %mul3A_1112 : i32
          %add3A_1114 = arith.constant 7 : i32
          %add3A_1115 = arith.addi %mul3A_1113, %add3A_1114 : i32
          %get3A_1116 = arith.constant 0 : i32
          %get3A_1117 = arith.index_cast %get3A_1116 : i32 to index
          %get3A_1118 = arith.index_cast %add3A_1115 : i32 to index
          %get3A_1119 = arith.constant 96 : index
          %get3A_1120 = tpu.vector_load %arg11[%get3A_1117, %get3A_1118, %get3A_1119] {strides = array<i32>} : memref<2x128x128xf32, #tpu.memory_space<vmem>>, vector<1x1x16xf32>,
          %get3A_1121 = vector.shape_cast %get3A_1120 : vector<1x1x16xf32> to vector<16xf32>
          %mul3A_1122 = arith.mulf %gather3A_1039, %get3A_1121 : vector<16xf32>
          %add3A_1123 = arith.addf %add3A_1024, %mul3A_1122 : vector<16xf32>
          %mul3A_1124 = arith.constant 8 : i32
          %mul3A_1125 = arith.muli %scan3A_319, %mul3A_1124 : i32
          %add3A_1126 = arith.constant 7 : i32
          %add3A_1127 = arith.addi %mul3A_1125, %add3A_1126 : i32
          %get3A_1128 = arith.constant 0 : i32
          %get3A_1129 = arith.index_cast %get3A_1128 : i32 to index
          %get3A_1130 = arith.index_cast %add3A_1127 : i32 to index
          %get3A_1131 = arith.constant 112 : index
          %get3A_1132 = tpu.vector_load %arg11[%get3A_1129, %get3A_1130, %get3A_1131] {strides = array<i32>} : memref<2x128x128xf32, #tpu.memory_space<vmem>>, vector<1x1x16xf32>,
          %get3A_1133 = vector.shape_cast %get3A_1132 : vector<1x1x16xf32> to vector<16xf32>
          %mul3A_1134 = arith.mulf %gather3A_1039, %get3A_1133 : vector<16xf32>
          %add3A_1135 = arith.addf %add3A_1036, %mul3A_1134 : vector<16xf32>
          %swap3A = arith.constant 0 : i32
          %swap3A_1136 = arith.index_cast %swap3A : i32 to index
          %swap3A_1137 = arith.index_cast %scan3A_319 : i32 to index
          %swap3A_1138 = arith.constant 0 : index
          %swap3A_1139 = tpu.vector_load %arg15[%swap3A_1136, %swap3A_1137, %swap3A_1138] {strides = array<i32>} : memref<2x16x128xf32, #tpu.memory_space<vmem>>, vector<1x1x16xf32>,
          %swap3A_1140 = vector.shape_cast %swap3A_1139 : vector<1x1x16xf32> to vector<16xf32>
          %swap3A_1141 = vector.shape_cast %add3A_1051 : vector<16xf32> to vector<1x1x16xf32>
          tpu.vector_store %arg15[%swap3A_1136, %swap3A_1137, %swap3A_1138], %swap3A_1141 {strides = array<i32>} : memref<2x16x128xf32, #tpu.memory_space<vmem>>, vector<1x1x16xf32>,
          %swap3A_1142 = arith.constant 0 : i32
          %swap3A_1143 = arith.index_cast %swap3A_1142 : i32 to index
          %swap3A_1144 = arith.index_cast %scan3A_319 : i32 to index
          %swap3A_1145 = arith.constant 16 : index
          %swap3A_1146 = tpu.vector_load %arg15[%swap3A_1143, %swap3A_1144, %swap3A_1145] {strides = array<i32>} : memref<2x16x128xf32, #tpu.memory_space<vmem>>, vector<1x1x16xf32>,
          %swap3A_1147 = vector.shape_cast %swap3A_1146 : vector<1x1x16xf32> to vector<16xf32>
          %swap3A_1148 = vector.shape_cast %add3A_1063 : vector<16xf32> to vector<1x1x16xf32>
          tpu.vector_store %arg15[%swap3A_1143, %swap3A_1144, %swap3A_1145], %swap3A_1148 {strides = array<i32>} : memref<2x16x128xf32, #tpu.memory_space<vmem>>, vector<1x1x16xf32>,
          %swap3A_1149 = arith.constant 0 : i32
          %swap3A_1150 = arith.index_cast %swap3A_1149 : i32 to index
          %swap3A_1151 = arith.index_cast %scan3A_319 : i32 to index
          %swap3A_1152 = arith.constant 32 : index
          %swap3A_1153 = tpu.vector_load %arg15[%swap3A_1150, %swap3A_1151, %swap3A_1152] {strides = array<i32>} : memref<2x16x128xf32, #tpu.memory_space<vmem>>, vector<1x1x16xf32>,
          %swap3A_1154 = vector.shape_cast %swap3A_1153 : vector<1x1x16xf32> to vector<16xf32>
          %swap3A_1155 = vector.shape_cast %add3A_1075 : vector<16xf32> to vector<1x1x16xf32>
          tpu.vector_store %arg15[%swap3A_1150, %swap3A_1151, %swap3A_1152], %swap3A_1155 {strides = array<i32>} : memref<2x16x128xf32, #tpu.memory_space<vmem>>, vector<1x1x16xf32>,
          %swap3A_1156 = arith.constant 0 : i32
          %swap3A_1157 = arith.index_cast %swap3A_1156 : i32 to index
          %swap3A_1158 = arith.index_cast %scan3A_319 : i32 to index
          %swap3A_1159 = arith.constant 48 : index
          %swap3A_1160 = tpu.vector_load %arg15[%swap3A_1157, %swap3A_1158, %swap3A_1159] {strides = array<i32>} : memref<2x16x128xf32, #tpu.memory_space<vmem>>, vector<1x1x16xf32>,
          %swap3A_1161 = vector.shape_cast %swap3A_1160 : vector<1x1x16xf32> to vector<16xf32>
          %swap3A_1162 = vector.shape_cast %add3A_1087 : vector<16xf32> to vector<1x1x16xf32>
          tpu.vector_store %arg15[%swap3A_1157, %swap3A_1158, %swap3A_1159], %swap3A_1162 {strides = array<i32>} : memref<2x16x128xf32, #tpu.memory_space<vmem>>, vector<1x1x16xf32>,
          %swap3A_1163 = arith.constant 0 : i32
          %swap3A_1164 = arith.index_cast %swap3A_1163 : i32 to index
          %swap3A_1165 = arith.index_cast %scan3A_319 : i32 to index
          %swap3A_1166 = arith.constant 64 : index
          %swap3A_1167 = tpu.vector_load %arg15[%swap3A_1164, %swap3A_1165, %swap3A_1166] {strides = array<i32>} : memref<2x16x128xf32, #tpu.memory_space<vmem>>, vector<1x1x16xf32>,
          %swap3A_1168 = vector.shape_cast %swap3A_1167 : vector<1x1x16xf32> to vector<16xf32>
          %swap3A_1169 = vector.shape_cast %add3A_1099 : vector<16xf32> to vector<1x1x16xf32>
          tpu.vector_store %arg15[%swap3A_1164, %swap3A_1165, %swap3A_1166], %swap3A_1169 {strides = array<i32>} : memref<2x16x128xf32, #tpu.memory_space<vmem>>, vector<1x1x16xf32>,
          %swap3A_1170 = arith.constant 0 : i32
          %swap3A_1171 = arith.index_cast %swap3A_1170 : i32 to index
          %swap3A_1172 = arith.index_cast %scan3A_319 : i32 to index
          %swap3A_1173 = arith.constant 80 : index
          %swap3A_1174 = tpu.vector_load %arg15[%swap3A_1171, %swap3A_1172, %swap3A_1173] {strides = array<i32>} : memref<2x16x128xf32, #tpu.memory_space<vmem>>, vector<1x1x16xf32>,
          %swap3A_1175 = vector.shape_cast %swap3A_1174 : vector<1x1x16xf32> to vector<16xf32>
          %swap3A_1176 = vector.shape_cast %add3A_1111 : vector<16xf32> to vector<1x1x16xf32>
          tpu.vector_store %arg15[%swap3A_1171, %swap3A_1172, %swap3A_1173], %swap3A_1176 {strides = array<i32>} : memref<2x16x128xf32, #tpu.memory_space<vmem>>, vector<1x1x16xf32>,
          %swap3A_1177 = arith.constant 0 : i32
          %swap3A_1178 = arith.index_cast %swap3A_1177 : i32 to index
          %swap3A_1179 = arith.index_cast %scan3A_319 : i32 to index
          %swap3A_1180 = arith.constant 96 : index
          %swap3A_1181 = tpu.vector_load %arg15[%swap3A_1178, %swap3A_1179, %swap3A_1180] {strides = array<i32>} : memref<2x16x128xf32, #tpu.memory_space<vmem>>, vector<1x1x16xf32>,
          %swap3A_1182 = vector.shape_cast %swap3A_1181 : vector<1x1x16xf32> to vector<16xf32>
          %swap3A_1183 = vector.shape_cast %add3A_1123 : vector<16xf32> to vector<1x1x16xf32>
          tpu.vector_store %arg15[%swap3A_1178, %swap3A_1179, %swap3A_1180], %swap3A_1183 {strides = array<i32>} : memref<2x16x128xf32, #tpu.memory_space<vmem>>, vector<1x1x16xf32>,
          %swap3A_1184 = arith.constant 0 : i32
          %swap3A_1185 = arith.index_cast %swap3A_1184 : i32 to index
          %swap3A_1186 = arith.index_cast %scan3A_319 : i32 to index
          %swap3A_1187 = arith.constant 112 : index
          %swap3A_1188 = tpu.vector_load %arg15[%swap3A_1185, %swap3A_1186, %swap3A_1187] {strides = array<i32>} : memref<2x16x128xf32, #tpu.memory_space<vmem>>, vector<1x1x16xf32>,
          %swap3A_1189 = vector.shape_cast %swap3A_1188 : vector<1x1x16xf32> to vector<16xf32>
          %swap3A_1190 = vector.shape_cast %add3A_1135 : vector<16xf32> to vector<1x1x16xf32>
          tpu.vector_store %arg15[%swap3A_1185, %swap3A_1186, %swap3A_1187], %swap3A_1190 {strides = array<i32>} : memref<2x16x128xf32, #tpu.memory_space<vmem>>, vector<1x1x16xf32>,
          %scan3A_1191 = arith.constant 0 : i32
          scf.yield %scan3A_1191 : i32
        }
        %scan3A_219 = arith.constant 16 : i32
        %dma_start3A_220 = arith.constant 0 : i32
        %dma_start3A_221 = arith.constant 0 : i32
        %dma_start3A_222 = arith.constant 0 : i32
        %dma_start3A_223 = tpu.memref_slice %arg15[%dma_start3A_220, %dma_start3A_221, %dma_start3A_222] : memref<2x16x128xf32, #tpu.memory_space<vmem>> -> memref<1x16x128xf32, #tpu.memory_space<vmem>>
        %dma_start3A_224 = tpu.memref_squeeze %dma_start3A_223 : memref<1x16x128xf32, #tpu.memory_space<vmem>> -> memref<16x128xf32, #tpu.memory_space<vmem>>
        %dma_start3A_225 = arith.constant 0 : i32
        %dma_start3A_226 = tpu.memref_slice %arg9[%add3A_151, %dma_start3A_225] : memref<32x16xi32, #tpu.memory_space<vmem>> -> memref<1x16xi32, #tpu.memory_space<vmem>>
        %dma_start3A_227 = tpu.memref_squeeze %dma_start3A_226 : memref<1x16xi32, #tpu.memory_space<vmem>> -> memref<16xi32, #tpu.memory_space<vmem>>
        %dma_start3A_228 = arith.constant 0 : i32
        %dma_start3A_229 = arith.constant 0 : i32
        %dma_start3A_230 = tpu.memref_slice %arg17[%dma_start3A_228, %dma_start3A_229] : memref<10112x128xf32, #tpu.memory_space<vmem_shared>> -> memref<10112x128xf32, #tpu.memory_space<vmem_shared>>
        tpu.enqueue_indirect_dma source(%dma_start3A_224 : memref<16x128xf32, #tpu.memory_space<vmem>>) target(%dma_start3A_230 : memref<10112x128xf32, #tpu.memory_space<vmem_shared>>) offsets(%dma_start3A_227 : memref<16xi32, #tpu.memory_space<vmem>>) semaphore(%arg20 : memref<!tpu.dma_semaphore, #tpu.memory_space<semaphore_mem>>) {add = true}
        %mul3A_231 = arith.constant 2 : i32
        %mul3A_232 = arith.muli %scan3A_146, %mul3A_231 : i32
        %add3A_233 = arith.constant 1 : i32
        %add3A_234 = arith.addi %mul3A_232, %add3A_233 : i32
        %add3A_235 = arith.constant 1 : i32
        %add3A_236 = arith.addi %add3A_234, %add3A_235 : i32
        %lt3A_237 = arith.constant 32 : i32
        %lt3A_238 = arith.cmpi slt, %add3A_236, %lt3A_237 : i32
        %convert_element_type3A_239 = arith.extui %lt3A_238 : i1 to i32
        %cond3A_240 = arith.constant 0 : i32
        %cond3A_241 = arith.cmpi ne, %convert_element_type3A_239, %cond3A_240 : i32
        scf.if %cond3A_241 {
          %add3A_319 = arith.constant 1 : i32
          %add3A_320 = arith.addi %add3A_234, %add3A_319 : i32
          %add3A_321 = arith.addi %mul3A_61, %add3A_234 : i32
          %add3A_322 = arith.constant 1 : i32
          %add3A_323 = arith.addi %add3A_321, %add3A_322 : i32
          %mul3A_324 = arith.constant 10240 : i32
          %mul3A_325 = arith.muli %arg1, %mul3A_324 : i32
          %mul3A_326 = arith.constant 16 : i32
          %mul3A_327 = arith.muli %add3A_323, %mul3A_326 : i32
          %add3A_328 = arith.addi %mul3A_325, %mul3A_327 : i32
          %dma_start3A_329 = arith.constant 0 : i32
          %dma_start3A_330 = arith.constant 0 : i32
          %dma_start3A_331 = arith.constant 0 : i32
          %dma_start3A_332 = tpu.memref_slice %arg11[%dma_start3A_329, %dma_start3A_330, %dma_start3A_331] : memref<2x128x128xf32, #tpu.memory_space<vmem>> -> memref<1x128x128xf32, #tpu.memory_space<vmem>>
          %dma_start3A_333 = tpu.memref_squeeze %dma_start3A_332 : memref<1x128x128xf32, #tpu.memory_space<vmem>> -> memref<128x128xf32, #tpu.memory_space<vmem>>
          %dma_start3A_334 = arith.constant 0 : i32
          %dma_start3A_335 = tpu.memref_slice %arg10[%add3A_320, %dma_start3A_334] : memref<32x128xi32, #tpu.memory_space<vmem>> -> memref<1x128xi32, #tpu.memory_space<vmem>>
          %dma_start3A_336 = tpu.memref_squeeze %dma_start3A_335 : memref<1x128xi32, #tpu.memory_space<vmem>> -> memref<128xi32, #tpu.memory_space<vmem>>
          %dma_start3A_337 = arith.constant 0 : i32
          %dma_start3A_338 = arith.constant 0 : i32
          %dma_start3A_339 = tpu.memref_slice %arg2[%dma_start3A_337, %dma_start3A_338] : memref<163840x128xf32, #tpu.memory_space<hbm>> -> memref<163840x128xf32, #tpu.memory_space<hbm>>
          tpu.enqueue_indirect_dma source(%dma_start3A_339 : memref<163840x128xf32, #tpu.memory_space<hbm>>) target(%dma_start3A_333 : memref<128x128xf32, #tpu.memory_space<vmem>>) offsets(%dma_start3A_336 : memref<128xi32, #tpu.memory_space<vmem>>) semaphore(%arg18 : memref<!tpu.dma_semaphore, #tpu.memory_space<semaphore_mem>>)
          %dma_start3A_340 = arith.constant 0 : i32
          %dma_start3A_341 = arith.constant 0 : i32
          %dma_start3A_342 = arith.constant 0 : i32
          %dma_start3A_343 = tpu.memref_slice %arg12[%dma_start3A_340, %dma_start3A_341, %dma_start3A_342] : memref<2x16x16xf32, #tpu.memory_space<vmem>> -> memref<1x16x16xf32, #tpu.memory_space<vmem>>
          %dma_start3A_344 = tpu.memref_squeeze %dma_start3A_343 : memref<1x16x16xf32, #tpu.memory_space<vmem>> -> memref<16x16xf32, #tpu.memory_space<vmem>>
          %dma_start3A_345 = arith.constant 0 : i32
          %dma_start3A_346 = tpu.memref_slice %arg5[%add3A_328, %dma_start3A_345] : memref<163840x16xf32, #tpu.memory_space<hbm>> -> memref<16x16xf32, #tpu.memory_space<hbm>>
          %dma_start3A_347 = arith.constant 0 : i32
          %dma_start3A_348 = arith.constant 0 : i32
          %dma_start3A_349 = tpu.memref_slice %arg12[%dma_start3A_340, %dma_start3A_347, %dma_start3A_348] : memref<2x16x16xf32, #tpu.memory_space<vmem>> -> memref<1x16x16xf32, #tpu.memory_space<vmem>>
          %dma_start3A_350 = tpu.memref_squeeze %dma_start3A_349 : memref<1x16x16xf32, #tpu.memory_space<vmem>> -> memref<16x16xf32, #tpu.memory_space<vmem>>
          %dma_start3A_351 = arith.constant 0 : i32
          %dma_start3A_352 = tpu.memref_slice %arg5[%add3A_328, %dma_start3A_351] : memref<163840x16xf32, #tpu.memory_space<hbm>> -> memref<16x16xf32, #tpu.memory_space<hbm>>
          tpu.enqueue_dma source(%dma_start3A_352 : memref<16x16xf32, #tpu.memory_space<hbm>>) target(%dma_start3A_350 : memref<16x16xf32, #tpu.memory_space<vmem>>) target_semaphore(%arg18 : memref<!tpu.dma_semaphore, #tpu.memory_space<semaphore_mem>>)
          %dma_start3A_353 = arith.constant 0 : i32
          %dma_start3A_354 = arith.constant 0 : i32
          %dma_start3A_355 = arith.constant 0 : i32
          %dma_start3A_356 = tpu.memref_slice %arg13[%dma_start3A_353, %dma_start3A_354, %dma_start3A_355] : memref<2x16x16xf32, #tpu.memory_space<vmem>> -> memref<1x16x16xf32, #tpu.memory_space<vmem>>
          %dma_start3A_357 = tpu.memref_squeeze %dma_start3A_356 : memref<1x16x16xf32, #tpu.memory_space<vmem>> -> memref<16x16xf32, #tpu.memory_space<vmem>>
          %dma_start3A_358 = arith.constant 0 : i32
          %dma_start3A_359 = tpu.memref_slice %arg9[%add3A_320, %dma_start3A_358] : memref<32x16xi32, #tpu.memory_space<vmem>> -> memref<1x16xi32, #tpu.memory_space<vmem>>
          %dma_start3A_360 = tpu.memref_squeeze %dma_start3A_359 : memref<1x16xi32, #tpu.memory_space<vmem>> -> memref<16xi32, #tpu.memory_space<vmem>>
          %dma_start3A_361 = arith.constant 0 : i32
          %dma_start3A_362 = arith.constant 0 : i32
          %dma_start3A_363 = tpu.memref_slice %arg6[%dma_start3A_361, %dma_start3A_362] : memref<10112x16xf32, #tpu.memory_space<hbm>> -> memref<10112x16xf32, #tpu.memory_space<hbm>>
          tpu.enqueue_indirect_dma source(%dma_start3A_363 : memref<10112x16xf32, #tpu.memory_space<hbm>>) target(%dma_start3A_357 : memref<16x16xf32, #tpu.memory_space<vmem>>) offsets(%dma_start3A_360 : memref<16xi32, #tpu.memory_space<vmem>>) semaphore(%arg18 : memref<!tpu.dma_semaphore, #tpu.memory_space<semaphore_mem>>)
          %dma_start3A_364 = arith.constant 0 : i32
          %dma_start3A_365 = arith.constant 0 : i32
          %dma_start3A_366 = arith.constant 0 : i32
          %dma_start3A_367 = tpu.memref_slice %arg14[%dma_start3A_364, %dma_start3A_365, %dma_start3A_366] : memref<2x16x16xf32, #tpu.memory_space<vmem>> -> memref<1x16x16xf32, #tpu.memory_space<vmem>>
          %dma_start3A_368 = tpu.memref_squeeze %dma_start3A_367 : memref<1x16x16xf32, #tpu.memory_space<vmem>> -> memref<16x16xf32, #tpu.memory_space<vmem>>
          %dma_start3A_369 = arith.constant 0 : i32
          %dma_start3A_370 = tpu.memref_slice %arg9[%add3A_320, %dma_start3A_369] : memref<32x16xi32, #tpu.memory_space<vmem>> -> memref<1x16xi32, #tpu.memory_space<vmem>>
          %dma_start3A_371 = tpu.memref_squeeze %dma_start3A_370 : memref<1x16xi32, #tpu.memory_space<vmem>> -> memref<16xi32, #tpu.memory_space<vmem>>
          %dma_start3A_372 = arith.constant 0 : i32
          %dma_start3A_373 = arith.constant 0 : i32
          %dma_start3A_374 = tpu.memref_slice %arg7[%dma_start3A_372, %dma_start3A_373] : memref<10112x16xf32, #tpu.memory_space<hbm>> -> memref<10112x16xf32, #tpu.memory_space<hbm>>
          tpu.enqueue_indirect_dma source(%dma_start3A_374 : memref<10112x16xf32, #tpu.memory_space<hbm>>) target(%dma_start3A_368 : memref<16x16xf32, #tpu.memory_space<vmem>>) offsets(%dma_start3A_371 : memref<16xi32, #tpu.memory_space<vmem>>) semaphore(%arg18 : memref<!tpu.dma_semaphore, #tpu.memory_space<semaphore_mem>>)
        } else {
        }
        %add3A_242 = arith.addi %mul3A_61, %add3A_234 : i32
        %mul3A_243 = arith.constant 10240 : i32
        %mul3A_244 = arith.muli %arg1, %mul3A_243 : i32
        %mul3A_245 = arith.constant 16 : i32
        %mul3A_246 = arith.muli %add3A_242, %mul3A_245 : i32
        %add3A_247 = arith.addi %mul3A_244, %mul3A_246 : i32
        %dma_wait3A_248 = arith.constant 1 : i32
        %dma_wait3A_249 = arith.constant 0 : i32
        %dma_wait3A_250 = arith.constant 0 : i32
        %dma_wait3A_251 = tpu.memref_slice %arg11[%dma_wait3A_248, %dma_wait3A_249, %dma_wait3A_250] : memref<2x128x128xf32, #tpu.memory_space<vmem>> -> memref<1x128x128xf32, #tpu.memory_space<vmem>>
        %dma_wait3A_252 = tpu.memref_squeeze %dma_wait3A_251 : memref<1x128x128xf32, #tpu.memory_space<vmem>> -> memref<128x128xf32, #tpu.memory_space<vmem>>
        %dma_wait3A_253 = arith.constant 0 : i32
        %dma_wait3A_254 = tpu.memref_slice %arg10[%add3A_234, %dma_wait3A_253] : memref<32x128xi32, #tpu.memory_space<vmem>> -> memref<1x128xi32, #tpu.memory_space<vmem>>
        %dma_wait3A_255 = tpu.memref_squeeze %dma_wait3A_254 : memref<1x128xi32, #tpu.memory_space<vmem>> -> memref<128xi32, #tpu.memory_space<vmem>>
        %dma_wait3A_256 = arith.constant 0 : i32
        %dma_wait3A_257 = arith.constant 0 : i32
        %dma_wait3A_258 = tpu.memref_slice %arg2[%dma_wait3A_256, %dma_wait3A_257] : memref<163840x128xf32, #tpu.memory_space<hbm>> -> memref<163840x128xf32, #tpu.memory_space<hbm>>
        tpu.wait_indirect_dma semaphore(%arg19 : memref<!tpu.dma_semaphore, #tpu.memory_space<semaphore_mem>>) src(%dma_wait3A_258 : memref<163840x128xf32, #tpu.memory_space<hbm>>) dst(%dma_wait3A_252 : memref<128x128xf32, #tpu.memory_space<vmem>>)
        %dma_wait3A_259 = arith.constant 1 : i32
        %dma_wait3A_260 = arith.constant 0 : i32
        %dma_wait3A_261 = arith.constant 0 : i32
        %dma_wait3A_262 = tpu.memref_slice %arg12[%dma_wait3A_259, %dma_wait3A_260, %dma_wait3A_261] : memref<2x16x16xf32, #tpu.memory_space<vmem>> -> memref<1x16x16xf32, #tpu.memory_space<vmem>>
        %dma_wait3A_263 = tpu.memref_squeeze %dma_wait3A_262 : memref<1x16x16xf32, #tpu.memory_space<vmem>> -> memref<16x16xf32, #tpu.memory_space<vmem>>
        %dma_wait3A_264 = arith.constant 0 : i32
        %dma_wait3A_265 = tpu.memref_slice %arg5[%add3A_247, %dma_wait3A_264] : memref<163840x16xf32, #tpu.memory_space<hbm>> -> memref<16x16xf32, #tpu.memory_space<hbm>>
        %dma_wait3A_266 = arith.constant 0 : i32
        %dma_wait3A_267 = arith.constant 0 : i32
        %dma_wait3A_268 = tpu.memref_slice %arg12[%dma_wait3A_259, %dma_wait3A_266, %dma_wait3A_267] : memref<2x16x16xf32, #tpu.memory_space<vmem>> -> memref<1x16x16xf32, #tpu.memory_space<vmem>>
        %dma_wait3A_269 = tpu.memref_squeeze %dma_wait3A_268 : memref<1x16x16xf32, #tpu.memory_space<vmem>> -> memref<16x16xf32, #tpu.memory_space<vmem>>
        %dma_wait3A_270 = arith.constant 0 : i32
        %dma_wait3A_271 = tpu.memref_slice %arg5[%add3A_247, %dma_wait3A_270] : memref<163840x16xf32, #tpu.memory_space<hbm>> -> memref<16x16xf32, #tpu.memory_space<hbm>>
        tpu.wait_dma2 semaphore(%arg19 : memref<!tpu.dma_semaphore, #tpu.memory_space<semaphore_mem>>) src(%dma_wait3A_271 : memref<16x16xf32, #tpu.memory_space<hbm>>) dst(%dma_wait3A_269 : memref<16x16xf32, #tpu.memory_space<vmem>>)
        %dma_wait3A_272 = arith.constant 1 : i32
        %dma_wait3A_273 = arith.constant 0 : i32
        %dma_wait3A_274 = arith.constant 0 : i32
        %dma_wait3A_275 = tpu.memref_slice %arg13[%dma_wait3A_272, %dma_wait3A_273, %dma_wait3A_274] : memref<2x16x16xf32, #tpu.memory_space<vmem>> -> memref<1x16x16xf32, #tpu.memory_space<vmem>>
        %dma_wait3A_276 = tpu.memref_squeeze %dma_wait3A_275 : memref<1x16x16xf32, #tpu.memory_space<vmem>> -> memref<16x16xf32, #tpu.memory_space<vmem>>
        %dma_wait3A_277 = arith.constant 0 : i32
        %dma_wait3A_278 = tpu.memref_slice %arg9[%add3A_234, %dma_wait3A_277] : memref<32x16xi32, #tpu.memory_space<vmem>> -> memref<1x16xi32, #tpu.memory_space<vmem>>
        %dma_wait3A_279 = tpu.memref_squeeze %dma_wait3A_278 : memref<1x16xi32, #tpu.memory_space<vmem>> -> memref<16xi32, #tpu.memory_space<vmem>>
        %dma_wait3A_280 = arith.constant 0 : i32
        %dma_wait3A_281 = arith.constant 0 : i32
        %dma_wait3A_282 = tpu.memref_slice %arg6[%dma_wait3A_280, %dma_wait3A_281] : memref<10112x16xf32, #tpu.memory_space<hbm>> -> memref<10112x16xf32, #tpu.memory_space<hbm>>
        tpu.wait_indirect_dma semaphore(%arg19 : memref<!tpu.dma_semaphore, #tpu.memory_space<semaphore_mem>>) src(%dma_wait3A_282 : memref<10112x16xf32, #tpu.memory_space<hbm>>) dst(%dma_wait3A_276 : memref<16x16xf32, #tpu.memory_space<vmem>>)
        %dma_wait3A_283 = arith.constant 1 : i32
        %dma_wait3A_284 = arith.constant 0 : i32
        %dma_wait3A_285 = arith.constant 0 : i32
        %dma_wait3A_286 = tpu.memref_slice %arg14[%dma_wait3A_283, %dma_wait3A_284, %dma_wait3A_285] : memref<2x16x16xf32, #tpu.memory_space<vmem>> -> memref<1x16x16xf32, #tpu.memory_space<vmem>>
        %dma_wait3A_287 = tpu.memref_squeeze %dma_wait3A_286 : memref<1x16x16xf32, #tpu.memory_space<vmem>> -> memref<16x16xf32, #tpu.memory_space<vmem>>
        %dma_wait3A_288 = arith.constant 0 : i32
        %dma_wait3A_289 = tpu.memref_slice %arg9[%add3A_234, %dma_wait3A_288] : memref<32x16xi32, #tpu.memory_space<vmem>> -> memref<1x16xi32, #tpu.memory_space<vmem>>
        %dma_wait3A_290 = tpu.memref_squeeze %dma_wait3A_289 : memref<1x16xi32, #tpu.memory_space<vmem>> -> memref<16xi32, #tpu.memory_space<vmem>>
        %dma_wait3A_291 = arith.constant 0 : i32
        %dma_wait3A_292 = arith.constant 0 : i32
        %dma_wait3A_293 = tpu.memref_slice %arg7[%dma_wait3A_291, %dma_wait3A_292] : memref<10112x16xf32, #tpu.memory_space<hbm>> -> memref<10112x16xf32, #tpu.memory_space<hbm>>
        tpu.wait_indirect_dma semaphore(%arg19 : memref<!tpu.dma_semaphore, #tpu.memory_space<semaphore_mem>>) src(%dma_wait3A_293 : memref<10112x16xf32, #tpu.memory_space<hbm>>) dst(%dma_wait3A_287 : memref<16x16xf32, #tpu.memory_space<vmem>>)
        %add3A_294 = arith.addi %mul3A_61, %add3A_234 : i32
        %ge3A_295 = arith.constant 2 : i32
        %ge3A_296 = arith.cmpi sge, %add3A_234, %ge3A_295 : i32
        %convert_element_type3A_297 = arith.extui %ge3A_296 : i1 to i32
        %cond3A_298 = arith.constant 0 : i32
        %cond3A_299 = arith.cmpi ne, %convert_element_type3A_297, %cond3A_298 : i32
        scf.if %cond3A_299 {
          %dma_wait3A_319 = arith.constant 1 : i32
          %dma_wait3A_320 = arith.constant 0 : i32
          %dma_wait3A_321 = arith.constant 0 : i32
          %dma_wait3A_322 = tpu.memref_slice %arg15[%dma_wait3A_319, %dma_wait3A_320, %dma_wait3A_321] : memref<2x16x128xf32, #tpu.memory_space<vmem>> -> memref<1x16x128xf32, #tpu.memory_space<vmem>>
          %dma_wait3A_323 = tpu.memref_squeeze %dma_wait3A_322 : memref<1x16x128xf32, #tpu.memory_space<vmem>> -> memref<16x128xf32, #tpu.memory_space<vmem>>
          %dma_wait3A_324 = arith.constant 0 : i32
          %dma_wait3A_325 = tpu.memref_slice %arg9[%add3A_234, %dma_wait3A_324] : memref<32x16xi32, #tpu.memory_space<vmem>> -> memref<1x16xi32, #tpu.memory_space<vmem>>
          %dma_wait3A_326 = tpu.memref_squeeze %dma_wait3A_325 : memref<1x16xi32, #tpu.memory_space<vmem>> -> memref<16xi32, #tpu.memory_space<vmem>>
          %dma_wait3A_327 = arith.constant 0 : i32
          %dma_wait3A_328 = arith.constant 0 : i32
          %dma_wait3A_329 = tpu.memref_slice %arg17[%dma_wait3A_327, %dma_wait3A_328] : memref<10112x128xf32, #tpu.memory_space<vmem_shared>> -> memref<10112x128xf32, #tpu.memory_space<vmem_shared>>
          tpu.wait_indirect_dma semaphore(%arg20 : memref<!tpu.dma_semaphore, #tpu.memory_space<semaphore_mem>>) src(%dma_wait3A_323 : memref<16x128xf32, #tpu.memory_space<vmem>>) dst(%dma_wait3A_329 : memref<10112x128xf32, #tpu.memory_space<vmem_shared>>)
        } else {
        }
        %scan3A_300 = arith.constant 0 : i32
        %scan3A_301 = arith.constant 0 : i32
        %scan3A_302 = arith.constant 16 : i32
        %scan3A_303 = arith.addi %scan3A_301, %scan3A_302 : i32
        %scan3A_304 = arith.constant 1 : i32
        %scan3A_305 = scf.for %scan3A_319 = %scan3A_301 to %scan3A_303 step %scan3A_304 iter_args(%scan3A_320 = %scan3A_300) -> (i32)  : i32 {
          %get3A = arith.constant 1 : i32
          %get3A_321 = arith.index_cast %get3A : i32 to index
          %get3A_322 = arith.index_cast %scan3A_319 : i32 to index
          %get3A_323 = arith.constant 0 : index
          %get3A_324 = tpu.vector_load %arg12[%get3A_321, %get3A_322, %get3A_323] {strides = array<i32>} : memref<2x16x16xf32, #tpu.memory_space<vmem>>, vector<1x1x16xf32>,
          %get3A_325 = vector.shape_cast %get3A_324 : vector<1x1x16xf32> to vector<16xf32>
          %get3A_326 = arith.constant 1 : i32
          %get3A_327 = arith.index_cast %get3A_326 : i32 to index
          %get3A_328 = arith.index_cast %scan3A_319 : i32 to index
          %get3A_329 = arith.constant 0 : index
          %get3A_330 = tpu.vector_load %arg13[%get3A_327, %get3A_328, %get3A_329] {strides = array<i32>} : memref<2x16x16xf32, #tpu.memory_space<vmem>>, vector<1x1x16xf32>,
          %get3A_331 = vector.shape_cast %get3A_330 : vector<1x1x16xf32> to vector<16xf32>
          %get3A_332 = arith.constant 1 : i32
          %get3A_333 = arith.index_cast %get3A_332 : i32 to index
          %get3A_334 = arith.index_cast %scan3A_319 : i32 to index
          %get3A_335 = arith.constant 0 : index
          %get3A_336 = tpu.vector_load %arg14[%get3A_333, %get3A_334, %get3A_335] {strides = array<i32>} : memref<2x16x16xf32, #tpu.memory_space<vmem>>, vector<1x1x16xf32>,
          %get3A_337 = vector.shape_cast %get3A_336 : vector<1x1x16xf32> to vector<16xf32>
          %add3A_338 = arith.addf %get3A_331, %get3A_337 : vector<16xf32>
          %add3A_339 = arith.constant 1.000000e-16 : f32
          %add3A_340 = vector.broadcast %add3A_339 : f32 to vector<16xf32>
          %add3A_341 = arith.addf %add3A_338, %add3A_340 : vector<16xf32>
          %div3A = arith.divf %get3A_325, %add3A_341 : vector<16xf32>
          %mul3A_342 = arith.constant 1.250000e-01 : f32
          %mul3A_343 = vector.broadcast %mul3A_342 : f32 to vector<16xf32>
          %mul3A_344 = arith.mulf %div3A, %mul3A_343 : vector<16xf32>
          %broadcast_in_dim3A_345 = vector.shape_cast %broadcast_in_dim3A_18 : vector<16xi32> to vector<16x1xi32>
          %gather3A = vector.shape_cast %broadcast_in_dim3A_345 : vector<16x1xi32> to vector<16xi32>
          %gather3A_346 = tpu.dynamic_gather %mul3A_344[%gather3A] in [0] : vector<16xf32>, vector<16xi32> -> vector<16xf32>
          %mul3A_347 = arith.constant 8 : i32
          %mul3A_348 = arith.muli %scan3A_319, %mul3A_347 : i32
          %add3A_349 = arith.constant 0 : i32
          %add3A_350 = arith.addi %mul3A_348, %add3A_349 : i32
          %get3A_351 = arith.constant 1 : i32
          %get3A_352 = arith.index_cast %get3A_351 : i32 to index
          %get3A_353 = arith.index_cast %add3A_350 : i32 to index
          %get3A_354 = arith.constant 0 : index
          %get3A_355 = tpu.vector_load %arg11[%get3A_352, %get3A_353, %get3A_354] {strides = array<i32>} : memref<2x128x128xf32, #tpu.memory_space<vmem>>, vector<1x1x16xf32>,
          %get3A_356 = vector.shape_cast %get3A_355 : vector<1x1x16xf32> to vector<16xf32>
          %mul3A_357 = arith.mulf %gather3A_346, %get3A_356 : vector<16xf32>
          %add3A_358 = arith.addf %broadcast_in_dim3A_34, %mul3A_357 : vector<16xf32>
          %mul3A_359 = arith.constant 8 : i32
          %mul3A_360 = arith.muli %scan3A_319, %mul3A_359 : i32
          %add3A_361 = arith.constant 0 : i32
          %add3A_362 = arith.addi %mul3A_360, %add3A_361 : i32
          %get3A_363 = arith.constant 1 : i32
          %get3A_364 = arith.index_cast %get3A_363 : i32 to index
          %get3A_365 = arith.index_cast %add3A_362 : i32 to index
          %get3A_366 = arith.constant 16 : index
          %get3A_367 = tpu.vector_load %arg11[%get3A_364, %get3A_365, %get3A_366] {strides = array<i32>} : memref<2x128x128xf32, #tpu.memory_space<vmem>>, vector<1x1x16xf32>,
          %get3A_368 = vector.shape_cast %get3A_367 : vector<1x1x16xf32> to vector<16xf32>
          %mul3A_369 = arith.mulf %gather3A_346, %get3A_368 : vector<16xf32>
          %add3A_370 = arith.addf %broadcast_in_dim3A_34, %mul3A_369 : vector<16xf32>
          %mul3A_371 = arith.constant 8 : i32
          %mul3A_372 = arith.muli %scan3A_319, %mul3A_371 : i32
          %add3A_373 = arith.constant 0 : i32
          %add3A_374 = arith.addi %mul3A_372, %add3A_373 : i32
          %get3A_375 = arith.constant 1 : i32
          %get3A_376 = arith.index_cast %get3A_375 : i32 to index
          %get3A_377 = arith.index_cast %add3A_374 : i32 to index
          %get3A_378 = arith.constant 32 : index
          %get3A_379 = tpu.vector_load %arg11[%get3A_376, %get3A_377, %get3A_378] {strides = array<i32>} : memref<2x128x128xf32, #tpu.memory_space<vmem>>, vector<1x1x16xf32>,
          %get3A_380 = vector.shape_cast %get3A_379 : vector<1x1x16xf32> to vector<16xf32>
          %mul3A_381 = arith.mulf %gather3A_346, %get3A_380 : vector<16xf32>
          %add3A_382 = arith.addf %broadcast_in_dim3A_34, %mul3A_381 : vector<16xf32>
          %mul3A_383 = arith.constant 8 : i32
          %mul3A_384 = arith.muli %scan3A_319, %mul3A_383 : i32
          %add3A_385 = arith.constant 0 : i32
          %add3A_386 = arith.addi %mul3A_384, %add3A_385 : i32
          %get3A_387 = arith.constant 1 : i32
          %get3A_388 = arith.index_cast %get3A_387 : i32 to index
          %get3A_389 = arith.index_cast %add3A_386 : i32 to index
          %get3A_390 = arith.constant 48 : index
          %get3A_391 = tpu.vector_load %arg11[%get3A_388, %get3A_389, %get3A_390] {strides = array<i32>} : memref<2x128x128xf32, #tpu.memory_space<vmem>>, vector<1x1x16xf32>,
          %get3A_392 = vector.shape_cast %get3A_391 : vector<1x1x16xf32> to vector<16xf32>
          %mul3A_393 = arith.mulf %gather3A_346, %get3A_392 : vector<16xf32>
          %add3A_394 = arith.addf %broadcast_in_dim3A_34, %mul3A_393 : vector<16xf32>
          %mul3A_395 = arith.constant 8 : i32
          %mul3A_396 = arith.muli %scan3A_319, %mul3A_395 : i32
          %add3A_397 = arith.constant 0 : i32
          %add3A_398 = arith.addi %mul3A_396, %add3A_397 : i32
          %get3A_399 = arith.constant 1 : i32
          %get3A_400 = arith.index_cast %get3A_399 : i32 to index
          %get3A_401 = arith.index_cast %add3A_398 : i32 to index
          %get3A_402 = arith.constant 64 : index
          %get3A_403 = tpu.vector_load %arg11[%get3A_400, %get3A_401, %get3A_402] {strides = array<i32>} : memref<2x128x128xf32, #tpu.memory_space<vmem>>, vector<1x1x16xf32>,
          %get3A_404 = vector.shape_cast %get3A_403 : vector<1x1x16xf32> to vector<16xf32>
          %mul3A_405 = arith.mulf %gather3A_346, %get3A_404 : vector<16xf32>
          %add3A_406 = arith.addf %broadcast_in_dim3A_34, %mul3A_405 : vector<16xf32>
          %mul3A_407 = arith.constant 8 : i32
          %mul3A_408 = arith.muli %scan3A_319, %mul3A_407 : i32
          %add3A_409 = arith.constant 0 : i32
          %add3A_410 = arith.addi %mul3A_408, %add3A_409 : i32
          %get3A_411 = arith.constant 1 : i32
          %get3A_412 = arith.index_cast %get3A_411 : i32 to index
          %get3A_413 = arith.index_cast %add3A_410 : i32 to index
          %get3A_414 = arith.constant 80 : index
          %get3A_415 = tpu.vector_load %arg11[%get3A_412, %get3A_413, %get3A_414] {strides = array<i32>} : memref<2x128x128xf32, #tpu.memory_space<vmem>>, vector<1x1x16xf32>,
          %get3A_416 = vector.shape_cast %get3A_415 : vector<1x1x16xf32> to vector<16xf32>
          %mul3A_417 = arith.mulf %gather3A_346, %get3A_416 : vector<16xf32>
          %add3A_418 = arith.addf %broadcast_in_dim3A_34, %mul3A_417 : vector<16xf32>
          %mul3A_419 = arith.constant 8 : i32
          %mul3A_420 = arith.muli %scan3A_319, %mul3A_419 : i32
          %add3A_421 = arith.constant 0 : i32
          %add3A_422 = arith.addi %mul3A_420, %add3A_421 : i32
          %get3A_423 = arith.constant 1 : i32
          %get3A_424 = arith.index_cast %get3A_423 : i32 to index
          %get3A_425 = arith.index_cast %add3A_422 : i32 to index
          %get3A_426 = arith.constant 96 : index
          %get3A_427 = tpu.vector_load %arg11[%get3A_424, %get3A_425, %get3A_426] {strides = array<i32>} : memref<2x128x128xf32, #tpu.memory_space<vmem>>, vector<1x1x16xf32>,
          %get3A_428 = vector.shape_cast %get3A_427 : vector<1x1x16xf32> to vector<16xf32>
          %mul3A_429 = arith.mulf %gather3A_346, %get3A_428 : vector<16xf32>
          %add3A_430 = arith.addf %broadcast_in_dim3A_34, %mul3A_429 : vector<16xf32>
          %mul3A_431 = arith.constant 8 : i32
          %mul3A_432 = arith.muli %scan3A_319, %mul3A_431 : i32
          %add3A_433 = arith.constant 0 : i32
          %add3A_434 = arith.addi %mul3A_432, %add3A_433 : i32
          %get3A_435 = arith.constant 1 : i32
          %get3A_436 = arith.index_cast %get3A_435 : i32 to index
          %get3A_437 = arith.index_cast %add3A_434 : i32 to index
          %get3A_438 = arith.constant 112 : index
          %get3A_439 = tpu.vector_load %arg11[%get3A_436, %get3A_437, %get3A_438] {strides = array<i32>} : memref<2x128x128xf32, #tpu.memory_space<vmem>>, vector<1x1x16xf32>,
          %get3A_440 = vector.shape_cast %get3A_439 : vector<1x1x16xf32> to vector<16xf32>
          %mul3A_441 = arith.mulf %gather3A_346, %get3A_440 : vector<16xf32>
          %add3A_442 = arith.addf %broadcast_in_dim3A_34, %mul3A_441 : vector<16xf32>
          %broadcast_in_dim3A_443 = vector.shape_cast %broadcast_in_dim3A_20 : vector<16xi32> to vector<16x1xi32>
          %gather3A_444 = vector.shape_cast %broadcast_in_dim3A_443 : vector<16x1xi32> to vector<16xi32>
          %gather3A_445 = tpu.dynamic_gather %mul3A_344[%gather3A_444] in [0] : vector<16xf32>, vector<16xi32> -> vector<16xf32>
          %mul3A_446 = arith.constant 8 : i32
          %mul3A_447 = arith.muli %scan3A_319, %mul3A_446 : i32
          %add3A_448 = arith.constant 1 : i32
          %add3A_449 = arith.addi %mul3A_447, %add3A_448 : i32
          %get3A_450 = arith.constant 1 : i32
          %get3A_451 = arith.index_cast %get3A_450 : i32 to index
          %get3A_452 = arith.index_cast %add3A_449 : i32 to index
          %get3A_453 = arith.constant 0 : index
          %get3A_454 = tpu.vector_load %arg11[%get3A_451, %get3A_452, %get3A_453] {strides = array<i32>} : memref<2x128x128xf32, #tpu.memory_space<vmem>>, vector<1x1x16xf32>,
          %get3A_455 = vector.shape_cast %get3A_454 : vector<1x1x16xf32> to vector<16xf32>
          %mul3A_456 = arith.mulf %gather3A_445, %get3A_455 : vector<16xf32>
          %add3A_457 = arith.addf %add3A_358, %mul3A_456 : vector<16xf32>
          %mul3A_458 = arith.constant 8 : i32
          %mul3A_459 = arith.muli %scan3A_319, %mul3A_458 : i32
          %add3A_460 = arith.constant 1 : i32
          %add3A_461 = arith.addi %mul3A_459, %add3A_460 : i32
          %get3A_462 = arith.constant 1 : i32
          %get3A_463 = arith.index_cast %get3A_462 : i32 to index
          %get3A_464 = arith.index_cast %add3A_461 : i32 to index
          %get3A_465 = arith.constant 16 : index
          %get3A_466 = tpu.vector_load %arg11[%get3A_463, %get3A_464, %get3A_465] {strides = array<i32>} : memref<2x128x128xf32, #tpu.memory_space<vmem>>, vector<1x1x16xf32>,
          %get3A_467 = vector.shape_cast %get3A_466 : vector<1x1x16xf32> to vector<16xf32>
          %mul3A_468 = arith.mulf %gather3A_445, %get3A_467 : vector<16xf32>
          %add3A_469 = arith.addf %add3A_370, %mul3A_468 : vector<16xf32>
          %mul3A_470 = arith.constant 8 : i32
          %mul3A_471 = arith.muli %scan3A_319, %mul3A_470 : i32
          %add3A_472 = arith.constant 1 : i32
          %add3A_473 = arith.addi %mul3A_471, %add3A_472 : i32
          %get3A_474 = arith.constant 1 : i32
          %get3A_475 = arith.index_cast %get3A_474 : i32 to index
          %get3A_476 = arith.index_cast %add3A_473 : i32 to index
          %get3A_477 = arith.constant 32 : index
          %get3A_478 = tpu.vector_load %arg11[%get3A_475, %get3A_476, %get3A_477] {strides = array<i32>} : memref<2x128x128xf32, #tpu.memory_space<vmem>>, vector<1x1x16xf32>,
          %get3A_479 = vector.shape_cast %get3A_478 : vector<1x1x16xf32> to vector<16xf32>
          %mul3A_480 = arith.mulf %gather3A_445, %get3A_479 : vector<16xf32>
          %add3A_481 = arith.addf %add3A_382, %mul3A_480 : vector<16xf32>
          %mul3A_482 = arith.constant 8 : i32
          %mul3A_483 = arith.muli %scan3A_319, %mul3A_482 : i32
          %add3A_484 = arith.constant 1 : i32
          %add3A_485 = arith.addi %mul3A_483, %add3A_484 : i32
          %get3A_486 = arith.constant 1 : i32
          %get3A_487 = arith.index_cast %get3A_486 : i32 to index
          %get3A_488 = arith.index_cast %add3A_485 : i32 to index
          %get3A_489 = arith.constant 48 : index
          %get3A_490 = tpu.vector_load %arg11[%get3A_487, %get3A_488, %get3A_489] {strides = array<i32>} : memref<2x128x128xf32, #tpu.memory_space<vmem>>, vector<1x1x16xf32>,
          %get3A_491 = vector.shape_cast %get3A_490 : vector<1x1x16xf32> to vector<16xf32>
          %mul3A_492 = arith.mulf %gather3A_445, %get3A_491 : vector<16xf32>
          %add3A_493 = arith.addf %add3A_394, %mul3A_492 : vector<16xf32>
          %mul3A_494 = arith.constant 8 : i32
          %mul3A_495 = arith.muli %scan3A_319, %mul3A_494 : i32
          %add3A_496 = arith.constant 1 : i32
          %add3A_497 = arith.addi %mul3A_495, %add3A_496 : i32
          %get3A_498 = arith.constant 1 : i32
          %get3A_499 = arith.index_cast %get3A_498 : i32 to index
          %get3A_500 = arith.index_cast %add3A_497 : i32 to index
          %get3A_501 = arith.constant 64 : index
          %get3A_502 = tpu.vector_load %arg11[%get3A_499, %get3A_500, %get3A_501] {strides = array<i32>} : memref<2x128x128xf32, #tpu.memory_space<vmem>>, vector<1x1x16xf32>,
          %get3A_503 = vector.shape_cast %get3A_502 : vector<1x1x16xf32> to vector<16xf32>
          %mul3A_504 = arith.mulf %gather3A_445, %get3A_503 : vector<16xf32>
          %add3A_505 = arith.addf %add3A_406, %mul3A_504 : vector<16xf32>
          %mul3A_506 = arith.constant 8 : i32
          %mul3A_507 = arith.muli %scan3A_319, %mul3A_506 : i32
          %add3A_508 = arith.constant 1 : i32
          %add3A_509 = arith.addi %mul3A_507, %add3A_508 : i32
          %get3A_510 = arith.constant 1 : i32
          %get3A_511 = arith.index_cast %get3A_510 : i32 to index
          %get3A_512 = arith.index_cast %add3A_509 : i32 to index
          %get3A_513 = arith.constant 80 : index
          %get3A_514 = tpu.vector_load %arg11[%get3A_511, %get3A_512, %get3A_513] {strides = array<i32>} : memref<2x128x128xf32, #tpu.memory_space<vmem>>, vector<1x1x16xf32>,
          %get3A_515 = vector.shape_cast %get3A_514 : vector<1x1x16xf32> to vector<16xf32>
          %mul3A_516 = arith.mulf %gather3A_445, %get3A_515 : vector<16xf32>
          %add3A_517 = arith.addf %add3A_418, %mul3A_516 : vector<16xf32>
          %mul3A_518 = arith.constant 8 : i32
          %mul3A_519 = arith.muli %scan3A_319, %mul3A_518 : i32
          %add3A_520 = arith.constant 1 : i32
          %add3A_521 = arith.addi %mul3A_519, %add3A_520 : i32
          %get3A_522 = arith.constant 1 : i32
          %get3A_523 = arith.index_cast %get3A_522 : i32 to index
          %get3A_524 = arith.index_cast %add3A_521 : i32 to index
          %get3A_525 = arith.constant 96 : index
          %get3A_526 = tpu.vector_load %arg11[%get3A_523, %get3A_524, %get3A_525] {strides = array<i32>} : memref<2x128x128xf32, #tpu.memory_space<vmem>>, vector<1x1x16xf32>,
          %get3A_527 = vector.shape_cast %get3A_526 : vector<1x1x16xf32> to vector<16xf32>
          %mul3A_528 = arith.mulf %gather3A_445, %get3A_527 : vector<16xf32>
          %add3A_529 = arith.addf %add3A_430, %mul3A_528 : vector<16xf32>
          %mul3A_530 = arith.constant 8 : i32
          %mul3A_531 = arith.muli %scan3A_319, %mul3A_530 : i32
          %add3A_532 = arith.constant 1 : i32
          %add3A_533 = arith.addi %mul3A_531, %add3A_532 : i32
          %get3A_534 = arith.constant 1 : i32
          %get3A_535 = arith.index_cast %get3A_534 : i32 to index
          %get3A_536 = arith.index_cast %add3A_533 : i32 to index
          %get3A_537 = arith.constant 112 : index
          %get3A_538 = tpu.vector_load %arg11[%get3A_535, %get3A_536, %get3A_537] {strides = array<i32>} : memref<2x128x128xf32, #tpu.memory_space<vmem>>, vector<1x1x16xf32>,
          %get3A_539 = vector.shape_cast %get3A_538 : vector<1x1x16xf32> to vector<16xf32>
          %mul3A_540 = arith.mulf %gather3A_445, %get3A_539 : vector<16xf32>
          %add3A_541 = arith.addf %add3A_442, %mul3A_540 : vector<16xf32>
          %broadcast_in_dim3A_542 = vector.shape_cast %broadcast_in_dim3A_22 : vector<16xi32> to vector<16x1xi32>
          %gather3A_543 = vector.shape_cast %broadcast_in_dim3A_542 : vector<16x1xi32> to vector<16xi32>
          %gather3A_544 = tpu.dynamic_gather %mul3A_344[%gather3A_543] in [0] : vector<16xf32>, vector<16xi32> -> vector<16xf32>
          %mul3A_545 = arith.constant 8 : i32
          %mul3A_546 = arith.muli %scan3A_319, %mul3A_545 : i32
          %add3A_547 = arith.constant 2 : i32
          %add3A_548 = arith.addi %mul3A_546, %add3A_547 : i32
          %get3A_549 = arith.constant 1 : i32
          %get3A_550 = arith.index_cast %get3A_549 : i32 to index
          %get3A_551 = arith.index_cast %add3A_548 : i32 to index
          %get3A_552 = arith.constant 0 : index
          %get3A_553 = tpu.vector_load %arg11[%get3A_550, %get3A_551, %get3A_552] {strides = array<i32>} : memref<2x128x128xf32, #tpu.memory_space<vmem>>, vector<1x1x16xf32>,
          %get3A_554 = vector.shape_cast %get3A_553 : vector<1x1x16xf32> to vector<16xf32>
          %mul3A_555 = arith.mulf %gather3A_544, %get3A_554 : vector<16xf32>
          %add3A_556 = arith.addf %add3A_457, %mul3A_555 : vector<16xf32>
          %mul3A_557 = arith.constant 8 : i32
          %mul3A_558 = arith.muli %scan3A_319, %mul3A_557 : i32
          %add3A_559 = arith.constant 2 : i32
          %add3A_560 = arith.addi %mul3A_558, %add3A_559 : i32
          %get3A_561 = arith.constant 1 : i32
          %get3A_562 = arith.index_cast %get3A_561 : i32 to index
          %get3A_563 = arith.index_cast %add3A_560 : i32 to index
          %get3A_564 = arith.constant 16 : index
          %get3A_565 = tpu.vector_load %arg11[%get3A_562, %get3A_563, %get3A_564] {strides = array<i32>} : memref<2x128x128xf32, #tpu.memory_space<vmem>>, vector<1x1x16xf32>,
          %get3A_566 = vector.shape_cast %get3A_565 : vector<1x1x16xf32> to vector<16xf32>
          %mul3A_567 = arith.mulf %gather3A_544, %get3A_566 : vector<16xf32>
          %add3A_568 = arith.addf %add3A_469, %mul3A_567 : vector<16xf32>
          %mul3A_569 = arith.constant 8 : i32
          %mul3A_570 = arith.muli %scan3A_319, %mul3A_569 : i32
          %add3A_571 = arith.constant 2 : i32
          %add3A_572 = arith.addi %mul3A_570, %add3A_571 : i32
          %get3A_573 = arith.constant 1 : i32
          %get3A_574 = arith.index_cast %get3A_573 : i32 to index
          %get3A_575 = arith.index_cast %add3A_572 : i32 to index
          %get3A_576 = arith.constant 32 : index
          %get3A_577 = tpu.vector_load %arg11[%get3A_574, %get3A_575, %get3A_576] {strides = array<i32>} : memref<2x128x128xf32, #tpu.memory_space<vmem>>, vector<1x1x16xf32>,
          %get3A_578 = vector.shape_cast %get3A_577 : vector<1x1x16xf32> to vector<16xf32>
          %mul3A_579 = arith.mulf %gather3A_544, %get3A_578 : vector<16xf32>
          %add3A_580 = arith.addf %add3A_481, %mul3A_579 : vector<16xf32>
          %mul3A_581 = arith.constant 8 : i32
          %mul3A_582 = arith.muli %scan3A_319, %mul3A_581 : i32
          %add3A_583 = arith.constant 2 : i32
          %add3A_584 = arith.addi %mul3A_582, %add3A_583 : i32
          %get3A_585 = arith.constant 1 : i32
          %get3A_586 = arith.index_cast %get3A_585 : i32 to index
          %get3A_587 = arith.index_cast %add3A_584 : i32 to index
          %get3A_588 = arith.constant 48 : index
          %get3A_589 = tpu.vector_load %arg11[%get3A_586, %get3A_587, %get3A_588] {strides = array<i32>} : memref<2x128x128xf32, #tpu.memory_space<vmem>>, vector<1x1x16xf32>,
          %get3A_590 = vector.shape_cast %get3A_589 : vector<1x1x16xf32> to vector<16xf32>
          %mul3A_591 = arith.mulf %gather3A_544, %get3A_590 : vector<16xf32>
          %add3A_592 = arith.addf %add3A_493, %mul3A_591 : vector<16xf32>
          %mul3A_593 = arith.constant 8 : i32
          %mul3A_594 = arith.muli %scan3A_319, %mul3A_593 : i32
          %add3A_595 = arith.constant 2 : i32
          %add3A_596 = arith.addi %mul3A_594, %add3A_595 : i32
          %get3A_597 = arith.constant 1 : i32
          %get3A_598 = arith.index_cast %get3A_597 : i32 to index
          %get3A_599 = arith.index_cast %add3A_596 : i32 to index
          %get3A_600 = arith.constant 64 : index
          %get3A_601 = tpu.vector_load %arg11[%get3A_598, %get3A_599, %get3A_600] {strides = array<i32>} : memref<2x128x128xf32, #tpu.memory_space<vmem>>, vector<1x1x16xf32>,
          %get3A_602 = vector.shape_cast %get3A_601 : vector<1x1x16xf32> to vector<16xf32>
          %mul3A_603 = arith.mulf %gather3A_544, %get3A_602 : vector<16xf32>
          %add3A_604 = arith.addf %add3A_505, %mul3A_603 : vector<16xf32>
          %mul3A_605 = arith.constant 8 : i32
          %mul3A_606 = arith.muli %scan3A_319, %mul3A_605 : i32
          %add3A_607 = arith.constant 2 : i32
          %add3A_608 = arith.addi %mul3A_606, %add3A_607 : i32
          %get3A_609 = arith.constant 1 : i32
          %get3A_610 = arith.index_cast %get3A_609 : i32 to index
          %get3A_611 = arith.index_cast %add3A_608 : i32 to index
          %get3A_612 = arith.constant 80 : index
          %get3A_613 = tpu.vector_load %arg11[%get3A_610, %get3A_611, %get3A_612] {strides = array<i32>} : memref<2x128x128xf32, #tpu.memory_space<vmem>>, vector<1x1x16xf32>,
          %get3A_614 = vector.shape_cast %get3A_613 : vector<1x1x16xf32> to vector<16xf32>
          %mul3A_615 = arith.mulf %gather3A_544, %get3A_614 : vector<16xf32>
          %add3A_616 = arith.addf %add3A_517, %mul3A_615 : vector<16xf32>
          %mul3A_617 = arith.constant 8 : i32
          %mul3A_618 = arith.muli %scan3A_319, %mul3A_617 : i32
          %add3A_619 = arith.constant 2 : i32
          %add3A_620 = arith.addi %mul3A_618, %add3A_619 : i32
          %get3A_621 = arith.constant 1 : i32
          %get3A_622 = arith.index_cast %get3A_621 : i32 to index
          %get3A_623 = arith.index_cast %add3A_620 : i32 to index
          %get3A_624 = arith.constant 96 : index
          %get3A_625 = tpu.vector_load %arg11[%get3A_622, %get3A_623, %get3A_624] {strides = array<i32>} : memref<2x128x128xf32, #tpu.memory_space<vmem>>, vector<1x1x16xf32>,
          %get3A_626 = vector.shape_cast %get3A_625 : vector<1x1x16xf32> to vector<16xf32>
          %mul3A_627 = arith.mulf %gather3A_544, %get3A_626 : vector<16xf32>
          %add3A_628 = arith.addf %add3A_529, %mul3A_627 : vector<16xf32>
          %mul3A_629 = arith.constant 8 : i32
          %mul3A_630 = arith.muli %scan3A_319, %mul3A_629 : i32
          %add3A_631 = arith.constant 2 : i32
          %add3A_632 = arith.addi %mul3A_630, %add3A_631 : i32
          %get3A_633 = arith.constant 1 : i32
          %get3A_634 = arith.index_cast %get3A_633 : i32 to index
          %get3A_635 = arith.index_cast %add3A_632 : i32 to index
          %get3A_636 = arith.constant 112 : index
          %get3A_637 = tpu.vector_load %arg11[%get3A_634, %get3A_635, %get3A_636] {strides = array<i32>} : memref<2x128x128xf32, #tpu.memory_space<vmem>>, vector<1x1x16xf32>,
          %get3A_638 = vector.shape_cast %get3A_637 : vector<1x1x16xf32> to vector<16xf32>
          %mul3A_639 = arith.mulf %gather3A_544, %get3A_638 : vector<16xf32>
          %add3A_640 = arith.addf %add3A_541, %mul3A_639 : vector<16xf32>
          %broadcast_in_dim3A_641 = vector.shape_cast %broadcast_in_dim3A_24 : vector<16xi32> to vector<16x1xi32>
          %gather3A_642 = vector.shape_cast %broadcast_in_dim3A_641 : vector<16x1xi32> to vector<16xi32>
          %gather3A_643 = tpu.dynamic_gather %mul3A_344[%gather3A_642] in [0] : vector<16xf32>, vector<16xi32> -> vector<16xf32>
          %mul3A_644 = arith.constant 8 : i32
          %mul3A_645 = arith.muli %scan3A_319, %mul3A_644 : i32
          %add3A_646 = arith.constant 3 : i32
          %add3A_647 = arith.addi %mul3A_645, %add3A_646 : i32
          %get3A_648 = arith.constant 1 : i32
          %get3A_649 = arith.index_cast %get3A_648 : i32 to index
          %get3A_650 = arith.index_cast %add3A_647 : i32 to index
          %get3A_651 = arith.constant 0 : index
          %get3A_652 = tpu.vector_load %arg11[%get3A_649, %get3A_650, %get3A_651] {strides = array<i32>} : memref<2x128x128xf32, #tpu.memory_space<vmem>>, vector<1x1x16xf32>,
          %get3A_653 = vector.shape_cast %get3A_652 : vector<1x1x16xf32> to vector<16xf32>
          %mul3A_654 = arith.mulf %gather3A_643, %get3A_653 : vector<16xf32>
          %add3A_655 = arith.addf %add3A_556, %mul3A_654 : vector<16xf32>
          %mul3A_656 = arith.constant 8 : i32
          %mul3A_657 = arith.muli %scan3A_319, %mul3A_656 : i32
          %add3A_658 = arith.constant 3 : i32
          %add3A_659 = arith.addi %mul3A_657, %add3A_658 : i32
          %get3A_660 = arith.constant 1 : i32
          %get3A_661 = arith.index_cast %get3A_660 : i32 to index
          %get3A_662 = arith.index_cast %add3A_659 : i32 to index
          %get3A_663 = arith.constant 16 : index
          %get3A_664 = tpu.vector_load %arg11[%get3A_661, %get3A_662, %get3A_663] {strides = array<i32>} : memref<2x128x128xf32, #tpu.memory_space<vmem>>, vector<1x1x16xf32>,
          %get3A_665 = vector.shape_cast %get3A_664 : vector<1x1x16xf32> to vector<16xf32>
          %mul3A_666 = arith.mulf %gather3A_643, %get3A_665 : vector<16xf32>
          %add3A_667 = arith.addf %add3A_568, %mul3A_666 : vector<16xf32>
          %mul3A_668 = arith.constant 8 : i32
          %mul3A_669 = arith.muli %scan3A_319, %mul3A_668 : i32
          %add3A_670 = arith.constant 3 : i32
          %add3A_671 = arith.addi %mul3A_669, %add3A_670 : i32
          %get3A_672 = arith.constant 1 : i32
          %get3A_673 = arith.index_cast %get3A_672 : i32 to index
          %get3A_674 = arith.index_cast %add3A_671 : i32 to index
          %get3A_675 = arith.constant 32 : index
          %get3A_676 = tpu.vector_load %arg11[%get3A_673, %get3A_674, %get3A_675] {strides = array<i32>} : memref<2x128x128xf32, #tpu.memory_space<vmem>>, vector<1x1x16xf32>,
          %get3A_677 = vector.shape_cast %get3A_676 : vector<1x1x16xf32> to vector<16xf32>
          %mul3A_678 = arith.mulf %gather3A_643, %get3A_677 : vector<16xf32>
          %add3A_679 = arith.addf %add3A_580, %mul3A_678 : vector<16xf32>
          %mul3A_680 = arith.constant 8 : i32
          %mul3A_681 = arith.muli %scan3A_319, %mul3A_680 : i32
          %add3A_682 = arith.constant 3 : i32
          %add3A_683 = arith.addi %mul3A_681, %add3A_682 : i32
          %get3A_684 = arith.constant 1 : i32
          %get3A_685 = arith.index_cast %get3A_684 : i32 to index
          %get3A_686 = arith.index_cast %add3A_683 : i32 to index
          %get3A_687 = arith.constant 48 : index
          %get3A_688 = tpu.vector_load %arg11[%get3A_685, %get3A_686, %get3A_687] {strides = array<i32>} : memref<2x128x128xf32, #tpu.memory_space<vmem>>, vector<1x1x16xf32>,
          %get3A_689 = vector.shape_cast %get3A_688 : vector<1x1x16xf32> to vector<16xf32>
          %mul3A_690 = arith.mulf %gather3A_643, %get3A_689 : vector<16xf32>
          %add3A_691 = arith.addf %add3A_592, %mul3A_690 : vector<16xf32>
          %mul3A_692 = arith.constant 8 : i32
          %mul3A_693 = arith.muli %scan3A_319, %mul3A_692 : i32
          %add3A_694 = arith.constant 3 : i32
          %add3A_695 = arith.addi %mul3A_693, %add3A_694 : i32
          %get3A_696 = arith.constant 1 : i32
          %get3A_697 = arith.index_cast %get3A_696 : i32 to index
          %get3A_698 = arith.index_cast %add3A_695 : i32 to index
          %get3A_699 = arith.constant 64 : index
          %get3A_700 = tpu.vector_load %arg11[%get3A_697, %get3A_698, %get3A_699] {strides = array<i32>} : memref<2x128x128xf32, #tpu.memory_space<vmem>>, vector<1x1x16xf32>,
          %get3A_701 = vector.shape_cast %get3A_700 : vector<1x1x16xf32> to vector<16xf32>
          %mul3A_702 = arith.mulf %gather3A_643, %get3A_701 : vector<16xf32>
          %add3A_703 = arith.addf %add3A_604, %mul3A_702 : vector<16xf32>
          %mul3A_704 = arith.constant 8 : i32
          %mul3A_705 = arith.muli %scan3A_319, %mul3A_704 : i32
          %add3A_706 = arith.constant 3 : i32
          %add3A_707 = arith.addi %mul3A_705, %add3A_706 : i32
          %get3A_708 = arith.constant 1 : i32
          %get3A_709 = arith.index_cast %get3A_708 : i32 to index
          %get3A_710 = arith.index_cast %add3A_707 : i32 to index
          %get3A_711 = arith.constant 80 : index
          %get3A_712 = tpu.vector_load %arg11[%get3A_709, %get3A_710, %get3A_711] {strides = array<i32>} : memref<2x128x128xf32, #tpu.memory_space<vmem>>, vector<1x1x16xf32>,
          %get3A_713 = vector.shape_cast %get3A_712 : vector<1x1x16xf32> to vector<16xf32>
          %mul3A_714 = arith.mulf %gather3A_643, %get3A_713 : vector<16xf32>
          %add3A_715 = arith.addf %add3A_616, %mul3A_714 : vector<16xf32>
          %mul3A_716 = arith.constant 8 : i32
          %mul3A_717 = arith.muli %scan3A_319, %mul3A_716 : i32
          %add3A_718 = arith.constant 3 : i32
          %add3A_719 = arith.addi %mul3A_717, %add3A_718 : i32
          %get3A_720 = arith.constant 1 : i32
          %get3A_721 = arith.index_cast %get3A_720 : i32 to index
          %get3A_722 = arith.index_cast %add3A_719 : i32 to index
          %get3A_723 = arith.constant 96 : index
          %get3A_724 = tpu.vector_load %arg11[%get3A_721, %get3A_722, %get3A_723] {strides = array<i32>} : memref<2x128x128xf32, #tpu.memory_space<vmem>>, vector<1x1x16xf32>,
          %get3A_725 = vector.shape_cast %get3A_724 : vector<1x1x16xf32> to vector<16xf32>
          %mul3A_726 = arith.mulf %gather3A_643, %get3A_725 : vector<16xf32>
          %add3A_727 = arith.addf %add3A_628, %mul3A_726 : vector<16xf32>
          %mul3A_728 = arith.constant 8 : i32
          %mul3A_729 = arith.muli %scan3A_319, %mul3A_728 : i32
          %add3A_730 = arith.constant 3 : i32
          %add3A_731 = arith.addi %mul3A_729, %add3A_730 : i32
          %get3A_732 = arith.constant 1 : i32
          %get3A_733 = arith.index_cast %get3A_732 : i32 to index
          %get3A_734 = arith.index_cast %add3A_731 : i32 to index
          %get3A_735 = arith.constant 112 : index
          %get3A_736 = tpu.vector_load %arg11[%get3A_733, %get3A_734, %get3A_735] {strides = array<i32>} : memref<2x128x128xf32, #tpu.memory_space<vmem>>, vector<1x1x16xf32>,
          %get3A_737 = vector.shape_cast %get3A_736 : vector<1x1x16xf32> to vector<16xf32>
          %mul3A_738 = arith.mulf %gather3A_643, %get3A_737 : vector<16xf32>
          %add3A_739 = arith.addf %add3A_640, %mul3A_738 : vector<16xf32>
          %broadcast_in_dim3A_740 = vector.shape_cast %broadcast_in_dim3A_26 : vector<16xi32> to vector<16x1xi32>
          %gather3A_741 = vector.shape_cast %broadcast_in_dim3A_740 : vector<16x1xi32> to vector<16xi32>
          %gather3A_742 = tpu.dynamic_gather %mul3A_344[%gather3A_741] in [0] : vector<16xf32>, vector<16xi32> -> vector<16xf32>
          %mul3A_743 = arith.constant 8 : i32
          %mul3A_744 = arith.muli %scan3A_319, %mul3A_743 : i32
          %add3A_745 = arith.constant 4 : i32
          %add3A_746 = arith.addi %mul3A_744, %add3A_745 : i32
          %get3A_747 = arith.constant 1 : i32
          %get3A_748 = arith.index_cast %get3A_747 : i32 to index
          %get3A_749 = arith.index_cast %add3A_746 : i32 to index
          %get3A_750 = arith.constant 0 : index
          %get3A_751 = tpu.vector_load %arg11[%get3A_748, %get3A_749, %get3A_750] {strides = array<i32>} : memref<2x128x128xf32, #tpu.memory_space<vmem>>, vector<1x1x16xf32>,
          %get3A_752 = vector.shape_cast %get3A_751 : vector<1x1x16xf32> to vector<16xf32>
          %mul3A_753 = arith.mulf %gather3A_742, %get3A_752 : vector<16xf32>
          %add3A_754 = arith.addf %add3A_655, %mul3A_753 : vector<16xf32>
          %mul3A_755 = arith.constant 8 : i32
          %mul3A_756 = arith.muli %scan3A_319, %mul3A_755 : i32
          %add3A_757 = arith.constant 4 : i32
          %add3A_758 = arith.addi %mul3A_756, %add3A_757 : i32
          %get3A_759 = arith.constant 1 : i32
          %get3A_760 = arith.index_cast %get3A_759 : i32 to index
          %get3A_761 = arith.index_cast %add3A_758 : i32 to index
          %get3A_762 = arith.constant 16 : index
          %get3A_763 = tpu.vector_load %arg11[%get3A_760, %get3A_761, %get3A_762] {strides = array<i32>} : memref<2x128x128xf32, #tpu.memory_space<vmem>>, vector<1x1x16xf32>,
          %get3A_764 = vector.shape_cast %get3A_763 : vector<1x1x16xf32> to vector<16xf32>
          %mul3A_765 = arith.mulf %gather3A_742, %get3A_764 : vector<16xf32>
          %add3A_766 = arith.addf %add3A_667, %mul3A_765 : vector<16xf32>
          %mul3A_767 = arith.constant 8 : i32
          %mul3A_768 = arith.muli %scan3A_319, %mul3A_767 : i32
          %add3A_769 = arith.constant 4 : i32
          %add3A_770 = arith.addi %mul3A_768, %add3A_769 : i32
          %get3A_771 = arith.constant 1 : i32
          %get3A_772 = arith.index_cast %get3A_771 : i32 to index
          %get3A_773 = arith.index_cast %add3A_770 : i32 to index
          %get3A_774 = arith.constant 32 : index
          %get3A_775 = tpu.vector_load %arg11[%get3A_772, %get3A_773, %get3A_774] {strides = array<i32>} : memref<2x128x128xf32, #tpu.memory_space<vmem>>, vector<1x1x16xf32>,
          %get3A_776 = vector.shape_cast %get3A_775 : vector<1x1x16xf32> to vector<16xf32>
          %mul3A_777 = arith.mulf %gather3A_742, %get3A_776 : vector<16xf32>
          %add3A_778 = arith.addf %add3A_679, %mul3A_777 : vector<16xf32>
          %mul3A_779 = arith.constant 8 : i32
          %mul3A_780 = arith.muli %scan3A_319, %mul3A_779 : i32
          %add3A_781 = arith.constant 4 : i32
          %add3A_782 = arith.addi %mul3A_780, %add3A_781 : i32
          %get3A_783 = arith.constant 1 : i32
          %get3A_784 = arith.index_cast %get3A_783 : i32 to index
          %get3A_785 = arith.index_cast %add3A_782 : i32 to index
          %get3A_786 = arith.constant 48 : index
          %get3A_787 = tpu.vector_load %arg11[%get3A_784, %get3A_785, %get3A_786] {strides = array<i32>} : memref<2x128x128xf32, #tpu.memory_space<vmem>>, vector<1x1x16xf32>,
          %get3A_788 = vector.shape_cast %get3A_787 : vector<1x1x16xf32> to vector<16xf32>
          %mul3A_789 = arith.mulf %gather3A_742, %get3A_788 : vector<16xf32>
          %add3A_790 = arith.addf %add3A_691, %mul3A_789 : vector<16xf32>
          %mul3A_791 = arith.constant 8 : i32
          %mul3A_792 = arith.muli %scan3A_319, %mul3A_791 : i32
          %add3A_793 = arith.constant 4 : i32
          %add3A_794 = arith.addi %mul3A_792, %add3A_793 : i32
          %get3A_795 = arith.constant 1 : i32
          %get3A_796 = arith.index_cast %get3A_795 : i32 to index
          %get3A_797 = arith.index_cast %add3A_794 : i32 to index
          %get3A_798 = arith.constant 64 : index
          %get3A_799 = tpu.vector_load %arg11[%get3A_796, %get3A_797, %get3A_798] {strides = array<i32>} : memref<2x128x128xf32, #tpu.memory_space<vmem>>, vector<1x1x16xf32>,
          %get3A_800 = vector.shape_cast %get3A_799 : vector<1x1x16xf32> to vector<16xf32>
          %mul3A_801 = arith.mulf %gather3A_742, %get3A_800 : vector<16xf32>
          %add3A_802 = arith.addf %add3A_703, %mul3A_801 : vector<16xf32>
          %mul3A_803 = arith.constant 8 : i32
          %mul3A_804 = arith.muli %scan3A_319, %mul3A_803 : i32
          %add3A_805 = arith.constant 4 : i32
          %add3A_806 = arith.addi %mul3A_804, %add3A_805 : i32
          %get3A_807 = arith.constant 1 : i32
          %get3A_808 = arith.index_cast %get3A_807 : i32 to index
          %get3A_809 = arith.index_cast %add3A_806 : i32 to index
          %get3A_810 = arith.constant 80 : index
          %get3A_811 = tpu.vector_load %arg11[%get3A_808, %get3A_809, %get3A_810] {strides = array<i32>} : memref<2x128x128xf32, #tpu.memory_space<vmem>>, vector<1x1x16xf32>,
          %get3A_812 = vector.shape_cast %get3A_811 : vector<1x1x16xf32> to vector<16xf32>
          %mul3A_813 = arith.mulf %gather3A_742, %get3A_812 : vector<16xf32>
          %add3A_814 = arith.addf %add3A_715, %mul3A_813 : vector<16xf32>
          %mul3A_815 = arith.constant 8 : i32
          %mul3A_816 = arith.muli %scan3A_319, %mul3A_815 : i32
          %add3A_817 = arith.constant 4 : i32
          %add3A_818 = arith.addi %mul3A_816, %add3A_817 : i32
          %get3A_819 = arith.constant 1 : i32
          %get3A_820 = arith.index_cast %get3A_819 : i32 to index
          %get3A_821 = arith.index_cast %add3A_818 : i32 to index
          %get3A_822 = arith.constant 96 : index
          %get3A_823 = tpu.vector_load %arg11[%get3A_820, %get3A_821, %get3A_822] {strides = array<i32>} : memref<2x128x128xf32, #tpu.memory_space<vmem>>, vector<1x1x16xf32>,
          %get3A_824 = vector.shape_cast %get3A_823 : vector<1x1x16xf32> to vector<16xf32>
          %mul3A_825 = arith.mulf %gather3A_742, %get3A_824 : vector<16xf32>
          %add3A_826 = arith.addf %add3A_727, %mul3A_825 : vector<16xf32>
          %mul3A_827 = arith.constant 8 : i32
          %mul3A_828 = arith.muli %scan3A_319, %mul3A_827 : i32
          %add3A_829 = arith.constant 4 : i32
          %add3A_830 = arith.addi %mul3A_828, %add3A_829 : i32
          %get3A_831 = arith.constant 1 : i32
          %get3A_832 = arith.index_cast %get3A_831 : i32 to index
          %get3A_833 = arith.index_cast %add3A_830 : i32 to index
          %get3A_834 = arith.constant 112 : index
          %get3A_835 = tpu.vector_load %arg11[%get3A_832, %get3A_833, %get3A_834] {strides = array<i32>} : memref<2x128x128xf32, #tpu.memory_space<vmem>>, vector<1x1x16xf32>,
          %get3A_836 = vector.shape_cast %get3A_835 : vector<1x1x16xf32> to vector<16xf32>
          %mul3A_837 = arith.mulf %gather3A_742, %get3A_836 : vector<16xf32>
          %add3A_838 = arith.addf %add3A_739, %mul3A_837 : vector<16xf32>
          %broadcast_in_dim3A_839 = vector.shape_cast %broadcast_in_dim3A_28 : vector<16xi32> to vector<16x1xi32>
          %gather3A_840 = vector.shape_cast %broadcast_in_dim3A_839 : vector<16x1xi32> to vector<16xi32>
          %gather3A_841 = tpu.dynamic_gather %mul3A_344[%gather3A_840] in [0] : vector<16xf32>, vector<16xi32> -> vector<16xf32>
          %mul3A_842 = arith.constant 8 : i32
          %mul3A_843 = arith.muli %scan3A_319, %mul3A_842 : i32
          %add3A_844 = arith.constant 5 : i32
          %add3A_845 = arith.addi %mul3A_843, %add3A_844 : i32
          %get3A_846 = arith.constant 1 : i32
          %get3A_847 = arith.index_cast %get3A_846 : i32 to index
          %get3A_848 = arith.index_cast %add3A_845 : i32 to index
          %get3A_849 = arith.constant 0 : index
          %get3A_850 = tpu.vector_load %arg11[%get3A_847, %get3A_848, %get3A_849] {strides = array<i32>} : memref<2x128x128xf32, #tpu.memory_space<vmem>>, vector<1x1x16xf32>,
          %get3A_851 = vector.shape_cast %get3A_850 : vector<1x1x16xf32> to vector<16xf32>
          %mul3A_852 = arith.mulf %gather3A_841, %get3A_851 : vector<16xf32>
          %add3A_853 = arith.addf %add3A_754, %mul3A_852 : vector<16xf32>
          %mul3A_854 = arith.constant 8 : i32
          %mul3A_855 = arith.muli %scan3A_319, %mul3A_854 : i32
          %add3A_856 = arith.constant 5 : i32
          %add3A_857 = arith.addi %mul3A_855, %add3A_856 : i32
          %get3A_858 = arith.constant 1 : i32
          %get3A_859 = arith.index_cast %get3A_858 : i32 to index
          %get3A_860 = arith.index_cast %add3A_857 : i32 to index
          %get3A_861 = arith.constant 16 : index
          %get3A_862 = tpu.vector_load %arg11[%get3A_859, %get3A_860, %get3A_861] {strides = array<i32>} : memref<2x128x128xf32, #tpu.memory_space<vmem>>, vector<1x1x16xf32>,
          %get3A_863 = vector.shape_cast %get3A_862 : vector<1x1x16xf32> to vector<16xf32>
          %mul3A_864 = arith.mulf %gather3A_841, %get3A_863 : vector<16xf32>
          %add3A_865 = arith.addf %add3A_766, %mul3A_864 : vector<16xf32>
          %mul3A_866 = arith.constant 8 : i32
          %mul3A_867 = arith.muli %scan3A_319, %mul3A_866 : i32
          %add3A_868 = arith.constant 5 : i32
          %add3A_869 = arith.addi %mul3A_867, %add3A_868 : i32
          %get3A_870 = arith.constant 1 : i32
          %get3A_871 = arith.index_cast %get3A_870 : i32 to index
          %get3A_872 = arith.index_cast %add3A_869 : i32 to index
          %get3A_873 = arith.constant 32 : index
          %get3A_874 = tpu.vector_load %arg11[%get3A_871, %get3A_872, %get3A_873] {strides = array<i32>} : memref<2x128x128xf32, #tpu.memory_space<vmem>>, vector<1x1x16xf32>,
          %get3A_875 = vector.shape_cast %get3A_874 : vector<1x1x16xf32> to vector<16xf32>
          %mul3A_876 = arith.mulf %gather3A_841, %get3A_875 : vector<16xf32>
          %add3A_877 = arith.addf %add3A_778, %mul3A_876 : vector<16xf32>
          %mul3A_878 = arith.constant 8 : i32
          %mul3A_879 = arith.muli %scan3A_319, %mul3A_878 : i32
          %add3A_880 = arith.constant 5 : i32
          %add3A_881 = arith.addi %mul3A_879, %add3A_880 : i32
          %get3A_882 = arith.constant 1 : i32
          %get3A_883 = arith.index_cast %get3A_882 : i32 to index
          %get3A_884 = arith.index_cast %add3A_881 : i32 to index
          %get3A_885 = arith.constant 48 : index
          %get3A_886 = tpu.vector_load %arg11[%get3A_883, %get3A_884, %get3A_885] {strides = array<i32>} : memref<2x128x128xf32, #tpu.memory_space<vmem>>, vector<1x1x16xf32>,
          %get3A_887 = vector.shape_cast %get3A_886 : vector<1x1x16xf32> to vector<16xf32>
          %mul3A_888 = arith.mulf %gather3A_841, %get3A_887 : vector<16xf32>
          %add3A_889 = arith.addf %add3A_790, %mul3A_888 : vector<16xf32>
          %mul3A_890 = arith.constant 8 : i32
          %mul3A_891 = arith.muli %scan3A_319, %mul3A_890 : i32
          %add3A_892 = arith.constant 5 : i32
          %add3A_893 = arith.addi %mul3A_891, %add3A_892 : i32
          %get3A_894 = arith.constant 1 : i32
          %get3A_895 = arith.index_cast %get3A_894 : i32 to index
          %get3A_896 = arith.index_cast %add3A_893 : i32 to index
          %get3A_897 = arith.constant 64 : index
          %get3A_898 = tpu.vector_load %arg11[%get3A_895, %get3A_896, %get3A_897] {strides = array<i32>} : memref<2x128x128xf32, #tpu.memory_space<vmem>>, vector<1x1x16xf32>,
          %get3A_899 = vector.shape_cast %get3A_898 : vector<1x1x16xf32> to vector<16xf32>
          %mul3A_900 = arith.mulf %gather3A_841, %get3A_899 : vector<16xf32>
          %add3A_901 = arith.addf %add3A_802, %mul3A_900 : vector<16xf32>
          %mul3A_902 = arith.constant 8 : i32
          %mul3A_903 = arith.muli %scan3A_319, %mul3A_902 : i32
          %add3A_904 = arith.constant 5 : i32
          %add3A_905 = arith.addi %mul3A_903, %add3A_904 : i32
          %get3A_906 = arith.constant 1 : i32
          %get3A_907 = arith.index_cast %get3A_906 : i32 to index
          %get3A_908 = arith.index_cast %add3A_905 : i32 to index
          %get3A_909 = arith.constant 80 : index
          %get3A_910 = tpu.vector_load %arg11[%get3A_907, %get3A_908, %get3A_909] {strides = array<i32>} : memref<2x128x128xf32, #tpu.memory_space<vmem>>, vector<1x1x16xf32>,
          %get3A_911 = vector.shape_cast %get3A_910 : vector<1x1x16xf32> to vector<16xf32>
          %mul3A_912 = arith.mulf %gather3A_841, %get3A_911 : vector<16xf32>
          %add3A_913 = arith.addf %add3A_814, %mul3A_912 : vector<16xf32>
          %mul3A_914 = arith.constant 8 : i32
          %mul3A_915 = arith.muli %scan3A_319, %mul3A_914 : i32
          %add3A_916 = arith.constant 5 : i32
          %add3A_917 = arith.addi %mul3A_915, %add3A_916 : i32
          %get3A_918 = arith.constant 1 : i32
          %get3A_919 = arith.index_cast %get3A_918 : i32 to index
          %get3A_920 = arith.index_cast %add3A_917 : i32 to index
          %get3A_921 = arith.constant 96 : index
          %get3A_922 = tpu.vector_load %arg11[%get3A_919, %get3A_920, %get3A_921] {strides = array<i32>} : memref<2x128x128xf32, #tpu.memory_space<vmem>>, vector<1x1x16xf32>,
          %get3A_923 = vector.shape_cast %get3A_922 : vector<1x1x16xf32> to vector<16xf32>
          %mul3A_924 = arith.mulf %gather3A_841, %get3A_923 : vector<16xf32>
          %add3A_925 = arith.addf %add3A_826, %mul3A_924 : vector<16xf32>
          %mul3A_926 = arith.constant 8 : i32
          %mul3A_927 = arith.muli %scan3A_319, %mul3A_926 : i32
          %add3A_928 = arith.constant 5 : i32
          %add3A_929 = arith.addi %mul3A_927, %add3A_928 : i32
          %get3A_930 = arith.constant 1 : i32
          %get3A_931 = arith.index_cast %get3A_930 : i32 to index
          %get3A_932 = arith.index_cast %add3A_929 : i32 to index
          %get3A_933 = arith.constant 112 : index
          %get3A_934 = tpu.vector_load %arg11[%get3A_931, %get3A_932, %get3A_933] {strides = array<i32>} : memref<2x128x128xf32, #tpu.memory_space<vmem>>, vector<1x1x16xf32>,
          %get3A_935 = vector.shape_cast %get3A_934 : vector<1x1x16xf32> to vector<16xf32>
          %mul3A_936 = arith.mulf %gather3A_841, %get3A_935 : vector<16xf32>
          %add3A_937 = arith.addf %add3A_838, %mul3A_936 : vector<16xf32>
          %broadcast_in_dim3A_938 = vector.shape_cast %broadcast_in_dim3A_30 : vector<16xi32> to vector<16x1xi32>
          %gather3A_939 = vector.shape_cast %broadcast_in_dim3A_938 : vector<16x1xi32> to vector<16xi32>
          %gather3A_940 = tpu.dynamic_gather %mul3A_344[%gather3A_939] in [0] : vector<16xf32>, vector<16xi32> -> vector<16xf32>
          %mul3A_941 = arith.constant 8 : i32
          %mul3A_942 = arith.muli %scan3A_319, %mul3A_941 : i32
          %add3A_943 = arith.constant 6 : i32
          %add3A_944 = arith.addi %mul3A_942, %add3A_943 : i32
          %get3A_945 = arith.constant 1 : i32
          %get3A_946 = arith.index_cast %get3A_945 : i32 to index
          %get3A_947 = arith.index_cast %add3A_944 : i32 to index
          %get3A_948 = arith.constant 0 : index
          %get3A_949 = tpu.vector_load %arg11[%get3A_946, %get3A_947, %get3A_948] {strides = array<i32>} : memref<2x128x128xf32, #tpu.memory_space<vmem>>, vector<1x1x16xf32>,
          %get3A_950 = vector.shape_cast %get3A_949 : vector<1x1x16xf32> to vector<16xf32>
          %mul3A_951 = arith.mulf %gather3A_940, %get3A_950 : vector<16xf32>
          %add3A_952 = arith.addf %add3A_853, %mul3A_951 : vector<16xf32>
          %mul3A_953 = arith.constant 8 : i32
          %mul3A_954 = arith.muli %scan3A_319, %mul3A_953 : i32
          %add3A_955 = arith.constant 6 : i32
          %add3A_956 = arith.addi %mul3A_954, %add3A_955 : i32
          %get3A_957 = arith.constant 1 : i32
          %get3A_958 = arith.index_cast %get3A_957 : i32 to index
          %get3A_959 = arith.index_cast %add3A_956 : i32 to index
          %get3A_960 = arith.constant 16 : index
          %get3A_961 = tpu.vector_load %arg11[%get3A_958, %get3A_959, %get3A_960] {strides = array<i32>} : memref<2x128x128xf32, #tpu.memory_space<vmem>>, vector<1x1x16xf32>,
          %get3A_962 = vector.shape_cast %get3A_961 : vector<1x1x16xf32> to vector<16xf32>
          %mul3A_963 = arith.mulf %gather3A_940, %get3A_962 : vector<16xf32>
          %add3A_964 = arith.addf %add3A_865, %mul3A_963 : vector<16xf32>
          %mul3A_965 = arith.constant 8 : i32
          %mul3A_966 = arith.muli %scan3A_319, %mul3A_965 : i32
          %add3A_967 = arith.constant 6 : i32
          %add3A_968 = arith.addi %mul3A_966, %add3A_967 : i32
          %get3A_969 = arith.constant 1 : i32
          %get3A_970 = arith.index_cast %get3A_969 : i32 to index
          %get3A_971 = arith.index_cast %add3A_968 : i32 to index
          %get3A_972 = arith.constant 32 : index
          %get3A_973 = tpu.vector_load %arg11[%get3A_970, %get3A_971, %get3A_972] {strides = array<i32>} : memref<2x128x128xf32, #tpu.memory_space<vmem>>, vector<1x1x16xf32>,
          %get3A_974 = vector.shape_cast %get3A_973 : vector<1x1x16xf32> to vector<16xf32>
          %mul3A_975 = arith.mulf %gather3A_940, %get3A_974 : vector<16xf32>
          %add3A_976 = arith.addf %add3A_877, %mul3A_975 : vector<16xf32>
          %mul3A_977 = arith.constant 8 : i32
          %mul3A_978 = arith.muli %scan3A_319, %mul3A_977 : i32
          %add3A_979 = arith.constant 6 : i32
          %add3A_980 = arith.addi %mul3A_978, %add3A_979 : i32
          %get3A_981 = arith.constant 1 : i32
          %get3A_982 = arith.index_cast %get3A_981 : i32 to index
          %get3A_983 = arith.index_cast %add3A_980 : i32 to index
          %get3A_984 = arith.constant 48 : index
          %get3A_985 = tpu.vector_load %arg11[%get3A_982, %get3A_983, %get3A_984] {strides = array<i32>} : memref<2x128x128xf32, #tpu.memory_space<vmem>>, vector<1x1x16xf32>,
          %get3A_986 = vector.shape_cast %get3A_985 : vector<1x1x16xf32> to vector<16xf32>
          %mul3A_987 = arith.mulf %gather3A_940, %get3A_986 : vector<16xf32>
          %add3A_988 = arith.addf %add3A_889, %mul3A_987 : vector<16xf32>
          %mul3A_989 = arith.constant 8 : i32
          %mul3A_990 = arith.muli %scan3A_319, %mul3A_989 : i32
          %add3A_991 = arith.constant 6 : i32
          %add3A_992 = arith.addi %mul3A_990, %add3A_991 : i32
          %get3A_993 = arith.constant 1 : i32
          %get3A_994 = arith.index_cast %get3A_993 : i32 to index
          %get3A_995 = arith.index_cast %add3A_992 : i32 to index
          %get3A_996 = arith.constant 64 : index
          %get3A_997 = tpu.vector_load %arg11[%get3A_994, %get3A_995, %get3A_996] {strides = array<i32>} : memref<2x128x128xf32, #tpu.memory_space<vmem>>, vector<1x1x16xf32>,
          %get3A_998 = vector.shape_cast %get3A_997 : vector<1x1x16xf32> to vector<16xf32>
          %mul3A_999 = arith.mulf %gather3A_940, %get3A_998 : vector<16xf32>
          %add3A_1000 = arith.addf %add3A_901, %mul3A_999 : vector<16xf32>
          %mul3A_1001 = arith.constant 8 : i32
          %mul3A_1002 = arith.muli %scan3A_319, %mul3A_1001 : i32
          %add3A_1003 = arith.constant 6 : i32
          %add3A_1004 = arith.addi %mul3A_1002, %add3A_1003 : i32
          %get3A_1005 = arith.constant 1 : i32
          %get3A_1006 = arith.index_cast %get3A_1005 : i32 to index
          %get3A_1007 = arith.index_cast %add3A_1004 : i32 to index
          %get3A_1008 = arith.constant 80 : index
          %get3A_1009 = tpu.vector_load %arg11[%get3A_1006, %get3A_1007, %get3A_1008] {strides = array<i32>} : memref<2x128x128xf32, #tpu.memory_space<vmem>>, vector<1x1x16xf32>,
          %get3A_1010 = vector.shape_cast %get3A_1009 : vector<1x1x16xf32> to vector<16xf32>
          %mul3A_1011 = arith.mulf %gather3A_940, %get3A_1010 : vector<16xf32>
          %add3A_1012 = arith.addf %add3A_913, %mul3A_1011 : vector<16xf32>
          %mul3A_1013 = arith.constant 8 : i32
          %mul3A_1014 = arith.muli %scan3A_319, %mul3A_1013 : i32
          %add3A_1015 = arith.constant 6 : i32
          %add3A_1016 = arith.addi %mul3A_1014, %add3A_1015 : i32
          %get3A_1017 = arith.constant 1 : i32
          %get3A_1018 = arith.index_cast %get3A_1017 : i32 to index
          %get3A_1019 = arith.index_cast %add3A_1016 : i32 to index
          %get3A_1020 = arith.constant 96 : index
          %get3A_1021 = tpu.vector_load %arg11[%get3A_1018, %get3A_1019, %get3A_1020] {strides = array<i32>} : memref<2x128x128xf32, #tpu.memory_space<vmem>>, vector<1x1x16xf32>,
          %get3A_1022 = vector.shape_cast %get3A_1021 : vector<1x1x16xf32> to vector<16xf32>
          %mul3A_1023 = arith.mulf %gather3A_940, %get3A_1022 : vector<16xf32>
          %add3A_1024 = arith.addf %add3A_925, %mul3A_1023 : vector<16xf32>
          %mul3A_1025 = arith.constant 8 : i32
          %mul3A_1026 = arith.muli %scan3A_319, %mul3A_1025 : i32
          %add3A_1027 = arith.constant 6 : i32
          %add3A_1028 = arith.addi %mul3A_1026, %add3A_1027 : i32
          %get3A_1029 = arith.constant 1 : i32
          %get3A_1030 = arith.index_cast %get3A_1029 : i32 to index
          %get3A_1031 = arith.index_cast %add3A_1028 : i32 to index
          %get3A_1032 = arith.constant 112 : index
          %get3A_1033 = tpu.vector_load %arg11[%get3A_1030, %get3A_1031, %get3A_1032] {strides = array<i32>} : memref<2x128x128xf32, #tpu.memory_space<vmem>>, vector<1x1x16xf32>,
          %get3A_1034 = vector.shape_cast %get3A_1033 : vector<1x1x16xf32> to vector<16xf32>
          %mul3A_1035 = arith.mulf %gather3A_940, %get3A_1034 : vector<16xf32>
          %add3A_1036 = arith.addf %add3A_937, %mul3A_1035 : vector<16xf32>
          %broadcast_in_dim3A_1037 = vector.shape_cast %broadcast_in_dim3A_32 : vector<16xi32> to vector<16x1xi32>
          %gather3A_1038 = vector.shape_cast %broadcast_in_dim3A_1037 : vector<16x1xi32> to vector<16xi32>
          %gather3A_1039 = tpu.dynamic_gather %mul3A_344[%gather3A_1038] in [0] : vector<16xf32>, vector<16xi32> -> vector<16xf32>
          %mul3A_1040 = arith.constant 8 : i32
          %mul3A_1041 = arith.muli %scan3A_319, %mul3A_1040 : i32
          %add3A_1042 = arith.constant 7 : i32
          %add3A_1043 = arith.addi %mul3A_1041, %add3A_1042 : i32
          %get3A_1044 = arith.constant 1 : i32
          %get3A_1045 = arith.index_cast %get3A_1044 : i32 to index
          %get3A_1046 = arith.index_cast %add3A_1043 : i32 to index
          %get3A_1047 = arith.constant 0 : index
          %get3A_1048 = tpu.vector_load %arg11[%get3A_1045, %get3A_1046, %get3A_1047] {strides = array<i32>} : memref<2x128x128xf32, #tpu.memory_space<vmem>>, vector<1x1x16xf32>,
          %get3A_1049 = vector.shape_cast %get3A_1048 : vector<1x1x16xf32> to vector<16xf32>
          %mul3A_1050 = arith.mulf %gather3A_1039, %get3A_1049 : vector<16xf32>
          %add3A_1051 = arith.addf %add3A_952, %mul3A_1050 : vector<16xf32>
          %mul3A_1052 = arith.constant 8 : i32
          %mul3A_1053 = arith.muli %scan3A_319, %mul3A_1052 : i32
          %add3A_1054 = arith.constant 7 : i32
          %add3A_1055 = arith.addi %mul3A_1053, %add3A_1054 : i32
          %get3A_1056 = arith.constant 1 : i32
          %get3A_1057 = arith.index_cast %get3A_1056 : i32 to index
          %get3A_1058 = arith.index_cast %add3A_1055 : i32 to index
          %get3A_1059 = arith.constant 16 : index
          %get3A_1060 = tpu.vector_load %arg11[%get3A_1057, %get3A_1058, %get3A_1059] {strides = array<i32>} : memref<2x128x128xf32, #tpu.memory_space<vmem>>, vector<1x1x16xf32>,
          %get3A_1061 = vector.shape_cast %get3A_1060 : vector<1x1x16xf32> to vector<16xf32>
          %mul3A_1062 = arith.mulf %gather3A_1039, %get3A_1061 : vector<16xf32>
          %add3A_1063 = arith.addf %add3A_964, %mul3A_1062 : vector<16xf32>
          %mul3A_1064 = arith.constant 8 : i32
          %mul3A_1065 = arith.muli %scan3A_319, %mul3A_1064 : i32
          %add3A_1066 = arith.constant 7 : i32
          %add3A_1067 = arith.addi %mul3A_1065, %add3A_1066 : i32
          %get3A_1068 = arith.constant 1 : i32
          %get3A_1069 = arith.index_cast %get3A_1068 : i32 to index
          %get3A_1070 = arith.index_cast %add3A_1067 : i32 to index
          %get3A_1071 = arith.constant 32 : index
          %get3A_1072 = tpu.vector_load %arg11[%get3A_1069, %get3A_1070, %get3A_1071] {strides = array<i32>} : memref<2x128x128xf32, #tpu.memory_space<vmem>>, vector<1x1x16xf32>,
          %get3A_1073 = vector.shape_cast %get3A_1072 : vector<1x1x16xf32> to vector<16xf32>
          %mul3A_1074 = arith.mulf %gather3A_1039, %get3A_1073 : vector<16xf32>
          %add3A_1075 = arith.addf %add3A_976, %mul3A_1074 : vector<16xf32>
          %mul3A_1076 = arith.constant 8 : i32
          %mul3A_1077 = arith.muli %scan3A_319, %mul3A_1076 : i32
          %add3A_1078 = arith.constant 7 : i32
          %add3A_1079 = arith.addi %mul3A_1077, %add3A_1078 : i32
          %get3A_1080 = arith.constant 1 : i32
          %get3A_1081 = arith.index_cast %get3A_1080 : i32 to index
          %get3A_1082 = arith.index_cast %add3A_1079 : i32 to index
          %get3A_1083 = arith.constant 48 : index
          %get3A_1084 = tpu.vector_load %arg11[%get3A_1081, %get3A_1082, %get3A_1083] {strides = array<i32>} : memref<2x128x128xf32, #tpu.memory_space<vmem>>, vector<1x1x16xf32>,
          %get3A_1085 = vector.shape_cast %get3A_1084 : vector<1x1x16xf32> to vector<16xf32>
          %mul3A_1086 = arith.mulf %gather3A_1039, %get3A_1085 : vector<16xf32>
          %add3A_1087 = arith.addf %add3A_988, %mul3A_1086 : vector<16xf32>
          %mul3A_1088 = arith.constant 8 : i32
          %mul3A_1089 = arith.muli %scan3A_319, %mul3A_1088 : i32
          %add3A_1090 = arith.constant 7 : i32
          %add3A_1091 = arith.addi %mul3A_1089, %add3A_1090 : i32
          %get3A_1092 = arith.constant 1 : i32
          %get3A_1093 = arith.index_cast %get3A_1092 : i32 to index
          %get3A_1094 = arith.index_cast %add3A_1091 : i32 to index
          %get3A_1095 = arith.constant 64 : index
          %get3A_1096 = tpu.vector_load %arg11[%get3A_1093, %get3A_1094, %get3A_1095] {strides = array<i32>} : memref<2x128x128xf32, #tpu.memory_space<vmem>>, vector<1x1x16xf32>,
          %get3A_1097 = vector.shape_cast %get3A_1096 : vector<1x1x16xf32> to vector<16xf32>
          %mul3A_1098 = arith.mulf %gather3A_1039, %get3A_1097 : vector<16xf32>
          %add3A_1099 = arith.addf %add3A_1000, %mul3A_1098 : vector<16xf32>
          %mul3A_1100 = arith.constant 8 : i32
          %mul3A_1101 = arith.muli %scan3A_319, %mul3A_1100 : i32
          %add3A_1102 = arith.constant 7 : i32
          %add3A_1103 = arith.addi %mul3A_1101, %add3A_1102 : i32
          %get3A_1104 = arith.constant 1 : i32
          %get3A_1105 = arith.index_cast %get3A_1104 : i32 to index
          %get3A_1106 = arith.index_cast %add3A_1103 : i32 to index
          %get3A_1107 = arith.constant 80 : index
          %get3A_1108 = tpu.vector_load %arg11[%get3A_1105, %get3A_1106, %get3A_1107] {strides = array<i32>} : memref<2x128x128xf32, #tpu.memory_space<vmem>>, vector<1x1x16xf32>,
          %get3A_1109 = vector.shape_cast %get3A_1108 : vector<1x1x16xf32> to vector<16xf32>
          %mul3A_1110 = arith.mulf %gather3A_1039, %get3A_1109 : vector<16xf32>
          %add3A_1111 = arith.addf %add3A_1012, %mul3A_1110 : vector<16xf32>
          %mul3A_1112 = arith.constant 8 : i32
          %mul3A_1113 = arith.muli %scan3A_319, %mul3A_1112 : i32
          %add3A_1114 = arith.constant 7 : i32
          %add3A_1115 = arith.addi %mul3A_1113, %add3A_1114 : i32
          %get3A_1116 = arith.constant 1 : i32
          %get3A_1117 = arith.index_cast %get3A_1116 : i32 to index
          %get3A_1118 = arith.index_cast %add3A_1115 : i32 to index
          %get3A_1119 = arith.constant 96 : index
          %get3A_1120 = tpu.vector_load %arg11[%get3A_1117, %get3A_1118, %get3A_1119] {strides = array<i32>} : memref<2x128x128xf32, #tpu.memory_space<vmem>>, vector<1x1x16xf32>,
          %get3A_1121 = vector.shape_cast %get3A_1120 : vector<1x1x16xf32> to vector<16xf32>
          %mul3A_1122 = arith.mulf %gather3A_1039, %get3A_1121 : vector<16xf32>
          %add3A_1123 = arith.addf %add3A_1024, %mul3A_1122 : vector<16xf32>
          %mul3A_1124 = arith.constant 8 : i32
          %mul3A_1125 = arith.muli %scan3A_319, %mul3A_1124 : i32
          %add3A_1126 = arith.constant 7 : i32
          %add3A_1127 = arith.addi %mul3A_1125, %add3A_1126 : i32
          %get3A_1128 = arith.constant 1 : i32
          %get3A_1129 = arith.index_cast %get3A_1128 : i32 to index
          %get3A_1130 = arith.index_cast %add3A_1127 : i32 to index
          %get3A_1131 = arith.constant 112 : index
          %get3A_1132 = tpu.vector_load %arg11[%get3A_1129, %get3A_1130, %get3A_1131] {strides = array<i32>} : memref<2x128x128xf32, #tpu.memory_space<vmem>>, vector<1x1x16xf32>,
          %get3A_1133 = vector.shape_cast %get3A_1132 : vector<1x1x16xf32> to vector<16xf32>
          %mul3A_1134 = arith.mulf %gather3A_1039, %get3A_1133 : vector<16xf32>
          %add3A_1135 = arith.addf %add3A_1036, %mul3A_1134 : vector<16xf32>
          %swap3A = arith.constant 1 : i32
          %swap3A_1136 = arith.index_cast %swap3A : i32 to index
          %swap3A_1137 = arith.index_cast %scan3A_319 : i32 to index
          %swap3A_1138 = arith.constant 0 : index
          %swap3A_1139 = tpu.vector_load %arg15[%swap3A_1136, %swap3A_1137, %swap3A_1138] {strides = array<i32>} : memref<2x16x128xf32, #tpu.memory_space<vmem>>, vector<1x1x16xf32>,
          %swap3A_1140 = vector.shape_cast %swap3A_1139 : vector<1x1x16xf32> to vector<16xf32>
          %swap3A_1141 = vector.shape_cast %add3A_1051 : vector<16xf32> to vector<1x1x16xf32>
          tpu.vector_store %arg15[%swap3A_1136, %swap3A_1137, %swap3A_1138], %swap3A_1141 {strides = array<i32>} : memref<2x16x128xf32, #tpu.memory_space<vmem>>, vector<1x1x16xf32>,
          %swap3A_1142 = arith.constant 1 : i32
          %swap3A_1143 = arith.index_cast %swap3A_1142 : i32 to index
          %swap3A_1144 = arith.index_cast %scan3A_319 : i32 to index
          %swap3A_1145 = arith.constant 16 : index
          %swap3A_1146 = tpu.vector_load %arg15[%swap3A_1143, %swap3A_1144, %swap3A_1145] {strides = array<i32>} : memref<2x16x128xf32, #tpu.memory_space<vmem>>, vector<1x1x16xf32>,
          %swap3A_1147 = vector.shape_cast %swap3A_1146 : vector<1x1x16xf32> to vector<16xf32>
          %swap3A_1148 = vector.shape_cast %add3A_1063 : vector<16xf32> to vector<1x1x16xf32>
          tpu.vector_store %arg15[%swap3A_1143, %swap3A_1144, %swap3A_1145], %swap3A_1148 {strides = array<i32>} : memref<2x16x128xf32, #tpu.memory_space<vmem>>, vector<1x1x16xf32>,
          %swap3A_1149 = arith.constant 1 : i32
          %swap3A_1150 = arith.index_cast %swap3A_1149 : i32 to index
          %swap3A_1151 = arith.index_cast %scan3A_319 : i32 to index
          %swap3A_1152 = arith.constant 32 : index
          %swap3A_1153 = tpu.vector_load %arg15[%swap3A_1150, %swap3A_1151, %swap3A_1152] {strides = array<i32>} : memref<2x16x128xf32, #tpu.memory_space<vmem>>, vector<1x1x16xf32>,
          %swap3A_1154 = vector.shape_cast %swap3A_1153 : vector<1x1x16xf32> to vector<16xf32>
          %swap3A_1155 = vector.shape_cast %add3A_1075 : vector<16xf32> to vector<1x1x16xf32>
          tpu.vector_store %arg15[%swap3A_1150, %swap3A_1151, %swap3A_1152], %swap3A_1155 {strides = array<i32>} : memref<2x16x128xf32, #tpu.memory_space<vmem>>, vector<1x1x16xf32>,
          %swap3A_1156 = arith.constant 1 : i32
          %swap3A_1157 = arith.index_cast %swap3A_1156 : i32 to index
          %swap3A_1158 = arith.index_cast %scan3A_319 : i32 to index
          %swap3A_1159 = arith.constant 48 : index
          %swap3A_1160 = tpu.vector_load %arg15[%swap3A_1157, %swap3A_1158, %swap3A_1159] {strides = array<i32>} : memref<2x16x128xf32, #tpu.memory_space<vmem>>, vector<1x1x16xf32>,
          %swap3A_1161 = vector.shape_cast %swap3A_1160 : vector<1x1x16xf32> to vector<16xf32>
          %swap3A_1162 = vector.shape_cast %add3A_1087 : vector<16xf32> to vector<1x1x16xf32>
          tpu.vector_store %arg15[%swap3A_1157, %swap3A_1158, %swap3A_1159], %swap3A_1162 {strides = array<i32>} : memref<2x16x128xf32, #tpu.memory_space<vmem>>, vector<1x1x16xf32>,
          %swap3A_1163 = arith.constant 1 : i32
          %swap3A_1164 = arith.index_cast %swap3A_1163 : i32 to index
          %swap3A_1165 = arith.index_cast %scan3A_319 : i32 to index
          %swap3A_1166 = arith.constant 64 : index
          %swap3A_1167 = tpu.vector_load %arg15[%swap3A_1164, %swap3A_1165, %swap3A_1166] {strides = array<i32>} : memref<2x16x128xf32, #tpu.memory_space<vmem>>, vector<1x1x16xf32>,
          %swap3A_1168 = vector.shape_cast %swap3A_1167 : vector<1x1x16xf32> to vector<16xf32>
          %swap3A_1169 = vector.shape_cast %add3A_1099 : vector<16xf32> to vector<1x1x16xf32>
          tpu.vector_store %arg15[%swap3A_1164, %swap3A_1165, %swap3A_1166], %swap3A_1169 {strides = array<i32>} : memref<2x16x128xf32, #tpu.memory_space<vmem>>, vector<1x1x16xf32>,
          %swap3A_1170 = arith.constant 1 : i32
          %swap3A_1171 = arith.index_cast %swap3A_1170 : i32 to index
          %swap3A_1172 = arith.index_cast %scan3A_319 : i32 to index
          %swap3A_1173 = arith.constant 80 : index
          %swap3A_1174 = tpu.vector_load %arg15[%swap3A_1171, %swap3A_1172, %swap3A_1173] {strides = array<i32>} : memref<2x16x128xf32, #tpu.memory_space<vmem>>, vector<1x1x16xf32>,
          %swap3A_1175 = vector.shape_cast %swap3A_1174 : vector<1x1x16xf32> to vector<16xf32>
          %swap3A_1176 = vector.shape_cast %add3A_1111 : vector<16xf32> to vector<1x1x16xf32>
          tpu.vector_store %arg15[%swap3A_1171, %swap3A_1172, %swap3A_1173], %swap3A_1176 {strides = array<i32>} : memref<2x16x128xf32, #tpu.memory_space<vmem>>, vector<1x1x16xf32>,
          %swap3A_1177 = arith.constant 1 : i32
          %swap3A_1178 = arith.index_cast %swap3A_1177 : i32 to index
          %swap3A_1179 = arith.index_cast %scan3A_319 : i32 to index
          %swap3A_1180 = arith.constant 96 : index
          %swap3A_1181 = tpu.vector_load %arg15[%swap3A_1178, %swap3A_1179, %swap3A_1180] {strides = array<i32>} : memref<2x16x128xf32, #tpu.memory_space<vmem>>, vector<1x1x16xf32>,
          %swap3A_1182 = vector.shape_cast %swap3A_1181 : vector<1x1x16xf32> to vector<16xf32>
          %swap3A_1183 = vector.shape_cast %add3A_1123 : vector<16xf32> to vector<1x1x16xf32>
          tpu.vector_store %arg15[%swap3A_1178, %swap3A_1179, %swap3A_1180], %swap3A_1183 {strides = array<i32>} : memref<2x16x128xf32, #tpu.memory_space<vmem>>, vector<1x1x16xf32>,
          %swap3A_1184 = arith.constant 1 : i32
          %swap3A_1185 = arith.index_cast %swap3A_1184 : i32 to index
          %swap3A_1186 = arith.index_cast %scan3A_319 : i32 to index
          %swap3A_1187 = arith.constant 112 : index
          %swap3A_1188 = tpu.vector_load %arg15[%swap3A_1185, %swap3A_1186, %swap3A_1187] {strides = array<i32>} : memref<2x16x128xf32, #tpu.memory_space<vmem>>, vector<1x1x16xf32>,
          %swap3A_1189 = vector.shape_cast %swap3A_1188 : vector<1x1x16xf32> to vector<16xf32>
          %swap3A_1190 = vector.shape_cast %add3A_1135 : vector<16xf32> to vector<1x1x16xf32>
          tpu.vector_store %arg15[%swap3A_1185, %swap3A_1186, %swap3A_1187], %swap3A_1190 {strides = array<i32>} : memref<2x16x128xf32, #tpu.memory_space<vmem>>, vector<1x1x16xf32>,
          %scan3A_1191 = arith.constant 0 : i32
          scf.yield %scan3A_1191 : i32
        }
        %scan3A_306 = arith.constant 16 : i32
        %dma_start3A_307 = arith.constant 1 : i32
        %dma_start3A_308 = arith.constant 0 : i32
        %dma_start3A_309 = arith.constant 0 : i32
        %dma_start3A_310 = tpu.memref_slice %arg15[%dma_start3A_307, %dma_start3A_308, %dma_start3A_309] : memref<2x16x128xf32, #tpu.memory_space<vmem>> -> memref<1x16x128xf32, #tpu.memory_space<vmem>>
        %dma_start3A_311 = tpu.memref_squeeze %dma_start3A_310 : memref<1x16x128xf32, #tpu.memory_space<vmem>> -> memref<16x128xf32, #tpu.memory_space<vmem>>
        %dma_start3A_312 = arith.constant 0 : i32
        %dma_start3A_313 = tpu.memref_slice %arg9[%add3A_234, %dma_start3A_312] : memref<32x16xi32, #tpu.memory_space<vmem>> -> memref<1x16xi32, #tpu.memory_space<vmem>>
        %dma_start3A_314 = tpu.memref_squeeze %dma_start3A_313 : memref<1x16xi32, #tpu.memory_space<vmem>> -> memref<16xi32, #tpu.memory_space<vmem>>
        %dma_start3A_315 = arith.constant 0 : i32
        %dma_start3A_316 = arith.constant 0 : i32
        %dma_start3A_317 = tpu.memref_slice %arg17[%dma_start3A_315, %dma_start3A_316] : memref<10112x128xf32, #tpu.memory_space<vmem_shared>> -> memref<10112x128xf32, #tpu.memory_space<vmem_shared>>
        tpu.enqueue_indirect_dma source(%dma_start3A_311 : memref<16x128xf32, #tpu.memory_space<vmem>>) target(%dma_start3A_317 : memref<10112x128xf32, #tpu.memory_space<vmem_shared>>) offsets(%dma_start3A_314 : memref<16xi32, #tpu.memory_space<vmem>>) semaphore(%arg20 : memref<!tpu.dma_semaphore, #tpu.memory_space<semaphore_mem>>) {add = true}
        %scan3A_318 = arith.constant 0 : i32
        scf.yield %scan3A_318 : i32
      }
      %scan3A_121 = arith.constant 16 : i32
      %dma_wait3A = arith.constant 0 : i32
      %dma_wait3A_122 = arith.constant 30 : i32
      %dma_wait3A_123 = arith.constant 0 : i32
      %dma_wait3A_124 = arith.constant 0 : i32
      %dma_wait3A_125 = tpu.memref_slice %arg15[%dma_wait3A, %dma_wait3A_123, %dma_wait3A_124] : memref<2x16x128xf32, #tpu.memory_space<vmem>> -> memref<1x16x128xf32, #tpu.memory_space<vmem>>
      %dma_wait3A_126 = tpu.memref_squeeze %dma_wait3A_125 : memref<1x16x128xf32, #tpu.memory_space<vmem>> -> memref<16x128xf32, #tpu.memory_space<vmem>>
      %dma_wait3A_127 = arith.constant 0 : i32
      %dma_wait3A_128 = tpu.memref_slice %arg9[%dma_wait3A_122, %dma_wait3A_127] : memref<32x16xi32, #tpu.memory_space<vmem>> -> memref<1x16xi32, #tpu.memory_space<vmem>>
      %dma_wait3A_129 = tpu.memref_squeeze %dma_wait3A_128 : memref<1x16xi32, #tpu.memory_space<vmem>> -> memref<16xi32, #tpu.memory_space<vmem>>
      %dma_wait3A_130 = arith.constant 0 : i32
      %dma_wait3A_131 = arith.constant 0 : i32
      %dma_wait3A_132 = tpu.memref_slice %arg17[%dma_wait3A_130, %dma_wait3A_131] : memref<10112x128xf32, #tpu.memory_space<vmem_shared>> -> memref<10112x128xf32, #tpu.memory_space<vmem_shared>>
      tpu.wait_indirect_dma semaphore(%arg20 : memref<!tpu.dma_semaphore, #tpu.memory_space<semaphore_mem>>) src(%dma_wait3A_126 : memref<16x128xf32, #tpu.memory_space<vmem>>) dst(%dma_wait3A_132 : memref<10112x128xf32, #tpu.memory_space<vmem_shared>>)
      %dma_wait3A_133 = arith.constant 1 : i32
      %dma_wait3A_134 = arith.constant 31 : i32
      %dma_wait3A_135 = arith.constant 0 : i32
      %dma_wait3A_136 = arith.constant 0 : i32
      %dma_wait3A_137 = tpu.memref_slice %arg15[%dma_wait3A_133, %dma_wait3A_135, %dma_wait3A_136] : memref<2x16x128xf32, #tpu.memory_space<vmem>> -> memref<1x16x128xf32, #tpu.memory_space<vmem>>
      %dma_wait3A_138 = tpu.memref_squeeze %dma_wait3A_137 : memref<1x16x128xf32, #tpu.memory_space<vmem>> -> memref<16x128xf32, #tpu.memory_space<vmem>>
      %dma_wait3A_139 = arith.constant 0 : i32
      %dma_wait3A_140 = tpu.memref_slice %arg9[%dma_wait3A_134, %dma_wait3A_139] : memref<32x16xi32, #tpu.memory_space<vmem>> -> memref<1x16xi32, #tpu.memory_space<vmem>>
      %dma_wait3A_141 = tpu.memref_squeeze %dma_wait3A_140 : memref<1x16xi32, #tpu.memory_space<vmem>> -> memref<16xi32, #tpu.memory_space<vmem>>
      %dma_wait3A_142 = arith.constant 0 : i32
      %dma_wait3A_143 = arith.constant 0 : i32
      %dma_wait3A_144 = tpu.memref_slice %arg17[%dma_wait3A_142, %dma_wait3A_143] : memref<10112x128xf32, #tpu.memory_space<vmem_shared>> -> memref<10112x128xf32, #tpu.memory_space<vmem_shared>>
      tpu.wait_indirect_dma semaphore(%arg20 : memref<!tpu.dma_semaphore, #tpu.memory_space<semaphore_mem>>) src(%dma_wait3A_138 : memref<16x128xf32, #tpu.memory_space<vmem>>) dst(%dma_wait3A_144 : memref<10112x128xf32, #tpu.memory_space<vmem_shared>>)
      %scan3A_145 = arith.constant 0 : i32
      scf.yield %scan3A_145 : i32
    }
    %scan3A_41 = arith.constant 20 : i32
    %barrier3A_42 = arith.constant 0 : index
    tpu.barrier barrier_id(%barrier3A_42)
    %scan3A_43 = arith.constant 0 : i32
    %scan3A_44 = arith.constant 0 : i32
    %scan3A_45 = arith.constant 39 : i32
    %scan3A_46 = arith.addi %scan3A_44, %scan3A_45 : i32
    %scan3A_47 = arith.constant 1 : i32
    %scan3A_48 = scf.for %scan3A_58 = %scan3A_44 to %scan3A_46 step %scan3A_47 iter_args(%scan3A_59 = %scan3A_43) -> (i32)  : i32 {
      %mul3A_60 = arith.constant 632 : i32
      %mul3A_61 = arith.muli %arg1, %mul3A_60 : i32
      %mul3A_62 = arith.constant 16 : i32
      %mul3A_63 = arith.muli %scan3A_58, %mul3A_62 : i32
      %add3A_64 = arith.addi %mul3A_61, %mul3A_63 : i32
      "tpu.region"() ({
        %run_scoped3A = tpu.sem_alloc : memref<!tpu.dma_semaphore, #tpu.memory_space<semaphore_mem>>
        %dma_start3A = arith.constant 0 : i32
        %dma_start3A_71 = tpu.memref_slice %arg17[%add3A_64, %dma_start3A] : memref<10112x128xf32, #tpu.memory_space<vmem_shared>> -> memref<16x128xf32, #tpu.memory_space<vmem_shared>>
        %dma_start3A_72 = arith.constant 0 : i32
        %dma_start3A_73 = tpu.memref_slice %arg17[%add3A_64, %dma_start3A_72] : memref<10112x128xf32, #tpu.memory_space<vmem_shared>> -> memref<16x128xf32, #tpu.memory_space<vmem_shared>>
        tpu.enqueue_dma source(%dma_start3A_73 : memref<16x128xf32, #tpu.memory_space<vmem_shared>>) target(%arg16 : memref<16x128xf32, #tpu.memory_space<vmem>>) target_semaphore(%run_scoped3A : memref<!tpu.dma_semaphore, #tpu.memory_space<semaphore_mem>>)
        %dma_wait3A = arith.constant 0 : i32
        %dma_wait3A_74 = tpu.memref_slice %arg17[%add3A_64, %dma_wait3A] : memref<10112x128xf32, #tpu.memory_space<vmem_shared>> -> memref<16x128xf32, #tpu.memory_space<vmem_shared>>
        %dma_wait3A_75 = arith.constant 0 : i32
        %dma_wait3A_76 = tpu.memref_slice %arg17[%add3A_64, %dma_wait3A_75] : memref<10112x128xf32, #tpu.memory_space<vmem_shared>> -> memref<16x128xf32, #tpu.memory_space<vmem_shared>>
        tpu.wait_dma2 semaphore(%run_scoped3A : memref<!tpu.dma_semaphore, #tpu.memory_space<semaphore_mem>>) src(%dma_wait3A_76 : memref<16x128xf32, #tpu.memory_space<vmem_shared>>) dst(%arg16 : memref<16x128xf32, #tpu.memory_space<vmem>>)
        tpu.yield
      }) : () -> ()
      %mul3A_65 = arith.constant 632 : i32
      %mul3A_66 = arith.muli %arg1, %mul3A_65 : i32
      %mul3A_67 = arith.constant 16 : i32
      %mul3A_68 = arith.muli %scan3A_58, %mul3A_67 : i32
      %add3A_69 = arith.addi %mul3A_66, %mul3A_68 : i32
      "tpu.region"() ({
        %run_scoped3A = tpu.sem_alloc : memref<!tpu.dma_semaphore, #tpu.memory_space<semaphore_mem>>
        %dma_start3A = arith.constant 0 : i32
        %dma_start3A_71 = tpu.memref_slice %arg8[%arg0, %add3A_69, %dma_start3A] : memref<2x10112x128xf32, #tpu.memory_space<hbm>> -> memref<1x16x128xf32, #tpu.memory_space<hbm>>
        %dma_start3A_72 = tpu.memref_squeeze %dma_start3A_71 : memref<1x16x128xf32, #tpu.memory_space<hbm>> -> memref<16x128xf32, #tpu.memory_space<hbm>>
        %dma_start3A_73 = arith.constant 0 : i32
        %dma_start3A_74 = tpu.memref_slice %arg8[%arg0, %add3A_69, %dma_start3A_73] : memref<2x10112x128xf32, #tpu.memory_space<hbm>> -> memref<1x16x128xf32, #tpu.memory_space<hbm>>
        %dma_start3A_75 = tpu.memref_squeeze %dma_start3A_74 : memref<1x16x128xf32, #tpu.memory_space<hbm>> -> memref<16x128xf32, #tpu.memory_space<hbm>>
        tpu.enqueue_dma source(%arg16 : memref<16x128xf32, #tpu.memory_space<vmem>>) target(%dma_start3A_75 : memref<16x128xf32, #tpu.memory_space<hbm>>) target_semaphore(%run_scoped3A : memref<!tpu.dma_semaphore, #tpu.memory_space<semaphore_mem>>)
        %dma_wait3A = arith.constant 0 : i32
        %dma_wait3A_76 = tpu.memref_slice %arg8[%arg0, %add3A_69, %dma_wait3A] : memref<2x10112x128xf32, #tpu.memory_space<hbm>> -> memref<1x16x128xf32, #tpu.memory_space<hbm>>
        %dma_wait3A_77 = tpu.memref_squeeze %dma_wait3A_76 : memref<1x16x128xf32, #tpu.memory_space<hbm>> -> memref<16x128xf32, #tpu.memory_space<hbm>>
        %dma_wait3A_78 = arith.constant 0 : i32
        %dma_wait3A_79 = tpu.memref_slice %arg8[%arg0, %add3A_69, %dma_wait3A_78] : memref<2x10112x128xf32, #tpu.memory_space<hbm>> -> memref<1x16x128xf32, #tpu.memory_space<hbm>>
        %dma_wait3A_80 = tpu.memref_squeeze %dma_wait3A_79 : memref<1x16x128xf32, #tpu.memory_space<hbm>> -> memref<16x128xf32, #tpu.memory_space<hbm>>
        tpu.wait_dma2 semaphore(%run_scoped3A : memref<!tpu.dma_semaphore, #tpu.memory_space<semaphore_mem>>) src(%arg16 : memref<16x128xf32, #tpu.memory_space<vmem>>) dst(%dma_wait3A_80 : memref<16x128xf32, #tpu.memory_space<hbm>>)
        tpu.yield
      }) : () -> ()
      %scan3A_70 = arith.constant 0 : i32
      scf.yield %scan3A_70 : i32
    }
    %scan3A_49 = arith.constant 39 : i32
    %mul3A_50 = arith.constant 632 : i32
    %mul3A_51 = arith.muli %arg1, %mul3A_50 : i32
    %add3A_52 = arith.constant 624 : i32
    %add3A_53 = arith.addi %mul3A_51, %add3A_52 : i32
    "tpu.region"() ({
      %run_scoped3A = tpu.sem_alloc : memref<!tpu.dma_semaphore, #tpu.memory_space<semaphore_mem>>
      %dma_start3A = arith.constant 0 : i32
      %dma_start3A_58 = arith.constant 0 : i32
      %dma_start3A_59 = tpu.memref_slice %arg16[%dma_start3A, %dma_start3A_58] : memref<16x128xf32, #tpu.memory_space<vmem>> -> memref<8x128xf32, #tpu.memory_space<vmem>>
      %dma_start3A_60 = arith.constant 0 : i32
      %dma_start3A_61 = tpu.memref_slice %arg17[%add3A_53, %dma_start3A_60] : memref<10112x128xf32, #tpu.memory_space<vmem_shared>> -> memref<8x128xf32, #tpu.memory_space<vmem_shared>>
      %dma_start3A_62 = arith.constant 0 : i32
      %dma_start3A_63 = arith.constant 0 : i32
      %dma_start3A_64 = tpu.memref_slice %arg16[%dma_start3A_62, %dma_start3A_63] : memref<16x128xf32, #tpu.memory_space<vmem>> -> memref<8x128xf32, #tpu.memory_space<vmem>>
      %dma_start3A_65 = arith.constant 0 : i32
      %dma_start3A_66 = tpu.memref_slice %arg17[%add3A_53, %dma_start3A_65] : memref<10112x128xf32, #tpu.memory_space<vmem_shared>> -> memref<8x128xf32, #tpu.memory_space<vmem_shared>>
      tpu.enqueue_dma source(%dma_start3A_66 : memref<8x128xf32, #tpu.memory_space<vmem_shared>>) target(%dma_start3A_64 : memref<8x128xf32, #tpu.memory_space<vmem>>) target_semaphore(%run_scoped3A : memref<!tpu.dma_semaphore, #tpu.memory_space<semaphore_mem>>)
      %dma_wait3A = arith.constant 0 : i32
      %dma_wait3A_67 = arith.constant 0 : i32
      %dma_wait3A_68 = tpu.memref_slice %arg16[%dma_wait3A, %dma_wait3A_67] : memref<16x128xf32, #tpu.memory_space<vmem>> -> memref<8x128xf32, #tpu.memory_space<vmem>>
      %dma_wait3A_69 = arith.constant 0 : i32
      %dma_wait3A_70 = tpu.memref_slice %arg17[%add3A_53, %dma_wait3A_69] : memref<10112x128xf32, #tpu.memory_space<vmem_shared>> -> memref<8x128xf32, #tpu.memory_space<vmem_shared>>
      %dma_wait3A_71 = arith.constant 0 : i32
      %dma_wait3A_72 = arith.constant 0 : i32
      %dma_wait3A_73 = tpu.memref_slice %arg16[%dma_wait3A_71, %dma_wait3A_72] : memref<16x128xf32, #tpu.memory_space<vmem>> -> memref<8x128xf32, #tpu.memory_space<vmem>>
      %dma_wait3A_74 = arith.constant 0 : i32
      %dma_wait3A_75 = tpu.memref_slice %arg17[%add3A_53, %dma_wait3A_74] : memref<10112x128xf32, #tpu.memory_space<vmem_shared>> -> memref<8x128xf32, #tpu.memory_space<vmem_shared>>
      tpu.wait_dma2 semaphore(%run_scoped3A : memref<!tpu.dma_semaphore, #tpu.memory_space<semaphore_mem>>) src(%dma_wait3A_75 : memref<8x128xf32, #tpu.memory_space<vmem_shared>>) dst(%dma_wait3A_73 : memref<8x128xf32, #tpu.memory_space<vmem>>)
      tpu.yield
    }) : () -> ()
    %mul3A_54 = arith.constant 632 : i32
    %mul3A_55 = arith.muli %arg1, %mul3A_54 : i32
    %add3A_56 = arith.constant 624 : i32
    %add3A_57 = arith.addi %mul3A_55, %add3A_56 : i32
    "tpu.region"() ({
      %run_scoped3A = tpu.sem_alloc : memref<!tpu.dma_semaphore, #tpu.memory_space<semaphore_mem>>
      %dma_start3A = arith.constant 0 : i32
      %dma_start3A_58 = arith.constant 0 : i32
      %dma_start3A_59 = tpu.memref_slice %arg16[%dma_start3A, %dma_start3A_58] : memref<16x128xf32, #tpu.memory_space<vmem>> -> memref<8x128xf32, #tpu.memory_space<vmem>>
      %dma_start3A_60 = arith.constant 0 : i32
      %dma_start3A_61 = tpu.memref_slice %arg8[%arg0, %add3A_57, %dma_start3A_60] : memref<2x10112x128xf32, #tpu.memory_space<hbm>> -> memref<1x8x128xf32, #tpu.memory_space<hbm>>
      %dma_start3A_62 = tpu.memref_squeeze %dma_start3A_61 : memref<1x8x128xf32, #tpu.memory_space<hbm>> -> memref<8x128xf32, #tpu.memory_space<hbm>>
      %dma_start3A_63 = arith.constant 0 : i32
      %dma_start3A_64 = tpu.memref_slice %arg8[%arg0, %add3A_57, %dma_start3A_63] : memref<2x10112x128xf32, #tpu.memory_space<hbm>> -> memref<1x8x128xf32, #tpu.memory_space<hbm>>
      %dma_start3A_65 = tpu.memref_squeeze %dma_start3A_64 : memref<1x8x128xf32, #tpu.memory_space<hbm>> -> memref<8x128xf32, #tpu.memory_space<hbm>>
      %dma_start3A_66 = arith.constant 0 : i32
      %dma_start3A_67 = arith.constant 0 : i32
      %dma_start3A_68 = tpu.memref_slice %arg16[%dma_start3A_66, %dma_start3A_67] : memref<16x128xf32, #tpu.memory_space<vmem>> -> memref<8x128xf32, #tpu.memory_space<vmem>>
      tpu.enqueue_dma source(%dma_start3A_68 : memref<8x128xf32, #tpu.memory_space<vmem>>) target(%dma_start3A_65 : memref<8x128xf32, #tpu.memory_space<hbm>>) target_semaphore(%run_scoped3A : memref<!tpu.dma_semaphore, #tpu.memory_space<semaphore_mem>>)
      %dma_wait3A = arith.constant 0 : i32
      %dma_wait3A_69 = arith.constant 0 : i32
      %dma_wait3A_70 = tpu.memref_slice %arg16[%dma_wait3A, %dma_wait3A_69] : memref<16x128xf32, #tpu.memory_space<vmem>> -> memref<8x128xf32, #tpu.memory_space<vmem>>
      %dma_wait3A_71 = arith.constant 0 : i32
      %dma_wait3A_72 = tpu.memref_slice %arg8[%arg0, %add3A_57, %dma_wait3A_71] : memref<2x10112x128xf32, #tpu.memory_space<hbm>> -> memref<1x8x128xf32, #tpu.memory_space<hbm>>
      %dma_wait3A_73 = tpu.memref_squeeze %dma_wait3A_72 : memref<1x8x128xf32, #tpu.memory_space<hbm>> -> memref<8x128xf32, #tpu.memory_space<hbm>>
      %dma_wait3A_74 = arith.constant 0 : i32
      %dma_wait3A_75 = tpu.memref_slice %arg8[%arg0, %add3A_57, %dma_wait3A_74] : memref<2x10112x128xf32, #tpu.memory_space<hbm>> -> memref<1x8x128xf32, #tpu.memory_space<hbm>>
      %dma_wait3A_76 = tpu.memref_squeeze %dma_wait3A_75 : memref<1x8x128xf32, #tpu.memory_space<hbm>> -> memref<8x128xf32, #tpu.memory_space<hbm>>
      %dma_wait3A_77 = arith.constant 0 : i32
      %dma_wait3A_78 = arith.constant 0 : i32
      %dma_wait3A_79 = tpu.memref_slice %arg16[%dma_wait3A_77, %dma_wait3A_78] : memref<16x128xf32, #tpu.memory_space<vmem>> -> memref<8x128xf32, #tpu.memory_space<vmem>>
      tpu.wait_dma2 semaphore(%run_scoped3A : memref<!tpu.dma_semaphore, #tpu.memory_space<semaphore_mem>>) src(%dma_wait3A_79 : memref<8x128xf32, #tpu.memory_space<vmem>>) dst(%dma_wait3A_76 : memref<8x128xf32, #tpu.memory_space<hbm>>)
      tpu.yield
    }) : () -> ()
    return
  }
}

#map = affine_map<(d0, d1) -> (0, 0)>
#map1 = affine_map<(d0, d1) -> (0, 0, 0)>
module attributes {stable_mosaic.version = 14 : i64} {
  func.func @k(%arg0: i32, %arg1: i32, %arg2: memref<20480x2048xf32, #tpu.memory_space<hbm>>, %arg3: memref<32x640x16xi32, #tpu.memory_space<hbm>>, %arg4: memref<32x80x64xi32, #tpu.memory_space<hbm>>, %arg5: memref<163840x16xf32, #tpu.memory_space<hbm>>, %arg6: memref<2x10112x16xf32, #tpu.memory_space<hbm>>, %arg7: memref<640x16xi32, #tpu.memory_space<vmem>>, %arg8: memref<80x64xi32, #tpu.memory_space<vmem>>, %arg9: memref<2x16x2048xf32, #tpu.memory_space<vmem>>, %arg10: memref<2x64x16xf32, #tpu.memory_space<vmem>>, %arg11: memref<632x16xf32, #tpu.memory_space<vmem>>, %arg12: memref<10112x16xf32, #tpu.memory_space<vmem_shared>>, %arg13: memref<!tpu.dma_semaphore, #tpu.memory_space<semaphore_mem>>, %arg14: memref<!tpu.dma_semaphore, #tpu.memory_space<semaphore_mem>>, %arg15: memref<!tpu.dma_semaphore, #tpu.memory_space<semaphore_mem>>, %arg16: memref<!tpu.dma_semaphore, #tpu.memory_space<semaphore_mem>>) attributes {dimension_semantics = [#tpu.dimension_semantics<core_parallel>, #tpu.dimension_semantics<subcore_parallel>], iteration_bounds = array<i64: 2, 16>, scalar_prefetch = 0 : i64, scratch_operands = 10 : i64, tpu.core_type = #tpu.core_type<sc_vector_subcore>, window_params = [{transform_indices = #map}, {transform_indices = #map1}, {transform_indices = #map1}, {transform_indices = #map}, {transform_indices = #map1}]} {
    %mul3A = arith.constant 16 : i32
    %mul3A_0 = arith.muli %arg0, %mul3A : i32
    %add3A = arith.addi %mul3A_0, %arg1 : i32
    "tpu.region"() ({
      %run_scoped3A = tpu.sem_alloc : memref<!tpu.dma_semaphore, #tpu.memory_space<semaphore_mem>>
      %dma_start3A_104 = arith.constant 0 : i32
      %dma_start3A_105 = arith.constant 0 : i32
      %dma_start3A_106 = tpu.memref_slice %arg3[%add3A, %dma_start3A_104, %dma_start3A_105] : memref<32x640x16xi32, #tpu.memory_space<hbm>> -> memref<1x640x16xi32, #tpu.memory_space<hbm>>
      %dma_start3A_107 = tpu.memref_squeeze %dma_start3A_106 : memref<1x640x16xi32, #tpu.memory_space<hbm>> -> memref<640x16xi32, #tpu.memory_space<hbm>>
      %dma_start3A_108 = arith.constant 0 : i32
      %dma_start3A_109 = arith.constant 0 : i32
      %dma_start3A_110 = tpu.memref_slice %arg3[%add3A, %dma_start3A_108, %dma_start3A_109] : memref<32x640x16xi32, #tpu.memory_space<hbm>> -> memref<1x640x16xi32, #tpu.memory_space<hbm>>
      %dma_start3A_111 = tpu.memref_squeeze %dma_start3A_110 : memref<1x640x16xi32, #tpu.memory_space<hbm>> -> memref<640x16xi32, #tpu.memory_space<hbm>>
      tpu.enqueue_dma source(%dma_start3A_111 : memref<640x16xi32, #tpu.memory_space<hbm>>) target(%arg7 : memref<640x16xi32, #tpu.memory_space<vmem>>) target_semaphore(%run_scoped3A : memref<!tpu.dma_semaphore, #tpu.memory_space<semaphore_mem>>)
      %dma_wait3A_112 = arith.constant 0 : i32
      %dma_wait3A_113 = arith.constant 0 : i32
      %dma_wait3A_114 = tpu.memref_slice %arg3[%add3A, %dma_wait3A_112, %dma_wait3A_113] : memref<32x640x16xi32, #tpu.memory_space<hbm>> -> memref<1x640x16xi32, #tpu.memory_space<hbm>>
      %dma_wait3A_115 = tpu.memref_squeeze %dma_wait3A_114 : memref<1x640x16xi32, #tpu.memory_space<hbm>> -> memref<640x16xi32, #tpu.memory_space<hbm>>
      %dma_wait3A_116 = arith.constant 0 : i32
      %dma_wait3A_117 = arith.constant 0 : i32
      %dma_wait3A_118 = tpu.memref_slice %arg3[%add3A, %dma_wait3A_116, %dma_wait3A_117] : memref<32x640x16xi32, #tpu.memory_space<hbm>> -> memref<1x640x16xi32, #tpu.memory_space<hbm>>
      %dma_wait3A_119 = tpu.memref_squeeze %dma_wait3A_118 : memref<1x640x16xi32, #tpu.memory_space<hbm>> -> memref<640x16xi32, #tpu.memory_space<hbm>>
      tpu.wait_dma2 semaphore(%run_scoped3A : memref<!tpu.dma_semaphore, #tpu.memory_space<semaphore_mem>>) src(%dma_wait3A_119 : memref<640x16xi32, #tpu.memory_space<hbm>>) dst(%arg7 : memref<640x16xi32, #tpu.memory_space<vmem>>)
      tpu.yield
    }) : () -> ()
    "tpu.region"() ({
      %run_scoped3A = tpu.sem_alloc : memref<!tpu.dma_semaphore, #tpu.memory_space<semaphore_mem>>
      %dma_start3A_104 = arith.constant 0 : i32
      %dma_start3A_105 = arith.constant 0 : i32
      %dma_start3A_106 = tpu.memref_slice %arg4[%add3A, %dma_start3A_104, %dma_start3A_105] : memref<32x80x64xi32, #tpu.memory_space<hbm>> -> memref<1x80x64xi32, #tpu.memory_space<hbm>>
      %dma_start3A_107 = tpu.memref_squeeze %dma_start3A_106 : memref<1x80x64xi32, #tpu.memory_space<hbm>> -> memref<80x64xi32, #tpu.memory_space<hbm>>
      %dma_start3A_108 = arith.constant 0 : i32
      %dma_start3A_109 = arith.constant 0 : i32
      %dma_start3A_110 = tpu.memref_slice %arg4[%add3A, %dma_start3A_108, %dma_start3A_109] : memref<32x80x64xi32, #tpu.memory_space<hbm>> -> memref<1x80x64xi32, #tpu.memory_space<hbm>>
      %dma_start3A_111 = tpu.memref_squeeze %dma_start3A_110 : memref<1x80x64xi32, #tpu.memory_space<hbm>> -> memref<80x64xi32, #tpu.memory_space<hbm>>
      tpu.enqueue_dma source(%dma_start3A_111 : memref<80x64xi32, #tpu.memory_space<hbm>>) target(%arg8 : memref<80x64xi32, #tpu.memory_space<vmem>>) target_semaphore(%run_scoped3A : memref<!tpu.dma_semaphore, #tpu.memory_space<semaphore_mem>>)
      %dma_wait3A_112 = arith.constant 0 : i32
      %dma_wait3A_113 = arith.constant 0 : i32
      %dma_wait3A_114 = tpu.memref_slice %arg4[%add3A, %dma_wait3A_112, %dma_wait3A_113] : memref<32x80x64xi32, #tpu.memory_space<hbm>> -> memref<1x80x64xi32, #tpu.memory_space<hbm>>
      %dma_wait3A_115 = tpu.memref_squeeze %dma_wait3A_114 : memref<1x80x64xi32, #tpu.memory_space<hbm>> -> memref<80x64xi32, #tpu.memory_space<hbm>>
      %dma_wait3A_116 = arith.constant 0 : i32
      %dma_wait3A_117 = arith.constant 0 : i32
      %dma_wait3A_118 = tpu.memref_slice %arg4[%add3A, %dma_wait3A_116, %dma_wait3A_117] : memref<32x80x64xi32, #tpu.memory_space<hbm>> -> memref<1x80x64xi32, #tpu.memory_space<hbm>>
      %dma_wait3A_119 = tpu.memref_squeeze %dma_wait3A_118 : memref<1x80x64xi32, #tpu.memory_space<hbm>> -> memref<80x64xi32, #tpu.memory_space<hbm>>
      tpu.wait_dma2 semaphore(%run_scoped3A : memref<!tpu.dma_semaphore, #tpu.memory_space<semaphore_mem>>) src(%dma_wait3A_119 : memref<80x64xi32, #tpu.memory_space<hbm>>) dst(%arg8 : memref<80x64xi32, #tpu.memory_space<vmem>>)
      tpu.yield
    }) : () -> ()
    %scan3A = arith.constant 0 : i32
    %scan3A_1 = arith.constant 0 : i32
    %scan3A_2 = arith.constant 632 : i32
    %scan3A_3 = arith.addi %scan3A_1, %scan3A_2 : i32
    %scan3A_4 = arith.constant 1 : i32
    %scan3A_5 = scf.for %scan3A_104 = %scan3A_1 to %scan3A_3 step %scan3A_4 iter_args(%scan3A_105 = %scan3A) -> (i32)  : i32 {
      %broadcast_in_dim3A_106 = arith.constant 0.000000e+00 : f32
      %broadcast_in_dim3A_107 = vector.broadcast %broadcast_in_dim3A_106 : f32 to vector<16xf32>
      %swap3A = arith.index_cast %scan3A_104 : i32 to index
      %swap3A_108 = arith.constant 0 : index
      %swap3A_109 = tpu.vector_load %arg11[%swap3A, %swap3A_108] {strides = array<i32>} : memref<632x16xf32, #tpu.memory_space<vmem>>, vector<1x16xf32>,
      %swap3A_110 = vector.shape_cast %swap3A_109 : vector<1x16xf32> to vector<16xf32>
      %swap3A_111 = vector.shape_cast %broadcast_in_dim3A_107 : vector<16xf32> to vector<1x16xf32>
      tpu.vector_store %arg11[%swap3A, %swap3A_108], %swap3A_111 {strides = array<i32>} : memref<632x16xf32, #tpu.memory_space<vmem>>, vector<1x16xf32>,
      %scan3A_112 = arith.constant 0 : i32
      scf.yield %scan3A_112 : i32
    }
    %scan3A_6 = arith.constant 632 : i32
    %mul3A_7 = arith.constant 632 : i32
    %mul3A_8 = arith.muli %arg1, %mul3A_7 : i32
    "tpu.region"() ({
      %run_scoped3A = tpu.sem_alloc : memref<!tpu.dma_semaphore, #tpu.memory_space<semaphore_mem>>
      %dma_start3A_104 = arith.constant 0 : i32
      %dma_start3A_105 = tpu.memref_slice %arg12[%mul3A_8, %dma_start3A_104] : memref<10112x16xf32, #tpu.memory_space<vmem_shared>> -> memref<632x16xf32, #tpu.memory_space<vmem_shared>>
      %dma_start3A_106 = arith.constant 0 : i32
      %dma_start3A_107 = tpu.memref_slice %arg12[%mul3A_8, %dma_start3A_106] : memref<10112x16xf32, #tpu.memory_space<vmem_shared>> -> memref<632x16xf32, #tpu.memory_space<vmem_shared>>
      tpu.enqueue_dma source(%arg11 : memref<632x16xf32, #tpu.memory_space<vmem>>) target(%dma_start3A_107 : memref<632x16xf32, #tpu.memory_space<vmem_shared>>) target_semaphore(%run_scoped3A : memref<!tpu.dma_semaphore, #tpu.memory_space<semaphore_mem>>)
      %dma_wait3A_108 = arith.constant 0 : i32
      %dma_wait3A_109 = tpu.memref_slice %arg12[%mul3A_8, %dma_wait3A_108] : memref<10112x16xf32, #tpu.memory_space<vmem_shared>> -> memref<632x16xf32, #tpu.memory_space<vmem_shared>>
      %dma_wait3A_110 = arith.constant 0 : i32
      %dma_wait3A_111 = tpu.memref_slice %arg12[%mul3A_8, %dma_wait3A_110] : memref<10112x16xf32, #tpu.memory_space<vmem_shared>> -> memref<632x16xf32, #tpu.memory_space<vmem_shared>>
      tpu.wait_dma2 semaphore(%run_scoped3A : memref<!tpu.dma_semaphore, #tpu.memory_space<semaphore_mem>>) src(%arg11 : memref<632x16xf32, #tpu.memory_space<vmem>>) dst(%dma_wait3A_111 : memref<632x16xf32, #tpu.memory_space<vmem_shared>>)
      tpu.yield
    }) : () -> ()
    %barrier3A = arith.constant 0 : index
    tpu.barrier barrier_id(%barrier3A)
    %dma_start3A = arith.constant 0 : i32
    %dma_start3A_9 = arith.constant 0 : i32
    %dma_start3A_10 = arith.constant 0 : i32
    %dma_start3A_11 = arith.constant 0 : i32
    %dma_start3A_12 = tpu.memref_slice %arg9[%dma_start3A_9, %dma_start3A_10, %dma_start3A_11] : memref<2x16x2048xf32, #tpu.memory_space<vmem>> -> memref<1x16x2048xf32, #tpu.memory_space<vmem>>
    %dma_start3A_13 = tpu.memref_squeeze %dma_start3A_12 : memref<1x16x2048xf32, #tpu.memory_space<vmem>> -> memref<16x2048xf32, #tpu.memory_space<vmem>>
    %dma_start3A_14 = arith.constant 0 : i32
    %dma_start3A_15 = tpu.memref_slice %arg7[%dma_start3A, %dma_start3A_14] : memref<640x16xi32, #tpu.memory_space<vmem>> -> memref<1x16xi32, #tpu.memory_space<vmem>>
    %dma_start3A_16 = tpu.memref_squeeze %dma_start3A_15 : memref<1x16xi32, #tpu.memory_space<vmem>> -> memref<16xi32, #tpu.memory_space<vmem>>
    %dma_start3A_17 = arith.constant 0 : i32
    %dma_start3A_18 = arith.constant 0 : i32
    %dma_start3A_19 = tpu.memref_slice %arg2[%dma_start3A_17, %dma_start3A_18] : memref<20480x2048xf32, #tpu.memory_space<hbm>> -> memref<20480x2048xf32, #tpu.memory_space<hbm>>
    tpu.enqueue_indirect_dma source(%dma_start3A_19 : memref<20480x2048xf32, #tpu.memory_space<hbm>>) target(%dma_start3A_13 : memref<16x2048xf32, #tpu.memory_space<vmem>>) offsets(%dma_start3A_16 : memref<16xi32, #tpu.memory_space<vmem>>) semaphore(%arg13 : memref<!tpu.dma_semaphore, #tpu.memory_space<semaphore_mem>>)
    %iota3A = tpu.iota {dimensions = array<i32: 0>} : vector<16xi32>
    %xor3A = arith.constant 8 : i32
    %xor3A_20 = vector.broadcast %xor3A : i32 to vector<16xi32>
    %xor3A_21 = arith.xori %iota3A, %xor3A_20 : vector<16xi32>
    %iota3A_22 = tpu.iota {dimensions = array<i32: 0>} : vector<16xi32>
    %xor3A_23 = arith.constant 4 : i32
    %xor3A_24 = vector.broadcast %xor3A_23 : i32 to vector<16xi32>
    %xor3A_25 = arith.xori %iota3A_22, %xor3A_24 : vector<16xi32>
    %iota3A_26 = tpu.iota {dimensions = array<i32: 0>} : vector<16xi32>
    %xor3A_27 = arith.constant 2 : i32
    %xor3A_28 = vector.broadcast %xor3A_27 : i32 to vector<16xi32>
    %xor3A_29 = arith.xori %iota3A_26, %xor3A_28 : vector<16xi32>
    %iota3A_30 = tpu.iota {dimensions = array<i32: 0>} : vector<16xi32>
    %xor3A_31 = arith.constant 1 : i32
    %xor3A_32 = vector.broadcast %xor3A_31 : i32 to vector<16xi32>
    %xor3A_33 = arith.xori %iota3A_30, %xor3A_32 : vector<16xi32>
    %broadcast_in_dim3A = arith.constant 0.000000e+00 : f32
    %broadcast_in_dim3A_34 = vector.broadcast %broadcast_in_dim3A : f32 to vector<16xf32>
    %scan3A_35 = arith.constant 0 : i32
    %scan3A_36 = arith.constant 0 : i32
    %scan3A_37 = arith.constant 320 : i32
    %scan3A_38 = arith.addi %scan3A_36, %scan3A_37 : i32
    %scan3A_39 = arith.constant 1 : i32
    %scan3A_40 = scf.for %scan3A_104 = %scan3A_36 to %scan3A_38 step %scan3A_39 iter_args(%scan3A_105 = %scan3A_35) -> (i32)  : i32 {
      %mul3A_106 = arith.constant 2 : i32
      %mul3A_107 = arith.muli %scan3A_104, %mul3A_106 : i32
      %add3A_108 = arith.constant 0 : i32
      %add3A_109 = arith.addi %mul3A_107, %add3A_108 : i32
      %shift_right_arithmetic3A = arith.constant 3 : i32
      %shift_right_arithmetic3A_110 = arith.shrsi %add3A_109, %shift_right_arithmetic3A : i32
      %and3A = arith.constant 1 : i32
      %and3A_111 = arith.andi %shift_right_arithmetic3A_110, %and3A : i32
      %and3A_112 = arith.constant 7 : i32
      %and3A_113 = arith.andi %add3A_109, %and3A_112 : i32
      %eq3A = arith.constant 0 : i32
      %eq3A_114 = arith.cmpi eq, %and3A_113, %eq3A : i32
      %convert_element_type3A = arith.extui %eq3A_114 : i1 to i32
      %cond3A = arith.constant 0 : i32
      %cond3A_115 = arith.cmpi ne, %convert_element_type3A, %cond3A : i32
      scf.if %cond3A_115 {
        %ge3A = arith.constant 2 : i32
        %ge3A_195 = arith.cmpi sge, %shift_right_arithmetic3A_110, %ge3A : i32
        %convert_element_type3A_196 = arith.extui %ge3A_195 : i1 to i32
        %cond3A_197 = arith.constant 0 : i32
        %cond3A_198 = arith.cmpi ne, %convert_element_type3A_196, %cond3A_197 : i32
        scf.if %cond3A_198 {
          %dma_wait3A_199 = arith.constant 0 : i32
          %dma_wait3A_200 = arith.constant 0 : i32
          %dma_wait3A_201 = tpu.memref_slice %arg10[%and3A_111, %dma_wait3A_199, %dma_wait3A_200] : memref<2x64x16xf32, #tpu.memory_space<vmem>> -> memref<1x64x16xf32, #tpu.memory_space<vmem>>
          %dma_wait3A_202 = tpu.memref_squeeze %dma_wait3A_201 : memref<1x64x16xf32, #tpu.memory_space<vmem>> -> memref<64x16xf32, #tpu.memory_space<vmem>>
          %dma_wait3A_203 = arith.constant 0 : i32
          %dma_wait3A_204 = tpu.memref_slice %arg8[%shift_right_arithmetic3A_110, %dma_wait3A_203] : memref<80x64xi32, #tpu.memory_space<vmem>> -> memref<1x64xi32, #tpu.memory_space<vmem>>
          %dma_wait3A_205 = tpu.memref_squeeze %dma_wait3A_204 : memref<1x64xi32, #tpu.memory_space<vmem>> -> memref<64xi32, #tpu.memory_space<vmem>>
          %dma_wait3A_206 = arith.constant 0 : i32
          %dma_wait3A_207 = arith.constant 0 : i32
          %dma_wait3A_208 = tpu.memref_slice %arg12[%dma_wait3A_206, %dma_wait3A_207] : memref<10112x16xf32, #tpu.memory_space<vmem_shared>> -> memref<10112x16xf32, #tpu.memory_space<vmem_shared>>
          tpu.wait_indirect_dma semaphore(%arg15 : memref<!tpu.dma_semaphore, #tpu.memory_space<semaphore_mem>>) src(%dma_wait3A_202 : memref<64x16xf32, #tpu.memory_space<vmem>>) dst(%dma_wait3A_208 : memref<10112x16xf32, #tpu.memory_space<vmem_shared>>)
          %mul3A_209 = arith.constant 5120 : i32
          %mul3A_210 = arith.muli %add3A, %mul3A_209 : i32
          %mul3A_211 = arith.constant 64 : i32
          %mul3A_212 = arith.muli %shift_right_arithmetic3A_110, %mul3A_211 : i32
          %add3A_213 = arith.addi %mul3A_210, %mul3A_212 : i32
          %dma_wait3A_214 = arith.constant 0 : i32
          %dma_wait3A_215 = arith.constant 0 : i32
          %dma_wait3A_216 = tpu.memref_slice %arg10[%and3A_111, %dma_wait3A_214, %dma_wait3A_215] : memref<2x64x16xf32, #tpu.memory_space<vmem>> -> memref<1x64x16xf32, #tpu.memory_space<vmem>>
          %dma_wait3A_217 = tpu.memref_squeeze %dma_wait3A_216 : memref<1x64x16xf32, #tpu.memory_space<vmem>> -> memref<64x16xf32, #tpu.memory_space<vmem>>
          %dma_wait3A_218 = arith.constant 0 : i32
          %dma_wait3A_219 = tpu.memref_slice %arg5[%add3A_213, %dma_wait3A_218] : memref<163840x16xf32, #tpu.memory_space<hbm>> -> memref<64x16xf32, #tpu.memory_space<hbm>>
          %dma_wait3A_220 = arith.constant 0 : i32
          %dma_wait3A_221 = tpu.memref_slice %arg5[%add3A_213, %dma_wait3A_220] : memref<163840x16xf32, #tpu.memory_space<hbm>> -> memref<64x16xf32, #tpu.memory_space<hbm>>
          %dma_wait3A_222 = arith.constant 0 : i32
          %dma_wait3A_223 = arith.constant 0 : i32
          %dma_wait3A_224 = tpu.memref_slice %arg10[%and3A_111, %dma_wait3A_222, %dma_wait3A_223] : memref<2x64x16xf32, #tpu.memory_space<vmem>> -> memref<1x64x16xf32, #tpu.memory_space<vmem>>
          %dma_wait3A_225 = tpu.memref_squeeze %dma_wait3A_224 : memref<1x64x16xf32, #tpu.memory_space<vmem>> -> memref<64x16xf32, #tpu.memory_space<vmem>>
          tpu.wait_dma2 semaphore(%arg16 : memref<!tpu.dma_semaphore, #tpu.memory_space<semaphore_mem>>) src(%dma_wait3A_225 : memref<64x16xf32, #tpu.memory_space<vmem>>) dst(%dma_wait3A_221 : memref<64x16xf32, #tpu.memory_space<hbm>>)
        } else {
        }
      } else {
      }
      %add3A_116 = arith.constant 1 : i32
      %add3A_117 = arith.addi %add3A_109, %add3A_116 : i32
      %lt3A = arith.constant 640 : i32
      %lt3A_118 = arith.cmpi slt, %add3A_117, %lt3A : i32
      %convert_element_type3A_119 = arith.extui %lt3A_118 : i1 to i32
      %cond3A_120 = arith.constant 0 : i32
      %cond3A_121 = arith.cmpi ne, %convert_element_type3A_119, %cond3A_120 : i32
      scf.if %cond3A_121 {
        %add3A_195 = arith.constant 1 : i32
        %add3A_196 = arith.addi %add3A_109, %add3A_195 : i32
        %dma_start3A_197 = arith.constant 1 : i32
        %dma_start3A_198 = arith.constant 0 : i32
        %dma_start3A_199 = arith.constant 0 : i32
        %dma_start3A_200 = tpu.memref_slice %arg9[%dma_start3A_197, %dma_start3A_198, %dma_start3A_199] : memref<2x16x2048xf32, #tpu.memory_space<vmem>> -> memref<1x16x2048xf32, #tpu.memory_space<vmem>>
        %dma_start3A_201 = tpu.memref_squeeze %dma_start3A_200 : memref<1x16x2048xf32, #tpu.memory_space<vmem>> -> memref<16x2048xf32, #tpu.memory_space<vmem>>
        %dma_start3A_202 = arith.constant 0 : i32
        %dma_start3A_203 = tpu.memref_slice %arg7[%add3A_196, %dma_start3A_202] : memref<640x16xi32, #tpu.memory_space<vmem>> -> memref<1x16xi32, #tpu.memory_space<vmem>>
        %dma_start3A_204 = tpu.memref_squeeze %dma_start3A_203 : memref<1x16xi32, #tpu.memory_space<vmem>> -> memref<16xi32, #tpu.memory_space<vmem>>
        %dma_start3A_205 = arith.constant 0 : i32
        %dma_start3A_206 = arith.constant 0 : i32
        %dma_start3A_207 = tpu.memref_slice %arg2[%dma_start3A_205, %dma_start3A_206] : memref<20480x2048xf32, #tpu.memory_space<hbm>> -> memref<20480x2048xf32, #tpu.memory_space<hbm>>
        tpu.enqueue_indirect_dma source(%dma_start3A_207 : memref<20480x2048xf32, #tpu.memory_space<hbm>>) target(%dma_start3A_201 : memref<16x2048xf32, #tpu.memory_space<vmem>>) offsets(%dma_start3A_204 : memref<16xi32, #tpu.memory_space<vmem>>) semaphore(%arg14 : memref<!tpu.dma_semaphore, #tpu.memory_space<semaphore_mem>>)
      } else {
      }
      %dma_wait3A_122 = arith.constant 0 : i32
      %dma_wait3A_123 = arith.constant 0 : i32
      %dma_wait3A_124 = arith.constant 0 : i32
      %dma_wait3A_125 = tpu.memref_slice %arg9[%dma_wait3A_122, %dma_wait3A_123, %dma_wait3A_124] : memref<2x16x2048xf32, #tpu.memory_space<vmem>> -> memref<1x16x2048xf32, #tpu.memory_space<vmem>>
      %dma_wait3A_126 = tpu.memref_squeeze %dma_wait3A_125 : memref<1x16x2048xf32, #tpu.memory_space<vmem>> -> memref<16x2048xf32, #tpu.memory_space<vmem>>
      %dma_wait3A_127 = arith.constant 0 : i32
      %dma_wait3A_128 = tpu.memref_slice %arg7[%add3A_109, %dma_wait3A_127] : memref<640x16xi32, #tpu.memory_space<vmem>> -> memref<1x16xi32, #tpu.memory_space<vmem>>
      %dma_wait3A_129 = tpu.memref_squeeze %dma_wait3A_128 : memref<1x16xi32, #tpu.memory_space<vmem>> -> memref<16xi32, #tpu.memory_space<vmem>>
      %dma_wait3A_130 = arith.constant 0 : i32
      %dma_wait3A_131 = arith.constant 0 : i32
      %dma_wait3A_132 = tpu.memref_slice %arg2[%dma_wait3A_130, %dma_wait3A_131] : memref<20480x2048xf32, #tpu.memory_space<hbm>> -> memref<20480x2048xf32, #tpu.memory_space<hbm>>
      tpu.wait_indirect_dma semaphore(%arg13 : memref<!tpu.dma_semaphore, #tpu.memory_space<semaphore_mem>>) src(%dma_wait3A_132 : memref<20480x2048xf32, #tpu.memory_space<hbm>>) dst(%dma_wait3A_126 : memref<16x2048xf32, #tpu.memory_space<vmem>>)
      %scan3A_133 = arith.constant 0 : i32
      %scan3A_134 = arith.constant 0 : i32
      %scan3A_135 = arith.constant 8 : i32
      %scan3A_136 = arith.addi %scan3A_134, %scan3A_135 : i32
      %scan3A_137 = arith.constant 1 : i32
      %scan3A_138 = scf.for %scan3A_195 = %scan3A_134 to %scan3A_136 step %scan3A_137 iter_args(%scan3A_196 = %scan3A_133) -> (i32)  : i32 {
        %scan3A_197 = arith.constant 0 : i32
        %scan3A_198 = arith.constant 8 : i32
        %scan3A_199 = arith.addi %scan3A_197, %scan3A_198 : i32
        %scan3A_200 = arith.constant 1 : i32
        %scan3A_201 = scf.for %scan3A_217 = %scan3A_197 to %scan3A_199 step %scan3A_200 iter_args(%scan3A_218 = %broadcast_in_dim3A_34) -> (vector<16xf32>)  : i32 {
          %mul3A_219 = arith.constant 2 : i32
          %mul3A_220 = arith.muli %mul3A_219, %scan3A_195 : i32
          %mul3A_221 = arith.constant 256 : i32
          %mul3A_222 = arith.muli %scan3A_217, %mul3A_221 : i32
          %get3A = arith.constant 0 : i32
          %get3A_223 = arith.index_cast %get3A : i32 to index
          %get3A_224 = arith.index_cast %mul3A_220 : i32 to index
          %get3A_225 = arith.index_cast %mul3A_222 : i32 to index
          %get3A_226 = tpu.vector_load %arg9[%get3A_223, %get3A_224, %get3A_225] {strides = array<i32>} : memref<2x16x2048xf32, #tpu.memory_space<vmem>>, vector<1x1x16xf32>,
          %get3A_227 = vector.shape_cast %get3A_226 : vector<1x1x16xf32> to vector<16xf32>
          %mul3A_228 = arith.constant 2 : i32
          %mul3A_229 = arith.muli %mul3A_228, %scan3A_195 : i32
          %add3A_230 = arith.constant 1 : i32
          %add3A_231 = arith.addi %mul3A_229, %add3A_230 : i32
          %mul3A_232 = arith.constant 256 : i32
          %mul3A_233 = arith.muli %scan3A_217, %mul3A_232 : i32
          %get3A_234 = arith.constant 0 : i32
          %get3A_235 = arith.index_cast %get3A_234 : i32 to index
          %get3A_236 = arith.index_cast %add3A_231 : i32 to index
          %get3A_237 = arith.index_cast %mul3A_233 : i32 to index
          %get3A_238 = tpu.vector_load %arg9[%get3A_235, %get3A_236, %get3A_237] {strides = array<i32>} : memref<2x16x2048xf32, #tpu.memory_space<vmem>>, vector<1x1x16xf32>,
          %get3A_239 = vector.shape_cast %get3A_238 : vector<1x1x16xf32> to vector<16xf32>
          %mul3A_240 = arith.mulf %get3A_227, %get3A_239 : vector<16xf32>
          %mul3A_241 = arith.constant 2 : i32
          %mul3A_242 = arith.muli %mul3A_241, %scan3A_195 : i32
          %mul3A_243 = arith.constant 256 : i32
          %mul3A_244 = arith.muli %scan3A_217, %mul3A_243 : i32
          %add3A_245 = arith.constant 16 : i32
          %add3A_246 = arith.addi %mul3A_244, %add3A_245 : i32
          %get3A_247 = arith.constant 0 : i32
          %get3A_248 = arith.index_cast %get3A_247 : i32 to index
          %get3A_249 = arith.index_cast %mul3A_242 : i32 to index
          %get3A_250 = arith.index_cast %add3A_246 : i32 to index
          %get3A_251 = tpu.vector_load %arg9[%get3A_248, %get3A_249, %get3A_250] {strides = array<i32>} : memref<2x16x2048xf32, #tpu.memory_space<vmem>>, vector<1x1x16xf32>,
          %get3A_252 = vector.shape_cast %get3A_251 : vector<1x1x16xf32> to vector<16xf32>
          %mul3A_253 = arith.constant 2 : i32
          %mul3A_254 = arith.muli %mul3A_253, %scan3A_195 : i32
          %add3A_255 = arith.constant 1 : i32
          %add3A_256 = arith.addi %mul3A_254, %add3A_255 : i32
          %mul3A_257 = arith.constant 256 : i32
          %mul3A_258 = arith.muli %scan3A_217, %mul3A_257 : i32
          %add3A_259 = arith.constant 16 : i32
          %add3A_260 = arith.addi %mul3A_258, %add3A_259 : i32
          %get3A_261 = arith.constant 0 : i32
          %get3A_262 = arith.index_cast %get3A_261 : i32 to index
          %get3A_263 = arith.index_cast %add3A_256 : i32 to index
          %get3A_264 = arith.index_cast %add3A_260 : i32 to index
          %get3A_265 = tpu.vector_load %arg9[%get3A_262, %get3A_263, %get3A_264] {strides = array<i32>} : memref<2x16x2048xf32, #tpu.memory_space<vmem>>, vector<1x1x16xf32>,
          %get3A_266 = vector.shape_cast %get3A_265 : vector<1x1x16xf32> to vector<16xf32>
          %mul3A_267 = arith.mulf %get3A_252, %get3A_266 : vector<16xf32>
          %add3A_268 = arith.addf %mul3A_240, %mul3A_267 : vector<16xf32>
          %mul3A_269 = arith.constant 2 : i32
          %mul3A_270 = arith.muli %mul3A_269, %scan3A_195 : i32
          %mul3A_271 = arith.constant 256 : i32
          %mul3A_272 = arith.muli %scan3A_217, %mul3A_271 : i32
          %add3A_273 = arith.constant 32 : i32
          %add3A_274 = arith.addi %mul3A_272, %add3A_273 : i32
          %get3A_275 = arith.constant 0 : i32
          %get3A_276 = arith.index_cast %get3A_275 : i32 to index
          %get3A_277 = arith.index_cast %mul3A_270 : i32 to index
          %get3A_278 = arith.index_cast %add3A_274 : i32 to index
          %get3A_279 = tpu.vector_load %arg9[%get3A_276, %get3A_277, %get3A_278] {strides = array<i32>} : memref<2x16x2048xf32, #tpu.memory_space<vmem>>, vector<1x1x16xf32>,
          %get3A_280 = vector.shape_cast %get3A_279 : vector<1x1x16xf32> to vector<16xf32>
          %mul3A_281 = arith.constant 2 : i32
          %mul3A_282 = arith.muli %mul3A_281, %scan3A_195 : i32
          %add3A_283 = arith.constant 1 : i32
          %add3A_284 = arith.addi %mul3A_282, %add3A_283 : i32
          %mul3A_285 = arith.constant 256 : i32
          %mul3A_286 = arith.muli %scan3A_217, %mul3A_285 : i32
          %add3A_287 = arith.constant 32 : i32
          %add3A_288 = arith.addi %mul3A_286, %add3A_287 : i32
          %get3A_289 = arith.constant 0 : i32
          %get3A_290 = arith.index_cast %get3A_289 : i32 to index
          %get3A_291 = arith.index_cast %add3A_284 : i32 to index
          %get3A_292 = arith.index_cast %add3A_288 : i32 to index
          %get3A_293 = tpu.vector_load %arg9[%get3A_290, %get3A_291, %get3A_292] {strides = array<i32>} : memref<2x16x2048xf32, #tpu.memory_space<vmem>>, vector<1x1x16xf32>,
          %get3A_294 = vector.shape_cast %get3A_293 : vector<1x1x16xf32> to vector<16xf32>
          %mul3A_295 = arith.mulf %get3A_280, %get3A_294 : vector<16xf32>
          %add3A_296 = arith.addf %add3A_268, %mul3A_295 : vector<16xf32>
          %mul3A_297 = arith.constant 2 : i32
          %mul3A_298 = arith.muli %mul3A_297, %scan3A_195 : i32
          %mul3A_299 = arith.constant 256 : i32
          %mul3A_300 = arith.muli %scan3A_217, %mul3A_299 : i32
          %add3A_301 = arith.constant 48 : i32
          %add3A_302 = arith.addi %mul3A_300, %add3A_301 : i32
          %get3A_303 = arith.constant 0 : i32
          %get3A_304 = arith.index_cast %get3A_303 : i32 to index
          %get3A_305 = arith.index_cast %mul3A_298 : i32 to index
          %get3A_306 = arith.index_cast %add3A_302 : i32 to index
          %get3A_307 = tpu.vector_load %arg9[%get3A_304, %get3A_305, %get3A_306] {strides = array<i32>} : memref<2x16x2048xf32, #tpu.memory_space<vmem>>, vector<1x1x16xf32>,
          %get3A_308 = vector.shape_cast %get3A_307 : vector<1x1x16xf32> to vector<16xf32>
          %mul3A_309 = arith.constant 2 : i32
          %mul3A_310 = arith.muli %mul3A_309, %scan3A_195 : i32
          %add3A_311 = arith.constant 1 : i32
          %add3A_312 = arith.addi %mul3A_310, %add3A_311 : i32
          %mul3A_313 = arith.constant 256 : i32
          %mul3A_314 = arith.muli %scan3A_217, %mul3A_313 : i32
          %add3A_315 = arith.constant 48 : i32
          %add3A_316 = arith.addi %mul3A_314, %add3A_315 : i32
          %get3A_317 = arith.constant 0 : i32
          %get3A_318 = arith.index_cast %get3A_317 : i32 to index
          %get3A_319 = arith.index_cast %add3A_312 : i32 to index
          %get3A_320 = arith.index_cast %add3A_316 : i32 to index
          %get3A_321 = tpu.vector_load %arg9[%get3A_318, %get3A_319, %get3A_320] {strides = array<i32>} : memref<2x16x2048xf32, #tpu.memory_space<vmem>>, vector<1x1x16xf32>,
          %get3A_322 = vector.shape_cast %get3A_321 : vector<1x1x16xf32> to vector<16xf32>
          %mul3A_323 = arith.mulf %get3A_308, %get3A_322 : vector<16xf32>
          %add3A_324 = arith.addf %add3A_296, %mul3A_323 : vector<16xf32>
          %mul3A_325 = arith.constant 2 : i32
          %mul3A_326 = arith.muli %mul3A_325, %scan3A_195 : i32
          %mul3A_327 = arith.constant 256 : i32
          %mul3A_328 = arith.muli %scan3A_217, %mul3A_327 : i32
          %add3A_329 = arith.constant 64 : i32
          %add3A_330 = arith.addi %mul3A_328, %add3A_329 : i32
          %get3A_331 = arith.constant 0 : i32
          %get3A_332 = arith.index_cast %get3A_331 : i32 to index
          %get3A_333 = arith.index_cast %mul3A_326 : i32 to index
          %get3A_334 = arith.index_cast %add3A_330 : i32 to index
          %get3A_335 = tpu.vector_load %arg9[%get3A_332, %get3A_333, %get3A_334] {strides = array<i32>} : memref<2x16x2048xf32, #tpu.memory_space<vmem>>, vector<1x1x16xf32>,
          %get3A_336 = vector.shape_cast %get3A_335 : vector<1x1x16xf32> to vector<16xf32>
          %mul3A_337 = arith.constant 2 : i32
          %mul3A_338 = arith.muli %mul3A_337, %scan3A_195 : i32
          %add3A_339 = arith.constant 1 : i32
          %add3A_340 = arith.addi %mul3A_338, %add3A_339 : i32
          %mul3A_341 = arith.constant 256 : i32
          %mul3A_342 = arith.muli %scan3A_217, %mul3A_341 : i32
          %add3A_343 = arith.constant 64 : i32
          %add3A_344 = arith.addi %mul3A_342, %add3A_343 : i32
          %get3A_345 = arith.constant 0 : i32
          %get3A_346 = arith.index_cast %get3A_345 : i32 to index
          %get3A_347 = arith.index_cast %add3A_340 : i32 to index
          %get3A_348 = arith.index_cast %add3A_344 : i32 to index
          %get3A_349 = tpu.vector_load %arg9[%get3A_346, %get3A_347, %get3A_348] {strides = array<i32>} : memref<2x16x2048xf32, #tpu.memory_space<vmem>>, vector<1x1x16xf32>,
          %get3A_350 = vector.shape_cast %get3A_349 : vector<1x1x16xf32> to vector<16xf32>
          %mul3A_351 = arith.mulf %get3A_336, %get3A_350 : vector<16xf32>
          %add3A_352 = arith.addf %add3A_324, %mul3A_351 : vector<16xf32>
          %mul3A_353 = arith.constant 2 : i32
          %mul3A_354 = arith.muli %mul3A_353, %scan3A_195 : i32
          %mul3A_355 = arith.constant 256 : i32
          %mul3A_356 = arith.muli %scan3A_217, %mul3A_355 : i32
          %add3A_357 = arith.constant 80 : i32
          %add3A_358 = arith.addi %mul3A_356, %add3A_357 : i32
          %get3A_359 = arith.constant 0 : i32
          %get3A_360 = arith.index_cast %get3A_359 : i32 to index
          %get3A_361 = arith.index_cast %mul3A_354 : i32 to index
          %get3A_362 = arith.index_cast %add3A_358 : i32 to index
          %get3A_363 = tpu.vector_load %arg9[%get3A_360, %get3A_361, %get3A_362] {strides = array<i32>} : memref<2x16x2048xf32, #tpu.memory_space<vmem>>, vector<1x1x16xf32>,
          %get3A_364 = vector.shape_cast %get3A_363 : vector<1x1x16xf32> to vector<16xf32>
          %mul3A_365 = arith.constant 2 : i32
          %mul3A_366 = arith.muli %mul3A_365, %scan3A_195 : i32
          %add3A_367 = arith.constant 1 : i32
          %add3A_368 = arith.addi %mul3A_366, %add3A_367 : i32
          %mul3A_369 = arith.constant 256 : i32
          %mul3A_370 = arith.muli %scan3A_217, %mul3A_369 : i32
          %add3A_371 = arith.constant 80 : i32
          %add3A_372 = arith.addi %mul3A_370, %add3A_371 : i32
          %get3A_373 = arith.constant 0 : i32
          %get3A_374 = arith.index_cast %get3A_373 : i32 to index
          %get3A_375 = arith.index_cast %add3A_368 : i32 to index
          %get3A_376 = arith.index_cast %add3A_372 : i32 to index
          %get3A_377 = tpu.vector_load %arg9[%get3A_374, %get3A_375, %get3A_376] {strides = array<i32>} : memref<2x16x2048xf32, #tpu.memory_space<vmem>>, vector<1x1x16xf32>,
          %get3A_378 = vector.shape_cast %get3A_377 : vector<1x1x16xf32> to vector<16xf32>
          %mul3A_379 = arith.mulf %get3A_364, %get3A_378 : vector<16xf32>
          %add3A_380 = arith.addf %add3A_352, %mul3A_379 : vector<16xf32>
          %mul3A_381 = arith.constant 2 : i32
          %mul3A_382 = arith.muli %mul3A_381, %scan3A_195 : i32
          %mul3A_383 = arith.constant 256 : i32
          %mul3A_384 = arith.muli %scan3A_217, %mul3A_383 : i32
          %add3A_385 = arith.constant 96 : i32
          %add3A_386 = arith.addi %mul3A_384, %add3A_385 : i32
          %get3A_387 = arith.constant 0 : i32
          %get3A_388 = arith.index_cast %get3A_387 : i32 to index
          %get3A_389 = arith.index_cast %mul3A_382 : i32 to index
          %get3A_390 = arith.index_cast %add3A_386 : i32 to index
          %get3A_391 = tpu.vector_load %arg9[%get3A_388, %get3A_389, %get3A_390] {strides = array<i32>} : memref<2x16x2048xf32, #tpu.memory_space<vmem>>, vector<1x1x16xf32>,
          %get3A_392 = vector.shape_cast %get3A_391 : vector<1x1x16xf32> to vector<16xf32>
          %mul3A_393 = arith.constant 2 : i32
          %mul3A_394 = arith.muli %mul3A_393, %scan3A_195 : i32
          %add3A_395 = arith.constant 1 : i32
          %add3A_396 = arith.addi %mul3A_394, %add3A_395 : i32
          %mul3A_397 = arith.constant 256 : i32
          %mul3A_398 = arith.muli %scan3A_217, %mul3A_397 : i32
          %add3A_399 = arith.constant 96 : i32
          %add3A_400 = arith.addi %mul3A_398, %add3A_399 : i32
          %get3A_401 = arith.constant 0 : i32
          %get3A_402 = arith.index_cast %get3A_401 : i32 to index
          %get3A_403 = arith.index_cast %add3A_396 : i32 to index
          %get3A_404 = arith.index_cast %add3A_400 : i32 to index
          %get3A_405 = tpu.vector_load %arg9[%get3A_402, %get3A_403, %get3A_404] {strides = array<i32>} : memref<2x16x2048xf32, #tpu.memory_space<vmem>>, vector<1x1x16xf32>,
          %get3A_406 = vector.shape_cast %get3A_405 : vector<1x1x16xf32> to vector<16xf32>
          %mul3A_407 = arith.mulf %get3A_392, %get3A_406 : vector<16xf32>
          %add3A_408 = arith.addf %add3A_380, %mul3A_407 : vector<16xf32>
          %mul3A_409 = arith.constant 2 : i32
          %mul3A_410 = arith.muli %mul3A_409, %scan3A_195 : i32
          %mul3A_411 = arith.constant 256 : i32
          %mul3A_412 = arith.muli %scan3A_217, %mul3A_411 : i32
          %add3A_413 = arith.constant 112 : i32
          %add3A_414 = arith.addi %mul3A_412, %add3A_413 : i32
          %get3A_415 = arith.constant 0 : i32
          %get3A_416 = arith.index_cast %get3A_415 : i32 to index
          %get3A_417 = arith.index_cast %mul3A_410 : i32 to index
          %get3A_418 = arith.index_cast %add3A_414 : i32 to index
          %get3A_419 = tpu.vector_load %arg9[%get3A_416, %get3A_417, %get3A_418] {strides = array<i32>} : memref<2x16x2048xf32, #tpu.memory_space<vmem>>, vector<1x1x16xf32>,
          %get3A_420 = vector.shape_cast %get3A_419 : vector<1x1x16xf32> to vector<16xf32>
          %mul3A_421 = arith.constant 2 : i32
          %mul3A_422 = arith.muli %mul3A_421, %scan3A_195 : i32
          %add3A_423 = arith.constant 1 : i32
          %add3A_424 = arith.addi %mul3A_422, %add3A_423 : i32
          %mul3A_425 = arith.constant 256 : i32
          %mul3A_426 = arith.muli %scan3A_217, %mul3A_425 : i32
          %add3A_427 = arith.constant 112 : i32
          %add3A_428 = arith.addi %mul3A_426, %add3A_427 : i32
          %get3A_429 = arith.constant 0 : i32
          %get3A_430 = arith.index_cast %get3A_429 : i32 to index
          %get3A_431 = arith.index_cast %add3A_424 : i32 to index
          %get3A_432 = arith.index_cast %add3A_428 : i32 to index
          %get3A_433 = tpu.vector_load %arg9[%get3A_430, %get3A_431, %get3A_432] {strides = array<i32>} : memref<2x16x2048xf32, #tpu.memory_space<vmem>>, vector<1x1x16xf32>,
          %get3A_434 = vector.shape_cast %get3A_433 : vector<1x1x16xf32> to vector<16xf32>
          %mul3A_435 = arith.mulf %get3A_420, %get3A_434 : vector<16xf32>
          %add3A_436 = arith.addf %add3A_408, %mul3A_435 : vector<16xf32>
          %mul3A_437 = arith.constant 2 : i32
          %mul3A_438 = arith.muli %mul3A_437, %scan3A_195 : i32
          %mul3A_439 = arith.constant 256 : i32
          %mul3A_440 = arith.muli %scan3A_217, %mul3A_439 : i32
          %add3A_441 = arith.constant 128 : i32
          %add3A_442 = arith.addi %mul3A_440, %add3A_441 : i32
          %get3A_443 = arith.constant 0 : i32
          %get3A_444 = arith.index_cast %get3A_443 : i32 to index
          %get3A_445 = arith.index_cast %mul3A_438 : i32 to index
          %get3A_446 = arith.index_cast %add3A_442 : i32 to index
          %get3A_447 = tpu.vector_load %arg9[%get3A_444, %get3A_445, %get3A_446] {strides = array<i32>} : memref<2x16x2048xf32, #tpu.memory_space<vmem>>, vector<1x1x16xf32>,
          %get3A_448 = vector.shape_cast %get3A_447 : vector<1x1x16xf32> to vector<16xf32>
          %mul3A_449 = arith.constant 2 : i32
          %mul3A_450 = arith.muli %mul3A_449, %scan3A_195 : i32
          %add3A_451 = arith.constant 1 : i32
          %add3A_452 = arith.addi %mul3A_450, %add3A_451 : i32
          %mul3A_453 = arith.constant 256 : i32
          %mul3A_454 = arith.muli %scan3A_217, %mul3A_453 : i32
          %add3A_455 = arith.constant 128 : i32
          %add3A_456 = arith.addi %mul3A_454, %add3A_455 : i32
          %get3A_457 = arith.constant 0 : i32
          %get3A_458 = arith.index_cast %get3A_457 : i32 to index
          %get3A_459 = arith.index_cast %add3A_452 : i32 to index
          %get3A_460 = arith.index_cast %add3A_456 : i32 to index
          %get3A_461 = tpu.vector_load %arg9[%get3A_458, %get3A_459, %get3A_460] {strides = array<i32>} : memref<2x16x2048xf32, #tpu.memory_space<vmem>>, vector<1x1x16xf32>,
          %get3A_462 = vector.shape_cast %get3A_461 : vector<1x1x16xf32> to vector<16xf32>
          %mul3A_463 = arith.mulf %get3A_448, %get3A_462 : vector<16xf32>
          %add3A_464 = arith.addf %add3A_436, %mul3A_463 : vector<16xf32>
          %mul3A_465 = arith.constant 2 : i32
          %mul3A_466 = arith.muli %mul3A_465, %scan3A_195 : i32
          %mul3A_467 = arith.constant 256 : i32
          %mul3A_468 = arith.muli %scan3A_217, %mul3A_467 : i32
          %add3A_469 = arith.constant 144 : i32
          %add3A_470 = arith.addi %mul3A_468, %add3A_469 : i32
          %get3A_471 = arith.constant 0 : i32
          %get3A_472 = arith.index_cast %get3A_471 : i32 to index
          %get3A_473 = arith.index_cast %mul3A_466 : i32 to index
          %get3A_474 = arith.index_cast %add3A_470 : i32 to index
          %get3A_475 = tpu.vector_load %arg9[%get3A_472, %get3A_473, %get3A_474] {strides = array<i32>} : memref<2x16x2048xf32, #tpu.memory_space<vmem>>, vector<1x1x16xf32>,
          %get3A_476 = vector.shape_cast %get3A_475 : vector<1x1x16xf32> to vector<16xf32>
          %mul3A_477 = arith.constant 2 : i32
          %mul3A_478 = arith.muli %mul3A_477, %scan3A_195 : i32
          %add3A_479 = arith.constant 1 : i32
          %add3A_480 = arith.addi %mul3A_478, %add3A_479 : i32
          %mul3A_481 = arith.constant 256 : i32
          %mul3A_482 = arith.muli %scan3A_217, %mul3A_481 : i32
          %add3A_483 = arith.constant 144 : i32
          %add3A_484 = arith.addi %mul3A_482, %add3A_483 : i32
          %get3A_485 = arith.constant 0 : i32
          %get3A_486 = arith.index_cast %get3A_485 : i32 to index
          %get3A_487 = arith.index_cast %add3A_480 : i32 to index
          %get3A_488 = arith.index_cast %add3A_484 : i32 to index
          %get3A_489 = tpu.vector_load %arg9[%get3A_486, %get3A_487, %get3A_488] {strides = array<i32>} : memref<2x16x2048xf32, #tpu.memory_space<vmem>>, vector<1x1x16xf32>,
          %get3A_490 = vector.shape_cast %get3A_489 : vector<1x1x16xf32> to vector<16xf32>
          %mul3A_491 = arith.mulf %get3A_476, %get3A_490 : vector<16xf32>
          %add3A_492 = arith.addf %add3A_464, %mul3A_491 : vector<16xf32>
          %mul3A_493 = arith.constant 2 : i32
          %mul3A_494 = arith.muli %mul3A_493, %scan3A_195 : i32
          %mul3A_495 = arith.constant 256 : i32
          %mul3A_496 = arith.muli %scan3A_217, %mul3A_495 : i32
          %add3A_497 = arith.constant 160 : i32
          %add3A_498 = arith.addi %mul3A_496, %add3A_497 : i32
          %get3A_499 = arith.constant 0 : i32
          %get3A_500 = arith.index_cast %get3A_499 : i32 to index
          %get3A_501 = arith.index_cast %mul3A_494 : i32 to index
          %get3A_502 = arith.index_cast %add3A_498 : i32 to index
          %get3A_503 = tpu.vector_load %arg9[%get3A_500, %get3A_501, %get3A_502] {strides = array<i32>} : memref<2x16x2048xf32, #tpu.memory_space<vmem>>, vector<1x1x16xf32>,
          %get3A_504 = vector.shape_cast %get3A_503 : vector<1x1x16xf32> to vector<16xf32>
          %mul3A_505 = arith.constant 2 : i32
          %mul3A_506 = arith.muli %mul3A_505, %scan3A_195 : i32
          %add3A_507 = arith.constant 1 : i32
          %add3A_508 = arith.addi %mul3A_506, %add3A_507 : i32
          %mul3A_509 = arith.constant 256 : i32
          %mul3A_510 = arith.muli %scan3A_217, %mul3A_509 : i32
          %add3A_511 = arith.constant 160 : i32
          %add3A_512 = arith.addi %mul3A_510, %add3A_511 : i32
          %get3A_513 = arith.constant 0 : i32
          %get3A_514 = arith.index_cast %get3A_513 : i32 to index
          %get3A_515 = arith.index_cast %add3A_508 : i32 to index
          %get3A_516 = arith.index_cast %add3A_512 : i32 to index
          %get3A_517 = tpu.vector_load %arg9[%get3A_514, %get3A_515, %get3A_516] {strides = array<i32>} : memref<2x16x2048xf32, #tpu.memory_space<vmem>>, vector<1x1x16xf32>,
          %get3A_518 = vector.shape_cast %get3A_517 : vector<1x1x16xf32> to vector<16xf32>
          %mul3A_519 = arith.mulf %get3A_504, %get3A_518 : vector<16xf32>
          %add3A_520 = arith.addf %add3A_492, %mul3A_519 : vector<16xf32>
          %mul3A_521 = arith.constant 2 : i32
          %mul3A_522 = arith.muli %mul3A_521, %scan3A_195 : i32
          %mul3A_523 = arith.constant 256 : i32
          %mul3A_524 = arith.muli %scan3A_217, %mul3A_523 : i32
          %add3A_525 = arith.constant 176 : i32
          %add3A_526 = arith.addi %mul3A_524, %add3A_525 : i32
          %get3A_527 = arith.constant 0 : i32
          %get3A_528 = arith.index_cast %get3A_527 : i32 to index
          %get3A_529 = arith.index_cast %mul3A_522 : i32 to index
          %get3A_530 = arith.index_cast %add3A_526 : i32 to index
          %get3A_531 = tpu.vector_load %arg9[%get3A_528, %get3A_529, %get3A_530] {strides = array<i32>} : memref<2x16x2048xf32, #tpu.memory_space<vmem>>, vector<1x1x16xf32>,
          %get3A_532 = vector.shape_cast %get3A_531 : vector<1x1x16xf32> to vector<16xf32>
          %mul3A_533 = arith.constant 2 : i32
          %mul3A_534 = arith.muli %mul3A_533, %scan3A_195 : i32
          %add3A_535 = arith.constant 1 : i32
          %add3A_536 = arith.addi %mul3A_534, %add3A_535 : i32
          %mul3A_537 = arith.constant 256 : i32
          %mul3A_538 = arith.muli %scan3A_217, %mul3A_537 : i32
          %add3A_539 = arith.constant 176 : i32
          %add3A_540 = arith.addi %mul3A_538, %add3A_539 : i32
          %get3A_541 = arith.constant 0 : i32
          %get3A_542 = arith.index_cast %get3A_541 : i32 to index
          %get3A_543 = arith.index_cast %add3A_536 : i32 to index
          %get3A_544 = arith.index_cast %add3A_540 : i32 to index
          %get3A_545 = tpu.vector_load %arg9[%get3A_542, %get3A_543, %get3A_544] {strides = array<i32>} : memref<2x16x2048xf32, #tpu.memory_space<vmem>>, vector<1x1x16xf32>,
          %get3A_546 = vector.shape_cast %get3A_545 : vector<1x1x16xf32> to vector<16xf32>
          %mul3A_547 = arith.mulf %get3A_532, %get3A_546 : vector<16xf32>
          %add3A_548 = arith.addf %add3A_520, %mul3A_547 : vector<16xf32>
          %mul3A_549 = arith.constant 2 : i32
          %mul3A_550 = arith.muli %mul3A_549, %scan3A_195 : i32
          %mul3A_551 = arith.constant 256 : i32
          %mul3A_552 = arith.muli %scan3A_217, %mul3A_551 : i32
          %add3A_553 = arith.constant 192 : i32
          %add3A_554 = arith.addi %mul3A_552, %add3A_553 : i32
          %get3A_555 = arith.constant 0 : i32
          %get3A_556 = arith.index_cast %get3A_555 : i32 to index
          %get3A_557 = arith.index_cast %mul3A_550 : i32 to index
          %get3A_558 = arith.index_cast %add3A_554 : i32 to index
          %get3A_559 = tpu.vector_load %arg9[%get3A_556, %get3A_557, %get3A_558] {strides = array<i32>} : memref<2x16x2048xf32, #tpu.memory_space<vmem>>, vector<1x1x16xf32>,
          %get3A_560 = vector.shape_cast %get3A_559 : vector<1x1x16xf32> to vector<16xf32>
          %mul3A_561 = arith.constant 2 : i32
          %mul3A_562 = arith.muli %mul3A_561, %scan3A_195 : i32
          %add3A_563 = arith.constant 1 : i32
          %add3A_564 = arith.addi %mul3A_562, %add3A_563 : i32
          %mul3A_565 = arith.constant 256 : i32
          %mul3A_566 = arith.muli %scan3A_217, %mul3A_565 : i32
          %add3A_567 = arith.constant 192 : i32
          %add3A_568 = arith.addi %mul3A_566, %add3A_567 : i32
          %get3A_569 = arith.constant 0 : i32
          %get3A_570 = arith.index_cast %get3A_569 : i32 to index
          %get3A_571 = arith.index_cast %add3A_564 : i32 to index
          %get3A_572 = arith.index_cast %add3A_568 : i32 to index
          %get3A_573 = tpu.vector_load %arg9[%get3A_570, %get3A_571, %get3A_572] {strides = array<i32>} : memref<2x16x2048xf32, #tpu.memory_space<vmem>>, vector<1x1x16xf32>,
          %get3A_574 = vector.shape_cast %get3A_573 : vector<1x1x16xf32> to vector<16xf32>
          %mul3A_575 = arith.mulf %get3A_560, %get3A_574 : vector<16xf32>
          %add3A_576 = arith.addf %add3A_548, %mul3A_575 : vector<16xf32>
          %mul3A_577 = arith.constant 2 : i32
          %mul3A_578 = arith.muli %mul3A_577, %scan3A_195 : i32
          %mul3A_579 = arith.constant 256 : i32
          %mul3A_580 = arith.muli %scan3A_217, %mul3A_579 : i32
          %add3A_581 = arith.constant 208 : i32
          %add3A_582 = arith.addi %mul3A_580, %add3A_581 : i32
          %get3A_583 = arith.constant 0 : i32
          %get3A_584 = arith.index_cast %get3A_583 : i32 to index
          %get3A_585 = arith.index_cast %mul3A_578 : i32 to index
          %get3A_586 = arith.index_cast %add3A_582 : i32 to index
          %get3A_587 = tpu.vector_load %arg9[%get3A_584, %get3A_585, %get3A_586] {strides = array<i32>} : memref<2x16x2048xf32, #tpu.memory_space<vmem>>, vector<1x1x16xf32>,
          %get3A_588 = vector.shape_cast %get3A_587 : vector<1x1x16xf32> to vector<16xf32>
          %mul3A_589 = arith.constant 2 : i32
          %mul3A_590 = arith.muli %mul3A_589, %scan3A_195 : i32
          %add3A_591 = arith.constant 1 : i32
          %add3A_592 = arith.addi %mul3A_590, %add3A_591 : i32
          %mul3A_593 = arith.constant 256 : i32
          %mul3A_594 = arith.muli %scan3A_217, %mul3A_593 : i32
          %add3A_595 = arith.constant 208 : i32
          %add3A_596 = arith.addi %mul3A_594, %add3A_595 : i32
          %get3A_597 = arith.constant 0 : i32
          %get3A_598 = arith.index_cast %get3A_597 : i32 to index
          %get3A_599 = arith.index_cast %add3A_592 : i32 to index
          %get3A_600 = arith.index_cast %add3A_596 : i32 to index
          %get3A_601 = tpu.vector_load %arg9[%get3A_598, %get3A_599, %get3A_600] {strides = array<i32>} : memref<2x16x2048xf32, #tpu.memory_space<vmem>>, vector<1x1x16xf32>,
          %get3A_602 = vector.shape_cast %get3A_601 : vector<1x1x16xf32> to vector<16xf32>
          %mul3A_603 = arith.mulf %get3A_588, %get3A_602 : vector<16xf32>
          %add3A_604 = arith.addf %add3A_576, %mul3A_603 : vector<16xf32>
          %mul3A_605 = arith.constant 2 : i32
          %mul3A_606 = arith.muli %mul3A_605, %scan3A_195 : i32
          %mul3A_607 = arith.constant 256 : i32
          %mul3A_608 = arith.muli %scan3A_217, %mul3A_607 : i32
          %add3A_609 = arith.constant 224 : i32
          %add3A_610 = arith.addi %mul3A_608, %add3A_609 : i32
          %get3A_611 = arith.constant 0 : i32
          %get3A_612 = arith.index_cast %get3A_611 : i32 to index
          %get3A_613 = arith.index_cast %mul3A_606 : i32 to index
          %get3A_614 = arith.index_cast %add3A_610 : i32 to index
          %get3A_615 = tpu.vector_load %arg9[%get3A_612, %get3A_613, %get3A_614] {strides = array<i32>} : memref<2x16x2048xf32, #tpu.memory_space<vmem>>, vector<1x1x16xf32>,
          %get3A_616 = vector.shape_cast %get3A_615 : vector<1x1x16xf32> to vector<16xf32>
          %mul3A_617 = arith.constant 2 : i32
          %mul3A_618 = arith.muli %mul3A_617, %scan3A_195 : i32
          %add3A_619 = arith.constant 1 : i32
          %add3A_620 = arith.addi %mul3A_618, %add3A_619 : i32
          %mul3A_621 = arith.constant 256 : i32
          %mul3A_622 = arith.muli %scan3A_217, %mul3A_621 : i32
          %add3A_623 = arith.constant 224 : i32
          %add3A_624 = arith.addi %mul3A_622, %add3A_623 : i32
          %get3A_625 = arith.constant 0 : i32
          %get3A_626 = arith.index_cast %get3A_625 : i32 to index
          %get3A_627 = arith.index_cast %add3A_620 : i32 to index
          %get3A_628 = arith.index_cast %add3A_624 : i32 to index
          %get3A_629 = tpu.vector_load %arg9[%get3A_626, %get3A_627, %get3A_628] {strides = array<i32>} : memref<2x16x2048xf32, #tpu.memory_space<vmem>>, vector<1x1x16xf32>,
          %get3A_630 = vector.shape_cast %get3A_629 : vector<1x1x16xf32> to vector<16xf32>
          %mul3A_631 = arith.mulf %get3A_616, %get3A_630 : vector<16xf32>
          %add3A_632 = arith.addf %add3A_604, %mul3A_631 : vector<16xf32>
          %mul3A_633 = arith.constant 2 : i32
          %mul3A_634 = arith.muli %mul3A_633, %scan3A_195 : i32
          %mul3A_635 = arith.constant 256 : i32
          %mul3A_636 = arith.muli %scan3A_217, %mul3A_635 : i32
          %add3A_637 = arith.constant 240 : i32
          %add3A_638 = arith.addi %mul3A_636, %add3A_637 : i32
          %get3A_639 = arith.constant 0 : i32
          %get3A_640 = arith.index_cast %get3A_639 : i32 to index
          %get3A_641 = arith.index_cast %mul3A_634 : i32 to index
          %get3A_642 = arith.index_cast %add3A_638 : i32 to index
          %get3A_643 = tpu.vector_load %arg9[%get3A_640, %get3A_641, %get3A_642] {strides = array<i32>} : memref<2x16x2048xf32, #tpu.memory_space<vmem>>, vector<1x1x16xf32>,
          %get3A_644 = vector.shape_cast %get3A_643 : vector<1x1x16xf32> to vector<16xf32>
          %mul3A_645 = arith.constant 2 : i32
          %mul3A_646 = arith.muli %mul3A_645, %scan3A_195 : i32
          %add3A_647 = arith.constant 1 : i32
          %add3A_648 = arith.addi %mul3A_646, %add3A_647 : i32
          %mul3A_649 = arith.constant 256 : i32
          %mul3A_650 = arith.muli %scan3A_217, %mul3A_649 : i32
          %add3A_651 = arith.constant 240 : i32
          %add3A_652 = arith.addi %mul3A_650, %add3A_651 : i32
          %get3A_653 = arith.constant 0 : i32
          %get3A_654 = arith.index_cast %get3A_653 : i32 to index
          %get3A_655 = arith.index_cast %add3A_648 : i32 to index
          %get3A_656 = arith.index_cast %add3A_652 : i32 to index
          %get3A_657 = tpu.vector_load %arg9[%get3A_654, %get3A_655, %get3A_656] {strides = array<i32>} : memref<2x16x2048xf32, #tpu.memory_space<vmem>>, vector<1x1x16xf32>,
          %get3A_658 = vector.shape_cast %get3A_657 : vector<1x1x16xf32> to vector<16xf32>
          %mul3A_659 = arith.mulf %get3A_644, %get3A_658 : vector<16xf32>
          %add3A_660 = arith.addf %add3A_632, %mul3A_659 : vector<16xf32>
          %broadcast_in_dim3A_661 = vector.shape_cast %xor3A_21 : vector<16xi32> to vector<16x1xi32>
          %gather3A = vector.shape_cast %broadcast_in_dim3A_661 : vector<16x1xi32> to vector<16xi32>
          %gather3A_662 = tpu.dynamic_gather %add3A_660[%gather3A] in [0] : vector<16xf32>, vector<16xi32> -> vector<16xf32>
          %add3A_663 = arith.addf %add3A_660, %gather3A_662 : vector<16xf32>
          %broadcast_in_dim3A_664 = vector.shape_cast %xor3A_25 : vector<16xi32> to vector<16x1xi32>
          %gather3A_665 = vector.shape_cast %broadcast_in_dim3A_664 : vector<16x1xi32> to vector<16xi32>
          %gather3A_666 = tpu.dynamic_gather %add3A_663[%gather3A_665] in [0] : vector<16xf32>, vector<16xi32> -> vector<16xf32>
          %add3A_667 = arith.addf %add3A_663, %gather3A_666 : vector<16xf32>
          %broadcast_in_dim3A_668 = vector.shape_cast %xor3A_29 : vector<16xi32> to vector<16x1xi32>
          %gather3A_669 = vector.shape_cast %broadcast_in_dim3A_668 : vector<16x1xi32> to vector<16xi32>
          %gather3A_670 = tpu.dynamic_gather %add3A_667[%gather3A_669] in [0] : vector<16xf32>, vector<16xi32> -> vector<16xf32>
          %add3A_671 = arith.addf %add3A_667, %gather3A_670 : vector<16xf32>
          %broadcast_in_dim3A_672 = vector.shape_cast %xor3A_33 : vector<16xi32> to vector<16x1xi32>
          %gather3A_673 = vector.shape_cast %broadcast_in_dim3A_672 : vector<16x1xi32> to vector<16xi32>
          %gather3A_674 = tpu.dynamic_gather %add3A_671[%gather3A_673] in [0] : vector<16xf32>, vector<16xi32> -> vector<16xf32>
          %add3A_675 = arith.addf %add3A_671, %gather3A_674 : vector<16xf32>
          %iota3A_676 = tpu.iota {dimensions = array<i32: 0>} : vector<16xi32>
          %eq3A_677 = vector.broadcast %scan3A_217 : i32 to vector<16xi32>
          %eq3A_678 = arith.cmpi eq, %iota3A_676, %eq3A_677 : vector<16xi32>
          %select_n3A = arith.select %eq3A_678, %add3A_675, %scan3A_218 : vector<16xi1>, vector<16xf32>
          scf.yield %select_n3A : vector<16xf32>
        }
        %scan3A_202 = arith.constant 8 : i32
        %mul3A_203 = arith.constant 6.250000e-02 : f32
        %mul3A_204 = vector.broadcast %mul3A_203 : f32 to vector<16xf32>
        %mul3A_205 = arith.mulf %scan3A_201, %mul3A_204 : vector<16xf32>
        %exp3A = math.exp %mul3A_205 : vector<16xf32>
        %and3A_206 = arith.constant 7 : i32
        %and3A_207 = arith.andi %add3A_109, %and3A_206 : i32
        %mul3A_208 = arith.constant 8 : i32
        %mul3A_209 = arith.muli %and3A_207, %mul3A_208 : i32
        %add3A_210 = arith.addi %mul3A_209, %scan3A_195 : i32
        %swap3A = arith.index_cast %and3A_111 : i32 to index
        %swap3A_211 = arith.index_cast %add3A_210 : i32 to index
        %swap3A_212 = arith.constant 0 : index
        %swap3A_213 = tpu.vector_load %arg10[%swap3A, %swap3A_211, %swap3A_212] {strides = array<i32>} : memref<2x64x16xf32, #tpu.memory_space<vmem>>, vector<1x1x16xf32>,
        %swap3A_214 = vector.shape_cast %swap3A_213 : vector<1x1x16xf32> to vector<16xf32>
        %swap3A_215 = vector.shape_cast %exp3A : vector<16xf32> to vector<1x1x16xf32>
        tpu.vector_store %arg10[%swap3A, %swap3A_211, %swap3A_212], %swap3A_215 {strides = array<i32>} : memref<2x64x16xf32, #tpu.memory_space<vmem>>, vector<1x1x16xf32>,
        %scan3A_216 = arith.constant 0 : i32
        scf.yield %scan3A_216 : i32
      }
      %scan3A_139 = arith.constant 8 : i32
      %and3A_140 = arith.constant 7 : i32
      %and3A_141 = arith.andi %add3A_109, %and3A_140 : i32
      %eq3A_142 = arith.constant 7 : i32
      %eq3A_143 = arith.cmpi eq, %and3A_141, %eq3A_142 : i32
      %convert_element_type3A_144 = arith.extui %eq3A_143 : i1 to i32
      %cond3A_145 = arith.constant 0 : i32
      %cond3A_146 = arith.cmpi ne, %convert_element_type3A_144, %cond3A_145 : i32
      scf.if %cond3A_146 {
        %dma_start3A_195 = arith.constant 0 : i32
        %dma_start3A_196 = arith.constant 0 : i32
        %dma_start3A_197 = tpu.memref_slice %arg10[%and3A_111, %dma_start3A_195, %dma_start3A_196] : memref<2x64x16xf32, #tpu.memory_space<vmem>> -> memref<1x64x16xf32, #tpu.memory_space<vmem>>
        %dma_start3A_198 = tpu.memref_squeeze %dma_start3A_197 : memref<1x64x16xf32, #tpu.memory_space<vmem>> -> memref<64x16xf32, #tpu.memory_space<vmem>>
        %dma_start3A_199 = arith.constant 0 : i32
        %dma_start3A_200 = tpu.memref_slice %arg8[%shift_right_arithmetic3A_110, %dma_start3A_199] : memref<80x64xi32, #tpu.memory_space<vmem>> -> memref<1x64xi32, #tpu.memory_space<vmem>>
        %dma_start3A_201 = tpu.memref_squeeze %dma_start3A_200 : memref<1x64xi32, #tpu.memory_space<vmem>> -> memref<64xi32, #tpu.memory_space<vmem>>
        %dma_start3A_202 = arith.constant 0 : i32
        %dma_start3A_203 = arith.constant 0 : i32
        %dma_start3A_204 = tpu.memref_slice %arg12[%dma_start3A_202, %dma_start3A_203] : memref<10112x16xf32, #tpu.memory_space<vmem_shared>> -> memref<10112x16xf32, #tpu.memory_space<vmem_shared>>
        tpu.enqueue_indirect_dma source(%dma_start3A_198 : memref<64x16xf32, #tpu.memory_space<vmem>>) target(%dma_start3A_204 : memref<10112x16xf32, #tpu.memory_space<vmem_shared>>) offsets(%dma_start3A_201 : memref<64xi32, #tpu.memory_space<vmem>>) semaphore(%arg15 : memref<!tpu.dma_semaphore, #tpu.memory_space<semaphore_mem>>) {add = true}
        %mul3A_205 = arith.constant 5120 : i32
        %mul3A_206 = arith.muli %add3A, %mul3A_205 : i32
        %mul3A_207 = arith.constant 64 : i32
        %mul3A_208 = arith.muli %shift_right_arithmetic3A_110, %mul3A_207 : i32
        %add3A_209 = arith.addi %mul3A_206, %mul3A_208 : i32
        %dma_start3A_210 = arith.constant 0 : i32
        %dma_start3A_211 = arith.constant 0 : i32
        %dma_start3A_212 = tpu.memref_slice %arg10[%and3A_111, %dma_start3A_210, %dma_start3A_211] : memref<2x64x16xf32, #tpu.memory_space<vmem>> -> memref<1x64x16xf32, #tpu.memory_space<vmem>>
        %dma_start3A_213 = tpu.memref_squeeze %dma_start3A_212 : memref<1x64x16xf32, #tpu.memory_space<vmem>> -> memref<64x16xf32, #tpu.memory_space<vmem>>
        %dma_start3A_214 = arith.constant 0 : i32
        %dma_start3A_215 = tpu.memref_slice %arg5[%add3A_209, %dma_start3A_214] : memref<163840x16xf32, #tpu.memory_space<hbm>> -> memref<64x16xf32, #tpu.memory_space<hbm>>
        %dma_start3A_216 = arith.constant 0 : i32
        %dma_start3A_217 = tpu.memref_slice %arg5[%add3A_209, %dma_start3A_216] : memref<163840x16xf32, #tpu.memory_space<hbm>> -> memref<64x16xf32, #tpu.memory_space<hbm>>
        %dma_start3A_218 = arith.constant 0 : i32
        %dma_start3A_219 = arith.constant 0 : i32
        %dma_start3A_220 = tpu.memref_slice %arg10[%and3A_111, %dma_start3A_218, %dma_start3A_219] : memref<2x64x16xf32, #tpu.memory_space<vmem>> -> memref<1x64x16xf32, #tpu.memory_space<vmem>>
        %dma_start3A_221 = tpu.memref_squeeze %dma_start3A_220 : memref<1x64x16xf32, #tpu.memory_space<vmem>> -> memref<64x16xf32, #tpu.memory_space<vmem>>
        tpu.enqueue_dma source(%dma_start3A_221 : memref<64x16xf32, #tpu.memory_space<vmem>>) target(%dma_start3A_217 : memref<64x16xf32, #tpu.memory_space<hbm>>) target_semaphore(%arg16 : memref<!tpu.dma_semaphore, #tpu.memory_space<semaphore_mem>>)
      } else {
      }
      %mul3A_147 = arith.constant 2 : i32
      %mul3A_148 = arith.muli %scan3A_104, %mul3A_147 : i32
      %add3A_149 = arith.constant 1 : i32
      %add3A_150 = arith.addi %mul3A_148, %add3A_149 : i32
      %shift_right_arithmetic3A_151 = arith.constant 3 : i32
      %shift_right_arithmetic3A_152 = arith.shrsi %add3A_150, %shift_right_arithmetic3A_151 : i32
      %and3A_153 = arith.constant 1 : i32
      %and3A_154 = arith.andi %shift_right_arithmetic3A_152, %and3A_153 : i32
      %and3A_155 = arith.constant 7 : i32
      %and3A_156 = arith.andi %add3A_150, %and3A_155 : i32
      %eq3A_157 = arith.constant 0 : i32
      %eq3A_158 = arith.cmpi eq, %and3A_156, %eq3A_157 : i32
      %convert_element_type3A_159 = arith.extui %eq3A_158 : i1 to i32
      %cond3A_160 = arith.constant 0 : i32
      %cond3A_161 = arith.cmpi ne, %convert_element_type3A_159, %cond3A_160 : i32
      scf.if %cond3A_161 {
        %ge3A = arith.constant 2 : i32
        %ge3A_195 = arith.cmpi sge, %shift_right_arithmetic3A_152, %ge3A : i32
        %convert_element_type3A_196 = arith.extui %ge3A_195 : i1 to i32
        %cond3A_197 = arith.constant 0 : i32
        %cond3A_198 = arith.cmpi ne, %convert_element_type3A_196, %cond3A_197 : i32
        scf.if %cond3A_198 {
          %dma_wait3A_199 = arith.constant 0 : i32
          %dma_wait3A_200 = arith.constant 0 : i32
          %dma_wait3A_201 = tpu.memref_slice %arg10[%and3A_154, %dma_wait3A_199, %dma_wait3A_200] : memref<2x64x16xf32, #tpu.memory_space<vmem>> -> memref<1x64x16xf32, #tpu.memory_space<vmem>>
          %dma_wait3A_202 = tpu.memref_squeeze %dma_wait3A_201 : memref<1x64x16xf32, #tpu.memory_space<vmem>> -> memref<64x16xf32, #tpu.memory_space<vmem>>
          %dma_wait3A_203 = arith.constant 0 : i32
          %dma_wait3A_204 = tpu.memref_slice %arg8[%shift_right_arithmetic3A_152, %dma_wait3A_203] : memref<80x64xi32, #tpu.memory_space<vmem>> -> memref<1x64xi32, #tpu.memory_space<vmem>>
          %dma_wait3A_205 = tpu.memref_squeeze %dma_wait3A_204 : memref<1x64xi32, #tpu.memory_space<vmem>> -> memref<64xi32, #tpu.memory_space<vmem>>
          %dma_wait3A_206 = arith.constant 0 : i32
          %dma_wait3A_207 = arith.constant 0 : i32
          %dma_wait3A_208 = tpu.memref_slice %arg12[%dma_wait3A_206, %dma_wait3A_207] : memref<10112x16xf32, #tpu.memory_space<vmem_shared>> -> memref<10112x16xf32, #tpu.memory_space<vmem_shared>>
          tpu.wait_indirect_dma semaphore(%arg15 : memref<!tpu.dma_semaphore, #tpu.memory_space<semaphore_mem>>) src(%dma_wait3A_202 : memref<64x16xf32, #tpu.memory_space<vmem>>) dst(%dma_wait3A_208 : memref<10112x16xf32, #tpu.memory_space<vmem_shared>>)
          %mul3A_209 = arith.constant 5120 : i32
          %mul3A_210 = arith.muli %add3A, %mul3A_209 : i32
          %mul3A_211 = arith.constant 64 : i32
          %mul3A_212 = arith.muli %shift_right_arithmetic3A_152, %mul3A_211 : i32
          %add3A_213 = arith.addi %mul3A_210, %mul3A_212 : i32
          %dma_wait3A_214 = arith.constant 0 : i32
          %dma_wait3A_215 = arith.constant 0 : i32
          %dma_wait3A_216 = tpu.memref_slice %arg10[%and3A_154, %dma_wait3A_214, %dma_wait3A_215] : memref<2x64x16xf32, #tpu.memory_space<vmem>> -> memref<1x64x16xf32, #tpu.memory_space<vmem>>
          %dma_wait3A_217 = tpu.memref_squeeze %dma_wait3A_216 : memref<1x64x16xf32, #tpu.memory_space<vmem>> -> memref<64x16xf32, #tpu.memory_space<vmem>>
          %dma_wait3A_218 = arith.constant 0 : i32
          %dma_wait3A_219 = tpu.memref_slice %arg5[%add3A_213, %dma_wait3A_218] : memref<163840x16xf32, #tpu.memory_space<hbm>> -> memref<64x16xf32, #tpu.memory_space<hbm>>
          %dma_wait3A_220 = arith.constant 0 : i32
          %dma_wait3A_221 = tpu.memref_slice %arg5[%add3A_213, %dma_wait3A_220] : memref<163840x16xf32, #tpu.memory_space<hbm>> -> memref<64x16xf32, #tpu.memory_space<hbm>>
          %dma_wait3A_222 = arith.constant 0 : i32
          %dma_wait3A_223 = arith.constant 0 : i32
          %dma_wait3A_224 = tpu.memref_slice %arg10[%and3A_154, %dma_wait3A_222, %dma_wait3A_223] : memref<2x64x16xf32, #tpu.memory_space<vmem>> -> memref<1x64x16xf32, #tpu.memory_space<vmem>>
          %dma_wait3A_225 = tpu.memref_squeeze %dma_wait3A_224 : memref<1x64x16xf32, #tpu.memory_space<vmem>> -> memref<64x16xf32, #tpu.memory_space<vmem>>
          tpu.wait_dma2 semaphore(%arg16 : memref<!tpu.dma_semaphore, #tpu.memory_space<semaphore_mem>>) src(%dma_wait3A_225 : memref<64x16xf32, #tpu.memory_space<vmem>>) dst(%dma_wait3A_221 : memref<64x16xf32, #tpu.memory_space<hbm>>)
        } else {
        }
      } else {
      }
      %add3A_162 = arith.constant 1 : i32
      %add3A_163 = arith.addi %add3A_150, %add3A_162 : i32
      %lt3A_164 = arith.constant 640 : i32
      %lt3A_165 = arith.cmpi slt, %add3A_163, %lt3A_164 : i32
      %convert_element_type3A_166 = arith.extui %lt3A_165 : i1 to i32
      %cond3A_167 = arith.constant 0 : i32
      %cond3A_168 = arith.cmpi ne, %convert_element_type3A_166, %cond3A_167 : i32
      scf.if %cond3A_168 {
        %add3A_195 = arith.constant 1 : i32
        %add3A_196 = arith.addi %add3A_150, %add3A_195 : i32
        %dma_start3A_197 = arith.constant 0 : i32
        %dma_start3A_198 = arith.constant 0 : i32
        %dma_start3A_199 = arith.constant 0 : i32
        %dma_start3A_200 = tpu.memref_slice %arg9[%dma_start3A_197, %dma_start3A_198, %dma_start3A_199] : memref<2x16x2048xf32, #tpu.memory_space<vmem>> -> memref<1x16x2048xf32, #tpu.memory_space<vmem>>
        %dma_start3A_201 = tpu.memref_squeeze %dma_start3A_200 : memref<1x16x2048xf32, #tpu.memory_space<vmem>> -> memref<16x2048xf32, #tpu.memory_space<vmem>>
        %dma_start3A_202 = arith.constant 0 : i32
        %dma_start3A_203 = tpu.memref_slice %arg7[%add3A_196, %dma_start3A_202] : memref<640x16xi32, #tpu.memory_space<vmem>> -> memref<1x16xi32, #tpu.memory_space<vmem>>
        %dma_start3A_204 = tpu.memref_squeeze %dma_start3A_203 : memref<1x16xi32, #tpu.memory_space<vmem>> -> memref<16xi32, #tpu.memory_space<vmem>>
        %dma_start3A_205 = arith.constant 0 : i32
        %dma_start3A_206 = arith.constant 0 : i32
        %dma_start3A_207 = tpu.memref_slice %arg2[%dma_start3A_205, %dma_start3A_206] : memref<20480x2048xf32, #tpu.memory_space<hbm>> -> memref<20480x2048xf32, #tpu.memory_space<hbm>>
        tpu.enqueue_indirect_dma source(%dma_start3A_207 : memref<20480x2048xf32, #tpu.memory_space<hbm>>) target(%dma_start3A_201 : memref<16x2048xf32, #tpu.memory_space<vmem>>) offsets(%dma_start3A_204 : memref<16xi32, #tpu.memory_space<vmem>>) semaphore(%arg13 : memref<!tpu.dma_semaphore, #tpu.memory_space<semaphore_mem>>)
      } else {
      }
      %dma_wait3A_169 = arith.constant 1 : i32
      %dma_wait3A_170 = arith.constant 0 : i32
      %dma_wait3A_171 = arith.constant 0 : i32
      %dma_wait3A_172 = tpu.memref_slice %arg9[%dma_wait3A_169, %dma_wait3A_170, %dma_wait3A_171] : memref<2x16x2048xf32, #tpu.memory_space<vmem>> -> memref<1x16x2048xf32, #tpu.memory_space<vmem>>
      %dma_wait3A_173 = tpu.memref_squeeze %dma_wait3A_172 : memref<1x16x2048xf32, #tpu.memory_space<vmem>> -> memref<16x2048xf32, #tpu.memory_space<vmem>>
      %dma_wait3A_174 = arith.constant 0 : i32
      %dma_wait3A_175 = tpu.memref_slice %arg7[%add3A_150, %dma_wait3A_174] : memref<640x16xi32, #tpu.memory_space<vmem>> -> memref<1x16xi32, #tpu.memory_space<vmem>>
      %dma_wait3A_176 = tpu.memref_squeeze %dma_wait3A_175 : memref<1x16xi32, #tpu.memory_space<vmem>> -> memref<16xi32, #tpu.memory_space<vmem>>
      %dma_wait3A_177 = arith.constant 0 : i32
      %dma_wait3A_178 = arith.constant 0 : i32
      %dma_wait3A_179 = tpu.memref_slice %arg2[%dma_wait3A_177, %dma_wait3A_178] : memref<20480x2048xf32, #tpu.memory_space<hbm>> -> memref<20480x2048xf32, #tpu.memory_space<hbm>>
      tpu.wait_indirect_dma semaphore(%arg14 : memref<!tpu.dma_semaphore, #tpu.memory_space<semaphore_mem>>) src(%dma_wait3A_179 : memref<20480x2048xf32, #tpu.memory_space<hbm>>) dst(%dma_wait3A_173 : memref<16x2048xf32, #tpu.memory_space<vmem>>)
      %scan3A_180 = arith.constant 0 : i32
      %scan3A_181 = arith.constant 0 : i32
      %scan3A_182 = arith.constant 8 : i32
      %scan3A_183 = arith.addi %scan3A_181, %scan3A_182 : i32
      %scan3A_184 = arith.constant 1 : i32
      %scan3A_185 = scf.for %scan3A_195 = %scan3A_181 to %scan3A_183 step %scan3A_184 iter_args(%scan3A_196 = %scan3A_180) -> (i32)  : i32 {
        %scan3A_197 = arith.constant 0 : i32
        %scan3A_198 = arith.constant 8 : i32
        %scan3A_199 = arith.addi %scan3A_197, %scan3A_198 : i32
        %scan3A_200 = arith.constant 1 : i32
        %scan3A_201 = scf.for %scan3A_217 = %scan3A_197 to %scan3A_199 step %scan3A_200 iter_args(%scan3A_218 = %broadcast_in_dim3A_34) -> (vector<16xf32>)  : i32 {
          %mul3A_219 = arith.constant 2 : i32
          %mul3A_220 = arith.muli %mul3A_219, %scan3A_195 : i32
          %mul3A_221 = arith.constant 256 : i32
          %mul3A_222 = arith.muli %scan3A_217, %mul3A_221 : i32
          %get3A = arith.constant 1 : i32
          %get3A_223 = arith.index_cast %get3A : i32 to index
          %get3A_224 = arith.index_cast %mul3A_220 : i32 to index
          %get3A_225 = arith.index_cast %mul3A_222 : i32 to index
          %get3A_226 = tpu.vector_load %arg9[%get3A_223, %get3A_224, %get3A_225] {strides = array<i32>} : memref<2x16x2048xf32, #tpu.memory_space<vmem>>, vector<1x1x16xf32>,
          %get3A_227 = vector.shape_cast %get3A_226 : vector<1x1x16xf32> to vector<16xf32>
          %mul3A_228 = arith.constant 2 : i32
          %mul3A_229 = arith.muli %mul3A_228, %scan3A_195 : i32
          %add3A_230 = arith.constant 1 : i32
          %add3A_231 = arith.addi %mul3A_229, %add3A_230 : i32
          %mul3A_232 = arith.constant 256 : i32
          %mul3A_233 = arith.muli %scan3A_217, %mul3A_232 : i32
          %get3A_234 = arith.constant 1 : i32
          %get3A_235 = arith.index_cast %get3A_234 : i32 to index
          %get3A_236 = arith.index_cast %add3A_231 : i32 to index
          %get3A_237 = arith.index_cast %mul3A_233 : i32 to index
          %get3A_238 = tpu.vector_load %arg9[%get3A_235, %get3A_236, %get3A_237] {strides = array<i32>} : memref<2x16x2048xf32, #tpu.memory_space<vmem>>, vector<1x1x16xf32>,
          %get3A_239 = vector.shape_cast %get3A_238 : vector<1x1x16xf32> to vector<16xf32>
          %mul3A_240 = arith.mulf %get3A_227, %get3A_239 : vector<16xf32>
          %mul3A_241 = arith.constant 2 : i32
          %mul3A_242 = arith.muli %mul3A_241, %scan3A_195 : i32
          %mul3A_243 = arith.constant 256 : i32
          %mul3A_244 = arith.muli %scan3A_217, %mul3A_243 : i32
          %add3A_245 = arith.constant 16 : i32
          %add3A_246 = arith.addi %mul3A_244, %add3A_245 : i32
          %get3A_247 = arith.constant 1 : i32
          %get3A_248 = arith.index_cast %get3A_247 : i32 to index
          %get3A_249 = arith.index_cast %mul3A_242 : i32 to index
          %get3A_250 = arith.index_cast %add3A_246 : i32 to index
          %get3A_251 = tpu.vector_load %arg9[%get3A_248, %get3A_249, %get3A_250] {strides = array<i32>} : memref<2x16x2048xf32, #tpu.memory_space<vmem>>, vector<1x1x16xf32>,
          %get3A_252 = vector.shape_cast %get3A_251 : vector<1x1x16xf32> to vector<16xf32>
          %mul3A_253 = arith.constant 2 : i32
          %mul3A_254 = arith.muli %mul3A_253, %scan3A_195 : i32
          %add3A_255 = arith.constant 1 : i32
          %add3A_256 = arith.addi %mul3A_254, %add3A_255 : i32
          %mul3A_257 = arith.constant 256 : i32
          %mul3A_258 = arith.muli %scan3A_217, %mul3A_257 : i32
          %add3A_259 = arith.constant 16 : i32
          %add3A_260 = arith.addi %mul3A_258, %add3A_259 : i32
          %get3A_261 = arith.constant 1 : i32
          %get3A_262 = arith.index_cast %get3A_261 : i32 to index
          %get3A_263 = arith.index_cast %add3A_256 : i32 to index
          %get3A_264 = arith.index_cast %add3A_260 : i32 to index
          %get3A_265 = tpu.vector_load %arg9[%get3A_262, %get3A_263, %get3A_264] {strides = array<i32>} : memref<2x16x2048xf32, #tpu.memory_space<vmem>>, vector<1x1x16xf32>,
          %get3A_266 = vector.shape_cast %get3A_265 : vector<1x1x16xf32> to vector<16xf32>
          %mul3A_267 = arith.mulf %get3A_252, %get3A_266 : vector<16xf32>
          %add3A_268 = arith.addf %mul3A_240, %mul3A_267 : vector<16xf32>
          %mul3A_269 = arith.constant 2 : i32
          %mul3A_270 = arith.muli %mul3A_269, %scan3A_195 : i32
          %mul3A_271 = arith.constant 256 : i32
          %mul3A_272 = arith.muli %scan3A_217, %mul3A_271 : i32
          %add3A_273 = arith.constant 32 : i32
          %add3A_274 = arith.addi %mul3A_272, %add3A_273 : i32
          %get3A_275 = arith.constant 1 : i32
          %get3A_276 = arith.index_cast %get3A_275 : i32 to index
          %get3A_277 = arith.index_cast %mul3A_270 : i32 to index
          %get3A_278 = arith.index_cast %add3A_274 : i32 to index
          %get3A_279 = tpu.vector_load %arg9[%get3A_276, %get3A_277, %get3A_278] {strides = array<i32>} : memref<2x16x2048xf32, #tpu.memory_space<vmem>>, vector<1x1x16xf32>,
          %get3A_280 = vector.shape_cast %get3A_279 : vector<1x1x16xf32> to vector<16xf32>
          %mul3A_281 = arith.constant 2 : i32
          %mul3A_282 = arith.muli %mul3A_281, %scan3A_195 : i32
          %add3A_283 = arith.constant 1 : i32
          %add3A_284 = arith.addi %mul3A_282, %add3A_283 : i32
          %mul3A_285 = arith.constant 256 : i32
          %mul3A_286 = arith.muli %scan3A_217, %mul3A_285 : i32
          %add3A_287 = arith.constant 32 : i32
          %add3A_288 = arith.addi %mul3A_286, %add3A_287 : i32
          %get3A_289 = arith.constant 1 : i32
          %get3A_290 = arith.index_cast %get3A_289 : i32 to index
          %get3A_291 = arith.index_cast %add3A_284 : i32 to index
          %get3A_292 = arith.index_cast %add3A_288 : i32 to index
          %get3A_293 = tpu.vector_load %arg9[%get3A_290, %get3A_291, %get3A_292] {strides = array<i32>} : memref<2x16x2048xf32, #tpu.memory_space<vmem>>, vector<1x1x16xf32>,
          %get3A_294 = vector.shape_cast %get3A_293 : vector<1x1x16xf32> to vector<16xf32>
          %mul3A_295 = arith.mulf %get3A_280, %get3A_294 : vector<16xf32>
          %add3A_296 = arith.addf %add3A_268, %mul3A_295 : vector<16xf32>
          %mul3A_297 = arith.constant 2 : i32
          %mul3A_298 = arith.muli %mul3A_297, %scan3A_195 : i32
          %mul3A_299 = arith.constant 256 : i32
          %mul3A_300 = arith.muli %scan3A_217, %mul3A_299 : i32
          %add3A_301 = arith.constant 48 : i32
          %add3A_302 = arith.addi %mul3A_300, %add3A_301 : i32
          %get3A_303 = arith.constant 1 : i32
          %get3A_304 = arith.index_cast %get3A_303 : i32 to index
          %get3A_305 = arith.index_cast %mul3A_298 : i32 to index
          %get3A_306 = arith.index_cast %add3A_302 : i32 to index
          %get3A_307 = tpu.vector_load %arg9[%get3A_304, %get3A_305, %get3A_306] {strides = array<i32>} : memref<2x16x2048xf32, #tpu.memory_space<vmem>>, vector<1x1x16xf32>,
          %get3A_308 = vector.shape_cast %get3A_307 : vector<1x1x16xf32> to vector<16xf32>
          %mul3A_309 = arith.constant 2 : i32
          %mul3A_310 = arith.muli %mul3A_309, %scan3A_195 : i32
          %add3A_311 = arith.constant 1 : i32
          %add3A_312 = arith.addi %mul3A_310, %add3A_311 : i32
          %mul3A_313 = arith.constant 256 : i32
          %mul3A_314 = arith.muli %scan3A_217, %mul3A_313 : i32
          %add3A_315 = arith.constant 48 : i32
          %add3A_316 = arith.addi %mul3A_314, %add3A_315 : i32
          %get3A_317 = arith.constant 1 : i32
          %get3A_318 = arith.index_cast %get3A_317 : i32 to index
          %get3A_319 = arith.index_cast %add3A_312 : i32 to index
          %get3A_320 = arith.index_cast %add3A_316 : i32 to index
          %get3A_321 = tpu.vector_load %arg9[%get3A_318, %get3A_319, %get3A_320] {strides = array<i32>} : memref<2x16x2048xf32, #tpu.memory_space<vmem>>, vector<1x1x16xf32>,
          %get3A_322 = vector.shape_cast %get3A_321 : vector<1x1x16xf32> to vector<16xf32>
          %mul3A_323 = arith.mulf %get3A_308, %get3A_322 : vector<16xf32>
          %add3A_324 = arith.addf %add3A_296, %mul3A_323 : vector<16xf32>
          %mul3A_325 = arith.constant 2 : i32
          %mul3A_326 = arith.muli %mul3A_325, %scan3A_195 : i32
          %mul3A_327 = arith.constant 256 : i32
          %mul3A_328 = arith.muli %scan3A_217, %mul3A_327 : i32
          %add3A_329 = arith.constant 64 : i32
          %add3A_330 = arith.addi %mul3A_328, %add3A_329 : i32
          %get3A_331 = arith.constant 1 : i32
          %get3A_332 = arith.index_cast %get3A_331 : i32 to index
          %get3A_333 = arith.index_cast %mul3A_326 : i32 to index
          %get3A_334 = arith.index_cast %add3A_330 : i32 to index
          %get3A_335 = tpu.vector_load %arg9[%get3A_332, %get3A_333, %get3A_334] {strides = array<i32>} : memref<2x16x2048xf32, #tpu.memory_space<vmem>>, vector<1x1x16xf32>,
          %get3A_336 = vector.shape_cast %get3A_335 : vector<1x1x16xf32> to vector<16xf32>
          %mul3A_337 = arith.constant 2 : i32
          %mul3A_338 = arith.muli %mul3A_337, %scan3A_195 : i32
          %add3A_339 = arith.constant 1 : i32
          %add3A_340 = arith.addi %mul3A_338, %add3A_339 : i32
          %mul3A_341 = arith.constant 256 : i32
          %mul3A_342 = arith.muli %scan3A_217, %mul3A_341 : i32
          %add3A_343 = arith.constant 64 : i32
          %add3A_344 = arith.addi %mul3A_342, %add3A_343 : i32
          %get3A_345 = arith.constant 1 : i32
          %get3A_346 = arith.index_cast %get3A_345 : i32 to index
          %get3A_347 = arith.index_cast %add3A_340 : i32 to index
          %get3A_348 = arith.index_cast %add3A_344 : i32 to index
          %get3A_349 = tpu.vector_load %arg9[%get3A_346, %get3A_347, %get3A_348] {strides = array<i32>} : memref<2x16x2048xf32, #tpu.memory_space<vmem>>, vector<1x1x16xf32>,
          %get3A_350 = vector.shape_cast %get3A_349 : vector<1x1x16xf32> to vector<16xf32>
          %mul3A_351 = arith.mulf %get3A_336, %get3A_350 : vector<16xf32>
          %add3A_352 = arith.addf %add3A_324, %mul3A_351 : vector<16xf32>
          %mul3A_353 = arith.constant 2 : i32
          %mul3A_354 = arith.muli %mul3A_353, %scan3A_195 : i32
          %mul3A_355 = arith.constant 256 : i32
          %mul3A_356 = arith.muli %scan3A_217, %mul3A_355 : i32
          %add3A_357 = arith.constant 80 : i32
          %add3A_358 = arith.addi %mul3A_356, %add3A_357 : i32
          %get3A_359 = arith.constant 1 : i32
          %get3A_360 = arith.index_cast %get3A_359 : i32 to index
          %get3A_361 = arith.index_cast %mul3A_354 : i32 to index
          %get3A_362 = arith.index_cast %add3A_358 : i32 to index
          %get3A_363 = tpu.vector_load %arg9[%get3A_360, %get3A_361, %get3A_362] {strides = array<i32>} : memref<2x16x2048xf32, #tpu.memory_space<vmem>>, vector<1x1x16xf32>,
          %get3A_364 = vector.shape_cast %get3A_363 : vector<1x1x16xf32> to vector<16xf32>
          %mul3A_365 = arith.constant 2 : i32
          %mul3A_366 = arith.muli %mul3A_365, %scan3A_195 : i32
          %add3A_367 = arith.constant 1 : i32
          %add3A_368 = arith.addi %mul3A_366, %add3A_367 : i32
          %mul3A_369 = arith.constant 256 : i32
          %mul3A_370 = arith.muli %scan3A_217, %mul3A_369 : i32
          %add3A_371 = arith.constant 80 : i32
          %add3A_372 = arith.addi %mul3A_370, %add3A_371 : i32
          %get3A_373 = arith.constant 1 : i32
          %get3A_374 = arith.index_cast %get3A_373 : i32 to index
          %get3A_375 = arith.index_cast %add3A_368 : i32 to index
          %get3A_376 = arith.index_cast %add3A_372 : i32 to index
          %get3A_377 = tpu.vector_load %arg9[%get3A_374, %get3A_375, %get3A_376] {strides = array<i32>} : memref<2x16x2048xf32, #tpu.memory_space<vmem>>, vector<1x1x16xf32>,
          %get3A_378 = vector.shape_cast %get3A_377 : vector<1x1x16xf32> to vector<16xf32>
          %mul3A_379 = arith.mulf %get3A_364, %get3A_378 : vector<16xf32>
          %add3A_380 = arith.addf %add3A_352, %mul3A_379 : vector<16xf32>
          %mul3A_381 = arith.constant 2 : i32
          %mul3A_382 = arith.muli %mul3A_381, %scan3A_195 : i32
          %mul3A_383 = arith.constant 256 : i32
          %mul3A_384 = arith.muli %scan3A_217, %mul3A_383 : i32
          %add3A_385 = arith.constant 96 : i32
          %add3A_386 = arith.addi %mul3A_384, %add3A_385 : i32
          %get3A_387 = arith.constant 1 : i32
          %get3A_388 = arith.index_cast %get3A_387 : i32 to index
          %get3A_389 = arith.index_cast %mul3A_382 : i32 to index
          %get3A_390 = arith.index_cast %add3A_386 : i32 to index
          %get3A_391 = tpu.vector_load %arg9[%get3A_388, %get3A_389, %get3A_390] {strides = array<i32>} : memref<2x16x2048xf32, #tpu.memory_space<vmem>>, vector<1x1x16xf32>,
          %get3A_392 = vector.shape_cast %get3A_391 : vector<1x1x16xf32> to vector<16xf32>
          %mul3A_393 = arith.constant 2 : i32
          %mul3A_394 = arith.muli %mul3A_393, %scan3A_195 : i32
          %add3A_395 = arith.constant 1 : i32
          %add3A_396 = arith.addi %mul3A_394, %add3A_395 : i32
          %mul3A_397 = arith.constant 256 : i32
          %mul3A_398 = arith.muli %scan3A_217, %mul3A_397 : i32
          %add3A_399 = arith.constant 96 : i32
          %add3A_400 = arith.addi %mul3A_398, %add3A_399 : i32
          %get3A_401 = arith.constant 1 : i32
          %get3A_402 = arith.index_cast %get3A_401 : i32 to index
          %get3A_403 = arith.index_cast %add3A_396 : i32 to index
          %get3A_404 = arith.index_cast %add3A_400 : i32 to index
          %get3A_405 = tpu.vector_load %arg9[%get3A_402, %get3A_403, %get3A_404] {strides = array<i32>} : memref<2x16x2048xf32, #tpu.memory_space<vmem>>, vector<1x1x16xf32>,
          %get3A_406 = vector.shape_cast %get3A_405 : vector<1x1x16xf32> to vector<16xf32>
          %mul3A_407 = arith.mulf %get3A_392, %get3A_406 : vector<16xf32>
          %add3A_408 = arith.addf %add3A_380, %mul3A_407 : vector<16xf32>
          %mul3A_409 = arith.constant 2 : i32
          %mul3A_410 = arith.muli %mul3A_409, %scan3A_195 : i32
          %mul3A_411 = arith.constant 256 : i32
          %mul3A_412 = arith.muli %scan3A_217, %mul3A_411 : i32
          %add3A_413 = arith.constant 112 : i32
          %add3A_414 = arith.addi %mul3A_412, %add3A_413 : i32
          %get3A_415 = arith.constant 1 : i32
          %get3A_416 = arith.index_cast %get3A_415 : i32 to index
          %get3A_417 = arith.index_cast %mul3A_410 : i32 to index
          %get3A_418 = arith.index_cast %add3A_414 : i32 to index
          %get3A_419 = tpu.vector_load %arg9[%get3A_416, %get3A_417, %get3A_418] {strides = array<i32>} : memref<2x16x2048xf32, #tpu.memory_space<vmem>>, vector<1x1x16xf32>,
          %get3A_420 = vector.shape_cast %get3A_419 : vector<1x1x16xf32> to vector<16xf32>
          %mul3A_421 = arith.constant 2 : i32
          %mul3A_422 = arith.muli %mul3A_421, %scan3A_195 : i32
          %add3A_423 = arith.constant 1 : i32
          %add3A_424 = arith.addi %mul3A_422, %add3A_423 : i32
          %mul3A_425 = arith.constant 256 : i32
          %mul3A_426 = arith.muli %scan3A_217, %mul3A_425 : i32
          %add3A_427 = arith.constant 112 : i32
          %add3A_428 = arith.addi %mul3A_426, %add3A_427 : i32
          %get3A_429 = arith.constant 1 : i32
          %get3A_430 = arith.index_cast %get3A_429 : i32 to index
          %get3A_431 = arith.index_cast %add3A_424 : i32 to index
          %get3A_432 = arith.index_cast %add3A_428 : i32 to index
          %get3A_433 = tpu.vector_load %arg9[%get3A_430, %get3A_431, %get3A_432] {strides = array<i32>} : memref<2x16x2048xf32, #tpu.memory_space<vmem>>, vector<1x1x16xf32>,
          %get3A_434 = vector.shape_cast %get3A_433 : vector<1x1x16xf32> to vector<16xf32>
          %mul3A_435 = arith.mulf %get3A_420, %get3A_434 : vector<16xf32>
          %add3A_436 = arith.addf %add3A_408, %mul3A_435 : vector<16xf32>
          %mul3A_437 = arith.constant 2 : i32
          %mul3A_438 = arith.muli %mul3A_437, %scan3A_195 : i32
          %mul3A_439 = arith.constant 256 : i32
          %mul3A_440 = arith.muli %scan3A_217, %mul3A_439 : i32
          %add3A_441 = arith.constant 128 : i32
          %add3A_442 = arith.addi %mul3A_440, %add3A_441 : i32
          %get3A_443 = arith.constant 1 : i32
          %get3A_444 = arith.index_cast %get3A_443 : i32 to index
          %get3A_445 = arith.index_cast %mul3A_438 : i32 to index
          %get3A_446 = arith.index_cast %add3A_442 : i32 to index
          %get3A_447 = tpu.vector_load %arg9[%get3A_444, %get3A_445, %get3A_446] {strides = array<i32>} : memref<2x16x2048xf32, #tpu.memory_space<vmem>>, vector<1x1x16xf32>,
          %get3A_448 = vector.shape_cast %get3A_447 : vector<1x1x16xf32> to vector<16xf32>
          %mul3A_449 = arith.constant 2 : i32
          %mul3A_450 = arith.muli %mul3A_449, %scan3A_195 : i32
          %add3A_451 = arith.constant 1 : i32
          %add3A_452 = arith.addi %mul3A_450, %add3A_451 : i32
          %mul3A_453 = arith.constant 256 : i32
          %mul3A_454 = arith.muli %scan3A_217, %mul3A_453 : i32
          %add3A_455 = arith.constant 128 : i32
          %add3A_456 = arith.addi %mul3A_454, %add3A_455 : i32
          %get3A_457 = arith.constant 1 : i32
          %get3A_458 = arith.index_cast %get3A_457 : i32 to index
          %get3A_459 = arith.index_cast %add3A_452 : i32 to index
          %get3A_460 = arith.index_cast %add3A_456 : i32 to index
          %get3A_461 = tpu.vector_load %arg9[%get3A_458, %get3A_459, %get3A_460] {strides = array<i32>} : memref<2x16x2048xf32, #tpu.memory_space<vmem>>, vector<1x1x16xf32>,
          %get3A_462 = vector.shape_cast %get3A_461 : vector<1x1x16xf32> to vector<16xf32>
          %mul3A_463 = arith.mulf %get3A_448, %get3A_462 : vector<16xf32>
          %add3A_464 = arith.addf %add3A_436, %mul3A_463 : vector<16xf32>
          %mul3A_465 = arith.constant 2 : i32
          %mul3A_466 = arith.muli %mul3A_465, %scan3A_195 : i32
          %mul3A_467 = arith.constant 256 : i32
          %mul3A_468 = arith.muli %scan3A_217, %mul3A_467 : i32
          %add3A_469 = arith.constant 144 : i32
          %add3A_470 = arith.addi %mul3A_468, %add3A_469 : i32
          %get3A_471 = arith.constant 1 : i32
          %get3A_472 = arith.index_cast %get3A_471 : i32 to index
          %get3A_473 = arith.index_cast %mul3A_466 : i32 to index
          %get3A_474 = arith.index_cast %add3A_470 : i32 to index
          %get3A_475 = tpu.vector_load %arg9[%get3A_472, %get3A_473, %get3A_474] {strides = array<i32>} : memref<2x16x2048xf32, #tpu.memory_space<vmem>>, vector<1x1x16xf32>,
          %get3A_476 = vector.shape_cast %get3A_475 : vector<1x1x16xf32> to vector<16xf32>
          %mul3A_477 = arith.constant 2 : i32
          %mul3A_478 = arith.muli %mul3A_477, %scan3A_195 : i32
          %add3A_479 = arith.constant 1 : i32
          %add3A_480 = arith.addi %mul3A_478, %add3A_479 : i32
          %mul3A_481 = arith.constant 256 : i32
          %mul3A_482 = arith.muli %scan3A_217, %mul3A_481 : i32
          %add3A_483 = arith.constant 144 : i32
          %add3A_484 = arith.addi %mul3A_482, %add3A_483 : i32
          %get3A_485 = arith.constant 1 : i32
          %get3A_486 = arith.index_cast %get3A_485 : i32 to index
          %get3A_487 = arith.index_cast %add3A_480 : i32 to index
          %get3A_488 = arith.index_cast %add3A_484 : i32 to index
          %get3A_489 = tpu.vector_load %arg9[%get3A_486, %get3A_487, %get3A_488] {strides = array<i32>} : memref<2x16x2048xf32, #tpu.memory_space<vmem>>, vector<1x1x16xf32>,
          %get3A_490 = vector.shape_cast %get3A_489 : vector<1x1x16xf32> to vector<16xf32>
          %mul3A_491 = arith.mulf %get3A_476, %get3A_490 : vector<16xf32>
          %add3A_492 = arith.addf %add3A_464, %mul3A_491 : vector<16xf32>
          %mul3A_493 = arith.constant 2 : i32
          %mul3A_494 = arith.muli %mul3A_493, %scan3A_195 : i32
          %mul3A_495 = arith.constant 256 : i32
          %mul3A_496 = arith.muli %scan3A_217, %mul3A_495 : i32
          %add3A_497 = arith.constant 160 : i32
          %add3A_498 = arith.addi %mul3A_496, %add3A_497 : i32
          %get3A_499 = arith.constant 1 : i32
          %get3A_500 = arith.index_cast %get3A_499 : i32 to index
          %get3A_501 = arith.index_cast %mul3A_494 : i32 to index
          %get3A_502 = arith.index_cast %add3A_498 : i32 to index
          %get3A_503 = tpu.vector_load %arg9[%get3A_500, %get3A_501, %get3A_502] {strides = array<i32>} : memref<2x16x2048xf32, #tpu.memory_space<vmem>>, vector<1x1x16xf32>,
          %get3A_504 = vector.shape_cast %get3A_503 : vector<1x1x16xf32> to vector<16xf32>
          %mul3A_505 = arith.constant 2 : i32
          %mul3A_506 = arith.muli %mul3A_505, %scan3A_195 : i32
          %add3A_507 = arith.constant 1 : i32
          %add3A_508 = arith.addi %mul3A_506, %add3A_507 : i32
          %mul3A_509 = arith.constant 256 : i32
          %mul3A_510 = arith.muli %scan3A_217, %mul3A_509 : i32
          %add3A_511 = arith.constant 160 : i32
          %add3A_512 = arith.addi %mul3A_510, %add3A_511 : i32
          %get3A_513 = arith.constant 1 : i32
          %get3A_514 = arith.index_cast %get3A_513 : i32 to index
          %get3A_515 = arith.index_cast %add3A_508 : i32 to index
          %get3A_516 = arith.index_cast %add3A_512 : i32 to index
          %get3A_517 = tpu.vector_load %arg9[%get3A_514, %get3A_515, %get3A_516] {strides = array<i32>} : memref<2x16x2048xf32, #tpu.memory_space<vmem>>, vector<1x1x16xf32>,
          %get3A_518 = vector.shape_cast %get3A_517 : vector<1x1x16xf32> to vector<16xf32>
          %mul3A_519 = arith.mulf %get3A_504, %get3A_518 : vector<16xf32>
          %add3A_520 = arith.addf %add3A_492, %mul3A_519 : vector<16xf32>
          %mul3A_521 = arith.constant 2 : i32
          %mul3A_522 = arith.muli %mul3A_521, %scan3A_195 : i32
          %mul3A_523 = arith.constant 256 : i32
          %mul3A_524 = arith.muli %scan3A_217, %mul3A_523 : i32
          %add3A_525 = arith.constant 176 : i32
          %add3A_526 = arith.addi %mul3A_524, %add3A_525 : i32
          %get3A_527 = arith.constant 1 : i32
          %get3A_528 = arith.index_cast %get3A_527 : i32 to index
          %get3A_529 = arith.index_cast %mul3A_522 : i32 to index
          %get3A_530 = arith.index_cast %add3A_526 : i32 to index
          %get3A_531 = tpu.vector_load %arg9[%get3A_528, %get3A_529, %get3A_530] {strides = array<i32>} : memref<2x16x2048xf32, #tpu.memory_space<vmem>>, vector<1x1x16xf32>,
          %get3A_532 = vector.shape_cast %get3A_531 : vector<1x1x16xf32> to vector<16xf32>
          %mul3A_533 = arith.constant 2 : i32
          %mul3A_534 = arith.muli %mul3A_533, %scan3A_195 : i32
          %add3A_535 = arith.constant 1 : i32
          %add3A_536 = arith.addi %mul3A_534, %add3A_535 : i32
          %mul3A_537 = arith.constant 256 : i32
          %mul3A_538 = arith.muli %scan3A_217, %mul3A_537 : i32
          %add3A_539 = arith.constant 176 : i32
          %add3A_540 = arith.addi %mul3A_538, %add3A_539 : i32
          %get3A_541 = arith.constant 1 : i32
          %get3A_542 = arith.index_cast %get3A_541 : i32 to index
          %get3A_543 = arith.index_cast %add3A_536 : i32 to index
          %get3A_544 = arith.index_cast %add3A_540 : i32 to index
          %get3A_545 = tpu.vector_load %arg9[%get3A_542, %get3A_543, %get3A_544] {strides = array<i32>} : memref<2x16x2048xf32, #tpu.memory_space<vmem>>, vector<1x1x16xf32>,
          %get3A_546 = vector.shape_cast %get3A_545 : vector<1x1x16xf32> to vector<16xf32>
          %mul3A_547 = arith.mulf %get3A_532, %get3A_546 : vector<16xf32>
          %add3A_548 = arith.addf %add3A_520, %mul3A_547 : vector<16xf32>
          %mul3A_549 = arith.constant 2 : i32
          %mul3A_550 = arith.muli %mul3A_549, %scan3A_195 : i32
          %mul3A_551 = arith.constant 256 : i32
          %mul3A_552 = arith.muli %scan3A_217, %mul3A_551 : i32
          %add3A_553 = arith.constant 192 : i32
          %add3A_554 = arith.addi %mul3A_552, %add3A_553 : i32
          %get3A_555 = arith.constant 1 : i32
          %get3A_556 = arith.index_cast %get3A_555 : i32 to index
          %get3A_557 = arith.index_cast %mul3A_550 : i32 to index
          %get3A_558 = arith.index_cast %add3A_554 : i32 to index
          %get3A_559 = tpu.vector_load %arg9[%get3A_556, %get3A_557, %get3A_558] {strides = array<i32>} : memref<2x16x2048xf32, #tpu.memory_space<vmem>>, vector<1x1x16xf32>,
          %get3A_560 = vector.shape_cast %get3A_559 : vector<1x1x16xf32> to vector<16xf32>
          %mul3A_561 = arith.constant 2 : i32
          %mul3A_562 = arith.muli %mul3A_561, %scan3A_195 : i32
          %add3A_563 = arith.constant 1 : i32
          %add3A_564 = arith.addi %mul3A_562, %add3A_563 : i32
          %mul3A_565 = arith.constant 256 : i32
          %mul3A_566 = arith.muli %scan3A_217, %mul3A_565 : i32
          %add3A_567 = arith.constant 192 : i32
          %add3A_568 = arith.addi %mul3A_566, %add3A_567 : i32
          %get3A_569 = arith.constant 1 : i32
          %get3A_570 = arith.index_cast %get3A_569 : i32 to index
          %get3A_571 = arith.index_cast %add3A_564 : i32 to index
          %get3A_572 = arith.index_cast %add3A_568 : i32 to index
          %get3A_573 = tpu.vector_load %arg9[%get3A_570, %get3A_571, %get3A_572] {strides = array<i32>} : memref<2x16x2048xf32, #tpu.memory_space<vmem>>, vector<1x1x16xf32>,
          %get3A_574 = vector.shape_cast %get3A_573 : vector<1x1x16xf32> to vector<16xf32>
          %mul3A_575 = arith.mulf %get3A_560, %get3A_574 : vector<16xf32>
          %add3A_576 = arith.addf %add3A_548, %mul3A_575 : vector<16xf32>
          %mul3A_577 = arith.constant 2 : i32
          %mul3A_578 = arith.muli %mul3A_577, %scan3A_195 : i32
          %mul3A_579 = arith.constant 256 : i32
          %mul3A_580 = arith.muli %scan3A_217, %mul3A_579 : i32
          %add3A_581 = arith.constant 208 : i32
          %add3A_582 = arith.addi %mul3A_580, %add3A_581 : i32
          %get3A_583 = arith.constant 1 : i32
          %get3A_584 = arith.index_cast %get3A_583 : i32 to index
          %get3A_585 = arith.index_cast %mul3A_578 : i32 to index
          %get3A_586 = arith.index_cast %add3A_582 : i32 to index
          %get3A_587 = tpu.vector_load %arg9[%get3A_584, %get3A_585, %get3A_586] {strides = array<i32>} : memref<2x16x2048xf32, #tpu.memory_space<vmem>>, vector<1x1x16xf32>,
          %get3A_588 = vector.shape_cast %get3A_587 : vector<1x1x16xf32> to vector<16xf32>
          %mul3A_589 = arith.constant 2 : i32
          %mul3A_590 = arith.muli %mul3A_589, %scan3A_195 : i32
          %add3A_591 = arith.constant 1 : i32
          %add3A_592 = arith.addi %mul3A_590, %add3A_591 : i32
          %mul3A_593 = arith.constant 256 : i32
          %mul3A_594 = arith.muli %scan3A_217, %mul3A_593 : i32
          %add3A_595 = arith.constant 208 : i32
          %add3A_596 = arith.addi %mul3A_594, %add3A_595 : i32
          %get3A_597 = arith.constant 1 : i32
          %get3A_598 = arith.index_cast %get3A_597 : i32 to index
          %get3A_599 = arith.index_cast %add3A_592 : i32 to index
          %get3A_600 = arith.index_cast %add3A_596 : i32 to index
          %get3A_601 = tpu.vector_load %arg9[%get3A_598, %get3A_599, %get3A_600] {strides = array<i32>} : memref<2x16x2048xf32, #tpu.memory_space<vmem>>, vector<1x1x16xf32>,
          %get3A_602 = vector.shape_cast %get3A_601 : vector<1x1x16xf32> to vector<16xf32>
          %mul3A_603 = arith.mulf %get3A_588, %get3A_602 : vector<16xf32>
          %add3A_604 = arith.addf %add3A_576, %mul3A_603 : vector<16xf32>
          %mul3A_605 = arith.constant 2 : i32
          %mul3A_606 = arith.muli %mul3A_605, %scan3A_195 : i32
          %mul3A_607 = arith.constant 256 : i32
          %mul3A_608 = arith.muli %scan3A_217, %mul3A_607 : i32
          %add3A_609 = arith.constant 224 : i32
          %add3A_610 = arith.addi %mul3A_608, %add3A_609 : i32
          %get3A_611 = arith.constant 1 : i32
          %get3A_612 = arith.index_cast %get3A_611 : i32 to index
          %get3A_613 = arith.index_cast %mul3A_606 : i32 to index
          %get3A_614 = arith.index_cast %add3A_610 : i32 to index
          %get3A_615 = tpu.vector_load %arg9[%get3A_612, %get3A_613, %get3A_614] {strides = array<i32>} : memref<2x16x2048xf32, #tpu.memory_space<vmem>>, vector<1x1x16xf32>,
          %get3A_616 = vector.shape_cast %get3A_615 : vector<1x1x16xf32> to vector<16xf32>
          %mul3A_617 = arith.constant 2 : i32
          %mul3A_618 = arith.muli %mul3A_617, %scan3A_195 : i32
          %add3A_619 = arith.constant 1 : i32
          %add3A_620 = arith.addi %mul3A_618, %add3A_619 : i32
          %mul3A_621 = arith.constant 256 : i32
          %mul3A_622 = arith.muli %scan3A_217, %mul3A_621 : i32
          %add3A_623 = arith.constant 224 : i32
          %add3A_624 = arith.addi %mul3A_622, %add3A_623 : i32
          %get3A_625 = arith.constant 1 : i32
          %get3A_626 = arith.index_cast %get3A_625 : i32 to index
          %get3A_627 = arith.index_cast %add3A_620 : i32 to index
          %get3A_628 = arith.index_cast %add3A_624 : i32 to index
          %get3A_629 = tpu.vector_load %arg9[%get3A_626, %get3A_627, %get3A_628] {strides = array<i32>} : memref<2x16x2048xf32, #tpu.memory_space<vmem>>, vector<1x1x16xf32>,
          %get3A_630 = vector.shape_cast %get3A_629 : vector<1x1x16xf32> to vector<16xf32>
          %mul3A_631 = arith.mulf %get3A_616, %get3A_630 : vector<16xf32>
          %add3A_632 = arith.addf %add3A_604, %mul3A_631 : vector<16xf32>
          %mul3A_633 = arith.constant 2 : i32
          %mul3A_634 = arith.muli %mul3A_633, %scan3A_195 : i32
          %mul3A_635 = arith.constant 256 : i32
          %mul3A_636 = arith.muli %scan3A_217, %mul3A_635 : i32
          %add3A_637 = arith.constant 240 : i32
          %add3A_638 = arith.addi %mul3A_636, %add3A_637 : i32
          %get3A_639 = arith.constant 1 : i32
          %get3A_640 = arith.index_cast %get3A_639 : i32 to index
          %get3A_641 = arith.index_cast %mul3A_634 : i32 to index
          %get3A_642 = arith.index_cast %add3A_638 : i32 to index
          %get3A_643 = tpu.vector_load %arg9[%get3A_640, %get3A_641, %get3A_642] {strides = array<i32>} : memref<2x16x2048xf32, #tpu.memory_space<vmem>>, vector<1x1x16xf32>,
          %get3A_644 = vector.shape_cast %get3A_643 : vector<1x1x16xf32> to vector<16xf32>
          %mul3A_645 = arith.constant 2 : i32
          %mul3A_646 = arith.muli %mul3A_645, %scan3A_195 : i32
          %add3A_647 = arith.constant 1 : i32
          %add3A_648 = arith.addi %mul3A_646, %add3A_647 : i32
          %mul3A_649 = arith.constant 256 : i32
          %mul3A_650 = arith.muli %scan3A_217, %mul3A_649 : i32
          %add3A_651 = arith.constant 240 : i32
          %add3A_652 = arith.addi %mul3A_650, %add3A_651 : i32
          %get3A_653 = arith.constant 1 : i32
          %get3A_654 = arith.index_cast %get3A_653 : i32 to index
          %get3A_655 = arith.index_cast %add3A_648 : i32 to index
          %get3A_656 = arith.index_cast %add3A_652 : i32 to index
          %get3A_657 = tpu.vector_load %arg9[%get3A_654, %get3A_655, %get3A_656] {strides = array<i32>} : memref<2x16x2048xf32, #tpu.memory_space<vmem>>, vector<1x1x16xf32>,
          %get3A_658 = vector.shape_cast %get3A_657 : vector<1x1x16xf32> to vector<16xf32>
          %mul3A_659 = arith.mulf %get3A_644, %get3A_658 : vector<16xf32>
          %add3A_660 = arith.addf %add3A_632, %mul3A_659 : vector<16xf32>
          %broadcast_in_dim3A_661 = vector.shape_cast %xor3A_21 : vector<16xi32> to vector<16x1xi32>
          %gather3A = vector.shape_cast %broadcast_in_dim3A_661 : vector<16x1xi32> to vector<16xi32>
          %gather3A_662 = tpu.dynamic_gather %add3A_660[%gather3A] in [0] : vector<16xf32>, vector<16xi32> -> vector<16xf32>
          %add3A_663 = arith.addf %add3A_660, %gather3A_662 : vector<16xf32>
          %broadcast_in_dim3A_664 = vector.shape_cast %xor3A_25 : vector<16xi32> to vector<16x1xi32>
          %gather3A_665 = vector.shape_cast %broadcast_in_dim3A_664 : vector<16x1xi32> to vector<16xi32>
          %gather3A_666 = tpu.dynamic_gather %add3A_663[%gather3A_665] in [0] : vector<16xf32>, vector<16xi32> -> vector<16xf32>
          %add3A_667 = arith.addf %add3A_663, %gather3A_666 : vector<16xf32>
          %broadcast_in_dim3A_668 = vector.shape_cast %xor3A_29 : vector<16xi32> to vector<16x1xi32>
          %gather3A_669 = vector.shape_cast %broadcast_in_dim3A_668 : vector<16x1xi32> to vector<16xi32>
          %gather3A_670 = tpu.dynamic_gather %add3A_667[%gather3A_669] in [0] : vector<16xf32>, vector<16xi32> -> vector<16xf32>
          %add3A_671 = arith.addf %add3A_667, %gather3A_670 : vector<16xf32>
          %broadcast_in_dim3A_672 = vector.shape_cast %xor3A_33 : vector<16xi32> to vector<16x1xi32>
          %gather3A_673 = vector.shape_cast %broadcast_in_dim3A_672 : vector<16x1xi32> to vector<16xi32>
          %gather3A_674 = tpu.dynamic_gather %add3A_671[%gather3A_673] in [0] : vector<16xf32>, vector<16xi32> -> vector<16xf32>
          %add3A_675 = arith.addf %add3A_671, %gather3A_674 : vector<16xf32>
          %iota3A_676 = tpu.iota {dimensions = array<i32: 0>} : vector<16xi32>
          %eq3A_677 = vector.broadcast %scan3A_217 : i32 to vector<16xi32>
          %eq3A_678 = arith.cmpi eq, %iota3A_676, %eq3A_677 : vector<16xi32>
          %select_n3A = arith.select %eq3A_678, %add3A_675, %scan3A_218 : vector<16xi1>, vector<16xf32>
          scf.yield %select_n3A : vector<16xf32>
        }
        %scan3A_202 = arith.constant 8 : i32
        %mul3A_203 = arith.constant 6.250000e-02 : f32
        %mul3A_204 = vector.broadcast %mul3A_203 : f32 to vector<16xf32>
        %mul3A_205 = arith.mulf %scan3A_201, %mul3A_204 : vector<16xf32>
        %exp3A = math.exp %mul3A_205 : vector<16xf32>
        %and3A_206 = arith.constant 7 : i32
        %and3A_207 = arith.andi %add3A_150, %and3A_206 : i32
        %mul3A_208 = arith.constant 8 : i32
        %mul3A_209 = arith.muli %and3A_207, %mul3A_208 : i32
        %add3A_210 = arith.addi %mul3A_209, %scan3A_195 : i32
        %swap3A = arith.index_cast %and3A_154 : i32 to index
        %swap3A_211 = arith.index_cast %add3A_210 : i32 to index
        %swap3A_212 = arith.constant 0 : index
        %swap3A_213 = tpu.vector_load %arg10[%swap3A, %swap3A_211, %swap3A_212] {strides = array<i32>} : memref<2x64x16xf32, #tpu.memory_space<vmem>>, vector<1x1x16xf32>,
        %swap3A_214 = vector.shape_cast %swap3A_213 : vector<1x1x16xf32> to vector<16xf32>
        %swap3A_215 = vector.shape_cast %exp3A : vector<16xf32> to vector<1x1x16xf32>
        tpu.vector_store %arg10[%swap3A, %swap3A_211, %swap3A_212], %swap3A_215 {strides = array<i32>} : memref<2x64x16xf32, #tpu.memory_space<vmem>>, vector<1x1x16xf32>,
        %scan3A_216 = arith.constant 0 : i32
        scf.yield %scan3A_216 : i32
      }
      %scan3A_186 = arith.constant 8 : i32
      %and3A_187 = arith.constant 7 : i32
      %and3A_188 = arith.andi %add3A_150, %and3A_187 : i32
      %eq3A_189 = arith.constant 7 : i32
      %eq3A_190 = arith.cmpi eq, %and3A_188, %eq3A_189 : i32
      %convert_element_type3A_191 = arith.extui %eq3A_190 : i1 to i32
      %cond3A_192 = arith.constant 0 : i32
      %cond3A_193 = arith.cmpi ne, %convert_element_type3A_191, %cond3A_192 : i32
      scf.if %cond3A_193 {
        %dma_start3A_195 = arith.constant 0 : i32
        %dma_start3A_196 = arith.constant 0 : i32
        %dma_start3A_197 = tpu.memref_slice %arg10[%and3A_154, %dma_start3A_195, %dma_start3A_196] : memref<2x64x16xf32, #tpu.memory_space<vmem>> -> memref<1x64x16xf32, #tpu.memory_space<vmem>>
        %dma_start3A_198 = tpu.memref_squeeze %dma_start3A_197 : memref<1x64x16xf32, #tpu.memory_space<vmem>> -> memref<64x16xf32, #tpu.memory_space<vmem>>
        %dma_start3A_199 = arith.constant 0 : i32
        %dma_start3A_200 = tpu.memref_slice %arg8[%shift_right_arithmetic3A_152, %dma_start3A_199] : memref<80x64xi32, #tpu.memory_space<vmem>> -> memref<1x64xi32, #tpu.memory_space<vmem>>
        %dma_start3A_201 = tpu.memref_squeeze %dma_start3A_200 : memref<1x64xi32, #tpu.memory_space<vmem>> -> memref<64xi32, #tpu.memory_space<vmem>>
        %dma_start3A_202 = arith.constant 0 : i32
        %dma_start3A_203 = arith.constant 0 : i32
        %dma_start3A_204 = tpu.memref_slice %arg12[%dma_start3A_202, %dma_start3A_203] : memref<10112x16xf32, #tpu.memory_space<vmem_shared>> -> memref<10112x16xf32, #tpu.memory_space<vmem_shared>>
        tpu.enqueue_indirect_dma source(%dma_start3A_198 : memref<64x16xf32, #tpu.memory_space<vmem>>) target(%dma_start3A_204 : memref<10112x16xf32, #tpu.memory_space<vmem_shared>>) offsets(%dma_start3A_201 : memref<64xi32, #tpu.memory_space<vmem>>) semaphore(%arg15 : memref<!tpu.dma_semaphore, #tpu.memory_space<semaphore_mem>>) {add = true}
        %mul3A_205 = arith.constant 5120 : i32
        %mul3A_206 = arith.muli %add3A, %mul3A_205 : i32
        %mul3A_207 = arith.constant 64 : i32
        %mul3A_208 = arith.muli %shift_right_arithmetic3A_152, %mul3A_207 : i32
        %add3A_209 = arith.addi %mul3A_206, %mul3A_208 : i32
        %dma_start3A_210 = arith.constant 0 : i32
        %dma_start3A_211 = arith.constant 0 : i32
        %dma_start3A_212 = tpu.memref_slice %arg10[%and3A_154, %dma_start3A_210, %dma_start3A_211] : memref<2x64x16xf32, #tpu.memory_space<vmem>> -> memref<1x64x16xf32, #tpu.memory_space<vmem>>
        %dma_start3A_213 = tpu.memref_squeeze %dma_start3A_212 : memref<1x64x16xf32, #tpu.memory_space<vmem>> -> memref<64x16xf32, #tpu.memory_space<vmem>>
        %dma_start3A_214 = arith.constant 0 : i32
        %dma_start3A_215 = tpu.memref_slice %arg5[%add3A_209, %dma_start3A_214] : memref<163840x16xf32, #tpu.memory_space<hbm>> -> memref<64x16xf32, #tpu.memory_space<hbm>>
        %dma_start3A_216 = arith.constant 0 : i32
        %dma_start3A_217 = tpu.memref_slice %arg5[%add3A_209, %dma_start3A_216] : memref<163840x16xf32, #tpu.memory_space<hbm>> -> memref<64x16xf32, #tpu.memory_space<hbm>>
        %dma_start3A_218 = arith.constant 0 : i32
        %dma_start3A_219 = arith.constant 0 : i32
        %dma_start3A_220 = tpu.memref_slice %arg10[%and3A_154, %dma_start3A_218, %dma_start3A_219] : memref<2x64x16xf32, #tpu.memory_space<vmem>> -> memref<1x64x16xf32, #tpu.memory_space<vmem>>
        %dma_start3A_221 = tpu.memref_squeeze %dma_start3A_220 : memref<1x64x16xf32, #tpu.memory_space<vmem>> -> memref<64x16xf32, #tpu.memory_space<vmem>>
        tpu.enqueue_dma source(%dma_start3A_221 : memref<64x16xf32, #tpu.memory_space<vmem>>) target(%dma_start3A_217 : memref<64x16xf32, #tpu.memory_space<hbm>>) target_semaphore(%arg16 : memref<!tpu.dma_semaphore, #tpu.memory_space<semaphore_mem>>)
      } else {
      }
      %scan3A_194 = arith.constant 0 : i32
      scf.yield %scan3A_194 : i32
    }
    %scan3A_41 = arith.constant 320 : i32
    %dma_wait3A = arith.constant 0 : i32
    %dma_wait3A_42 = arith.constant 78 : i32
    %dma_wait3A_43 = arith.constant 0 : i32
    %dma_wait3A_44 = arith.constant 0 : i32
    %dma_wait3A_45 = tpu.memref_slice %arg10[%dma_wait3A, %dma_wait3A_43, %dma_wait3A_44] : memref<2x64x16xf32, #tpu.memory_space<vmem>> -> memref<1x64x16xf32, #tpu.memory_space<vmem>>
    %dma_wait3A_46 = tpu.memref_squeeze %dma_wait3A_45 : memref<1x64x16xf32, #tpu.memory_space<vmem>> -> memref<64x16xf32, #tpu.memory_space<vmem>>
    %dma_wait3A_47 = arith.constant 0 : i32
    %dma_wait3A_48 = tpu.memref_slice %arg8[%dma_wait3A_42, %dma_wait3A_47] : memref<80x64xi32, #tpu.memory_space<vmem>> -> memref<1x64xi32, #tpu.memory_space<vmem>>
    %dma_wait3A_49 = tpu.memref_squeeze %dma_wait3A_48 : memref<1x64xi32, #tpu.memory_space<vmem>> -> memref<64xi32, #tpu.memory_space<vmem>>
    %dma_wait3A_50 = arith.constant 0 : i32
    %dma_wait3A_51 = arith.constant 0 : i32
    %dma_wait3A_52 = tpu.memref_slice %arg12[%dma_wait3A_50, %dma_wait3A_51] : memref<10112x16xf32, #tpu.memory_space<vmem_shared>> -> memref<10112x16xf32, #tpu.memory_space<vmem_shared>>
    tpu.wait_indirect_dma semaphore(%arg15 : memref<!tpu.dma_semaphore, #tpu.memory_space<semaphore_mem>>) src(%dma_wait3A_46 : memref<64x16xf32, #tpu.memory_space<vmem>>) dst(%dma_wait3A_52 : memref<10112x16xf32, #tpu.memory_space<vmem_shared>>)
    %mul3A_53 = arith.constant 5120 : i32
    %mul3A_54 = arith.muli %add3A, %mul3A_53 : i32
    %add3A_55 = arith.constant 4992 : i32
    %add3A_56 = arith.addi %mul3A_54, %add3A_55 : i32
    %dma_wait3A_57 = arith.constant 0 : i32
    %dma_wait3A_58 = arith.constant 0 : i32
    %dma_wait3A_59 = arith.constant 0 : i32
    %dma_wait3A_60 = tpu.memref_slice %arg10[%dma_wait3A_57, %dma_wait3A_58, %dma_wait3A_59] : memref<2x64x16xf32, #tpu.memory_space<vmem>> -> memref<1x64x16xf32, #tpu.memory_space<vmem>>
    %dma_wait3A_61 = tpu.memref_squeeze %dma_wait3A_60 : memref<1x64x16xf32, #tpu.memory_space<vmem>> -> memref<64x16xf32, #tpu.memory_space<vmem>>
    %dma_wait3A_62 = arith.constant 0 : i32
    %dma_wait3A_63 = tpu.memref_slice %arg5[%add3A_56, %dma_wait3A_62] : memref<163840x16xf32, #tpu.memory_space<hbm>> -> memref<64x16xf32, #tpu.memory_space<hbm>>
    %dma_wait3A_64 = arith.constant 0 : i32
    %dma_wait3A_65 = tpu.memref_slice %arg5[%add3A_56, %dma_wait3A_64] : memref<163840x16xf32, #tpu.memory_space<hbm>> -> memref<64x16xf32, #tpu.memory_space<hbm>>
    %dma_wait3A_66 = arith.constant 0 : i32
    %dma_wait3A_67 = arith.constant 0 : i32
    %dma_wait3A_68 = tpu.memref_slice %arg10[%dma_wait3A_57, %dma_wait3A_66, %dma_wait3A_67] : memref<2x64x16xf32, #tpu.memory_space<vmem>> -> memref<1x64x16xf32, #tpu.memory_space<vmem>>
    %dma_wait3A_69 = tpu.memref_squeeze %dma_wait3A_68 : memref<1x64x16xf32, #tpu.memory_space<vmem>> -> memref<64x16xf32, #tpu.memory_space<vmem>>
    tpu.wait_dma2 semaphore(%arg16 : memref<!tpu.dma_semaphore, #tpu.memory_space<semaphore_mem>>) src(%dma_wait3A_69 : memref<64x16xf32, #tpu.memory_space<vmem>>) dst(%dma_wait3A_65 : memref<64x16xf32, #tpu.memory_space<hbm>>)
    %dma_wait3A_70 = arith.constant 1 : i32
    %dma_wait3A_71 = arith.constant 79 : i32
    %dma_wait3A_72 = arith.constant 0 : i32
    %dma_wait3A_73 = arith.constant 0 : i32
    %dma_wait3A_74 = tpu.memref_slice %arg10[%dma_wait3A_70, %dma_wait3A_72, %dma_wait3A_73] : memref<2x64x16xf32, #tpu.memory_space<vmem>> -> memref<1x64x16xf32, #tpu.memory_space<vmem>>
    %dma_wait3A_75 = tpu.memref_squeeze %dma_wait3A_74 : memref<1x64x16xf32, #tpu.memory_space<vmem>> -> memref<64x16xf32, #tpu.memory_space<vmem>>
    %dma_wait3A_76 = arith.constant 0 : i32
    %dma_wait3A_77 = tpu.memref_slice %arg8[%dma_wait3A_71, %dma_wait3A_76] : memref<80x64xi32, #tpu.memory_space<vmem>> -> memref<1x64xi32, #tpu.memory_space<vmem>>
    %dma_wait3A_78 = tpu.memref_squeeze %dma_wait3A_77 : memref<1x64xi32, #tpu.memory_space<vmem>> -> memref<64xi32, #tpu.memory_space<vmem>>
    %dma_wait3A_79 = arith.constant 0 : i32
    %dma_wait3A_80 = arith.constant 0 : i32
    %dma_wait3A_81 = tpu.memref_slice %arg12[%dma_wait3A_79, %dma_wait3A_80] : memref<10112x16xf32, #tpu.memory_space<vmem_shared>> -> memref<10112x16xf32, #tpu.memory_space<vmem_shared>>
    tpu.wait_indirect_dma semaphore(%arg15 : memref<!tpu.dma_semaphore, #tpu.memory_space<semaphore_mem>>) src(%dma_wait3A_75 : memref<64x16xf32, #tpu.memory_space<vmem>>) dst(%dma_wait3A_81 : memref<10112x16xf32, #tpu.memory_space<vmem_shared>>)
    %mul3A_82 = arith.constant 5120 : i32
    %mul3A_83 = arith.muli %add3A, %mul3A_82 : i32
    %add3A_84 = arith.constant 5056 : i32
    %add3A_85 = arith.addi %mul3A_83, %add3A_84 : i32
    %dma_wait3A_86 = arith.constant 1 : i32
    %dma_wait3A_87 = arith.constant 0 : i32
    %dma_wait3A_88 = arith.constant 0 : i32
    %dma_wait3A_89 = tpu.memref_slice %arg10[%dma_wait3A_86, %dma_wait3A_87, %dma_wait3A_88] : memref<2x64x16xf32, #tpu.memory_space<vmem>> -> memref<1x64x16xf32, #tpu.memory_space<vmem>>
    %dma_wait3A_90 = tpu.memref_squeeze %dma_wait3A_89 : memref<1x64x16xf32, #tpu.memory_space<vmem>> -> memref<64x16xf32, #tpu.memory_space<vmem>>
    %dma_wait3A_91 = arith.constant 0 : i32
    %dma_wait3A_92 = tpu.memref_slice %arg5[%add3A_85, %dma_wait3A_91] : memref<163840x16xf32, #tpu.memory_space<hbm>> -> memref<64x16xf32, #tpu.memory_space<hbm>>
    %dma_wait3A_93 = arith.constant 0 : i32
    %dma_wait3A_94 = tpu.memref_slice %arg5[%add3A_85, %dma_wait3A_93] : memref<163840x16xf32, #tpu.memory_space<hbm>> -> memref<64x16xf32, #tpu.memory_space<hbm>>
    %dma_wait3A_95 = arith.constant 0 : i32
    %dma_wait3A_96 = arith.constant 0 : i32
    %dma_wait3A_97 = tpu.memref_slice %arg10[%dma_wait3A_86, %dma_wait3A_95, %dma_wait3A_96] : memref<2x64x16xf32, #tpu.memory_space<vmem>> -> memref<1x64x16xf32, #tpu.memory_space<vmem>>
    %dma_wait3A_98 = tpu.memref_squeeze %dma_wait3A_97 : memref<1x64x16xf32, #tpu.memory_space<vmem>> -> memref<64x16xf32, #tpu.memory_space<vmem>>
    tpu.wait_dma2 semaphore(%arg16 : memref<!tpu.dma_semaphore, #tpu.memory_space<semaphore_mem>>) src(%dma_wait3A_98 : memref<64x16xf32, #tpu.memory_space<vmem>>) dst(%dma_wait3A_94 : memref<64x16xf32, #tpu.memory_space<hbm>>)
    %barrier3A_99 = arith.constant 0 : index
    tpu.barrier barrier_id(%barrier3A_99)
    %mul3A_100 = arith.constant 632 : i32
    %mul3A_101 = arith.muli %arg1, %mul3A_100 : i32
    "tpu.region"() ({
      %run_scoped3A = tpu.sem_alloc : memref<!tpu.dma_semaphore, #tpu.memory_space<semaphore_mem>>
      %dma_start3A_104 = arith.constant 0 : i32
      %dma_start3A_105 = tpu.memref_slice %arg12[%mul3A_101, %dma_start3A_104] : memref<10112x16xf32, #tpu.memory_space<vmem_shared>> -> memref<632x16xf32, #tpu.memory_space<vmem_shared>>
      %dma_start3A_106 = arith.constant 0 : i32
      %dma_start3A_107 = tpu.memref_slice %arg12[%mul3A_101, %dma_start3A_106] : memref<10112x16xf32, #tpu.memory_space<vmem_shared>> -> memref<632x16xf32, #tpu.memory_space<vmem_shared>>
      tpu.enqueue_dma source(%dma_start3A_107 : memref<632x16xf32, #tpu.memory_space<vmem_shared>>) target(%arg11 : memref<632x16xf32, #tpu.memory_space<vmem>>) target_semaphore(%run_scoped3A : memref<!tpu.dma_semaphore, #tpu.memory_space<semaphore_mem>>)
      %dma_wait3A_108 = arith.constant 0 : i32
      %dma_wait3A_109 = tpu.memref_slice %arg12[%mul3A_101, %dma_wait3A_108] : memref<10112x16xf32, #tpu.memory_space<vmem_shared>> -> memref<632x16xf32, #tpu.memory_space<vmem_shared>>
      %dma_wait3A_110 = arith.constant 0 : i32
      %dma_wait3A_111 = tpu.memref_slice %arg12[%mul3A_101, %dma_wait3A_110] : memref<10112x16xf32, #tpu.memory_space<vmem_shared>> -> memref<632x16xf32, #tpu.memory_space<vmem_shared>>
      tpu.wait_dma2 semaphore(%run_scoped3A : memref<!tpu.dma_semaphore, #tpu.memory_space<semaphore_mem>>) src(%dma_wait3A_111 : memref<632x16xf32, #tpu.memory_space<vmem_shared>>) dst(%arg11 : memref<632x16xf32, #tpu.memory_space<vmem>>)
      tpu.yield
    }) : () -> ()
    %mul3A_102 = arith.constant 632 : i32
    %mul3A_103 = arith.muli %arg1, %mul3A_102 : i32
    "tpu.region"() ({
      %run_scoped3A = tpu.sem_alloc : memref<!tpu.dma_semaphore, #tpu.memory_space<semaphore_mem>>
      %dma_start3A_104 = arith.constant 0 : i32
      %dma_start3A_105 = tpu.memref_slice %arg6[%arg0, %mul3A_103, %dma_start3A_104] : memref<2x10112x16xf32, #tpu.memory_space<hbm>> -> memref<1x632x16xf32, #tpu.memory_space<hbm>>
      %dma_start3A_106 = tpu.memref_squeeze %dma_start3A_105 : memref<1x632x16xf32, #tpu.memory_space<hbm>> -> memref<632x16xf32, #tpu.memory_space<hbm>>
      %dma_start3A_107 = arith.constant 0 : i32
      %dma_start3A_108 = tpu.memref_slice %arg6[%arg0, %mul3A_103, %dma_start3A_107] : memref<2x10112x16xf32, #tpu.memory_space<hbm>> -> memref<1x632x16xf32, #tpu.memory_space<hbm>>
      %dma_start3A_109 = tpu.memref_squeeze %dma_start3A_108 : memref<1x632x16xf32, #tpu.memory_space<hbm>> -> memref<632x16xf32, #tpu.memory_space<hbm>>
      tpu.enqueue_dma source(%arg11 : memref<632x16xf32, #tpu.memory_space<vmem>>) target(%dma_start3A_109 : memref<632x16xf32, #tpu.memory_space<hbm>>) target_semaphore(%run_scoped3A : memref<!tpu.dma_semaphore, #tpu.memory_space<semaphore_mem>>)
      %dma_wait3A_110 = arith.constant 0 : i32
      %dma_wait3A_111 = tpu.memref_slice %arg6[%arg0, %mul3A_103, %dma_wait3A_110] : memref<2x10112x16xf32, #tpu.memory_space<hbm>> -> memref<1x632x16xf32, #tpu.memory_space<hbm>>
      %dma_wait3A_112 = tpu.memref_squeeze %dma_wait3A_111 : memref<1x632x16xf32, #tpu.memory_space<hbm>> -> memref<632x16xf32, #tpu.memory_space<hbm>>
      %dma_wait3A_113 = arith.constant 0 : i32
      %dma_wait3A_114 = tpu.memref_slice %arg6[%arg0, %mul3A_103, %dma_wait3A_113] : memref<2x10112x16xf32, #tpu.memory_space<hbm>> -> memref<1x632x16xf32, #tpu.memory_space<hbm>>
      %dma_wait3A_115 = tpu.memref_squeeze %dma_wait3A_114 : memref<1x632x16xf32, #tpu.memory_space<hbm>> -> memref<632x16xf32, #tpu.memory_space<hbm>>
      tpu.wait_dma2 semaphore(%run_scoped3A : memref<!tpu.dma_semaphore, #tpu.memory_space<semaphore_mem>>) src(%arg11 : memref<632x16xf32, #tpu.memory_space<vmem>>) dst(%dma_wait3A_115 : memref<632x16xf32, #tpu.memory_space<hbm>>)
      tpu.yield
    }) : () -> ()
    return
  }
}

module attributes {stable_mosaic.version = 14 : i64} {
  func.func @_mm_body(%arg0: i32, %arg1: i32, %arg2: memref<1024x1536xf32, #tpu.memory_space<vmem>>, %arg3: memref<1536x512xf32, #tpu.memory_space<vmem>>, %arg4: memref<1x512xf32, #tpu.memory_space<vmem>>, %arg5: memref<1024x512xf32, #tpu.memory_space<vmem>>) attributes {dimension_semantics = [#tpu.dimension_semantics<arbitrary>, #tpu.dimension_semantics<arbitrary>], iteration_bounds = array<i64: 10, 8>, scalar_prefetch = 0 : i64, scratch_operands = 0 : i64, tpu.core_type = #tpu.core_type<tc>, window_params = [{transform_indices = @transform_0, window_bounds = array<i64: 1024, 1536>}, {transform_indices = @transform_1, window_bounds = array<i64: 1536, 512>}, {transform_indices = @transform_2, window_bounds = array<i64: 1, 512>}, {transform_indices = @transform_3, window_bounds = array<i64: 1024, 512>}]} {
    %get3A = arith.constant 0 : index
    %get3A_0 = arith.constant 0 : index
    %get3A_1 = vector.load %arg2[%get3A, %get3A_0] : memref<1024x1536xf32, #tpu.memory_space<vmem>>, vector<1024x1536xf32>
    %get3A_2 = arith.constant 0 : index
    %get3A_3 = arith.constant 0 : index
    %get3A_4 = vector.load %arg3[%get3A_2, %get3A_3] : memref<1536x512xf32, #tpu.memory_space<vmem>>, vector<1536x512xf32>
    %dot_general3A = arith.constant dense<0.000000e+00> : vector<1024x512xf32>
    %dot_general3A_5 = tpu.matmul %get3A_1, %get3A_4, %dot_general3A {dimension_numbers = #tpu.dot_dimension_numbers<[1], [0], [0], [1], [0, 0, 1, 1], [], []>, transpose_lhs_hint = false} : vector<1024x1536xf32>, vector<1536x512xf32>, vector<1024x512xf32> -> vector<1024x512xf32>
    %get3A_6 = arith.constant 0 : index
    %get3A_7 = arith.constant 0 : index
    %get3A_8 = vector.load %arg4[%get3A_6, %get3A_7] : memref<1x512xf32, #tpu.memory_space<vmem>>, vector<1x512xf32>
    %add3A = vector.broadcast %get3A_8 : vector<1x512xf32> to vector<1024x512xf32>
    %add3A_9 = arith.addf %dot_general3A_5, %add3A : vector<1024x512xf32>
    %swap3A = arith.constant 0 : index
    %swap3A_10 = arith.constant 0 : index
    %swap3A_11 = vector.load %arg5[%swap3A, %swap3A_10] : memref<1024x512xf32, #tpu.memory_space<vmem>>, vector<1024x512xf32>
    tpu.vector_store %arg5[%swap3A, %swap3A_10], %add3A_9 {strides = array<i32>} : memref<1024x512xf32, #tpu.memory_space<vmem>>, vector<1024x512xf32>,
    return
  }
  func.func @transform_0(%arg0: i32, %arg1: i32) -> (i32, i32) {
    %c0_i32 = arith.constant 0 : i32
    %c0_i32_0 = arith.constant 0 : i32
    return %arg0, %c0_i32 : i32, i32
  }
  func.func @transform_1(%arg0: i32, %arg1: i32) -> (i32, i32) {
    %c0_i32 = arith.constant 0 : i32
    %c0_i32_0 = arith.constant 0 : i32
    return %c0_i32, %arg1 : i32, i32
  }
  func.func @transform_2(%arg0: i32, %arg1: i32) -> (i32, i32) {
    %c0_i32 = arith.constant 0 : i32
    %c0_i32_0 = arith.constant 0 : i32
    return %c0_i32, %arg1 : i32, i32
  }
  func.func @transform_3(%arg0: i32, %arg1: i32) -> (i32, i32) {
    %jit3A = arith.constant 4 : i32
    %div3A = arith.divsi %arg1, %jit3A : i32
    %sign3A = arith.constant 0 : i32
    %sign3A_0 = arith.cmpi sgt, %arg1, %sign3A : i32
    %sign3A_1 = arith.extui %sign3A_0 : i1 to i32
    %sign3A_2 = arith.constant 0 : i32
    %sign3A_3 = arith.cmpi slt, %arg1, %sign3A_2 : i32
    %sign3A_4 = arith.extui %sign3A_3 : i1 to i32
    %sign3A_5 = arith.subi %sign3A_1, %sign3A_4 : i32
    %sign3A_6 = arith.constant 0 : i32
    %sign3A_7 = arith.cmpi sgt, %jit3A, %sign3A_6 : i32
    %sign3A_8 = arith.extui %sign3A_7 : i1 to i32
    %sign3A_9 = arith.constant 0 : i32
    %sign3A_10 = arith.cmpi slt, %jit3A, %sign3A_9 : i32
    %sign3A_11 = arith.extui %sign3A_10 : i1 to i32
    %sign3A_12 = arith.subi %sign3A_8, %sign3A_11 : i32
    %ne3A = arith.cmpi ne, %sign3A_5, %sign3A_12 : i32
    %rem3A = arith.remsi %arg1, %jit3A : i32
    %ne3A_13 = arith.constant 0 : i32
    %ne3A_14 = arith.cmpi ne, %rem3A, %ne3A_13 : i32
    %and3A = arith.andi %ne3A, %ne3A_14 : i1
    %sub3A = arith.constant 1 : i32
    %sub3A_15 = arith.subi %div3A, %sub3A : i32
    %select_n3A = arith.select %and3A, %sub3A_15, %div3A : i32
    %mul3A = arith.constant 10 : i32
    %mul3A_16 = arith.muli %select_n3A, %mul3A : i32
    %add3A = arith.addi %mul3A_16, %arg0 : i32
    %jit3A_17 = arith.constant 4 : i32
    %eq3A = arith.constant 0 : i32
    %eq3A_18 = arith.cmpi eq, %jit3A_17, %eq3A : i32
    %jit3A_19 = arith.constant 1 : i32
    %select_n3A_20 = arith.select %eq3A_18, %jit3A_19, %jit3A_17 : i32
    %rem3A_21 = arith.remsi %arg1, %select_n3A_20 : i32
    %ne3A_22 = arith.constant 0 : i32
    %ne3A_23 = arith.cmpi ne, %rem3A_21, %ne3A_22 : i32
    %lt3A = arith.constant 0 : i32
    %lt3A_24 = arith.cmpi slt, %rem3A_21, %lt3A : i32
    %lt3A_25 = arith.constant 0 : i32
    %lt3A_26 = arith.cmpi slt, %select_n3A_20, %lt3A_25 : i32
    %ne3A_27 = arith.xori %lt3A_24, %lt3A_26 : i1
    %and3A_28 = arith.andi %ne3A_27, %ne3A_23 : i1
    %add3A_29 = arith.addi %rem3A_21, %select_n3A_20 : i32
    %select_n3A_30 = arith.select %and3A_28, %add3A_29, %rem3A_21 : i32
    %c0_i32 = arith.constant 0 : i32
    return %add3A, %select_n3A_30 : i32, i32
  }
}

module attributes {stable_mosaic.version = 14 : i64} {
  func.func @_mm_body(%arg0: i32, %arg1: i32, %arg2: memref<1024x1536xf32, #tpu.memory_space<vmem>>, %arg3: memref<1536x128xf32, #tpu.memory_space<vmem>>, %arg4: memref<1x128xf32, #tpu.memory_space<vmem>>, %arg5: memref<1024x128xf32, #tpu.memory_space<vmem>>) attributes {dimension_semantics = [#tpu.dimension_semantics<arbitrary>, #tpu.dimension_semantics<arbitrary>], iteration_bounds = array<i64: 10, 16>, scalar_prefetch = 0 : i64, scratch_operands = 0 : i64, tpu.core_type = #tpu.core_type<tc>, window_params = [{transform_indices = @transform_0, window_bounds = array<i64: 1024, 1536>}, {transform_indices = @transform_1, window_bounds = array<i64: 1536, 128>}, {transform_indices = @transform_2, window_bounds = array<i64: 1, 128>}, {transform_indices = @transform_3, window_bounds = array<i64: 1024, 128>}]} {
    %get3A = arith.constant 0 : index
    %get3A_0 = arith.constant 0 : index
    %get3A_1 = vector.load %arg2[%get3A, %get3A_0] : memref<1024x1536xf32, #tpu.memory_space<vmem>>, vector<1024x1536xf32>
    %get3A_2 = arith.constant 0 : index
    %get3A_3 = arith.constant 0 : index
    %get3A_4 = vector.load %arg3[%get3A_2, %get3A_3] : memref<1536x128xf32, #tpu.memory_space<vmem>>, vector<1536x128xf32>
    %dot_general3A = arith.constant dense<0.000000e+00> : vector<1024x128xf32>
    %dot_general3A_5 = tpu.matmul %get3A_1, %get3A_4, %dot_general3A {dimension_numbers = #tpu.dot_dimension_numbers<[1], [0], [0], [1], [0, 0, 1, 1], [], []>, transpose_lhs_hint = false} : vector<1024x1536xf32>, vector<1536x128xf32>, vector<1024x128xf32> -> vector<1024x128xf32>
    %get3A_6 = arith.constant 0 : index
    %get3A_7 = arith.constant 0 : index
    %get3A_8 = vector.load %arg4[%get3A_6, %get3A_7] : memref<1x128xf32, #tpu.memory_space<vmem>>, vector<1x128xf32>
    %add3A = vector.broadcast %get3A_8 : vector<1x128xf32> to vector<1024x128xf32>
    %add3A_9 = arith.addf %dot_general3A_5, %add3A : vector<1024x128xf32>
    %swap3A = arith.constant 0 : index
    %swap3A_10 = arith.constant 0 : index
    %swap3A_11 = vector.load %arg5[%swap3A, %swap3A_10] : memref<1024x128xf32, #tpu.memory_space<vmem>>, vector<1024x128xf32>
    tpu.vector_store %arg5[%swap3A, %swap3A_10], %add3A_9 {strides = array<i32>} : memref<1024x128xf32, #tpu.memory_space<vmem>>, vector<1024x128xf32>,
    return
  }
  func.func @transform_0(%arg0: i32, %arg1: i32) -> (i32, i32) {
    %c0_i32 = arith.constant 0 : i32
    %c0_i32_0 = arith.constant 0 : i32
    return %arg0, %c0_i32 : i32, i32
  }
  func.func @transform_1(%arg0: i32, %arg1: i32) -> (i32, i32) {
    %c0_i32 = arith.constant 0 : i32
    %c0_i32_0 = arith.constant 0 : i32
    return %c0_i32, %arg1 : i32, i32
  }
  func.func @transform_2(%arg0: i32, %arg1: i32) -> (i32, i32) {
    %c0_i32 = arith.constant 0 : i32
    %c0_i32_0 = arith.constant 0 : i32
    return %c0_i32, %arg1 : i32, i32
  }
  func.func @transform_3(%arg0: i32, %arg1: i32) -> (i32, i32) {
    %mul3A = arith.constant 10 : i32
    %mul3A_0 = arith.muli %arg1, %mul3A : i32
    %add3A = arith.addi %mul3A_0, %arg0 : i32
    %c0_i32 = arith.constant 0 : i32
    %c0_i32_1 = arith.constant 0 : i32
    return %add3A, %c0_i32 : i32, i32
  }
}

module attributes {stable_mosaic.version = 14 : i64} {
  func.func @_mm_body(%arg0: i32, %arg1: i32, %arg2: memref<1024x1536xf32, #tpu.memory_space<vmem>>, %arg3: memref<1536x256xf32, #tpu.memory_space<vmem>>, %arg4: memref<1x256xf32, #tpu.memory_space<vmem>>, %arg5: memref<1024x256xf32, #tpu.memory_space<vmem>>) attributes {dimension_semantics = [#tpu.dimension_semantics<arbitrary>, #tpu.dimension_semantics<arbitrary>], iteration_bounds = array<i64: 10, 1>, scalar_prefetch = 0 : i64, scratch_operands = 0 : i64, tpu.core_type = #tpu.core_type<tc>, window_params = [{transform_indices = @transform_0, window_bounds = array<i64: 1024, 1536>}, {transform_indices = @transform_1, window_bounds = array<i64: 1536, 256>}, {transform_indices = @transform_2, window_bounds = array<i64: 1, 256>}, {transform_indices = @transform_3, window_bounds = array<i64: 1024, 256>}]} {
    %get3A = arith.constant 0 : index
    %get3A_0 = arith.constant 0 : index
    %get3A_1 = vector.load %arg2[%get3A, %get3A_0] : memref<1024x1536xf32, #tpu.memory_space<vmem>>, vector<1024x1536xf32>
    %get3A_2 = arith.constant 0 : index
    %get3A_3 = arith.constant 0 : index
    %get3A_4 = vector.load %arg3[%get3A_2, %get3A_3] : memref<1536x256xf32, #tpu.memory_space<vmem>>, vector<1536x256xf32>
    %dot_general3A = arith.constant dense<0.000000e+00> : vector<1024x256xf32>
    %dot_general3A_5 = tpu.matmul %get3A_1, %get3A_4, %dot_general3A {dimension_numbers = #tpu.dot_dimension_numbers<[1], [0], [0], [1], [0, 0, 1, 1], [], []>, transpose_lhs_hint = false} : vector<1024x1536xf32>, vector<1536x256xf32>, vector<1024x256xf32> -> vector<1024x256xf32>
    %get3A_6 = arith.constant 0 : index
    %get3A_7 = arith.constant 0 : index
    %get3A_8 = vector.load %arg4[%get3A_6, %get3A_7] : memref<1x256xf32, #tpu.memory_space<vmem>>, vector<1x256xf32>
    %add3A = vector.broadcast %get3A_8 : vector<1x256xf32> to vector<1024x256xf32>
    %add3A_9 = arith.addf %dot_general3A_5, %add3A : vector<1024x256xf32>
    %swap3A = arith.constant 0 : index
    %swap3A_10 = arith.constant 0 : index
    %swap3A_11 = vector.load %arg5[%swap3A, %swap3A_10] : memref<1024x256xf32, #tpu.memory_space<vmem>>, vector<1024x256xf32>
    tpu.vector_store %arg5[%swap3A, %swap3A_10], %add3A_9 {strides = array<i32>} : memref<1024x256xf32, #tpu.memory_space<vmem>>, vector<1024x256xf32>,
    return
  }
  func.func @transform_0(%arg0: i32, %arg1: i32) -> (i32, i32) {
    %c0_i32 = arith.constant 0 : i32
    %c0_i32_0 = arith.constant 0 : i32
    return %arg0, %c0_i32 : i32, i32
  }
  func.func @transform_1(%arg0: i32, %arg1: i32) -> (i32, i32) {
    %c0_i32 = arith.constant 0 : i32
    %c0_i32_0 = arith.constant 0 : i32
    return %c0_i32, %arg1 : i32, i32
  }
  func.func @transform_2(%arg0: i32, %arg1: i32) -> (i32, i32) {
    %c0_i32 = arith.constant 0 : i32
    %c0_i32_0 = arith.constant 0 : i32
    return %c0_i32, %arg1 : i32, i32
  }
  func.func @transform_3(%arg0: i32, %arg1: i32) -> (i32, i32) {
    %c0_i32 = arith.constant 0 : i32
    return %arg0, %arg1 : i32, i32
  }
}

module attributes {stable_mosaic.version = 14 : i64} {
  func.func @_tail_body(%arg0: i32, %arg1: memref<400x128xf32, #tpu.memory_space<vmem>>, %arg2: memref<400x128xf32, #tpu.memory_space<vmem>>, %arg3: memref<400x256xf32, #tpu.memory_space<vmem>>, %arg4: memref<256x1536xf32, #tpu.memory_space<vmem>>, %arg5: memref<1x1536xf32, #tpu.memory_space<vmem>>, %arg6: memref<8x1536xf32, #tpu.memory_space<vmem>>, %arg7: memref<8x256xf32, #tpu.memory_space<vmem>>) attributes {dimension_semantics = [#tpu.dimension_semantics<arbitrary>], iteration_bounds = array<i64: 25>, scalar_prefetch = 0 : i64, scratch_operands = 1 : i64, tpu.core_type = #tpu.core_type<tc>, window_params = [{transform_indices = @transform_0, window_bounds = array<i64: 400, 128>}, {transform_indices = @transform_1, window_bounds = array<i64: 400, 128>}, {transform_indices = @transform_2, window_bounds = array<i64: 400, 256>}, {pipeline_mode = #tpu.pipeline_mode<synchronous>, transform_indices = @transform_3, window_bounds = array<i64: 256, 1536>}, {pipeline_mode = #tpu.pipeline_mode<synchronous>, transform_indices = @transform_4, window_bounds = array<i64: 1, 1536>}, {pipeline_mode = #tpu.pipeline_mode<synchronous>, transform_indices = @transform_5, window_bounds = array<i64: 8, 1536>}]} {
    %eq3A = arith.constant 0 : i32
    %eq3A_0 = arith.cmpi eq, %arg0, %eq3A : i32
    %convert_element_type3A = arith.extui %eq3A_0 : i1 to i32
    %cond3A = arith.constant 0 : i32
    %cond3A_1 = arith.cmpi ne, %convert_element_type3A, %cond3A : i32
    scf.if %cond3A_1 {
      %broadcast_in_dim3A = arith.constant 0.000000e+00 : f32
      %broadcast_in_dim3A_24 = vector.broadcast %broadcast_in_dim3A : f32 to vector<8x256xf32>
      %swap3A_25 = arith.constant 0 : index
      %swap3A_26 = arith.constant 0 : index
      %swap3A_27 = vector.load %arg7[%swap3A_25, %swap3A_26] : memref<8x256xf32, #tpu.memory_space<vmem>>, vector<8x256xf32>
      tpu.vector_store %arg7[%swap3A_25, %swap3A_26], %broadcast_in_dim3A_24 {strides = array<i32>} : memref<8x256xf32, #tpu.memory_space<vmem>>, vector<8x256xf32>,
    } else {
    }
    %get3A = arith.constant 0 : index
    %get3A_2 = arith.constant 0 : index
    %get3A_3 = vector.load %arg1[%get3A, %get3A_2] : memref<400x128xf32, #tpu.memory_space<vmem>>, vector<400x128xf32>
    %get3A_4 = arith.constant 0 : index
    %get3A_5 = arith.constant 0 : index
    %get3A_6 = vector.load %arg2[%get3A_4, %get3A_5] : memref<400x128xf32, #tpu.memory_space<vmem>>, vector<400x128xf32>
    %concatenate3A = tpu.concatenate %get3A_3, %get3A_6 in 1 : vector<400x128xf32>, vector<400x128xf32> -> vector<400x256xf32>
    %get3A_7 = arith.constant 0 : index
    %get3A_8 = arith.constant 0 : index
    %get3A_9 = vector.load %arg3[%get3A_7, %get3A_8] : memref<400x256xf32, #tpu.memory_space<vmem>>, vector<400x256xf32>
    %add3A = arith.addf %concatenate3A, %get3A_9 : vector<400x256xf32>
    %max3A = arith.constant 0.000000e+00 : f32
    %max3A_10 = vector.broadcast %max3A : f32 to vector<400x256xf32>
    %max3A_11 = arith.maximumf %add3A, %max3A_10 : vector<400x256xf32>
    %get3A_12 = arith.constant 0 : index
    %get3A_13 = arith.constant 0 : index
    %get3A_14 = vector.load %arg7[%get3A_12, %get3A_13] : memref<8x256xf32, #tpu.memory_space<vmem>>, vector<8x256xf32>
    %reshape3A = vector.shape_cast %max3A_11 : vector<400x256xf32> to vector<50x8x256xf32>
    %reduce_sum3A = arith.constant dense<0.000000e+00> : vector<8x256xf32>
    %reduce_sum3A_15 = vector.multi_reduction <add>, %reshape3A, %reduce_sum3A [0] : vector<50x8x256xf32> to vector<8x256xf32>
    %add3A_16 = arith.addf %get3A_14, %reduce_sum3A_15 : vector<8x256xf32>
    %swap3A = arith.constant 0 : index
    %swap3A_17 = arith.constant 0 : index
    %swap3A_18 = vector.load %arg7[%swap3A, %swap3A_17] : memref<8x256xf32, #tpu.memory_space<vmem>>, vector<8x256xf32>
    tpu.vector_store %arg7[%swap3A, %swap3A_17], %add3A_16 {strides = array<i32>} : memref<8x256xf32, #tpu.memory_space<vmem>>, vector<8x256xf32>,
    %eq3A_19 = arith.constant 24 : i32
    %eq3A_20 = arith.cmpi eq, %arg0, %eq3A_19 : i32
    %convert_element_type3A_21 = arith.extui %eq3A_20 : i1 to i32
    %cond3A_22 = arith.constant 0 : i32
    %cond3A_23 = arith.cmpi ne, %convert_element_type3A_21, %cond3A_22 : i32
    scf.if %cond3A_23 {
      %get3A_24 = arith.constant 0 : index
      %get3A_25 = arith.constant 0 : index
      %get3A_26 = vector.load %arg7[%get3A_24, %get3A_25] : memref<8x256xf32, #tpu.memory_space<vmem>>, vector<8x256xf32>
      %reduce_sum3A_27 = arith.constant dense<0.000000e+00> : vector<256xf32>
      %reduce_sum3A_28 = vector.multi_reduction <add>, %get3A_26, %reduce_sum3A_27 [0] : vector<8x256xf32> to vector<256xf32>
      %broadcast_in_dim3A = vector.shape_cast %reduce_sum3A_28 : vector<256xf32> to vector<1x256xf32>
      %mul3A = arith.constant 9.99999974E-5 : f32
      %mul3A_29 = vector.broadcast %mul3A : f32 to vector<1x256xf32>
      %mul3A_30 = arith.mulf %broadcast_in_dim3A, %mul3A_29 : vector<1x256xf32>
      %get3A_31 = arith.constant 0 : index
      %get3A_32 = arith.constant 0 : index
      %get3A_33 = vector.load %arg4[%get3A_31, %get3A_32] : memref<256x1536xf32, #tpu.memory_space<vmem>>, vector<256x1536xf32>
      %dot_general3A = arith.constant dense<0.000000e+00> : vector<1x1536xf32>
      %dot_general3A_34 = tpu.matmul %mul3A_30, %get3A_33, %dot_general3A {dimension_numbers = #tpu.dot_dimension_numbers<[1], [0], [0], [1], [0, 0, 1, 1], [], []>, transpose_lhs_hint = false} : vector<1x256xf32>, vector<256x1536xf32>, vector<1x1536xf32> -> vector<1x1536xf32>
      %get3A_35 = arith.constant 0 : index
      %get3A_36 = arith.constant 0 : index
      %get3A_37 = vector.load %arg5[%get3A_35, %get3A_36] : memref<1x1536xf32, #tpu.memory_space<vmem>>, vector<1x1536xf32>
      %add3A_38 = arith.addf %dot_general3A_34, %get3A_37 : vector<1x1536xf32>
      %broadcast_in_dim3A_39 = vector.shape_cast %add3A_38 : vector<1x1536xf32> to vector<1x1536xf32>
      %broadcast_in_dim3A_40 = vector.broadcast %broadcast_in_dim3A_39 : vector<1x1536xf32> to vector<8x1536xf32>
      %swap3A_41 = arith.constant 0 : index
      %swap3A_42 = arith.constant 0 : index
      %swap3A_43 = vector.load %arg6[%swap3A_41, %swap3A_42] : memref<8x1536xf32, #tpu.memory_space<vmem>>, vector<8x1536xf32>
      tpu.vector_store %arg6[%swap3A_41, %swap3A_42], %broadcast_in_dim3A_40 {strides = array<i32>} : memref<8x1536xf32, #tpu.memory_space<vmem>>, vector<8x1536xf32>,
    } else {
    }
    return
  }
  func.func @transform_0(%arg0: i32) -> (i32, i32) {
    %c0_i32 = arith.constant 0 : i32
    %c0_i32_0 = arith.constant 0 : i32
    return %arg0, %c0_i32 : i32, i32
  }
  func.func @transform_1(%arg0: i32) -> (i32, i32) {
    %c0_i32 = arith.constant 0 : i32
    %c0_i32_0 = arith.constant 0 : i32
    return %arg0, %c0_i32 : i32, i32
  }
  func.func @transform_2(%arg0: i32) -> (i32, i32) {
    %c0_i32 = arith.constant 0 : i32
    %c0_i32_0 = arith.constant 0 : i32
    return %arg0, %c0_i32 : i32, i32
  }
  func.func @transform_3(%arg0: i32) -> (i32, i32) {
    %c0_i32 = arith.constant 0 : i32
    %c0_i32_0 = arith.constant 0 : i32
    %c0_i32_1 = arith.constant 0 : i32
    return %c0_i32, %c0_i32_0 : i32, i32
  }
  func.func @transform_4(%arg0: i32) -> (i32, i32) {
    %c0_i32 = arith.constant 0 : i32
    %c0_i32_0 = arith.constant 0 : i32
    %c0_i32_1 = arith.constant 0 : i32
    return %c0_i32, %c0_i32_0 : i32, i32
  }
  func.func @transform_5(%arg0: i32) -> (i32, i32) {
    %c0_i32 = arith.constant 0 : i32
    %c0_i32_0 = arith.constant 0 : i32
    %c0_i32_1 = arith.constant 0 : i32
    return %c0_i32, %c0_i32_0 : i32, i32
  }
}

</mosaic_0001>

<sc_bundles>
// kernel: kernel.11.cloned.1.call-start
scs
__scs_entry_jumppad:
0x0: {  	(pc) =	sbr.rel $0x88, $3  }
0x1: {  	(tag) =	ssettag $0x0;
	lr =	simm.s32 $0x1  }
0x2: {  	[smem:$0x3F94] =	sst lr;
	_ =	strace $0xD0000000  }
0x3: {  	_ = 	snop  }
0x4: {  	_ = 	snop  }
0x5: {  	_ = 	snop  }
0x6: {  	_ = 	snop  }
0x7: {  	_ = 	snop  }
__scs_overlays_trampoline_lowered:
0x8: {  	[smem:$0x3FA3] =	sst s0  }
0x9: {  	[smem:$0x3FA4] =	sst s1  }
0xa: {  	[smem:$0x3FA5] =	sst s2  }
0xb: {  	[smem:$0x3FA6] =	sst s3  }
0xc: {  	[smem:$0x3FA7] =	sst s4  }
0xd: {  	[smem:$0x3FA8] =	sst s5  }
0xe: {  	[smem:$0x3FA9] =	sst s6  }
0xf: {  	[smem:$0x3FAA] =	sst s7  }
0x10: {  	[smem:$0x3FAB] =	sst s8  }
0x11: {  	[smem:$0x3FAC] =	sst s9;
	s0 =	simm.s32 @!p0 $0x0  }
0x12: {  	s1 =	sld [smem:$0x3F92];
	s0 =	simm.s32 @p0 $0x1  }
0x13: {  	[smem:$0x3FAD] =	sst s0;
	s0 =	simm.s32 @!p1 $0x0  }
0x14: {  	s2 =	sld [smem:$0x3F91];
	s0 =	simm.s32 @p1 $0x1  }
0x15: {  	[smem:$0x3FAE] =	sst s0;
	s0 =	simm.s32 @!p2 $0x0  }
0x16: {  	s3 =	sld [smem:$0x3FDB];
	s0 =	simm.s32 @p2 $0x1  }
0x17: {  	s4 =	simm.s32 $0x1BF5;
	[smem:$0x3FB0] =	sst s0  }
0x18: {  	s0 =	sld [smem:$0x3F93];
	_ =	swait.ge [sflag:s4], $0x0  }
0x19: {  	s7 =	sld [smem:$0x3F94]  }
0x1a: {  	s8 =	sadd.s32 $0xFFFFE003, lr  }
0x1b: {  	s9 =	sadd.s32 $0xFFFFFEF7, lr;
	s5 =	simm.s32 $0xFFFFFFFF;
	p2 =	slt.u32 s8, $0xFFFFF086  }
0x1c: {  	p1 =	slt.u32 s9, $0xF7A;
	s5 =	simm.s32 @!p2 $0x0  }
0x1d: {  	s5 =	simm.s32 @p1 $0x1;
	p0 =	seq.s32 s7, s2  }
0x1e: {  	s7 =	smul.u32 @!p0 $0xF7A, s2;
	p2 =	seq.s32 @!p0 s5, $0x0  }
0x1f: {  	s9 =	smul.u32 $0xF7A, s1;
	s8 =	simm.s32 @!p0 $0x1BF5;
	p2 =	por !p2, p0  }
0x20: {  	[sflag:s8] =	ssyncset.s32 @!p0 $0xFFFFF086;
	s6 =	sadd.s32 @!p0 s3, s7;
	s7 =	simm.s32 @!p0 $0x108  }
0x21: {  	s3 =	sadd.s32 s3, s9;
	s6 =	sadd.s32 @!p0 $0x88, s6;
	s7 =	simm.s32 @p2 $0x1082  }
0x22: {  	[simem:s7], [sflag:s8] =	dma.local @!p0 [hbm:s6], $0xF7A  }
0x23: {  	s9 =	sor.u32 $0xD0000000, s2;
	s6 =	simm.s32 $0x108;
	_ =	swait.ge @!p0 [sflag:s8], $0x0  }
0x24: {  	s3 =	sadd.s32 $0x88, s3;
	s6 =	simm.s32 @!p1 $0x1082;
	[sflag:s4] =	ssyncset.s32 $0xFFFFF086  }
0x25: {  	[simem:s6], [sflag:s4] =	dma.local [hbm:s3], $0xF7A  }
0x26: {  	[smem:$0x3F94] =	sst s1;
	(tag) =	ssettag s2;
	_ =	strace s9  }
0x27: {  	s1 =	sld [smem:$0x3FA4]  }
0x28: {  	s2 =	sld [smem:$0x3FA5]  }
0x29: {  	s4 =	sld [smem:$0x3FA7]  }
0x2a: {  	p0 =	seq.s32 s5, $0x0;
	s5 =	sld [smem:$0x3FA8]  }
0x2b: {  	s6 =	sld [smem:$0x3FA9]  }
0x2c: {  	s7 =	sld [smem:$0x3FAA]  }
0x2d: {  	s3 =	simm.s32 $0x108;
	s8 =	sld [smem:$0x3FAB]  }
0x2e: {  	s3 =	simm.s32 @!p0 $0x1082;
	s9 =	sld [smem:$0x3FAC]  }
0x2f: {  	lr =	sadd.s32 s0, s3;
	s0 =	sld [smem:$0x3FA3]  }
0x30: {  	s3 =	sld [smem:$0x3FA6]  }
0x31: {  	[smem:$0x3FAF] =	sst s10  }
0x32: {  	s10 =	sld [smem:$0x3FAD];
	_ =	sdelay $0x3  }
0x33: {  	p0 =	seq.s32 s10, $0x1;
	s10 =	sld [smem:$0x3FAF];
	_ =	sdelay $0x3  }
0x34: {  	[smem:$0x3FAF] =	sst s10  }
0x35: {  	s10 =	sld [smem:$0x3FAE];
	_ =	sdelay $0x3  }
0x36: {  	p1 =	seq.s32 s10, $0x1;
	s10 =	sld [smem:$0x3FAF];
	_ =	sdelay $0x3  }
0x37: {  	[smem:$0x3FAF] =	sst s10  }
0x38: {  	s10 =	sld [smem:$0x3FB0]  }
0x39: {  	_ = 	snop;
	(pc) =	sbr.ind lr, $3  }
0x3a: {  	_ = 	snop  }
0x3b: {  	_ = 	snop  }
0x3c: {  	p2 =	seq.s32 s10, $0x1;
	s10 =	sld [smem:$0x3FAF]  }
0x3d: {  	_ =	shalt  }
0x3e: {  	_ =	shalt  }
0x3f: {  	_ =	shalt  }
0x40: {  	_ =	shalt  }
0x41: {  	_ =	shalt  }
0x42: {  	_ =	shalt  }
0x43: {  	_ =	shalt  }
0x44: {  	_ =	shalt  }
0x45: {  	_ =	shalt  }
0x46: {  	_ =	shalt  }
0x47: {  	_ =	shalt  }
0x48: {  	_ =	shalt  }
0x49: {  	_ =	shalt  }
0x4a: {  	_ =	shalt  }
0x4b: {  	_ =	shalt  }
0x4c: {  	_ =	shalt  }
0x4d: {  	_ =	shalt  }
0x4e: {  	_ =	shalt  }
0x4f: {  	_ =	shalt  }
0x50: {  	_ =	shalt  }
0x51: {  	_ =	shalt  }
0x52: {  	_ =	shalt  }
0x53: {  	_ =	shalt  }
0x54: {  	_ =	shalt  }
0x55: {  	_ =	shalt  }
0x56: {  	_ =	shalt  }
0x57: {  	_ =	shalt  }
0x58: {  	_ =	shalt  }
0x59: {  	_ =	shalt  }
0x5a: {  	_ =	shalt  }
0x5b: {  	_ =	shalt  }
0x5c: {  	_ =	shalt  }
0x5d: {  	_ =	shalt  }
0x5e: {  	_ =	shalt  }
0x5f: {  	_ =	shalt  }
0x60: {  	_ =	shalt  }
0x61: {  	_ =	shalt  }
0x62: {  	_ =	shalt  }
0x63: {  	_ =	shalt  }
0x64: {  	_ =	shalt  }
0x65: {  	_ =	shalt  }
0x66: {  	_ =	shalt  }
0x67: {  	_ =	shalt  }
0x68: {  	_ =	shalt  }
0x69: {  	_ =	shalt  }
0x6a: {  	_ =	shalt  }
0x6b: {  	_ =	shalt  }
0x6c: {  	_ =	shalt  }
0x6d: {  	_ =	shalt  }
0x6e: {  	_ =	shalt  }
0x6f: {  	_ =	shalt  }
0x70: {  	_ =	shalt  }
0x71: {  	_ =	shalt  }
0x72: {  	_ =	shalt  }
0x73: {  	_ =	shalt  }
0x74: {  	_ =	shalt  }
0x75: {  	_ =	shalt  }
0x76: {  	_ =	shalt  }
0x77: {  	_ =	shalt  }
0x78: {  	_ =	shalt  }
0x79: {  	_ =	shalt  }
0x7a: {  	_ =	shalt  }
0x7b: {  	_ =	shalt  }
0x7c: {  	_ =	shalt  }
0x7d: {  	_ =	shalt  }
0x7e: {  	_ =	shalt  }
0x7f: {  	_ =	shalt  }
0x80: {  	_ =	shalt  }
0x81: {  	_ =	shalt  }
0x82: {  	_ =	shalt  }
0x83: {  	_ =	shalt  }
0x84: {  	_ =	shalt  }
0x85: {  	_ =	shalt  }
0x86: {  	_ =	shalt  }
0x87: {  	_ =	shalt  }
.Lfunc_end0:
.L_simem_size_0:
called_computation.2_lowered:
.L_overlay_start_0:
0x88: {  	s2 =	sld [smem:$0x3FD9]  }
0x89: {  	s3 =	sld [smem:$0x3FFE];
	_ =	sdelay $0x1  }
0x8a: {  	s1 =	srdreg.scid  }
0x8b: {  	s0 =	sand.u32 $0x1, s1  }
0x8c: {  	s16 =	sshll.u32 s0, $0xA;
	s2 =	sadd.s32 s3, s2  }
0x8d: {  	s2 =	sadd.s32 s2, s16  }
0x8e: {  	[smem:$0x3FBB] =	sst s2  }
0x8f: {  	_ = 	snop  }
0x90: {  	(tm) =	ssettm $0x1  }
0x91: {  	s17 =	sld [smem:$0x3FFB];
	_ =	sdelay $0x3  }
0x92: {  	_ =	strace s17  }
0x93: {  	s2 =	sld [smem:$0x3FFC];
	_ =	sdelay $0x3  }
0x94: {  	_ =	strace s2  }
0x95: {  	s2 =	sld [smem:$0x3FFD];
	_ =	sdelay $0x3  }
0x96: {  	_ =	strace s2  }
0x97: {  	_ =	strace $0x8FFFFFFF  }
0x98: {  	s18 =	sld [smem:$0x3FDB];
	_ =	sdelay $0x1  }
0x99: {  	s19 =	simm.s32 $_scs_section_size  }
0x9a: {  	s4 =	simm.s32 $_size__tile_overlayer_lowered;
	s5 =	simm.s32 $_tile_overlayer_lowered  }
0x9b: {  	s22 =	simm.s32 $0x1BFF;
	s21 =	sshll.u32 s5, $0x1;
	s2 =	sadd.s32 s19, s18  }
0x9c: {  	s6 =	simm.s32 $0x0;
	s20 =	sshll.u32 s4, $0x1;
	s4 =	sadd.s32 s21, s2  }
0x9d: {  	[timem:s6], [sflag:s22] =	dma.local [hbm:s4], s20  }
0x9e: {  	_ =	swait.ge [sflag:s22], s20  }
0x9f: {  	s3 =	ssub.s32 $0x0, s20;
	[sflag:s22] =	ssyncset.done $0x0  }
0xa0: {  	[sflag:s22] =	ssyncadd.s32 s3;
	_ =	sdelay $0x1  }
0xa1: {  	s23 =	simm.s32 $0x1B8B  }
0xa2: {  	_ =	swait.ge [sflag:s23], $0x1  }
0xa3: {  	[sflag:s23] =	ssyncset.done $0x0  }
0xa4: {  	s25 =	simm.s32 $0x1B8E;
	s24 =	sld [smem:$0x3FFE];
	[sflag:s23] =	ssyncadd.s32 $0xFFFFFFFF  }
0xa5: {  	s26 =	simm.s32 $execute0_lowered;
	[smem:$0x3FD2] =	sst s25  }
0xa6: {  	s4 =	sshll.u32 s26, $0x1;
	_ =	strace $0x8000004C;
	[dreg:$0x1] =	wrdreg $0xFFFFFFFF  }
0xa7: {  	s28 =	simm.s32 $_size_execute0_lowered;
	s2 =	sadd.s32 s2, s4;
	[dreg:$0x0] =	wrdreg $0x0  }
0xa8: {  	s4 =	sshll.u32 s28, $0x1;
	[dreg:$0x2] =	wrdreg s2  }
0xa9: {  	[dreg:$0x3] =	wrdreg s4  }
0xaa: {  	[dreg:$0x4] =	wrdreg $0xC0  }
0xab: {  	_ =	task [dreg:s6], $0x5FFFF  }
0xac: {  	[dreg:$0x1] =	wrdreg $0xFFFFFFFF  }
0xad: {  	[dreg:$0x0] =	wrdreg $0x60  }
0xae: {  	[dreg:$0x2] =	wrdreg s24  }
0xaf: {  	[dreg:$0x3] =	wrdreg $0xB0000  }
0xb0: {  	[dreg:$0x4] =	wrdreg $0x9  }
0xb1: {  	_ =	task.clear_ibuf [dreg:s6], $0x5FFFF;
	_ =	strace $0x9000004C  }
0xb2: {  	s29 =	simm.s32 $0x9;
	_ =	strace $0x8000004E  }
0xb3: {  	_ =	swait.ge [sflag:s29], $0x1  }
0xb4: {  	[sflag:s29] =	ssyncadd.s32 $0xFFFFFFFF  }
0xb5: {  	_ =	strace $0x9000004E  }
0xb6: {  	_ =	sfence  }
0xb7: {  	s30 =	sld [smem:$0x0];
	_ =	sdelay $0x2  }
0xb8: {  	s31 =	sshll.u32 s1, $0xD;
	s1 =	sshrl.u32 s1, $0x2  }
0xb9: {  	s3 =	sand.u32 $0x4000, s31;
	s1 =	sadd.s32 s1, s30  }
0xba: {  	s0 =	sor.u32 s3, s0;
	s1 =	sshll.u32 s1, $0x11  }
0xbb: {  	s0 =	sor.u32 s1, s0  }
0xbc: {  	s0 =	sadd.s32 $0x8F2B, s0  }
0xbd: {  	[sflag:s0] =	ssyncadd.remote.s32 $0x1  }
0xbe: {  	_ =	sfence.sel $0xFFFF  }
0xbf: {  	[dreg:$0x0] =	wrdreg $0xFFFFFFFF;
	(pc) =	sbr.abs _section_cstart, $3  }
0xc0: {  	[dreg:$0x1] =	wrdreg $0xFFFFFFFF  }
0xc1: {  	_ =	task.clear_ibuf [dreg:s6], $0x2FFFF;
	_ =	strace $0x9FFFFFFF  }
0xc2: {  	(tm) =	ssettm $0x7FFFFFFF  }
0xc3: {  	_ =	shalt  }
tec
execute0_lowered:
.L_overlay_start_1:
0x0: {  	(tag) =	ssettag $0x1  }
0x1: {  	s0 =	rddreg [dreg:$0x0]  }
0x2: {  	s1 =	rddreg [dreg:$0x1]  }
0x3: {  	s2 =	simm.s32 $0x0;
	s19 =	simm.s32 $0xA800;
	s29 =	simm.s32 $0x5200  }
0x4: {  	s30 =	simm.s32 $0x9300;
	s31 =	simm.s32 $0x9500;
	s15 =	simm.s32 $0x9800  }
0x5: {  	s21 =	srdreg.scid;
	s3 =	sadd.s32 $0x2A0C00, s0;
	s4 =	sadd.s32 $0x250C00, s0  }
0x6: {  	s13 =	stileid.u32;
	s20 =	sadd.s32 $0x1E7E00, s0;
	s14 =	sadd.s32 $0x200C00, s0  }
0x7: {  	s16 =	simm.s32 $0x2;
	s8 =	sadd.s32 $0x1ECE00, s0;
	s6 =	smul.u32 $0x4F000, s13  }
0x8: {  	[smem:$0x7FF] =	sst s2;
	s9 =	sadd.s32 $0x1E2E00, s0;
	s12 =	smul.u32 $0x13C00, s13  }
0x9: {  	s24 =	smul.u32 $0x2800, s13;
	_ =	strace $0x8000004D;
	[dreg:$0x3] =	wrdreg s4  }
0xa: {  	s0 =	sadd.s32 $0x520C00, s0;
	s26 =	smul.u32 $0x5000, s13;
	[dreg:$0x4] =	wrdreg s20  }
0xb: {  	s4 =	sand.u32 $0x1, s21;
	[dreg:$0x5] =	wrdreg s14;
	s20 =	simm.s32 $0x4  }
0xc: {  	s5 =	ssub.s32 $0x2, s4;
	s10 =	sshll.u32 s4, $0x4;
	s4 =	smul.u32 $0x13C000, s4  }
0xd: {  	s6 =	sshrl.u32 s6, $0x2;
	s23 =	sadd.s32 $0x13800, s12;
	[dreg:$0x7] =	wrdreg s24  }
0xe: {  	s28 =	sadd.s32 s26, s14;
	s7 =	sshrl.u32 s5, $0x1;
	s22 =	sor.u32 s13, s10  }
0xf: {  	s11 =	sadd.s32 s6, s1;
	s10 =	sadd.s32 s23, s1;
	s13 =	smul.u32 $0x28000, s13  }
0x10: {  	s17 =	sadd.s32 $0x20, s28;
	s5 =	ssub.s32 s5, s7;
	s7 =	smul.u32 $0x14000, s22  }
0x11: {  	s25 =	sadd.s32 s4, s23;
	s4 =	sadd.s32 s12, s4;
	[dreg:$0x8] =	wrdreg s10  }
0x12: {  	s22 =	simm.s32 $0x80;
	s6 =	sshrl.u32 s25, $0x3;
	[dreg:$0x9] =	wrdreg s13  }
0x13: {  	s5 =	smax.u32 s5, $0x1;
	s4 =	sshrl.u32 s4, $0x3;
	s25 =	simm.s32 $0x10  }
0x14: {  	v0 =	vimm.f32 $0.0e+00;
	v1 =	vimm.s32 $0x0;
	v2 =	vimm.s32 $0x1;
	s13 =	simm.s32 $0xA000;
	[dreg:$0x6] =	wrdreg s7;
	s6 =	sadd.s32 s0, s6  }
0x15: {  	v3 =	vimm.s32 $0x2;
	v4 =	vimm.s32 $0x3;
	v5 =	vimm.s32 $0x4;
	[dreg:$0xb] =	wrdreg s5;
	s18 =	sadd.s32 s4, s0;
	s0 =	simm.s32 $0x9700  }
0x16: {  	v6 =	vimm.s32 $0x5;
	v7 =	vimm.s32 $0x6;
	v8 =	vimm.s32 $0x7;
	s5 =	simm.s32 $0x0;
	[dreg:$0xa] =	wrdreg s6;
	s6 =	simm.s32 $0x1  }
.LBB2_1:
0x17: {  	[dreg:$0xc] =	wrdreg s5;
	s4 =	simm.s32 $0x0;
	s5 =	simm.s32 $0x200  }
.LBB2_2:
0x18: {  	p0 =	sne.s32 s5, $0x1E00;
	[tilespmem:s4+$0xA870] =	vst v0  }
0x19: {  	[tilespmem:s4+$0xA800] =	vst v0  }
0x1a: {  	[tilespmem:s4+$0xA810] =	vst v0  }
.Ltmp0:
0x1b: {  	[tilespmem:s4+$0xA820] =	vst v0;
	(pc) =	sbr.rel @p0 .LBB2_2-.Ltmp0, $4  }
0x1c: {  	[tilespmem:s4+$0xA830] =	vst v0  }
0x1d: {  	[tilespmem:s4+$0xA840] =	vst v0  }
0x1e: {  	[tilespmem:s4+$0xA850] =	vst v0  }
0x1f: {  	[tilespmem:s4+$0xA860] =	vst v0;
	s4 =	sshra.s32 s5, $0x2;
	s5 =	sadd.s32 $0x200, s5  }
0x20: {  	[tilespmem:s4+$0xA870] =	vst v0  }
0x21: {  	[tilespmem:s4+$0xA800] =	vst v0  }
0x22: {  	[tilespmem:s4+$0xA810] =	vst v0  }
0x23: {  	[tilespmem:s4+$0xA820] =	vst v0  }
0x24: {  	[tilespmem:s4+$0xA830] =	vst v0  }
0x25: {  	[tilespmem:s4+$0xA840] =	vst v0  }
0x26: {  	[tilespmem:s4+$0xA850] =	vst v0  }
0x27: {  	[tilespmem:s4+$0xA860] =	vst v0;
	s28 =	sadd.s32 $0x0, s11  }
0x28: {  	[spmem:s28] =	stream.linear.scatter [tilespmem:s19], [sflag:$0x4], $0x800, $0x38;
	[tilespmem:$0x1EC00] =	vst v63  }
0x29: {  	s4 =	simm.s32 $0x2000;
	_ =	swait.ge [sflag:s20], $0x800  }
.LBB2_4:
0x2a: {  	s5 =	sshra.s32 s4, $0x2;
	[sflag:s20] =	ssyncset.done $0x0;
	p0 =	sne.s32 s4, $0x4C000  }
.Ltmp1:
0x2b: {  	s5 =	sadd.s32 s5, s11;
	[sflag:s20] =	ssyncadd.s32 $0xFFFFF800;
	(pc) =	sbr.rel @p0 .LBB2_4-.Ltmp1, $3  }
0x2c: {  	[spmem:s5] =	stream.linear.scatter [tilespmem:s19], [sflag:$0x4], $0x800, $0x38;
	[tilespmem:$0x1EC00] =	vst v63  }
0x2d: {  	s4 =	sadd.s32 $0x2000, s4;
	_ =	sdelay $0x1  }
0x2e: {  	_ =	swait.ge [sflag:s20], $0x800  }
0x2f: {  	[sflag:s20] =	ssyncset.done $0x0  }
0x30: {  	[sflag:s20] =	ssyncadd.s32 $0xFFFFF800  }
0x31: {  	[spmem:s10] =	stream.linear.scatter [tilespmem:s19], [sflag:$0x4], $0x400, $0x38;
	[tilespmem:$0x1EC00] =	vst v63  }
0x32: {  	_ =	swait.ge [sflag:s20], $0x400  }
0x33: {  	[sflag:s20] =	ssyncset.done $0x0  }
0x34: {  	[sflag:s20] =	ssyncadd.s32 $0xFFFFFC00  }
0x35: {  	s12 =	simm.s32 $0x0;
	[bflag:$0x0] =	sbarrier.arrive $0xFFFF  }
.LBB2_6:
0x36: {  	s4 =	sshll.u32 s12, $0xC;
	s5 =	rddreg [dreg:$0x6]  }
0x37: {  	s4 =	sadd.s32 s5, s4  }
0x38: {  	s21 =	rddreg [dreg:$0x3];
	s4 =	sshrl.u32 s4, $0x3  }
0x39: {  	s7 =	simm.s32 $0x200;
	s10 =	simm.s32 $0x0;
	s4 =	sadd.s32 s21, s4  }
0x3a: {  	[tilespmem:s7], [sflag:$0x4] =	stream.linear.gather [hbm4b:s4+s10], $0x1000, $0x38;
	[tilespmem:$0x1EC00] =	vst v63  }
0x3b: {  	_ =	swait.ge [sflag:s20], $0x1000  }
0x3c: {  	s23 =	sshll.u32 s12, $0x9;
	s24 =	rddreg [dreg:$0x7]  }
0x3d: {  	s4 =	sadd.s32 s24, s23  }
0x3e: {  	[sflag:s20] =	ssyncset.done $0x0;
	s26 =	rddreg [dreg:$0x4];
	s4 =	sshrl.u32 s4, $0x3  }
0x3f: {  	[sflag:s20] =	ssyncadd.s32 $0xFFFFF000;
	s4 =	sadd.s32 s26, s4  }
0x40: {  	[tilespmem:s10], [sflag:$0x4] =	stream.linear.gather [hbm4b:s4+s10], $0x200, $0x38;
	[tilespmem:$0x1EC00] =	vst v63  }
0x41: {  	_ =	swait.ge [sflag:s20], $0x200  }
0x42: {  	[sflag:s20] =	ssyncset.done $0x0  }
0x43: {  	s5 =	simm.s32 $0x1200;
	[sflag:s20] =	ssyncadd.s32 $0xFFFFFE00  }
0x44: {  	[tilespmem:s5], [sflag:$0x1] =	stream.indirect.gather [hbm4b:s3+s22], $0x80, s7, s22, $0xb8;
	[tilespmem:$0x1EC00] =	vst v63  }
0x45: {  	s14 =	rddreg [dreg:$0x9];
	s7 =	sshll.u32 s12, $0xD  }
0x46: {  	s4 =	sadd.s32 s14, s7  }
0x47: {  	s21 =	rddreg [dreg:$0x5];
	s4 =	sshrl.u32 s4, $0x3  }
0x48: {  	s23 =	simm.s32 $0x9200;
	s4 =	sadd.s32 s21, s4  }
0x49: {  	[tilespmem:s23], [sflag:$0x1] =	stream.linear.gather [hbm4b:s4+s10], $0x100, $0x38;
	[tilespmem:$0x1EC00] =	vst v63  }
0x4a: {  	s28 =	sshll.u32 s12, $0x5;
	s24 =	simm.s32 $0x9400  }
0x4b: {  	[tilespmem:s24], [sflag:$0x1] =	stream.indirect.gather [hbm4b:s8+s25], $0x10, s10, s25, $0xb8;
	[tilespmem:$0x1EC00] =	vst v63  }
0x4c: {  	s26 =	simm.s32 $0x9600;
	[dreg:$0xd] =	wrdreg s12;
	s4 =	simm.s32 $0x0  }
0x4d: {  	[tilespmem:s26], [sflag:$0x1] =	stream.indirect.gather [hbm4b:s9+s25], $0x10, s10, s25, $0xb8;
	[tilespmem:$0x1EC00] =	vst v63  }
.LBB2_7:
0x4e: {  	s7 =	sshllo.u32 s4, $0x1  }
0x4f: {  	s5 =	sshll.u32 s7, $0x7  }
0x50: {  	s10 =	sshll.u32 s4, $0x1;
	s5 =	sand.u32 $0x3FFFFF80, s5  }
0x51: {  	s24 =	sadd.s32 s28, s10;
	s5 =	sadd.s32 $0x200, s5  }
0x52: {  	[tilespmem:s29], [sflag:$0x2] =	stream.indirect.gather [hbm4b:s3+s22], $0x80, s5, s22, $0xb8;
	[tilespmem:$0x1EC00] =	vst v63  }
0x53: {  	s5 =	sshll.u32 s24, $0x5  }
0x54: {  	s26 =	sshll.u32 s7, $0x4;
	s5 =	sadd.s32 s17, s5  }
0x55: {  	[tilespmem:s30], [sflag:$0x2] =	stream.linear.gather [hbm4b:s5+s2], $0x100, $0x38;
	[tilespmem:$0x1EC00] =	vst v63  }
0x56: {  	s5 =	sand.u32 $0x3FFFFFF0, s26  }
0x57: {  	[tilespmem:s31], [sflag:$0x2] =	stream.indirect.gather [hbm4b:s8+s25], $0x10, s5, s25, $0xb8;
	[tilespmem:$0x1EC00] =	vst v63  }
0x58: {  	_ = 	snop  }
0x59: {  	[tilespmem:s0], [sflag:$0x2] =	stream.indirect.gather [hbm4b:s9+s25], $0x10, s5, s25, $0xb8;
	[tilespmem:$0x1EC00] =	vst v63  }
0x5a: {  	_ =	swait.ge [sflag:s6], $0x4000  }
0x5b: {  	[sflag:s6] =	ssyncset.done $0x0  }
0x5c: {  	[sflag:s6] =	ssyncadd.s32 $0xFFFFC000  }
0x5d: {  	_ =	swait.ge [sflag:s6], $0x100  }
0x5e: {  	[sflag:s6] =	ssyncset.done $0x0  }
0x5f: {  	[sflag:s6] =	ssyncadd.s32 $0xFFFFFF00  }
0x60: {  	_ =	swait.ge [sflag:s6], $0x100  }
0x61: {  	[sflag:s6] =	ssyncset.done $0x0  }
0x62: {  	[sflag:s6] =	ssyncadd.s32 $0xFFFFFF00  }
0x63: {  	_ =	swait.ge [sflag:s6], $0x100  }
0x64: {  	p0 =	seq.s32 s4, $0x0;
	[sflag:s6] =	ssyncset.done $0x0  }
0x65: {  	s12 =	simm.s32 @!p0 $0x3;
	[sflag:s6] =	ssyncadd.s32 $0xFFFFFF00  }
0x66: {  	_ =	swait.ge @!p0 [sflag:s12], $0x800  }
0x67: {  	[sflag:s12] =	ssyncset.done @!p0 $0x0  }
0x68: {  	[sflag:s12] =	ssyncadd.s32 @!p0 $0xFFFFF800;
	s12 =	simm.s32 $0x1400  }
0x69: {  	v9 =	vld [tilespmem:s12+$0x1E0]  }
0x6a: {  	v10 =	vld [tilespmem:s12+$0x1D0]  }
0x6b: {  	v15 =	vld [tilespmem:s12+$0x130]  }
0x6c: {  	s14 =	simm.s32 $0x0;
	v18 =	vld [tilespmem:s12+$0xFFFFFE90]  }
0x6d: {  	v11 =	vld [tilespmem:s14+$0x9400]  }
0x6e: {  	v12 =	vld [tilespmem:s14+$0x9600]  }
0x6f: {  	v35 =	vld [tilespmem:s12+$0xA0]  }
0x70: {  	v27 =	vld [tilespmem:s12+$0xFFFFFF60]  }
0x71: {  	v32 =	vld [tilespmem:s12+$0xFFFFFF70]  }
0x72: {  	v26 =	vld [tilespmem:s12+$0xFFFFFF10]  }
0x73: {  	v14 =	vld [tilespmem:s12+$0x1F0];
	v11 =	vadd.f32 v12, v11  }
0x74: {  	v36 =	vld [tilespmem:s12+$0xFFFFFFB0]  }
0x75: {  	v24 =	vld [tilespmem:s12+$0xFFFFFF30];
	v11 =	vadd.f32 $1.000000020e-16, v11  }
0x76: {  	v19 =	vld [tilespmem:s12+$0xFFFFFFE0]  }
0x77: {  	v29 =	vld [tilespmem:s12+$0xFFFFFFA0];
	(erf) = vrcp.f32 v11  }
0x78: {  	v16 =	vld [tilespmem:s12+$0xFFFFFF80]  }
0x79: {  	v17 =	vld [tilespmem:s12+$0x190]  }
0x7a: {  	v60 =	vld [tilespmem:s12+$0x40]  }
0x7b: {  	v25 =	vld [tilespmem:s12+$0x70]  }
0x7c: {  	v11 =	vld [tilespmem:s14+$0x9200]  }
0x7d: {  	v21 =	vld [tilespmem:s12+$0x20]  }
0x7e: {  	v31 =	vld [tilespmem:s12+$0x0]  }
0x7f: {  	v34 =	vld [tilespmem:s12+$0x10]  }
0x80: {  	v23 =	vld [tilespmem:s12+$0xFFFFFF90];
	v12 =	vpop (erf)  }
0x81: {  	v20 =	vld [tilespmem:s12+$0xFFFFFE20];
	v11 =	vmul.f32 v12, v11  }
0x82: {  	v12 =	vld [tilespmem:s12+$0xFFFFFE00]  }
0x83: {  	v33 =	vld [tilespmem:s12+$0xFFFFFE60];
	v54 =	vmul.f32 $1.250000000e-01, v11  }
0x84: {  	v37 =	vld [tilespmem:s12+$0xFFFFFE30]  }
0x85: {  	v38 =	vld [tilespmem:s12+$0xFFFFFE40];
	v30 =	vperm.xlane v54, v1  }
0x86: {  	v42 =	vld [tilespmem:s12+$0xFFFFFFF0];
	v11 =	vperm.xlane v54, v8;
	v28 =	vperm.xlane v54, v2  }
0x87: {  	v44 =	vld [tilespmem:s12+$0xFFFFFEB0];
	v40 =	vperm.xlane v54, v4;
	v41 =	vmul.f32 v12, v30  }
0x88: {  	v45 =	vld [tilespmem:s12+$0xFFFFFEC0];
	v12 =	vmul.f32 v14, v11;
	v43 =	vmul.f32 v20, v30  }
0x89: {  	v47 =	vld [tilespmem:s12+$0xFFFFFE50];
	v20 =	vmul.f32 v16, v40;
	v46 =	vmul.f32 v33, v30  }
0x8a: {  	v22 =	vld [tilespmem:s12+$0x50];
	v17 =	vmul.f32 v17, v11;
	v37 =	vmul.f32 v37, v30  }
0x8b: {  	v55 =	vld [tilespmem:s12+$0xFFFFFE10];
	v14 =	vperm.xlane v54, v5;
	v48 =	vmul.f32 v38, v30  }
0x8c: {  	v13 =	vld [tilespmem:s12+$0x60];
	v33 =	vmul.f32 v23, v40;
	v23 =	vmul.f32 v42, v40  }
0x8d: {  	v39 =	vld [tilespmem:s12+$0xFFFFFF40];
	v42 =	vmul.f32 v44, v28;
	v57 =	vmul.f32 v45, v28  }
0x8e: {  	v52 =	vld [tilespmem:s12+$0xFFFFFFD0];
	v49 =	vmul.f32 v47, v30;
	v45 =	vperm.xlane v54, v3  }
0x8f: {  	v38 =	vld [tilespmem:s12+$0xFFFFFEA0];
	v29 =	vmul.f32 v29, v40;
	v19 =	vmul.f32 v19, v40  }
0x90: {  	v61 =	vld [tilespmem:s12+$0xFFFFFF20];
	v62 =	vmul.f32 v55, v30;
	v21 =	vmul.f32 v21, v14  }
0x91: {  	v53 =	vld [tilespmem:s12+$0xFFFFFFC0];
	v16 =	vmul.f32 v25, v14;
	v34 =	vmul.f32 v34, v14  }
0x92: {  	v47 =	vld [tilespmem:s12+$0xFFFFFF50];
	v25 =	vmul.f32 v31, v14;
	v31 =	vadd.f32 $0.0e+00, v41;
	v41 =	vmul.f32 v27, v45  }
0x93: {  	v51 =	vld [tilespmem:s12+$0xFFFFFF00];
	v44 =	vadd.f32 $0.0e+00, v43;
	v43 =	vmul.f32 v36, v40;
	v27 =	vperm.xlane v54, v7  }
0x94: {  	v59 =	vld [tilespmem:s12+$0xB0];
	v36 =	vmul.f32 v60, v14;
	v50 =	vmul.f32 v38, v28;
	v38 =	vadd.f32 $0.0e+00, v46  }
0x95: {  	v56 =	vld [tilespmem:s12+$0xFFFFFEF0];
	v46 =	vmul.f32 v26, v45;
	v26 =	vmul.f32 v52, v40;
	v52 =	vadd.f32 $0.0e+00, v37  }
0x96: {  	v58 =	vld [tilespmem:s12+$0xFFFFFED0];
	v63 =	vadd.f32 $0.0e+00, v48;
	v37 =	vmul.f32 v32, v45;
	v32 =	vperm.xlane v54, v6  }
0x97: {  	s21 =	simm.s32 $0x9840;
	v55 =	vld [tilespmem:s12+$0xFFFFFE80];
	v54 =	vadd.f32 $0.0e+00, v62;
	v48 =	vadd.f32 v42, v52;
	v52 =	vmul.f32 v47, v45  }
0x98: {  	s23 =	simm.s32 $0x1400;
	s24 =	simm.s32 $0x40;
	s14 =	simm.s32 $0x9840;
	v47 =	vadd.f32 v57, v63;
	v42 =	vmul.f32 v61, v45;
	v57 =	vld [tilespmem:s12+$0xFFFFFE70];
	v35 =	vmul.f32 v35, v32  }
.LBB2_8:
0x99: {  	p1 =	sne.s32 s24, $0x3C0;
	v49 =	vadd.f32 $0.0e+00, v49;
	v40 =	vmul.f32 v53, v40;
	v53 =	vmul.f32 v59, v32;
	v59 =	vld [tilespmem:s12+$0xC0];
	s21 =	sadd.s32 $0x80, s21;
	s23 =	sadd.s32 $0x400, s23  }
0x9a: {  	v24 =	vmul.f32 v24, v45;
	s26 =	smov.u32 s24;
	s24 =	sadd.s32 $0x40, s24;
	v60 =	vld [tilespmem:s12+$0xFFFFFEE0];
	v56 =	vmul.f32 v56, v28  }
0x9b: {  	v44 =	vadd.f32 v50, v44;
	v51 =	vmul.f32 v51, v45;
	v50 =	vmul.f32 v58, v28;
	v58 =	vld [tilespmem:s12+$0x170]  }
0x9c: {  	v18 =	vmul.f32 v18, v28;
	v24 =	vadd.f32 v24, v48;
	v55 =	vmul.f32 v55, v28;
	v48 =	vld [tilespmem:s12+$0x120]  }
0x9d: {  	v15 =	vmul.f32 v15, v27;
	v30 =	vmul.f32 v57, v30;
	v49 =	vadd.f32 v50, v49;
	v50 =	vld [tilespmem:s12+$0xF0]  }
0x9e: {  	v39 =	vmul.f32 v39, v45;
	v22 =	vmul.f32 v22, v14;
	v18 =	vadd.f32 v18, v54;
	v45 =	vld [tilespmem:s12+$0xD0]  }
0x9f: {  	v54 =	vmul.f32 v59, v32;
	v28 =	vmul.f32 v60, v28;
	v49 =	vadd.f32 v52, v49;
	v52 =	vld [tilespmem:s12+$0x90]  }
0xa0: {  	v39 =	vadd.f32 v39, v47;
	v18 =	vadd.f32 v46, v18;
	v46 =	vld [tilespmem:s12+$0x150];
	v47 =	vmul.f32 v58, v27  }
0xa1: {  	v30 =	vadd.f32 $0.0e+00, v30;
	v28 =	vadd.f32 v28, v38;
	v38 =	vld [tilespmem:s12+$0x110];
	v48 =	vmul.f32 v48, v27  }
0xa2: {  	v18 =	vadd.f32 v33, v18;
	v33 =	vadd.f32 v40, v39;
	v39 =	vld [tilespmem:s12+$0xE0];
	v40 =	vmul.f32 v50, v32  }
0xa3: {  	v24 =	vadd.f32 v43, v24;
	v31 =	vadd.f32 v55, v31;
	v43 =	vld [tilespmem:s12+$0x80];
	v45 =	vmul.f32 v45, v32  }
0xa4: {  	v18 =	vadd.f32 v34, v18;
	v28 =	vadd.f32 v41, v28;
	v34 =	vmul.f32 v52, v32;
	v41 =	vld [tilespmem:s12+$0x160]  }
0xa5: {  	v31 =	vadd.f32 v51, v31;
	v30 =	vadd.f32 v56, v30;
	v50 =	vld [tilespmem:s12+$0x100];
	v46 =	vmul.f32 v46, v27  }
0xa6: {  	v42 =	vadd.f32 v42, v44;
	v18 =	vadd.f32 v34, v18;
	v34 =	vmul.f32 v38, v27;
	v38 =	vld [tilespmem:s12+$0x140]  }
0xa7: {  	v20 =	vadd.f32 v20, v31;
	v30 =	vadd.f32 v37, v30;
	v31 =	vld [tilespmem:s12+$0x30];
	v37 =	vmul.f32 v39, v32  }
0xa8: {  	v29 =	vadd.f32 v29, v42;
	v32 =	vmul.f32 v43, v32;
	v18 =	vadd.f32 v34, v18;
	v34 =	vld [tilespmem:s12+$0x180]  }
0xa9: {  	v20 =	vadd.f32 v25, v20;
	v23 =	vadd.f32 v23, v30;
	v25 =	vmul.f32 v41, v27;
	v30 =	vld [tilespmem:s12+$0x1A0]  }
0xaa: {  	v21 =	vadd.f32 v21, v29;
	v29 =	vmul.f32 v50, v27;
	v17 =	vadd.f32 v17, v18;
	v18 =	vld [tilespmem:s12+$0x1C0]  }
0xab: {  	v33 =	vadd.f32 v36, v33;
	v20 =	vadd.f32 v32, v20;
	v27 =	vmul.f32 v38, v27;
	v32 =	vld [tilespmem:s12+$0x1B0];
	s12 =	smov.u32 s23  }
0xac: {  	v26 =	vadd.f32 v26, v49;
	v21 =	vadd.f32 v35, v21;
	v31 =	vmul.f32 v31, v14;
	[tilespmem:s14+$0xFFFFFFD0] =	vst v17  }
0xad: {  	v17 =	vadd.f32 v54, v33;
	v20 =	vadd.f32 v29, v20;
	v29 =	vmul.f32 v34, v11  }
0xae: {  	v21 =	vadd.f32 v48, v21;
	v24 =	vadd.f32 v31, v24;
	v30 =	vmul.f32 v30, v11  }
0xaf: {  	v22 =	vadd.f32 v22, v26;
	v17 =	vadd.f32 v27, v17;
	v18 =	vmul.f32 v18, v11  }
0xb0: {  	v13 =	vmul.f32 v13, v14;
	v14 =	vadd.f32 v16, v23;
	v16 =	vadd.f32 v53, v24  }
0xb1: {  	v19 =	vadd.f32 v19, v28;
	v17 =	vadd.f32 v18, v17  }
0xb2: {  	v14 =	vadd.f32 v40, v14;
	v15 =	vadd.f32 v15, v16;
	v16 =	vmul.f32 v32, v11  }
0xb3: {  	v13 =	vadd.f32 v13, v19;
	v18 =	vadd.f32 v45, v22;
	[tilespmem:s14+$0x0] =	vst v17  }
0xb4: {  	v14 =	vadd.f32 v47, v14;
	v15 =	vadd.f32 v16, v15  }
0xb5: {  	v10 =	vmul.f32 v10, v11;
	v13 =	vadd.f32 v37, v13;
	v16 =	vadd.f32 v46, v18  }
0xb6: {  	v17 =	vadd.f32 v29, v20;
	v18 =	vadd.f32 v30, v21;
	[tilespmem:s14+$0xFFFFFFF0] =	vst v15  }
0xb7: {  	v9 =	vmul.f32 v9, v11;
	v13 =	vadd.f32 v25, v13;
	v10 =	vadd.f32 v10, v16  }
0xb8: {  	v11 =	vadd.f32 v12, v14;
	[tilespmem:s14+$0xFFFFFFE0] =	vst v18  }
0xb9: {  	v9 =	vadd.f32 v9, v13;
	[tilespmem:s14+$0x10] =	vst v10  }
0xba: {  	[tilespmem:s14+$0xFFFFFFC0] =	vst v17  }
0xbb: {  	[tilespmem:s14+$0x20] =	vst v9  }
0xbc: {  	[tilespmem:s14+$0x30] =	vst v11;
	s14 =	smov.u32 s21  }
0xbd: {  	v9 =	vld [tilespmem:s23+$0x1E0]  }
0xbe: {  	v10 =	vld [tilespmem:s23+$0x1D0]  }
0xbf: {  	v15 =	vld [tilespmem:s23+$0x130]  }
0xc0: {  	v18 =	vld [tilespmem:s23+$0xFFFFFE90]  }
0xc1: {  	s26 =	sshra.s32 s26, $0x2;
	v35 =	vld [tilespmem:s23+$0xA0]  }
0xc2: {  	v11 =	vld [tilespmem:s26+$0x9400]  }
0xc3: {  	v12 =	vld [tilespmem:s26+$0x9600]  }
0xc4: {  	v27 =	vld [tilespmem:s23+$0xFFFFFF60]  }
0xc5: {  	v32 =	vld [tilespmem:s23+$0xFFFFFF70]  }
0xc6: {  	v26 =	vld [tilespmem:s23+$0xFFFFFF10]  }
0xc7: {  	v14 =	vld [tilespmem:s23+$0x1F0]  }
0xc8: {  	v11 =	vadd.f32 v12, v11;
	v36 =	vld [tilespmem:s23+$0xFFFFFFB0]  }
0xc9: {  	v24 =	vld [tilespmem:s23+$0xFFFFFF30]  }
0xca: {  	v11 =	vadd.f32 $1.000000020e-16, v11;
	v19 =	vld [tilespmem:s23+$0xFFFFFFE0]  }
0xcb: {  	v29 =	vld [tilespmem:s23+$0xFFFFFFA0]  }
0xcc: {  	v16 =	vld [tilespmem:s23+$0xFFFFFF80];
	(erf) = vrcp.f32 v11  }
0xcd: {  	v17 =	vld [tilespmem:s23+$0x190]  }
0xce: {  	v60 =	vld [tilespmem:s23+$0x40]  }
0xcf: {  	v25 =	vld [tilespmem:s23+$0x70]  }
0xd0: {  	v21 =	vld [tilespmem:s23+$0x20]  }
0xd1: {  	v11 =	vld [tilespmem:s26+$0x9200]  }
0xd2: {  	v37 =	vld [tilespmem:s23+$0x0]  }
0xd3: {  	v34 =	vld [tilespmem:s23+$0x10]  }
0xd4: {  	v22 =	vld [tilespmem:s23+$0x50]  }
0xd5: {  	v13 =	vld [tilespmem:s23+$0x60];
	v12 =	vpop (erf)  }
0xd6: {  	v11 =	vmul.f32 v12, v11;
	v23 =	vld [tilespmem:s23+$0xFFFFFF90]  }
0xd7: {  	v12 =	vld [tilespmem:s23+$0xFFFFFE00]  }
0xd8: {  	v57 =	vmul.f32 $1.250000000e-01, v11;
	v20 =	vld [tilespmem:s23+$0xFFFFFE20]  }
0xd9: {  	v33 =	vld [tilespmem:s23+$0xFFFFFE60]  }
0xda: {  	v30 =	vperm.xlane v57, v1;
	v38 =	vld [tilespmem:s23+$0xFFFFFE30];
	v11 =	vperm.xlane v57, v8  }
0xdb: {  	v28 =	vperm.xlane v57, v2;
	v40 =	vperm.xlane v57, v4;
	v39 =	vld [tilespmem:s23+$0xFFFFFE40]  }
0xdc: {  	v31 =	vmul.f32 v12, v30;
	v41 =	vld [tilespmem:s23+$0xFFFFFFF0];
	v12 =	vmul.f32 v14, v11  }
0xdd: {  	v14 =	vmul.f32 v20, v30;
	v42 =	vld [tilespmem:s23+$0xFFFFFEB0];
	v20 =	vmul.f32 v16, v40  }
0xde: {  	v17 =	vmul.f32 v17, v11;
	v31 =	vadd.f32 $0.0e+00, v31;
	v16 =	vmul.f32 v33, v30;
	v43 =	vld [tilespmem:s23+$0xFFFFFEC0]  }
0xdf: {  	v44 =	vadd.f32 $0.0e+00, v14;
	v45 =	vmul.f32 v38, v30;
	v46 =	vld [tilespmem:s23+$0xFFFFFE50];
	v14 =	vperm.xlane v57, v5  }
0xe0: {  	v33 =	vmul.f32 v23, v40;
	v47 =	vmul.f32 v39, v30;
	v38 =	vadd.f32 $0.0e+00, v16;
	v50 =	vld [tilespmem:s23+$0xFFFFFEA0]  }
0xe1: {  	v45 =	vadd.f32 $0.0e+00, v45;
	v39 =	vld [tilespmem:s23+$0xFFFFFF40];
	v23 =	vmul.f32 v41, v40;
	v21 =	vmul.f32 v21, v14  }
0xe2: {  	v16 =	vmul.f32 v25, v14;
	v41 =	vmul.f32 v42, v28;
	v42 =	vld [tilespmem:s23+$0xFFFFFFD0]  }
0xe3: {  	v34 =	vmul.f32 v34, v14;
	v47 =	vadd.f32 $0.0e+00, v47;
	v52 =	vld [tilespmem:s23+$0xFFFFFE10];
	v43 =	vmul.f32 v43, v28  }
0xe4: {  	v25 =	vmul.f32 v37, v14;
	v49 =	vmul.f32 v46, v30;
	v48 =	vadd.f32 v41, v45;
	v61 =	vld [tilespmem:s23+$0xFFFFFF20]  }
0xe5: {  	v29 =	vmul.f32 v29, v40;
	v45 =	vperm.xlane v57, v3;
	v47 =	vadd.f32 v43, v47;
	v55 =	vld [tilespmem:s23+$0xFFFFFF50]  }
0xe6: {  	v19 =	vmul.f32 v19, v40;
	v50 =	vmul.f32 v50, v28;
	v53 =	vld [tilespmem:s23+$0xFFFFFFC0]  }
0xe7: {  	v46 =	vmul.f32 v26, v45;
	v51 =	vld [tilespmem:s23+$0xFFFFFF00];
	v26 =	vmul.f32 v42, v40  }
.Ltmp2:
0xe8: {  	v37 =	vmul.f32 v32, v45;
	v42 =	vmul.f32 v52, v30;
	v59 =	vld [tilespmem:s23+$0xB0];
	(pc) =	sbr.rel @p1 .LBB2_8-.Ltmp2, $4  }
0xe9: {  	v43 =	vmul.f32 v36, v40;
	v41 =	vmul.f32 v27, v45;
	v56 =	vld [tilespmem:s23+$0xFFFFFEF0]  }
0xea: {  	v32 =	vperm.xlane v57, v6;
	v54 =	vadd.f32 $0.0e+00, v42;
	v58 =	vld [tilespmem:s23+$0xFFFFFED0];
	v52 =	vmul.f32 v55, v45  }
0xeb: {  	v27 =	vperm.xlane v57, v7;
	v42 =	vmul.f32 v61, v45;
	v55 =	vld [tilespmem:s23+$0xFFFFFE80]  }
0xec: {  	v36 =	vmul.f32 v60, v14;
	v35 =	vmul.f32 v35, v32;
	v57 =	vld [tilespmem:s23+$0xFFFFFE70]  }
0xed: {  	v40 =	vmul.f32 v53, v40;
	v53 =	vmul.f32 v59, v32  }
0xee: {  	v63 =	vld [tilespmem:s12+$0xFFFFFEE0];
	v49 =	vadd.f32 $0.0e+00, v49;
	v18 =	vmul.f32 v18, v28;
	v24 =	vmul.f32 v24, v45  }
0xef: {  	v44 =	vadd.f32 v50, v44;
	v50 =	vmul.f32 v51, v45;
	v39 =	vmul.f32 v39, v45  }
0xf0: {  	v62 =	vld [tilespmem:s12+$0x90];
	v58 =	vmul.f32 v58, v28;
	v18 =	vadd.f32 v18, v54;
	v24 =	vadd.f32 v24, v48  }
0xf1: {  	v56 =	vmul.f32 v56, v28;
	v39 =	vadd.f32 v39, v47;
	v42 =	vadd.f32 v42, v44  }
0xf2: {  	v49 =	vadd.f32 v58, v49;
	v30 =	vmul.f32 v57, v30;
	v18 =	vadd.f32 v46, v18  }
0xf3: {  	v60 =	vld [tilespmem:s12+$0xC0];
	v39 =	vadd.f32 v40, v39;
	v24 =	vadd.f32 v43, v24;
	v61 =	vmul.f32 v63, v28  }
0xf4: {  	v54 =	vld [tilespmem:s12+$0x120];
	v28 =	vmul.f32 v55, v28;
	v48 =	vadd.f32 v52, v49;
	v18 =	vadd.f32 v33, v18  }
0xf5: {  	v58 =	vmul.f32 v62, v32;
	v62 =	vld [tilespmem:s12+$0x30];
	v30 =	vadd.f32 $0.0e+00, v30;
	v38 =	vadd.f32 v61, v38  }
0xf6: {  	v15 =	vmul.f32 v15, v27;
	v52 =	vld [tilespmem:s12+$0x110];
	v28 =	vadd.f32 v28, v31;
	v18 =	vadd.f32 v34, v18  }
0xf7: {  	v22 =	vmul.f32 v22, v14;
	v63 =	vld [tilespmem:s12+$0x170];
	v30 =	vadd.f32 v56, v30;
	v26 =	vadd.f32 v26, v48  }
0xf8: {  	v13 =	vmul.f32 v13, v14;
	v31 =	vld [tilespmem:s12+$0xF0];
	v38 =	vadd.f32 v41, v38;
	v28 =	vadd.f32 v50, v28  }
0xf9: {  	v47 =	vld [tilespmem:s12+$0x1C0];
	v55 =	vmul.f32 v60, v32;
	v18 =	vadd.f32 v58, v18;
	v30 =	vadd.f32 v37, v30  }
0xfa: {  	v57 =	vld [tilespmem:s12+$0x80];
	v48 =	vmul.f32 v62, v14;
	v22 =	vadd.f32 v22, v26;
	v20 =	vadd.f32 v20, v28  }
0xfb: {  	v60 =	vld [tilespmem:s12+$0x100];
	v61 =	vmul.f32 v52, v27;
	v28 =	vadd.f32 v29, v42;
	v14 =	vadd.f32 v19, v38  }
0xfc: {  	v59 =	vmul.f32 v63, v27;
	v63 =	vld [tilespmem:s12+$0xD0];
	v23 =	vadd.f32 v23, v30;
	v24 =	vadd.f32 v48, v24  }
0xfd: {  	v29 =	vmul.f32 v31, v32;
	v31 =	vld [tilespmem:s12+$0x140];
	v18 =	vadd.f32 v61, v18;
	v20 =	vadd.f32 v25, v20  }
0xfe: {  	v10 =	vmul.f32 v10, v11;
	v30 =	vld [tilespmem:s12+$0x150];
	v21 =	vadd.f32 v21, v28;
	v13 =	vadd.f32 v13, v14  }
0xff: {  	v45 =	vmul.f32 v57, v32;
	v50 =	vld [tilespmem:s12+$0x1B0];
	v24 =	vadd.f32 v53, v24;
	v16 =	vadd.f32 v16, v23  }
0x100: {  	v33 =	vmul.f32 v54, v27;
	v25 =	vld [tilespmem:s12+$0xE0];
	v17 =	vadd.f32 v17, v18;
	v18 =	vadd.f32 v36, v39  }
0x101: {  	v51 =	vld [tilespmem:s12+$0x160];
	v28 =	vmul.f32 v60, v27;
	v20 =	vadd.f32 v45, v20;
	v21 =	vadd.f32 v35, v21  }
0x102: {  	v26 =	vld [tilespmem:s12+$0x180];
	v49 =	vmul.f32 v63, v32;
	v15 =	vadd.f32 v15, v24;
	v18 =	vadd.f32 v55, v18  }
0x103: {  	v31 =	vmul.f32 v31, v27;
	v20 =	vadd.f32 v28, v20;
	v28 =	vmul.f32 v30, v27;
	v30 =	vld [tilespmem:s12+$0x1A0]  }
0x104: {  	v19 =	vmul.f32 v50, v11;
	v16 =	vadd.f32 v29, v16;
	v14 =	vadd.f32 v49, v22  }
0x105: {  	v25 =	vmul.f32 v25, v32;
	v18 =	vadd.f32 v31, v18;
	v31 =	vmul.f32 v47, v11  }
0x106: {  	v23 =	vmul.f32 v51, v27;
	v15 =	vadd.f32 v19, v15;
	v14 =	vadd.f32 v28, v14  }
0x107: {  	[tilespmem:s14+$0xFFFFFFD0] =	vst v17;
	v17 =	vmul.f32 v26, v11;
	v13 =	vadd.f32 v25, v13;
	v18 =	vadd.f32 v31, v18  }
0x108: {  	v21 =	vadd.f32 v33, v21;
	[tilespmem:s14+$0xFFFFFFF0] =	vst v15;
	v10 =	vadd.f32 v10, v14;
	v22 =	vmul.f32 v30, v11  }
0x109: {  	v9 =	vmul.f32 v9, v11;
	v14 =	vadd.f32 v17, v20;
	v13 =	vadd.f32 v23, v13;
	[tilespmem:s14+$0x0] =	vst v18  }
0x10a: {  	v11 =	vadd.f32 v59, v16;
	[tilespmem:s14+$0x10] =	vst v10;
	v18 =	vadd.f32 v22, v21  }
0x10b: {  	[tilespmem:s14+$0xFFFFFFC0] =	vst v14;
	v9 =	vadd.f32 v9, v13  }
0x10c: {  	v10 =	vadd.f32 v12, v11;
	[tilespmem:s14+$0xFFFFFFE0] =	vst v18  }
0x10d: {  	s26 =	sshll.u32 s4, $0x5;
	p1 =	seq.s32 s4, $0xF;
	[tilespmem:s14+$0x20] =	vst v9  }
0x10e: {  	s10 =	sadd.s32 @!p1 $0x2, s10;
	s12 =	sand.u32 $0x3FFFFFE0, s26;
	[tilespmem:s14+$0x30] =	vst v10  }
0x10f: {  	[spmem:s1] =	stream.indirect.scatter.add.f32 [tilespmem:s15], [sflag:$0x3], $0x80, s12, s25, $0xb8;
	[tilespmem:$0x1EC00] =	vst v63  }
0x110: {  	s12 =	sshll.u32 @!p1 s10, $0x7  }
0x111: {  	s21 =	simm.s32 @!p1 $0x1200;
	s7 =	sadd.s32 @!p1 s28, s7;
	s12 =	sand.u32 @!p1 $0x3FFFFF80, s12  }
0x112: {  	s7 =	sshll.u32 @!p1 s7, $0x5;
	s14 =	simm.s32 @!p1 $0x80;
	s12 =	sadd.s32 @!p1 $0x200, s12  }
0x113: {  	[tilespmem:s21], [sflag:$0x1] =	stream.indirect.gather @!p1 [hbm4b:s3+s14], $0x80, s12, s14, $0xb8;
	[tilespmem:$0x1EC00] =	vst v63  }
0x114: {  	s7 =	sadd.s32 @!p1 s17, s7;
	s12 =	simm.s32 @!p1 $0x0;
	s14 =	simm.s32 @!p1 $0x9200  }
0x115: {  	[tilespmem:s14], [sflag:$0x1] =	stream.linear.gather @!p1 [hbm4b:s7+s12], $0x100, $0x38;
	[tilespmem:$0x1EC00] =	vst v63  }
0x116: {  	s7 =	sshll.u32 @!p1 s10, $0x4  }
0x117: {  	s10 =	simm.s32 @!p1 $0x10;
	s12 =	simm.s32 @!p1 $0x9400;
	s7 =	sand.u32 @!p1 $0x3FFFFFF0, s7  }
0x118: {  	[tilespmem:s12], [sflag:$0x1] =	stream.indirect.gather @!p1 [hbm4b:s8+s10], $0x10, s7, s10, $0xb8;
	[tilespmem:$0x1EC00] =	vst v63  }
0x119: {  	s12 =	simm.s32 @!p1 $0x9600  }
0x11a: {  	[tilespmem:s12], [sflag:$0x1] =	stream.indirect.gather @!p1 [hbm4b:s9+s10], $0x10, s7, s10, $0xb8;
	[tilespmem:$0x1EC00] =	vst v63  }
0x11b: {  	_ =	swait.ge [sflag:s16], $0x4000  }
0x11c: {  	[sflag:s16] =	ssyncset.done $0x0  }
0x11d: {  	[sflag:s16] =	ssyncadd.s32 $0xFFFFC000  }
0x11e: {  	_ =	swait.ge [sflag:s16], $0x100  }
0x11f: {  	[sflag:s16] =	ssyncset.done $0x0  }
0x120: {  	[sflag:s16] =	ssyncadd.s32 $0xFFFFFF00  }
0x121: {  	_ =	swait.ge [sflag:s16], $0x100  }
0x122: {  	[sflag:s16] =	ssyncset.done $0x0  }
0x123: {  	[sflag:s16] =	ssyncadd.s32 $0xFFFFFF00  }
0x124: {  	_ =	swait.ge [sflag:s16], $0x100  }
0x125: {  	[sflag:s16] =	ssyncset.done $0x0  }
0x126: {  	s7 =	simm.s32 @!p0 $0x3;
	[sflag:s16] =	ssyncadd.s32 $0xFFFFFF00  }
0x127: {  	_ =	swait.ge @!p0 [sflag:s7], $0x800  }
0x128: {  	[sflag:s7] =	ssyncset.done @!p0 $0x0  }
0x129: {  	s14 =	simm.s32 $0x9700;
	[sflag:s7] =	ssyncadd.s32 @!p0 $0xFFFFF800  }
0x12a: {  	s21 =	simm.s32 $0x9500;
	v10 =	vld [tilespmem:s14+$0x0]  }
0x12b: {  	s12 =	simm.s32 $0x9300;
	v11 =	vld [tilespmem:s21+$0x0]  }
0x12c: {  	s7 =	simm.s32 $0x0;
	v9 =	vld [tilespmem:s12+$0x0]  }
0x12d: {  	v21 =	vld [tilespmem:s7+$0x54B0]  }
0x12e: {  	v22 =	vld [tilespmem:s7+$0x5320]  }
0x12f: {  	v12 =	vld [tilespmem:s7+$0x5520]  }
0x130: {  	v19 =	vld [tilespmem:s7+$0x5470];
	v10 =	vadd.f32 v10, v11  }
0x131: {  	v15 =	vld [tilespmem:s7+$0x5570]  }
0x132: {  	v28 =	vld [tilespmem:s7+$0x53E0];
	v10 =	vadd.f32 $1.000000020e-16, v10  }
0x133: {  	v13 =	vld [tilespmem:s7+$0x55F0]  }
0x134: {  	v20 =	vld [tilespmem:s7+$0x54E0];
	(erf) = vrcp.f32 v10  }
0x135: {  	v31 =	vld [tilespmem:s7+$0x53A0]  }
0x136: {  	v40 =	vld [tilespmem:s7+$0x5380]  }
0x137: {  	v32 =	vld [tilespmem:s7+$0x5390]  }
0x138: {  	v36 =	vld [tilespmem:s7+$0x5340]  }
0x139: {  	v16 =	vld [tilespmem:s7+$0x55B0]  }
0x13a: {  	v49 =	vld [tilespmem:s7+$0x5290]  }
0x13b: {  	v17 =	vld [tilespmem:s7+$0x5590]  }
0x13c: {  	v18 =	vld [tilespmem:s7+$0x55A0]  }
0x13d: {  	v14 =	vld [tilespmem:s7+$0x5580];
	v10 =	vpop (erf)  }
0x13e: {  	v23 =	vld [tilespmem:s7+$0x5220];
	v9 =	vmul.f32 v10, v9  }
0x13f: {  	v25 =	vld [tilespmem:s7+$0x5270]  }
0x140: {  	v27 =	vld [tilespmem:s7+$0x5210];
	v24 =	vmul.f32 $1.250000000e-01, v9  }
0x141: {  	v29 =	vld [tilespmem:s7+$0x5300]  }
0x142: {  	v52 =	vld [tilespmem:s7+$0x5230];
	v39 =	vperm.xlane v24, v1  }
0x143: {  	v59 =	vld [tilespmem:s7+$0x5240];
	v10 =	vperm.xlane v24, v8;
	v56 =	vperm.xlane v24, v3  }
0x144: {  	v54 =	vld [tilespmem:s7+$0x5250];
	v11 =	vperm.xlane v24, v7;
	v34 =	vperm.xlane v24, v2  }
0x145: {  	v58 =	vld [tilespmem:s7+$0x5330];
	v30 =	vmul.f32 v23, v39;
	v14 =	vmul.f32 v14, v10  }
0x146: {  	v62 =	vld [tilespmem:s7+$0x52C0];
	v38 =	vmul.f32 v25, v39;
	v13 =	vmul.f32 v13, v10  }
0x147: {  	v9 =	vld [tilespmem:s7+$0x5200];
	v60 =	vmul.f32 v27, v39;
	v23 =	vmul.f32 v29, v56  }
0x148: {  	v26 =	vld [tilespmem:s7+$0x52E0];
	v57 =	vmul.f32 v52, v39;
	v59 =	vmul.f32 v59, v39  }
0x149: {  	v55 =	vld [tilespmem:s7+$0x5370];
	v12 =	vmul.f32 v12, v11;
	v50 =	vmul.f32 v54, v39  }
0x14a: {  	v48 =	vld [tilespmem:s7+$0x52D0];
	v29 =	vperm.xlane v24, v4;
	v42 =	vmul.f32 v22, v56  }
0x14b: {  	v61 =	vld [tilespmem:s7+$0x5260];
	v35 =	vmul.f32 v58, v56;
	v43 =	vmul.f32 v36, v56  }
0x14c: {  	v63 =	vld [tilespmem:s7+$0x5310];
	v62 =	vmul.f32 v62, v34;
	v53 =	vmul.f32 v9, v39  }
0x14d: {  	v45 =	vld [tilespmem:s7+$0x52F0];
	v9 =	vmul.f32 v18, v10;
	v18 =	vmul.f32 v15, v11  }
0x14e: {  	v25 =	vld [tilespmem:s7+$0x5350];
	v15 =	vmul.f32 v17, v10;
	v17 =	vperm.xlane v24, v6  }
0x14f: {  	v27 =	vld [tilespmem:s7+$0x5360];
	v37 =	vadd.f32 $0.0e+00, v30;
	v30 =	vadd.f32 $0.0e+00, v38;
	v36 =	vmul.f32 v31, v29  }
0x150: {  	v54 =	vld [tilespmem:s7+$0x52A0];
	v41 =	vadd.f32 $0.0e+00, v60;
	v60 =	vmul.f32 v61, v39;
	v32 =	vmul.f32 v32, v29  }
0x151: {  	v22 =	vld [tilespmem:s7+$0x5540];
	v38 =	vadd.f32 $0.0e+00, v57;
	v31 =	vmul.f32 v28, v29;
	v39 =	vmul.f32 v63, v56  }
0x152: {  	v46 =	vld [tilespmem:s7+$0x53D0];
	v61 =	vadd.f32 $0.0e+00, v59;
	v28 =	vmul.f32 v40, v29;
	v63 =	vmul.f32 v48, v34  }
0x153: {  	v47 =	vld [tilespmem:s7+$0x53C0];
	v50 =	vadd.f32 $0.0e+00, v50;
	v40 =	vmul.f32 v55, v56;
	v21 =	vmul.f32 v21, v17  }
0x154: {  	v52 =	vld [tilespmem:s7+$0x52B0];
	v44 =	vadd.f32 $0.0e+00, v60;
	v48 =	vadd.f32 v62, v61;
	v33 =	vmul.f32 v25, v56  }
0x155: {  	v25 =	vadd.f32 $0.0e+00, v53;
	v53 =	vmul.f32 v49, v34;
	v54 =	vmul.f32 v54, v34;
	v49 =	vld [tilespmem:s7+$0x5530]  }
0x156: {  	s23 =	simm.s32 $0x1000;
	s24 =	simm.s32 $0xA0F0;
	s10 =	simm.s32 $0xA070;
	v51 =	vld [tilespmem:s7+$0x5280];
	v50 =	vadd.f32 v63, v50;
	v27 =	vmul.f32 v27, v56;
	v22 =	vmul.f32 v22, v11  }
.LBB2_10:
0x157: {  	v37 =	vadd.f32 v54, v37;
	v26 =	vmul.f32 v26, v34;
	v54 =	vld [tilespmem:s7+$0x53F0];
	v16 =	vmul.f32 v16, v10;
	s14 =	sadd.s32 $0x10, s14;
	s21 =	sadd.s32 $0x10, s21;
	s12 =	sadd.s32 $0x10, s12  }
0x158: {  	p0 =	sne.s32 s23, $0xF000;
	v41 =	vadd.f32 v53, v41;
	v45 =	vmul.f32 v45, v34;
	v46 =	vmul.f32 v46, v29;
	s26 =	smov.u32 s23;
	s23 =	sadd.s32 $0x1000, s23;
	v53 =	vld [tilespmem:s7+$0x53B0]  }
0x159: {  	v52 =	vmul.f32 v52, v34;
	v37 =	vadd.f32 v42, v37;
	v42 =	vmul.f32 v47, v29;
	v47 =	vld [tilespmem:s7+$0x54F0]  }
0x15a: {  	v43 =	vadd.f32 v43, v48;
	v24 =	vperm.xlane v24, v5;
	v48 =	vld [tilespmem:s7+$0x5430];
	v49 =	vmul.f32 v49, v11  }
0x15b: {  	v33 =	vadd.f32 v33, v50;
	v34 =	vmul.f32 v51, v34;
	v38 =	vadd.f32 v52, v38;
	v50 =	vld [tilespmem:s7+$0x54D0]  }
0x15c: {  	v20 =	vmul.f32 v20, v17;
	v26 =	vadd.f32 v26, v44;
	v19 =	vmul.f32 v19, v24;
	v44 =	vld [tilespmem:s7+$0x5420]  }
0x15d: {  	v30 =	vadd.f32 v45, v30;
	v35 =	vadd.f32 v35, v38;
	v38 =	vmul.f32 v53, v29;
	v45 =	vld [tilespmem:s7+$0x5410]  }
0x15e: {  	v39 =	vadd.f32 v39, v41;
	v36 =	vadd.f32 v36, v37;
	v37 =	vld [tilespmem:s7+$0x54A0];
	v41 =	vmul.f32 v47, v17  }
0x15f: {  	v26 =	vadd.f32 v27, v26;
	v27 =	vmul.f32 v54, v29;
	v29 =	vld [tilespmem:s7+$0x5400];
	v47 =	vmul.f32 v48, v24  }
0x160: {  	v25 =	vadd.f32 v34, v25;
	v34 =	vadd.f32 v38, v35;
	v35 =	vld [tilespmem:s7+$0x5490];
	v38 =	vmul.f32 v50, v17  }
0x161: {  	v30 =	vadd.f32 v40, v30;
	v32 =	vadd.f32 v32, v39;
	v39 =	vmul.f32 v44, v24;
	v40 =	vld [tilespmem:s7+$0x5480]  }
0x162: {  	v23 =	vadd.f32 v23, v25;
	v25 =	vadd.f32 v31, v26;
	v26 =	vmul.f32 v45, v24;
	v31 =	vld [tilespmem:s7+$0x5510]  }
0x163: {  	v42 =	vadd.f32 v42, v43;
	v27 =	vadd.f32 v27, v30;
	v30 =	vmul.f32 v37, v17;
	v37 =	vld [tilespmem:s7+$0x5500]  }
0x164: {  	v23 =	vadd.f32 v28, v23;
	v28 =	vmul.f32 v29, v24;
	v29 =	vadd.f32 v47, v34;
	v34 =	vld [tilespmem:s7+$0x5460]  }
0x165: {  	v19 =	vadd.f32 v19, v27;
	v36 =	vadd.f32 v39, v36;
	v39 =	vld [tilespmem:s7+$0x5450];
	v27 =	vmul.f32 v35, v17  }
0x166: {  	v33 =	vadd.f32 v46, v33;
	v23 =	vadd.f32 v28, v23;
	v28 =	vld [tilespmem:s7+$0x5440];
	v35 =	vmul.f32 v40, v17  }
0x167: {  	v19 =	vadd.f32 v41, v19;
	v26 =	vadd.f32 v26, v32;
	v32 =	vld [tilespmem:s7+$0x54C0];
	v31 =	vmul.f32 v31, v11  }
0x168: {  	v21 =	vadd.f32 v21, v29;
	v23 =	vadd.f32 v35, v23;
	v29 =	vmul.f32 v37, v11;
	v35 =	vld [tilespmem:s7+$0x5560]  }
0x169: {  	v18 =	vadd.f32 v18, v19;
	v26 =	vadd.f32 v27, v26;
	v34 =	vmul.f32 v34, v24;
	v27 =	vld [tilespmem:s7+$0x5550]  }
0x16a: {  	v30 =	vadd.f32 v30, v36;
	v19 =	vmul.f32 v39, v24;
	v23 =	vadd.f32 v29, v23;
	v29 =	vld [tilespmem:s7+$0x55E0]  }
0x16b: {  	v26 =	vadd.f32 v31, v26;
	v24 =	vmul.f32 v28, v24;
	v25 =	vadd.f32 v34, v25;
	v28 =	vld [tilespmem:s7+$0x55D0]  }
0x16c: {  	v19 =	vadd.f32 v19, v33;
	v17 =	vmul.f32 v32, v17;
	v14 =	vadd.f32 v14, v23;
	v23 =	vld [tilespmem:s7+$0x55C0]  }
0x16d: {  	v24 =	vadd.f32 v24, v42;
	v20 =	vadd.f32 v20, v25;
	v25 =	vmul.f32 v35, v11  }
0x16e: {  	v13 =	vadd.f32 v13, v18;
	v19 =	vadd.f32 v38, v19;
	v11 =	vmul.f32 v27, v11;
	[tilespmem:s10+$0xFFFFFF90] =	vst v14  }
0x16f: {  	v14 =	vadd.f32 v17, v24;
	v17 =	vadd.f32 v25, v20;
	v18 =	vmul.f32 v29, v10  }
0x170: {  	v15 =	vadd.f32 v15, v26;
	v11 =	vadd.f32 v11, v19;
	v19 =	vmul.f32 v28, v10;
	[tilespmem:s10+$0x0] =	vst v13  }
0x171: {  	v13 =	vadd.f32 v22, v14;
	v10 =	vmul.f32 v23, v10;
	v14 =	vadd.f32 v18, v17  }
0x172: {  	v17 =	vadd.f32 v49, v21;
	v11 =	vadd.f32 v19, v11;
	[tilespmem:s10+$0xFFFFFFA0] =	vst v15  }
0x173: {  	v12 =	vadd.f32 v12, v30;
	v10 =	vadd.f32 v10, v13;
	[tilespmem:s10+$0xFFFFFFF0] =	vst v14  }
0x174: {  	v13 =	vadd.f32 v16, v17;
	[tilespmem:s10+$0xFFFFFFE0] =	vst v11  }
0x175: {  	v9 =	vadd.f32 v9, v12;
	[tilespmem:s10+$0xFFFFFFD0] =	vst v10  }
0x176: {  	[tilespmem:s10+$0xFFFFFFC0] =	vst v13  }
0x177: {  	[tilespmem:s10+$0xFFFFFFB0] =	vst v9;
	s10 =	smov.u32 s24;
	_ =	sdelay $0x1  }
0x178: {  	v9 =	vld [tilespmem:s12+$0x0]  }
0x179: {  	v10 =	vld [tilespmem:s14+$0x0]  }
0x17a: {  	s7 =	sshra.s32 s26, $0x2;
	v11 =	vld [tilespmem:s21+$0x0]  }
0x17b: {  	v21 =	vld [tilespmem:s7+$0x54B0]  }
0x17c: {  	v22 =	vld [tilespmem:s7+$0x5320]  }
0x17d: {  	v12 =	vld [tilespmem:s7+$0x5520]  }
0x17e: {  	v19 =	vld [tilespmem:s7+$0x5470]  }
0x17f: {  	v10 =	vadd.f32 v10, v11;
	v15 =	vld [tilespmem:s7+$0x5570]  }
0x180: {  	v28 =	vld [tilespmem:s7+$0x53E0]  }
0x181: {  	v10 =	vadd.f32 $1.000000020e-16, v10;
	v13 =	vld [tilespmem:s7+$0x55F0]  }
0x182: {  	v20 =	vld [tilespmem:s7+$0x54E0]  }
0x183: {  	v31 =	vld [tilespmem:s7+$0x53A0];
	(erf) = vrcp.f32 v10  }
0x184: {  	v40 =	vld [tilespmem:s7+$0x5380]  }
0x185: {  	v32 =	vld [tilespmem:s7+$0x5390]  }
0x186: {  	v36 =	vld [tilespmem:s7+$0x5340]  }
0x187: {  	v16 =	vld [tilespmem:s7+$0x55B0]  }
0x188: {  	v49 =	vld [tilespmem:s7+$0x5290]  }
0x189: {  	v17 =	vld [tilespmem:s7+$0x5590]  }
0x18a: {  	v18 =	vld [tilespmem:s7+$0x55A0]  }
0x18b: {  	v26 =	vld [tilespmem:s7+$0x52E0]  }
0x18c: {  	v14 =	vld [tilespmem:s7+$0x5580];
	v10 =	vpop (erf)  }
0x18d: {  	v9 =	vmul.f32 v10, v9;
	v55 =	vld [tilespmem:s7+$0x5370]  }
0x18e: {  	v23 =	vld [tilespmem:s7+$0x5220]  }
0x18f: {  	v24 =	vmul.f32 $1.250000000e-01, v9;
	v9 =	vld [tilespmem:s7+$0x5200]  }
0x190: {  	v25 =	vld [tilespmem:s7+$0x5270]  }
0x191: {  	v39 =	vperm.xlane v24, v1;
	v27 =	vld [tilespmem:s7+$0x5210];
	v10 =	vperm.xlane v24, v8  }
0x192: {  	v56 =	vperm.xlane v24, v3;
	v11 =	vperm.xlane v24, v7;
	v29 =	vld [tilespmem:s7+$0x5300]  }
0x193: {  	v23 =	vmul.f32 v23, v39;
	v30 =	vld [tilespmem:s7+$0x5230];
	v14 =	vmul.f32 v14, v10  }
0x194: {  	v33 =	vmul.f32 v9, v39;
	v34 =	vld [tilespmem:s7+$0x5240];
	v9 =	vmul.f32 v18, v10  }
0x195: {  	v13 =	vmul.f32 v13, v10;
	v37 =	vadd.f32 $0.0e+00, v23;
	v35 =	vmul.f32 v25, v39;
	v38 =	vld [tilespmem:s7+$0x5350]  }
0x196: {  	v18 =	vmul.f32 v15, v11;
	v25 =	vadd.f32 $0.0e+00, v33;
	v27 =	vmul.f32 v27, v39;
	v42 =	vld [tilespmem:s7+$0x5360]  }
0x197: {  	v15 =	vmul.f32 v17, v10;
	v43 =	vld [tilespmem:s7+$0x5250];
	v23 =	vmul.f32 v29, v56  }
0x198: {  	v17 =	vperm.xlane v24, v6;
	v29 =	vmul.f32 v30, v39;
	v44 =	vld [tilespmem:s7+$0x5330]  }
0x199: {  	v12 =	vmul.f32 v12, v11;
	v30 =	vadd.f32 $0.0e+00, v35;
	v45 =	vmul.f32 v34, v39;
	v50 =	vld [tilespmem:s7+$0x52D0]  }
0x19a: {  	v41 =	vadd.f32 $0.0e+00, v27;
	v34 =	vperm.xlane v24, v2;
	v46 =	vld [tilespmem:s7+$0x5260];
	v33 =	vmul.f32 v38, v56  }
0x19b: {  	v21 =	vmul.f32 v21, v17;
	v38 =	vadd.f32 $0.0e+00, v29;
	v47 =	vld [tilespmem:s7+$0x52C0];
	v27 =	vmul.f32 v42, v56  }
0x19c: {  	v29 =	vperm.xlane v24, v4;
	v48 =	vadd.f32 $0.0e+00, v45;
	v45 =	vmul.f32 v43, v39;
	v51 =	vld [tilespmem:s7+$0x5310]  }
0x19d: {  	v42 =	vmul.f32 v22, v56;
	v35 =	vmul.f32 v44, v56;
	v22 =	vld [tilespmem:s7+$0x5540]  }
0x19e: {  	v43 =	vmul.f32 v36, v56;
	v36 =	vmul.f32 v31, v29;
	v54 =	vld [tilespmem:s7+$0x52A0]  }
0x19f: {  	v32 =	vmul.f32 v32, v29;
	v57 =	vadd.f32 $0.0e+00, v45;
	v44 =	vmul.f32 v46, v39;
	v45 =	vld [tilespmem:s7+$0x52F0]  }
.Ltmp3:
0x1a0: {  	v31 =	vmul.f32 v28, v29;
	v53 =	vmul.f32 v47, v34;
	v46 =	vld [tilespmem:s7+$0x53D0];
	(pc) =	sbr.rel @p0 .LBB2_10-.Ltmp3, $4  }
0x1a1: {  	v28 =	vmul.f32 v40, v29;
	v39 =	vmul.f32 v51, v56;
	v47 =	vld [tilespmem:s7+$0x53C0]  }
0x1a2: {  	v40 =	vmul.f32 v50, v34;
	v44 =	vadd.f32 $0.0e+00, v44;
	v52 =	vld [tilespmem:s7+$0x52B0];
	v48 =	vadd.f32 v53, v48  }
0x1a3: {  	v53 =	vmul.f32 v49, v34;
	v54 =	vmul.f32 v54, v34;
	v49 =	vld [tilespmem:s7+$0x5530]  }
0x1a4: {  	s24 =	sadd.s32 $0x80, s24;
	v50 =	vadd.f32 v40, v57;
	v40 =	vmul.f32 v55, v56;
	v22 =	vmul.f32 v22, v11;
	v51 =	vld [tilespmem:s7+$0x5280]  }
0x1a5: {  	v37 =	vadd.f32 v54, v37;
	v26 =	vmul.f32 v26, v34;
	v54 =	vld [tilespmem:s7+$0x53F0];
	v41 =	vadd.f32 v53, v41  }
0x1a6: {  	v45 =	vmul.f32 v45, v34;
	v62 =	vld [tilespmem:s7+$0x53B0];
	v46 =	vmul.f32 v46, v29;
	v43 =	vadd.f32 v43, v48  }
0x1a7: {  	v63 =	vld [tilespmem:s7+$0x54F0];
	v24 =	vperm.xlane v24, v5;
	v20 =	vmul.f32 v20, v17;
	v33 =	vadd.f32 v33, v50  }
0x1a8: {  	v55 =	vld [tilespmem:s7+$0x5430];
	v52 =	vmul.f32 v52, v34;
	v37 =	vadd.f32 v42, v37;
	v26 =	vadd.f32 v26, v44  }
0x1a9: {  	v58 =	vld [tilespmem:s7+$0x5420];
	v42 =	vmul.f32 v47, v29;
	v30 =	vadd.f32 v45, v30;
	v39 =	vadd.f32 v39, v41  }
0x1aa: {  	v61 =	vld [tilespmem:s7+$0x54A0];
	v19 =	vmul.f32 v19, v24;
	v33 =	vadd.f32 v46, v33;
	v38 =	vadd.f32 v52, v38  }
0x1ab: {  	v60 =	vld [tilespmem:s7+$0x5410];
	v56 =	vmul.f32 v51, v34;
	v36 =	vadd.f32 v36, v37;
	v26 =	vadd.f32 v27, v26  }
0x1ac: {  	v57 =	vld [tilespmem:s7+$0x54D0];
	v30 =	vadd.f32 v40, v30;
	v32 =	vadd.f32 v32, v39;
	v59 =	vmul.f32 v62, v29  }
0x1ad: {  	v52 =	vld [tilespmem:s7+$0x5490];
	v42 =	vadd.f32 v42, v43;
	v41 =	vmul.f32 v63, v17;
	v62 =	vmul.f32 v54, v29  }
0x1ae: {  	v63 =	vld [tilespmem:s7+$0x5400];
	v48 =	vmul.f32 v55, v24;
	v53 =	vmul.f32 v58, v24;
	v35 =	vadd.f32 v35, v38  }
0x1af: {  	v54 =	vld [tilespmem:s7+$0x5480];
	v58 =	vmul.f32 v61, v17;
	v25 =	vadd.f32 v56, v25;
	v55 =	vadd.f32 v31, v26  }
0x1b0: {  	v46 =	vld [tilespmem:s7+$0x54C0];
	v56 =	vmul.f32 v60, v24;
	v27 =	vadd.f32 v62, v30;
	v36 =	vadd.f32 v53, v36  }
0x1b1: {  	v38 =	vmul.f32 v57, v17;
	v57 =	vld [tilespmem:s7+$0x5510];
	v51 =	vadd.f32 v59, v35;
	v23 =	vadd.f32 v23, v25  }
0x1b2: {  	v49 =	vmul.f32 v49, v11;
	v62 =	vld [tilespmem:s7+$0x5460];
	v26 =	vadd.f32 v56, v32;
	v19 =	vadd.f32 v19, v27  }
0x1b3: {  	v53 =	vld [tilespmem:s7+$0x55D0];
	v43 =	vmul.f32 v52, v17;
	v30 =	vadd.f32 v58, v36;
	v23 =	vadd.f32 v28, v23  }
0x1b4: {  	v59 =	vld [tilespmem:s7+$0x5500];
	v60 =	vmul.f32 v63, v24;
	v61 =	vadd.f32 v48, v51;
	v45 =	vmul.f32 v54, v17  }
0x1b5: {  	v63 =	vld [tilespmem:s7+$0x5450];
	v54 =	vmul.f32 v46, v17;
	v19 =	vadd.f32 v41, v19;
	v26 =	vadd.f32 v43, v26  }
0x1b6: {  	v44 =	vld [tilespmem:s7+$0x5440];
	v31 =	vmul.f32 v57, v11;
	v12 =	vadd.f32 v12, v30;
	v23 =	vadd.f32 v60, v23  }
0x1b7: {  	v48 =	vld [tilespmem:s7+$0x5560];
	v21 =	vadd.f32 v21, v61;
	v34 =	vmul.f32 v62, v24;
	v18 =	vadd.f32 v18, v19  }
0x1b8: {  	v52 =	vld [tilespmem:s7+$0x55E0];
	v60 =	vmul.f32 v53, v10;
	v26 =	vadd.f32 v31, v26;
	v9 =	vadd.f32 v9, v12  }
0x1b9: {  	v50 =	vld [tilespmem:s7+$0x5550];
	v47 =	vmul.f32 v59, v11;
	v23 =	vadd.f32 v45, v23;
	v25 =	vadd.f32 v34, v55  }
0x1ba: {  	v55 =	vld [tilespmem:s7+$0x55C0];
	v51 =	vmul.f32 v63, v24;
	v13 =	vadd.f32 v13, v18;
	v59 =	vadd.f32 v15, v26  }
0x1bb: {  	v24 =	vmul.f32 v44, v24;
	v63 =	vadd.f32 v49, v21;
	v23 =	vadd.f32 v47, v23  }
0x1bc: {  	v56 =	vmul.f32 v48, v11;
	v20 =	vadd.f32 v20, v25;
	v19 =	vadd.f32 v51, v33  }
0x1bd: {  	v58 =	vmul.f32 v52, v10;
	v24 =	vadd.f32 v24, v42;
	v14 =	vadd.f32 v14, v23  }
0x1be: {  	v11 =	vmul.f32 v50, v11;
	[tilespmem:s10+$0xFFFFFFB0] =	vst v9;
	v57 =	vadd.f32 v56, v20;
	v19 =	vadd.f32 v38, v19  }
0x1bf: {  	[tilespmem:s10+$0x0] =	vst v13;
	v17 =	vadd.f32 v54, v24;
	v62 =	vmul.f32 v55, v10;
	v10 =	vmul.f32 v16, v10  }
0x1c0: {  	s4 =	sadd.s32 $0x1, s4;
	[tilespmem:s10+$0xFFFFFFA0] =	vst v59;
	v18 =	vadd.f32 v58, v57;
	v11 =	vadd.f32 v11, v19  }
0x1c1: {  	p0 =	sne.s32 s4, $0x10;
	[tilespmem:s10+$0xFFFFFF90] =	vst v14;
	v61 =	vadd.f32 v22, v17;
	v10 =	vadd.f32 v10, v63  }
.Ltmp4:
0x1c2: {  	[tilespmem:s10+$0xFFFFFFF0] =	vst v18;
	v11 =	vadd.f32 v60, v11;
	(pc) =	sbr.rel @p0 .LBB2_7-.Ltmp4, $4  }
0x1c3: {  	v13 =	vadd.f32 v62, v61;
	[tilespmem:s10+$0xFFFFFFC0] =	vst v10  }
0x1c4: {  	[tilespmem:s10+$0xFFFFFFE0] =	vst v11  }
0x1c5: {  	[tilespmem:s10+$0xFFFFFFD0] =	vst v13  }
0x1c6: {  	[spmem:s1] =	stream.indirect.scatter.add.f32 [tilespmem:s13], [sflag:$0x3], $0x80, s5, s25, $0xb8;
	[tilespmem:$0x1EC00] =	vst v63  }
0x1c7: {  	s4 =	simm.s32 $0x3  }
0x1c8: {  	_ =	swait.ge [sflag:s4], $0x800  }
0x1c9: {  	[sflag:s4] =	ssyncset.done $0x0  }
0x1ca: {  	[sflag:s4] =	ssyncadd.s32 $0xFFFFF800  }
0x1cb: {  	_ =	swait.ge [sflag:s4], $0x800  }
0x1cc: {  	s12 =	rddreg [dreg:$0xd]  }
0x1cd: {  	s12 =	sadd.s32 $0x1, s12  }
0x1ce: {  	p0 =	sne.s32 s12, $0x14  }
.Ltmp5:
0x1cf: {  	_ = 	snop;
	(pc) =	sbr.rel @p0 .LBB2_6-.Ltmp5, $3  }
0x1d0: {  	_ =	sdelay $0x1  }
0x1d1: {  	[sflag:s4] =	ssyncset.done $0x0  }
0x1d2: {  	[sflag:s4] =	ssyncadd.s32 $0xFFFFF800  }
0x1d3: {  	[bflag:$0x0] =	sbarrier.arrive $0xFFFF  }
0x1d4: {  	[tilespmem:s19], [sflag:$0x4] =	stream.linear.gather [spmem:s11], $0x800, $0x38;
	[tilespmem:$0x1EC00] =	vst v63  }
0x1d5: {  	_ =	swait.ge [sflag:s20], $0x800  }
0x1d6: {  	[sflag:s20] =	ssyncset.done $0x0  }
0x1d7: {  	s4 =	sadd.s32 $0x0, s18;
	[sflag:s20] =	ssyncadd.s32 $0xFFFFF800  }
0x1d8: {  	[hbm4b:s4+s2] =	stream.linear.scatter [tilespmem:s19], [sflag:$0x4], $0x800, $0x38;
	[tilespmem:$0x1EC00] =	vst v63  }
0x1d9: {  	_ =	swait.ge [sflag:s20], $0x800  }
0x1da: {  	s5 =	smov.u32 s11;
	s4 =	simm.s32 $0x100;
	[sflag:s20] =	ssyncset.done $0x0  }
.LBB2_14:
0x1db: {  	p0 =	sne.s32 s4, $0x2600;
	[sflag:s20] =	ssyncadd.s32 $0xFFFFF800;
	s5 =	sadd.s32 $0x800, s5  }
0x1dc: {  	[tilespmem:s19], [sflag:$0x4] =	stream.linear.gather [spmem:s5], $0x800, $0x38;
	[tilespmem:$0x1EC00] =	vst v63  }
0x1dd: {  	s7 =	smov.u32 s4;
	s4 =	sadd.s32 $0x100, s4;
	_ =	swait.ge [sflag:s20], $0x800  }
.Ltmp6:
0x1de: {  	[sflag:s20] =	ssyncset.done $0x0;
	(pc) =	sbr.rel @p0 .LBB2_14-.Ltmp6, $4  }
0x1df: {  	s7 =	sadd.s32 s7, s18;
	[sflag:s20] =	ssyncadd.s32 $0xFFFFF800  }
0x1e0: {  	[hbm4b:s7+s2] =	stream.linear.scatter [tilespmem:s19], [sflag:$0x4], $0x800, $0x38;
	[tilespmem:$0x1EC00] =	vst v63  }
0x1e1: {  	_ =	swait.ge [sflag:s20], $0x800  }
0x1e2: {  	[sflag:s20] =	ssyncset.done $0x0  }
0x1e3: {  	[sflag:s20] =	ssyncadd.s32 $0xFFFFF800;
	s10 =	rddreg [dreg:$0x8]  }
0x1e4: {  	[tilespmem:s19], [sflag:$0x4] =	stream.linear.gather [spmem:s10], $0x400, $0x38;
	[tilespmem:$0x1EC00] =	vst v63  }
0x1e5: {  	_ =	swait.ge [sflag:s20], $0x400  }
0x1e6: {  	[sflag:s20] =	ssyncset.done $0x0  }
0x1e7: {  	s4 =	rddreg [dreg:$0xa];
	[sflag:s20] =	ssyncadd.s32 $0xFFFFFC00  }
0x1e8: {  	[hbm4b:s4+s2] =	stream.linear.scatter [tilespmem:s19], [sflag:$0x4], $0x400, $0x38;
	[tilespmem:$0x1EC00] =	vst v63  }
0x1e9: {  	_ =	swait.ge [sflag:s20], $0x400  }
0x1ea: {  	s5 =	rddreg [dreg:$0xc]  }
0x1eb: {  	s28 =	rddreg [dreg:$0xb];
	s5 =	sadd.s32 $0x1, s5  }
0x1ec: {  	p0 =	sne.s32 s5, s28  }
.Ltmp7:
0x1ed: {  	_ = 	snop;
	(pc) =	sbr.rel @p0 .LBB2_1-.Ltmp7, $3  }
0x1ee: {  	_ =	sdelay $0x1  }
0x1ef: {  	[sflag:s20] =	ssyncset.done $0x0  }
0x1f0: {  	[sflag:s20] =	ssyncadd.s32 $0xFFFFFC00  }
0x1f1: {  	_ =	sfence.sel $0x180000  }
0x1f2: {  	[bflag:$0x0] =	sbarrier.arrive $0xFFFF  }
0x1f3: {  	_ =	strace $0x9000004D  }
0x1f4: {  	s0 =	stileid.u32;
	[bflag:$0x2] =	sbarrier.arrive $0xFFFF  }
0x1f5: {  	p0 =	sne.s32 s0, $0x0;
	s0 =	rddreg [dreg:$0x2]  }
0x1f6: {  	s0 =	sadd.s32 @!p0 $0x100000, s0  }
0x1f7: {  	[sflag:s0] =	ssyncadd.tile.s32 @!p0 $0x1;
	_ =	shalt  }
.Lfunc_end2:
_tile_overlayer_lowered:
.L_overlay_start_2:
0x1f8: {  	(tag) =	ssettag $0x2  }
0x1f9: {  	s0 =	rddreg [dreg:$0x0];
	s2 =	stileid.u32  }
0x1fa: {  	s1 =	rddreg [dreg:$0x1];
	p0 =	sne.s32 s2, $0x0  }
0x1fb: {  	s3 =	rddreg [dreg:$0x2];
	[bflag:$0x3] =	sbarrier.arrive $0xFFFF;
	s2 =	simm.s32 @!p0 $0x1C04  }
0x1fc: {  	[timem:s3], [sflag:s2] =	dma.local @!p0 [hbm:s0], s1  }
0x1fd: {  	s0 =	simm.s32 @!p0 $0x4  }
0x1fe: {  	_ =	swait.ge @!p0 [sflag:s0], s1  }
0x1ff: {  	s1 =	ssub.s32 @!p0 $0x0, s1;
	[sflag:s0] =	ssyncset.done @!p0 $0x0  }
0x200: {  	[sflag:s0] =	ssyncadd.s32 @!p0 s1  }
0x201: {  	[bflag:$0x3] =	sbarrier.arrive $0xFFFF  }
0x202: {  	_ =	shalt  }

// kernel: kernel.8.cloned.1.call-start
scs
__scs_entry_jumppad:
0x0: {  	(pc) =	sbr.rel $0x88, $3  }
0x1: {  	(tag) =	ssettag $0x0;
	lr =	simm.s32 $0x1  }
0x2: {  	[smem:$0x3F94] =	sst lr;
	_ =	strace $0xD0000000  }
0x3: {  	_ = 	snop  }
0x4: {  	_ = 	snop  }
0x5: {  	_ = 	snop  }
0x6: {  	_ = 	snop  }
0x7: {  	_ = 	snop  }
__scs_overlays_trampoline_lowered:
0x8: {  	[smem:$0x3FA3] =	sst s0  }
0x9: {  	[smem:$0x3FA4] =	sst s1  }
0xa: {  	[smem:$0x3FA5] =	sst s2  }
0xb: {  	[smem:$0x3FA6] =	sst s3  }
0xc: {  	[smem:$0x3FA7] =	sst s4  }
0xd: {  	[smem:$0x3FA8] =	sst s5  }
0xe: {  	[smem:$0x3FA9] =	sst s6  }
0xf: {  	[smem:$0x3FAA] =	sst s7  }
0x10: {  	[smem:$0x3FAB] =	sst s8  }
0x11: {  	[smem:$0x3FAC] =	sst s9;
	s0 =	simm.s32 @!p0 $0x0  }
0x12: {  	s1 =	sld [smem:$0x3F92];
	s0 =	simm.s32 @p0 $0x1  }
0x13: {  	[smem:$0x3FAD] =	sst s0;
	s0 =	simm.s32 @!p1 $0x0  }
0x14: {  	s2 =	sld [smem:$0x3F91];
	s0 =	simm.s32 @p1 $0x1  }
0x15: {  	[smem:$0x3FAE] =	sst s0;
	s0 =	simm.s32 @!p2 $0x0  }
0x16: {  	s3 =	sld [smem:$0x3FDB];
	s0 =	simm.s32 @p2 $0x1  }
0x17: {  	s4 =	simm.s32 $0x1BF5;
	[smem:$0x3FB0] =	sst s0  }
0x18: {  	s0 =	sld [smem:$0x3F93];
	_ =	swait.ge [sflag:s4], $0x0  }
0x19: {  	s7 =	sld [smem:$0x3F94]  }
0x1a: {  	s8 =	sadd.s32 $0xFFFFE003, lr  }
0x1b: {  	s9 =	sadd.s32 $0xFFFFFEF7, lr;
	s5 =	simm.s32 $0xFFFFFFFF;
	p2 =	slt.u32 s8, $0xFFFFF086  }
0x1c: {  	p1 =	slt.u32 s9, $0xF7A;
	s5 =	simm.s32 @!p2 $0x0  }
0x1d: {  	s5 =	simm.s32 @p1 $0x1;
	p0 =	seq.s32 s7, s2  }
0x1e: {  	s7 =	smul.u32 @!p0 $0xF7A, s2;
	p2 =	seq.s32 @!p0 s5, $0x0  }
0x1f: {  	s9 =	smul.u32 $0xF7A, s1;
	s8 =	simm.s32 @!p0 $0x1BF5;
	p2 =	por !p2, p0  }
0x20: {  	[sflag:s8] =	ssyncset.s32 @!p0 $0xFFFFF086;
	s6 =	sadd.s32 @!p0 s3, s7;
	s7 =	simm.s32 @!p0 $0x108  }
0x21: {  	s3 =	sadd.s32 s3, s9;
	s6 =	sadd.s32 @!p0 $0x88, s6;
	s7 =	simm.s32 @p2 $0x1082  }
0x22: {  	[simem:s7], [sflag:s8] =	dma.local @!p0 [hbm:s6], $0xF7A  }
0x23: {  	s9 =	sor.u32 $0xD0000000, s2;
	s6 =	simm.s32 $0x108;
	_ =	swait.ge @!p0 [sflag:s8], $0x0  }
0x24: {  	s3 =	sadd.s32 $0x88, s3;
	s6 =	simm.s32 @!p1 $0x1082;
	[sflag:s4] =	ssyncset.s32 $0xFFFFF086  }
0x25: {  	[simem:s6], [sflag:s4] =	dma.local [hbm:s3], $0xF7A  }
0x26: {  	[smem:$0x3F94] =	sst s1;
	(tag) =	ssettag s2;
	_ =	strace s9  }
0x27: {  	s1 =	sld [smem:$0x3FA4]  }
0x28: {  	s2 =	sld [smem:$0x3FA5]  }
0x29: {  	s4 =	sld [smem:$0x3FA7]  }
0x2a: {  	p0 =	seq.s32 s5, $0x0;
	s5 =	sld [smem:$0x3FA8]  }
0x2b: {  	s6 =	sld [smem:$0x3FA9]  }
0x2c: {  	s7 =	sld [smem:$0x3FAA]  }
0x2d: {  	s3 =	simm.s32 $0x108;
	s8 =	sld [smem:$0x3FAB]  }
0x2e: {  	s3 =	simm.s32 @!p0 $0x1082;
	s9 =	sld [smem:$0x3FAC]  }
0x2f: {  	lr =	sadd.s32 s0, s3;
	s0 =	sld [smem:$0x3FA3]  }
0x30: {  	s3 =	sld [smem:$0x3FA6]  }
0x31: {  	[smem:$0x3FAF] =	sst s10  }
0x32: {  	s10 =	sld [smem:$0x3FAD];
	_ =	sdelay $0x3  }
0x33: {  	p0 =	seq.s32 s10, $0x1;
	s10 =	sld [smem:$0x3FAF];
	_ =	sdelay $0x3  }
0x34: {  	[smem:$0x3FAF] =	sst s10  }
0x35: {  	s10 =	sld [smem:$0x3FAE];
	_ =	sdelay $0x3  }
0x36: {  	p1 =	seq.s32 s10, $0x1;
	s10 =	sld [smem:$0x3FAF];
	_ =	sdelay $0x3  }
0x37: {  	[smem:$0x3FAF] =	sst s10  }
0x38: {  	s10 =	sld [smem:$0x3FB0]  }
0x39: {  	_ = 	snop;
	(pc) =	sbr.ind lr, $3  }
0x3a: {  	_ = 	snop  }
0x3b: {  	_ = 	snop  }
0x3c: {  	p2 =	seq.s32 s10, $0x1;
	s10 =	sld [smem:$0x3FAF]  }
0x3d: {  	_ =	shalt  }
0x3e: {  	_ =	shalt  }
0x3f: {  	_ =	shalt  }
0x40: {  	_ =	shalt  }
0x41: {  	_ =	shalt  }
0x42: {  	_ =	shalt  }
0x43: {  	_ =	shalt  }
0x44: {  	_ =	shalt  }
0x45: {  	_ =	shalt  }
0x46: {  	_ =	shalt  }
0x47: {  	_ =	shalt  }
0x48: {  	_ =	shalt  }
0x49: {  	_ =	shalt  }
0x4a: {  	_ =	shalt  }
0x4b: {  	_ =	shalt  }
0x4c: {  	_ =	shalt  }
0x4d: {  	_ =	shalt  }
0x4e: {  	_ =	shalt  }
0x4f: {  	_ =	shalt  }
0x50: {  	_ =	shalt  }
0x51: {  	_ =	shalt  }
0x52: {  	_ =	shalt  }
0x53: {  	_ =	shalt  }
0x54: {  	_ =	shalt  }
0x55: {  	_ =	shalt  }
0x56: {  	_ =	shalt  }
0x57: {  	_ =	shalt  }
0x58: {  	_ =	shalt  }
0x59: {  	_ =	shalt  }
0x5a: {  	_ =	shalt  }
0x5b: {  	_ =	shalt  }
0x5c: {  	_ =	shalt  }
0x5d: {  	_ =	shalt  }
0x5e: {  	_ =	shalt  }
0x5f: {  	_ =	shalt  }
0x60: {  	_ =	shalt  }
0x61: {  	_ =	shalt  }
0x62: {  	_ =	shalt  }
0x63: {  	_ =	shalt  }
0x64: {  	_ =	shalt  }
0x65: {  	_ =	shalt  }
0x66: {  	_ =	shalt  }
0x67: {  	_ =	shalt  }
0x68: {  	_ =	shalt  }
0x69: {  	_ =	shalt  }
0x6a: {  	_ =	shalt  }
0x6b: {  	_ =	shalt  }
0x6c: {  	_ =	shalt  }
0x6d: {  	_ =	shalt  }
0x6e: {  	_ =	shalt  }
0x6f: {  	_ =	shalt  }
0x70: {  	_ =	shalt  }
0x71: {  	_ =	shalt  }
0x72: {  	_ =	shalt  }
0x73: {  	_ =	shalt  }
0x74: {  	_ =	shalt  }
0x75: {  	_ =	shalt  }
0x76: {  	_ =	shalt  }
0x77: {  	_ =	shalt  }
0x78: {  	_ =	shalt  }
0x79: {  	_ =	shalt  }
0x7a: {  	_ =	shalt  }
0x7b: {  	_ =	shalt  }
0x7c: {  	_ =	shalt  }
0x7d: {  	_ =	shalt  }
0x7e: {  	_ =	shalt  }
0x7f: {  	_ =	shalt  }
0x80: {  	_ =	shalt  }
0x81: {  	_ =	shalt  }
0x82: {  	_ =	shalt  }
0x83: {  	_ =	shalt  }
0x84: {  	_ =	shalt  }
0x85: {  	_ =	shalt  }
0x86: {  	_ =	shalt  }
0x87: {  	_ =	shalt  }
.Lfunc_end0:
.L_simem_size_0:
called_computation.1_lowered:
.L_overlay_start_0:
0x88: {  	s2 =	sld [smem:$0x3FD9]  }
0x89: {  	s3 =	sld [smem:$0x3FFE];
	_ =	sdelay $0x1  }
0x8a: {  	s1 =	srdreg.scid  }
0x8b: {  	s0 =	sand.u32 $0x1, s1  }
0x8c: {  	s16 =	sshll.u32 s0, $0xA;
	s2 =	sadd.s32 s3, s2  }
0x8d: {  	s2 =	sadd.s32 s2, s16  }
0x8e: {  	[smem:$0x3FBB] =	sst s2  }
0x8f: {  	_ = 	snop  }
0x90: {  	(tm) =	ssettm $0x1  }
0x91: {  	s17 =	sld [smem:$0x3FFB];
	_ =	sdelay $0x3  }
0x92: {  	_ =	strace s17  }
0x93: {  	s2 =	sld [smem:$0x3FFC];
	_ =	sdelay $0x3  }
0x94: {  	_ =	strace s2  }
0x95: {  	s2 =	sld [smem:$0x3FFD];
	_ =	sdelay $0x3  }
0x96: {  	_ =	strace s2  }
0x97: {  	_ =	strace $0x8FFFFFFF  }
0x98: {  	s18 =	sld [smem:$0x3FDB];
	_ =	sdelay $0x1  }
0x99: {  	s19 =	simm.s32 $_scs_section_size  }
0x9a: {  	s4 =	simm.s32 $_size__tile_overlayer_lowered;
	s5 =	simm.s32 $_tile_overlayer_lowered  }
0x9b: {  	s22 =	simm.s32 $0x1BFF;
	s21 =	sshll.u32 s5, $0x1;
	s2 =	sadd.s32 s19, s18  }
0x9c: {  	s6 =	simm.s32 $0x0;
	s20 =	sshll.u32 s4, $0x1;
	s4 =	sadd.s32 s21, s2  }
0x9d: {  	[timem:s6], [sflag:s22] =	dma.local [hbm:s4], s20  }
0x9e: {  	_ =	swait.ge [sflag:s22], s20  }
0x9f: {  	s3 =	ssub.s32 $0x0, s20;
	[sflag:s22] =	ssyncset.done $0x0  }
0xa0: {  	[sflag:s22] =	ssyncadd.s32 s3;
	_ =	sdelay $0x1  }
0xa1: {  	s23 =	simm.s32 $0x1B8B  }
0xa2: {  	_ =	swait.ge [sflag:s23], $0x1  }
0xa3: {  	[sflag:s23] =	ssyncset.done $0x0  }
0xa4: {  	s25 =	simm.s32 $0x1B8E;
	s24 =	sld [smem:$0x3FFE];
	[sflag:s23] =	ssyncadd.s32 $0xFFFFFFFF  }
0xa5: {  	s26 =	simm.s32 $execute0_lowered;
	[smem:$0x3FD2] =	sst s25  }
0xa6: {  	s4 =	sshll.u32 s26, $0x1;
	_ =	strace $0x80000049;
	[dreg:$0x1] =	wrdreg $0xFFFFFFFF  }
0xa7: {  	s28 =	simm.s32 $_size_execute0_lowered;
	s2 =	sadd.s32 s2, s4;
	[dreg:$0x0] =	wrdreg $0x0  }
0xa8: {  	s4 =	sshll.u32 s28, $0x1;
	[dreg:$0x2] =	wrdreg s2  }
0xa9: {  	[dreg:$0x3] =	wrdreg s4  }
0xaa: {  	[dreg:$0x4] =	wrdreg $0xC0  }
0xab: {  	_ =	task [dreg:s6], $0x5FFFF  }
0xac: {  	[dreg:$0x1] =	wrdreg $0xFFFFFFFF  }
0xad: {  	[dreg:$0x0] =	wrdreg $0x60  }
0xae: {  	[dreg:$0x2] =	wrdreg s24  }
0xaf: {  	[dreg:$0x3] =	wrdreg $0x16B800  }
0xb0: {  	[dreg:$0x4] =	wrdreg $0x9  }
0xb1: {  	_ =	task.clear_ibuf [dreg:s6], $0x5FFFF;
	_ =	strace $0x90000049  }
0xb2: {  	s29 =	simm.s32 $0x9;
	_ =	strace $0x8000004B  }
0xb3: {  	_ =	swait.ge [sflag:s29], $0x1  }
0xb4: {  	[sflag:s29] =	ssyncadd.s32 $0xFFFFFFFF  }
0xb5: {  	_ =	strace $0x9000004B  }
0xb6: {  	_ =	sfence  }
0xb7: {  	s30 =	sld [smem:$0x0];
	_ =	sdelay $0x2  }
0xb8: {  	s31 =	sshll.u32 s1, $0xD;
	s1 =	sshrl.u32 s1, $0x2  }
0xb9: {  	s3 =	sand.u32 $0x4000, s31;
	s1 =	sadd.s32 s1, s30  }
0xba: {  	s0 =	sor.u32 s3, s0;
	s1 =	sshll.u32 s1, $0x11  }
0xbb: {  	s0 =	sor.u32 s1, s0  }
0xbc: {  	s0 =	sadd.s32 $0x8F2B, s0  }
0xbd: {  	[sflag:s0] =	ssyncadd.remote.s32 $0x1  }
0xbe: {  	_ =	sfence.sel $0xFFFF  }
0xbf: {  	[dreg:$0x0] =	wrdreg $0xFFFFFFFF;
	(pc) =	sbr.abs _section_cstart, $3  }
0xc0: {  	[dreg:$0x1] =	wrdreg $0xFFFFFFFF  }
0xc1: {  	_ =	task.clear_ibuf [dreg:s6], $0x2FFFF;
	_ =	strace $0x9FFFFFFF  }
0xc2: {  	(tm) =	ssettm $0x7FFFFFFF  }
0xc3: {  	_ =	shalt  }
tec
execute0_lowered:
.L_overlay_start_1:
0x0: {  	(tag) =	ssettag $0x1  }
0x1: {  	s0 =	srdreg.scid;
	s7 =	rddreg [dreg:$0x0]  }
0x2: {  	s5 =	stileid.u32;
	s2 =	rddreg [dreg:$0x1];
	s3 =	simm.s32 $0x0  }
0x3: {  	v0 =	vimm.s32 $0xFEDCBA98;
	s13 =	simm.s32 $0x2800;
	s14 =	simm.s32 $0x14400;
	s15 =	simm.s32 $0x10  }
0x4: {  	v1 =	vimm.s32 $0x76543210;
	v2 =	vimm.s32 $0xBA98FEDC;
	s16 =	simm.s32 $0x3C00;
	s17 =	simm.s32 $0xBC00;
	s18 =	simm.s32 $0x1  }
0x5: {  	v3 =	vimm.s32 $0x32107654;
	v4 =	vimm.s32 $0xDCFE98BA;
	v5 =	vimm.s32 $0x54761032;
	s19 =	simm.s32 $0x2;
	s20 =	simm.s32 $0x3;
	s21 =	simm.s32 $0x4  }
0x6: {  	v6 =	vimm.s32 $0xEFCDAB89;
	v7 =	vimm.s32 $0x67452301;
	s22 =	simm.s32 $0x0;
	s0 =	sand.u32 $0x1, s0;
	[smem:$0x7FF] =	sst s3  }
0x7: {  	v0 =	vunpack.c.l.s4.s8 v0;
	s30 =	smul.u32 $0x2780, s5;
	v1 =	vunpack.c.l.s4.s8 v1;
	v2 =	vunpack.c.l.s4.s8 v2;
	s1 =	sshll.u32 s0, $0x4;
	_ =	strace $0x8000004A  }
0x8: {  	v3 =	vunpack.c.l.s4.s8 v3;
	v4 =	vunpack.c.l.s4.s8 v4;
	v5 =	vunpack.c.l.s4.s8 v5;
	s8 =	smul.u32 $0x27800, s0;
	s0 =	ssub.s32 $0x2, s0;
	s1 =	sor.u32 s5, s1  }
0x9: {  	v6 =	vunpack.c.l.s4.s8 v6;
	v7 =	vunpack.c.l.s4.s8 v7;
	v0 =	vunpack.c.0.s8.s32 v0;
	s5 =	sadd.s32 $0x7A2E00, s7;
	s11 =	sshrl.u32 s0, $0x1;
	s6 =	smul.u32 $0x500, s1  }
0xa: {  	v1 =	vunpack.c.0.s8.s32 v1;
	v2 =	vunpack.c.0.s8.s32 v2;
	v3 =	vunpack.c.0.s8.s32 v3;
	s4 =	smul.u32 $0x1400, s1;
	s8 =	sadd.s32 s30, s8;
	s0 =	ssub.s32 s0, s11  }
0xb: {  	v4 =	vunpack.c.0.s8.s32 v4;
	v5 =	vunpack.c.0.s8.s32 v5;
	v0 =	vand.u32 $0xF, v0;
	s8 =	sshrl.u32 s8, $0x3;
	s11 =	smax.u32 s0, $0x1;
	s9 =	sadd.s32 s6, s7  }
0xc: {  	v6 =	vunpack.c.0.s8.s32 v6;
	v7 =	vunpack.c.0.s8.s32 v7;
	s31 =	sshrl.u32 s4, $0x3;
	s6 =	sadd.s32 $0x200C00, s7;
	s12 =	sadd.s32 s8, s7;
	v0 =	vcombine.low v0, v1  }
0xd: {  	v1 =	vcombine.low v3, v2;
	v2 =	vcombine.low v5, v4;
	s10 =	sadd.s32 s31, s7;
	s7 =	sadd.s32 $0x1ECE00, s9;
	s9 =	sadd.s32 s30, s2  }
0xe: {  	v3 =	vimm.f32 $0.0e+00;
	v4 =	vcombine.low v7, v6;
	v5 =	vlaneseq.u32;
	s8 =	sadd.s32 $0x1E7E00, s10;
	s10 =	sadd.s32 $0x1F6E00, s12;
	s12 =	simm.s32 $0x5  }
.LBB2_1:
0xf: {  	[tilespmem:s3], [sflag:$0x5] =	stream.linear.gather [hbm4b:s7+s3], $0x2800, $0x38;
	[tilespmem:$0x19300] =	vst v63  }
0x10: {  	_ =	swait.ge [sflag:s12], $0x2800  }
0x11: {  	[sflag:s12] =	ssyncset.done $0x0  }
0x12: {  	[sflag:s12] =	ssyncadd.s32 $0xFFFFD800  }
0x13: {  	[tilespmem:s13], [sflag:$0x5] =	stream.linear.gather [hbm4b:s8+s3], $0x1400, $0x38;
	[tilespmem:$0x19300] =	vst v63  }
0x14: {  	_ =	swait.ge [sflag:s12], $0x1400  }
0x15: {  	[sflag:s12] =	ssyncset.done $0x0  }
0x16: {  	s0 =	simm.s32 $0x40;
	s1 =	simm.s32 $0x0;
	[sflag:s12] =	ssyncadd.s32 $0xFFFFEC00  }
.LBB2_2:
0x17: {  	p0 =	sne.s32 s0, $0x9DC0;
	[tilespmem:s1+$0x14400] =	vst v3;
	s1 =	smov.u32 s0;
	s0 =	sadd.s32 $0x40, s0  }
.Ltmp0:
0x18: {  	(pc) =	sbr.rel @p0 .LBB2_2-.Ltmp0, $2  }
0x19: {  	_ =	sdelay $0x2  }
0x1a: {  	s1 =	sshra.s32 s1, $0x2  }
0x1b: {  	[tilespmem:s1+$0x14400] =	vst v3  }
0x1c: {  	[spmem:s9] =	stream.linear.scatter [tilespmem:s14], [sflag:$0x5], $0x2780, $0x38;
	[tilespmem:$0x19300] =	vst v63  }
0x1d: {  	_ =	swait.ge [sflag:s12], $0x2780  }
0x1e: {  	[sflag:s12] =	ssyncset.done $0x0  }
0x1f: {  	[sflag:s12] =	ssyncadd.s32 $0xFFFFD880  }
0x20: {  	s23 =	simm.s32 $0x0;
	[bflag:$0x0] =	sbarrier.arrive $0xFFFF  }
0x21: {  	[tilespmem:s16], [sflag:$0x1] =	stream.indirect.gather [hbm4b:s5+s15], $0x800, s23, s15, $0xb8;
	[tilespmem:$0x19300] =	vst v63  }
.LBB2_4:
0x22: {  	s0 =	sshll.u32 s23, $0x1  }
0x23: {  	p0 =	slt.u32 s23, $0x8;
	s1 =	sand.u32 $0x6, s0  }
0x24: {  	p1 =	sne.s32 @!p0 s1, $0x0  }
0x25: {  	p0 =	por p1, p0  }
0x26: {  	s24 =	simm.s32 @!p0 $0x3  }
0x27: {  	_ =	swait.ge @!p0 [sflag:s24], $0x400  }
0x28: {  	[sflag:s24] =	ssyncset.done @!p0 $0x0  }
0x29: {  	[sflag:s24] =	ssyncadd.s32 @!p0 $0xFFFFFC00;
	s24 =	simm.s32 @!p0 $0x4  }
0x2a: {  	s25 =	sor.u32 $0x1, s0;
	_ =	swait.ge @!p0 [sflag:s24], $0x400  }
0x2b: {  	s0 =	sshll.u32 s25, $0x4;
	[sflag:s24] =	ssyncset.done @!p0 $0x0  }
0x2c: {  	s31 =	sshll.u32 s23, $0x8;
	s0 =	sand.u32 $0x3FFFFFF0, s0;
	[sflag:s24] =	ssyncadd.s32 @!p0 $0xFFFFFC00  }
0x2d: {  	[tilespmem:s17], [sflag:$0x2] =	stream.indirect.gather [hbm4b:s5+s15], $0x800, s0, s15, $0xb8;
	[tilespmem:$0x19300] =	vst v63  }
0x2e: {  	s1 =	sshll.u32 s1, $0x7;
	s0 =	sand.u32 $0x400, s31  }
0x2f: {  	_ =	swait.ge [sflag:s18], $0x8000;
	s0 =	sor.u32 s1, s0  }
0x30: {  	[sflag:s18] =	ssyncset.done $0x0;
	s0 =	sadd.s32 $0x13C00, s0  }
0x31: {  	s26 =	simm.s32 $0x0;
	s24 =	simm.s32 $0x4400;
	[sflag:s18] =	ssyncadd.s32 $0xFFFF8000;
	v6 =	vmov s0  }
.LBB2_5:
0x32: {  	v7 =	vld [tilespmem:s24+$0xFFFFF800]  }
0x33: {  	v8 =	vld [tilespmem:s24+$0x0]  }
0x34: {  	v9 =	vld [tilespmem:s24+$0xFFFFF810]  }
0x35: {  	v10 =	vld [tilespmem:s24+$0x10]  }
0x36: {  	v11 =	vld [tilespmem:s24+$0xFFFFF820]  }
0x37: {  	v12 =	vld [tilespmem:s24+$0x20]  }
0x38: {  	v13 =	vld [tilespmem:s24+$0xFFFFF830]  }
0x39: {  	v14 =	vld [tilespmem:s24+$0x30]  }
0x3a: {  	v15 =	vld [tilespmem:s24+$0xFFFFF840];
	v7 =	vmul.f32 v8, v7;
	v8 =	vmul.f32 v10, v9  }
0x3b: {  	v9 =	vld [tilespmem:s24+$0x40]  }
0x3c: {  	v10 =	vld [tilespmem:s24+$0xFFFFF850];
	v7 =	vadd.f32 v8, v7;
	v8 =	vmul.f32 v12, v11  }
0x3d: {  	v11 =	vld [tilespmem:s24+$0x50]  }
0x3e: {  	v12 =	vld [tilespmem:s24+$0xFFFFF860];
	v7 =	vadd.f32 v8, v7;
	v8 =	vmul.f32 v14, v13  }
0x3f: {  	v13 =	vld [tilespmem:s24+$0x60]  }
0x40: {  	v14 =	vld [tilespmem:s24+$0xFFFFF870];
	v7 =	vadd.f32 v8, v7;
	v8 =	vmul.f32 v9, v15  }
0x41: {  	v9 =	vld [tilespmem:s24+$0x70]  }
0x42: {  	v15 =	vld [tilespmem:s24+$0xFFFFF880];
	v7 =	vadd.f32 v8, v7;
	v8 =	vmul.f32 v11, v10  }
0x43: {  	v10 =	vld [tilespmem:s24+$0x80]  }
0x44: {  	v11 =	vld [tilespmem:s24+$0xFFFFF890];
	v7 =	vadd.f32 v8, v7;
	v8 =	vmul.f32 v13, v12  }
0x45: {  	v12 =	vld [tilespmem:s24+$0x90]  }
0x46: {  	v13 =	vld [tilespmem:s24+$0xFFFFF8A0];
	v7 =	vadd.f32 v8, v7;
	v8 =	vmul.f32 v9, v14  }
0x47: {  	v9 =	vld [tilespmem:s24+$0xA0]  }
0x48: {  	v14 =	vld [tilespmem:s24+$0xFFFFF8B0];
	v7 =	vadd.f32 v8, v7;
	v8 =	vmul.f32 v10, v15  }
0x49: {  	v10 =	vld [tilespmem:s24+$0xB0]  }
0x4a: {  	v15 =	vld [tilespmem:s24+$0xFFFFF8C0];
	v7 =	vadd.f32 v8, v7;
	v8 =	vmul.f32 v12, v11  }
0x4b: {  	v11 =	vld [tilespmem:s24+$0xC0]  }
0x4c: {  	v16 =	vld [tilespmem:s24+$0xFFFFF8D0];
	v7 =	vadd.f32 v8, v7;
	v8 =	vmul.f32 v9, v13  }
0x4d: {  	v13 =	vld [tilespmem:s24+$0xD0]  }
0x4e: {  	v17 =	vld [tilespmem:s24+$0xFFFFF8E0];
	v9 =	vmul.f32 v10, v14;
	v7 =	vadd.f32 v8, v7  }
0x4f: {  	v18 =	vld [tilespmem:s24+$0xE0]  }
0x50: {  	v8 =	vld [tilespmem:s24+$0xFFFFF8F0];
	v10 =	vmul.f32 v11, v15;
	v7 =	vadd.f32 v9, v7  }
0x51: {  	s1 =	sadd.s32 $0x100, s24;
	v9 =	vld [tilespmem:s24+$0xF0]  }
0x52: {  	v12 =	vld [tilespmem:s1+$0xFFFFF800];
	v11 =	vmul.f32 v13, v16;
	v10 =	vadd.f32 v10, v7  }
0x53: {  	v14 =	vld [tilespmem:s1+$0x0]  }
0x54: {  	v15 =	vld [tilespmem:s1+$0x10];
	v10 =	vadd.f32 v11, v10;
	v11 =	vmul.f32 v18, v17  }
0x55: {  	s29 =	simm.s32 $0x0;
	s28 =	simm.s32 $0x1;
	s30 =	simm.s32 $0x2;
	v13 =	vld [tilespmem:s1+$0xFFFFF810];
	v7 =	vimm.f32 $0.0e+00  }
.LBB2_6:
0x56: {  	p0 =	sne.s32 s30, $0x7;
	v16 =	vld [tilespmem:s1+$0xFFFFF820];
	v10 =	vadd.f32 v11, v10;
	v8 =	vmul.f32 v9, v8  }
0x57: {  	v9 =	vld [tilespmem:s1+$0x20]  }
0x58: {  	v11 =	vld [tilespmem:s1+$0xFFFFF830];
	v8 =	vadd.f32 v8, v10  }
0x59: {  	v10 =	vmul.f32 v14, v12;
	v12 =	vld [tilespmem:s1+$0x30]  }
0x5a: {  	v13 =	vmul.f32 v15, v13;
	v14 =	vld [tilespmem:s1+$0xFFFFF840];
	v15 =	vperm.xlane v8, v0  }
0x5b: {  	v17 =	vld [tilespmem:s1+$0x40]  }
0x5c: {  	v10 =	vadd.f32 v13, v10;
	v9 =	vmul.f32 v9, v16;
	v13 =	vld [tilespmem:s1+$0xFFFFF850];
	v8 =	vadd.f32 v8, v15  }
0x5d: {  	v15 =	vld [tilespmem:s1+$0x50]  }
0x5e: {  	v9 =	vadd.f32 v9, v10;
	v10 =	vmul.f32 v12, v11;
	v11 =	vld [tilespmem:s1+$0xFFFFF860];
	v12 =	vperm.xlane v8, v1  }
0x5f: {  	v16 =	vld [tilespmem:s1+$0x60]  }
0x60: {  	v9 =	vadd.f32 v10, v9;
	v10 =	vmul.f32 v17, v14;
	v14 =	vld [tilespmem:s1+$0xFFFFF870];
	v8 =	vadd.f32 v8, v12  }
0x61: {  	v12 =	vld [tilespmem:s1+$0x70]  }
0x62: {  	v9 =	vadd.f32 v10, v9;
	v10 =	vmul.f32 v15, v13;
	v13 =	vld [tilespmem:s1+$0xFFFFF880];
	v15 =	vperm.xlane v8, v2  }
0x63: {  	v17 =	vld [tilespmem:s1+$0x80]  }
0x64: {  	v9 =	vadd.f32 v10, v9;
	v10 =	vmul.f32 v16, v11;
	v11 =	vld [tilespmem:s1+$0xFFFFF890];
	v8 =	vadd.f32 v8, v15  }
0x65: {  	v15 =	vld [tilespmem:s1+$0x90]  }
0x66: {  	v9 =	vadd.f32 v10, v9;
	v10 =	vmul.f32 v12, v14;
	v12 =	vld [tilespmem:s1+$0xFFFFF8A0];
	v14 =	vperm.xlane v8, v4  }
0x67: {  	v18 =	vmov s29;
	s29 =	smov.u32 s28;
	s28 =	smov.u32 s30;
	v16 =	vld [tilespmem:s1+$0xA0]  }
0x68: {  	v9 =	vadd.f32 v10, v9;
	v10 =	vmul.f32 v17, v13;
	v13 =	vld [tilespmem:s1+$0xFFFFF8B0];
	v8 =	vadd.f32 v8, v14  }
0x69: {  	vm0 =	veq.s32 v18, v5;
	v14 =	vld [tilespmem:s1+$0xB0]  }
0x6a: {  	v9 =	vadd.f32 v10, v9;
	v10 =	vmul.f32 v15, v11;
	v11 =	vld [tilespmem:s1+$0xFFFFF8C0];
	v7 =	vsel vm0, v8, v7  }
0x6b: {  	v8 =	vld [tilespmem:s1+$0xC0]  }
0x6c: {  	v9 =	vadd.f32 v10, v9;
	v10 =	vmul.f32 v16, v12;
	v15 =	vld [tilespmem:s1+$0xFFFFF8D0]  }
0x6d: {  	v16 =	vld [tilespmem:s1+$0xD0]  }
0x6e: {  	v9 =	vadd.f32 v10, v9;
	v10 =	vmul.f32 v14, v13;
	v17 =	vld [tilespmem:s1+$0xFFFFF8E0]  }
0x6f: {  	v18 =	vld [tilespmem:s1+$0xE0]  }
0x70: {  	v10 =	vadd.f32 v10, v9;
	v11 =	vmul.f32 v8, v11;
	v8 =	vld [tilespmem:s1+$0xFFFFF8F0]  }
.Ltmp1:
0x71: {  	v9 =	vld [tilespmem:s1+$0xF0];
	s1 =	sadd.s32 $0x100, s1;
	(pc) =	sbr.rel @p0 .LBB2_6-.Ltmp1, $4  }
0x72: {  	v12 =	vld [tilespmem:s1+$0xFFFFF800];
	v10 =	vadd.f32 v11, v10;
	v11 =	vmul.f32 v16, v15  }
0x73: {  	v14 =	vld [tilespmem:s1+$0x0]  }
0x74: {  	v13 =	vld [tilespmem:s1+$0xFFFFF810];
	v10 =	vadd.f32 v11, v10;
	v11 =	vmul.f32 v18, v17  }
0x75: {  	s30 =	sadd.s32 $0x1, s30;
	v15 =	vld [tilespmem:s1+$0x10]  }
0x76: {  	v16 =	vld [tilespmem:s1+$0xFFFFF820]  }
0x77: {  	v17 =	vld [tilespmem:s1+$0x20]  }
0x78: {  	v18 =	vld [tilespmem:s1+$0xFFFFF830]  }
0x79: {  	v19 =	vld [tilespmem:s1+$0x30]  }
0x7a: {  	v23 =	vld [tilespmem:s1+$0xFFFFF840];
	v12 =	vmul.f32 v14, v12;
	v13 =	vmul.f32 v15, v13  }
0x7b: {  	v24 =	vld [tilespmem:s1+$0x40]  }
0x7c: {  	v26 =	vld [tilespmem:s1+$0xFFFFF850];
	v25 =	vmul.f32 v17, v16;
	v12 =	vadd.f32 v13, v12  }
0x7d: {  	v27 =	vld [tilespmem:s1+$0x50]  }
0x7e: {  	v29 =	vld [tilespmem:s1+$0xFFFFF860];
	v28 =	vmul.f32 v19, v18;
	v12 =	vadd.f32 v25, v12  }
0x7f: {  	v30 =	vld [tilespmem:s1+$0x60]  }
0x80: {  	v32 =	vld [tilespmem:s1+$0xFFFFF870];
	v31 =	vmul.f32 v24, v23;
	v12 =	vadd.f32 v28, v12  }
0x81: {  	v33 =	vld [tilespmem:s1+$0x70]  }
0x82: {  	v35 =	vld [tilespmem:s1+$0xFFFFF880];
	v34 =	vmul.f32 v27, v26;
	v12 =	vadd.f32 v31, v12  }
0x83: {  	v36 =	vld [tilespmem:s1+$0x80]  }
0x84: {  	v38 =	vld [tilespmem:s1+$0xFFFFF890];
	v37 =	vmul.f32 v30, v29;
	v12 =	vadd.f32 v34, v12  }
0x85: {  	v39 =	vld [tilespmem:s1+$0x90]  }
0x86: {  	v41 =	vld [tilespmem:s1+$0xFFFFF8A0];
	v40 =	vmul.f32 v33, v32;
	v12 =	vadd.f32 v37, v12  }
0x87: {  	v42 =	vld [tilespmem:s1+$0xA0]  }
0x88: {  	v44 =	vld [tilespmem:s1+$0xFFFFF8B0];
	v43 =	vmul.f32 v36, v35;
	v12 =	vadd.f32 v40, v12  }
0x89: {  	v45 =	vld [tilespmem:s1+$0xB0]  }
0x8a: {  	v47 =	vld [tilespmem:s1+$0xFFFFF8C0];
	v46 =	vmul.f32 v39, v38;
	v12 =	vadd.f32 v43, v12  }
0x8b: {  	v48 =	vld [tilespmem:s1+$0xC0]  }
0x8c: {  	v50 =	vld [tilespmem:s1+$0xFFFFF8D0];
	v49 =	vmul.f32 v42, v41;
	v12 =	vadd.f32 v46, v12  }
0x8d: {  	v51 =	vld [tilespmem:s1+$0xD0]  }
0x8e: {  	v53 =	vld [tilespmem:s1+$0xFFFFF8E0];
	v52 =	vmul.f32 v45, v44;
	v12 =	vadd.f32 v49, v12  }
0x8f: {  	v54 =	vld [tilespmem:s1+$0xE0]  }
0x90: {  	v56 =	vld [tilespmem:s1+$0xFFFFF8F0];
	v55 =	vmul.f32 v48, v47;
	v12 =	vadd.f32 v52, v12  }
0x91: {  	v57 =	vld [tilespmem:s1+$0xF0]  }
0x92: {  	v58 =	vmul.f32 v51, v50;
	v12 =	vadd.f32 v55, v12;
	_ =	sdelay $0x1  }
0x93: {  	v59 =	vmul.f32 v54, v53;
	v12 =	vadd.f32 v58, v12  }
0x94: {  	v10 =	vadd.f32 v11, v10;
	v8 =	vmul.f32 v9, v8  }
0x95: {  	v61 =	vmul.f32 v57, v56;
	v60 =	vadd.f32 v59, v12  }
0x96: {  	v8 =	vadd.f32 v8, v10  }
0x97: {  	v9 =	vadd.f32 v61, v60  }
0x98: {  	v10 =	vperm.xlane v8, v0  }
0x99: {  	v11 =	vperm.xlane v9, v0  }
0x9a: {  	v8 =	vadd.f32 v8, v10  }
0x9b: {  	v9 =	vadd.f32 v9, v11  }
0x9c: {  	v10 =	vperm.xlane v8, v1  }
0x9d: {  	v11 =	vperm.xlane v9, v1  }
0x9e: {  	v8 =	vadd.f32 v8, v10  }
0x9f: {  	v9 =	vadd.f32 v9, v11  }
0xa0: {  	v10 =	vperm.xlane v8, v2  }
0xa1: {  	v11 =	vperm.xlane v9, v2  }
0xa2: {  	v8 =	vadd.f32 v8, v10  }
0xa3: {  	v9 =	vadd.f32 v9, v11  }
0xa4: {  	v10 =	vperm.xlane v8, v4  }
0xa5: {  	v11 =	vperm.xlane v9, v4  }
0xa6: {  	v62 =	vmov s29;
	v8 =	vadd.f32 v8, v10  }
0xa7: {  	v63 =	vmov s28;
	vm0 =	veq.s32 v62, v5;
	v9 =	vadd.f32 v9, v11  }
0xa8: {  	vm15 =	veq.s32 v63, v5;
	v7 =	vsel vm0, v8, v7  }
0xa9: {  	v7 =	vsel vm15, v9, v7  }
0xaa: {  	v7 =	vmul.f32 $6.250000000e-02, v7;
	_ =	sdelay $0x1  }
0xab: {  	v7 =	vmul.f32 $1.442695020e+00, v7;
	_ =	sdelay $0x1  }
0xac: {  	(erf) = vpow2.f32 v7;
	_ =	sdelay $0x3  }
0xad: {  	s0 =	sshll.u32 s26, $0x4;
	s26 =	sadd.s32 $0x1, s26  }
0xae: {  	p0 =	sne.s32 s26, $0x8  }
.Ltmp2:
0xaf: {  	_ = 	snop;
	(pc) =	sbr.rel @p0 .LBB2_5-.Ltmp2, $3  }
0xb0: {  	_ =	sdelay $0x1  }
0xb1: {  	s0 =	sand.u32 $0x3FFFFFF0, s0;
	v7 =	vpop (erf)  }
0xb2: {  	s24 =	sadd.s32 $0x1000, s24;
	[tilespmem:v6+s0+$0x0 ss:$0x1] =	vst.idx.msk $0xffff, v7  }
0xb3: {  	p0 =	seq.s32 s23, $0x13F  }
0xb4: {  	s0 =	sshll.u32 @!p0 s23, $0x5  }
0xb5: {  	s24 =	sshrl.u32 s23, $0x2;
	s0 =	sand.u32 @!p0 $0x3FFFFFE0, s0  }
0xb6: {  	s1 =	simm.s32 @!p0 $0x10;
	s26 =	simm.s32 @!p0 $0x3C00;
	s0 =	sadd.s32 @!p0 $0x20, s0  }
0xb7: {  	[tilespmem:s26], [sflag:$0x1] =	stream.indirect.gather @!p0 [hbm4b:s5+s1], $0x800, s0, s1, $0xb8;
	[tilespmem:$0x19300] =	vst v63  }
0xb8: {  	s1 =	sshll.u32 s24, $0xA  }
0xb9: {  	s26 =	sand.u32 $0x7, s25;
	s0 =	sand.u32 $0x400, s1  }
0xba: {  	_ =	swait.ge [sflag:s19], $0x8000;
	s31 =	sshll.u32 s26, $0x7;
	s25 =	sadd.s32 $0x13C00, s0  }
0xbb: {  	s28 =	simm.s32 $0x0;
	[sflag:s19] =	ssyncset.done $0x0;
	s0 =	sor.u32 s31, s25  }
0xbc: {  	s29 =	simm.s32 $0x3C00;
	s30 =	simm.s32 $0x0;
	[sflag:s19] =	ssyncadd.s32 $0xFFFF8000;
	v6 =	vmov s0  }
.LBB2_9:
0xbd: {  	v7 =	vmov s29;
	_ =	sdelay $0x3  }
0xbe: {  	s1 =	simm.s32 $0x0  }
0xbf: {  	v8 =	vld.idx.msk [tilespmem:v7+s1+$0x8000 ss:$0x1], $0xffff  }
0xc0: {  	v9 =	vld.idx.msk [tilespmem:v7+s1+$0x8800 ss:$0x1], $0xffff  }
0xc1: {  	v10 =	vld.idx.msk [tilespmem:v7+s1+$0x8010 ss:$0x1], $0xffff  }
0xc2: {  	v11 =	vld.idx.msk [tilespmem:v7+s1+$0x8810 ss:$0x1], $0xffff  }
0xc3: {  	v12 =	vld.idx.msk [tilespmem:v7+s1+$0x8020 ss:$0x1], $0xffff  }
0xc4: {  	v13 =	vld.idx.msk [tilespmem:v7+s1+$0x8820 ss:$0x1], $0xffff  }
0xc5: {  	v14 =	vld.idx.msk [tilespmem:v7+s1+$0x8030 ss:$0x1], $0xffff  }
0xc6: {  	v15 =	vld.idx.msk [tilespmem:v7+s1+$0x8830 ss:$0x1], $0xffff  }
0xc7: {  	v16 =	vld.idx.msk [tilespmem:v7+s1+$0x8040 ss:$0x1], $0xffff  }
0xc8: {  	v17 =	vld.idx.msk [tilespmem:v7+s1+$0x8840 ss:$0x1], $0xffff  }
0xc9: {  	v18 =	vld.idx.msk [tilespmem:v7+s1+$0x8050 ss:$0x1], $0xffff  }
0xca: {  	v19 =	vld.idx.msk [tilespmem:v7+s1+$0x8850 ss:$0x1], $0xffff  }
0xcb: {  	v20 =	vld.idx.msk [tilespmem:v7+s1+$0x8060 ss:$0x1], $0xffff  }
0xcc: {  	v21 =	vld.idx.msk [tilespmem:v7+s1+$0x8860 ss:$0x1], $0xffff  }
0xcd: {  	v22 =	vld.idx.msk [tilespmem:v7+s1+$0x8070 ss:$0x1], $0xffff  }
0xce: {  	v23 =	vld.idx.msk [tilespmem:v7+s1+$0x8870 ss:$0x1], $0xffff  }
0xcf: {  	v24 =	vld.idx.msk [tilespmem:v7+s1+$0x8080 ss:$0x1], $0xffff  }
0xd0: {  	v57 =	vld.idx.msk [tilespmem:v7+s1+$0x88D0 ss:$0x1], $0xffff;
	v8 =	vmul.f32 v9, v8;
	v9 =	vmul.f32 v11, v10  }
0xd1: {  	v58 =	vld.idx.msk [tilespmem:v7+s1+$0x80E0 ss:$0x1], $0xffff  }
0xd2: {  	v59 =	vld.idx.msk [tilespmem:v7+s1+$0x88E0 ss:$0x1], $0xffff;
	v8 =	vadd.f32 v9, v8;
	v9 =	vmul.f32 v13, v12  }
0xd3: {  	s0 =	simm.s32 $0x100;
	v60 =	vld.idx.msk [tilespmem:v7+s1+$0x80F0 ss:$0x1], $0xffff  }
0xd4: {  	v61 =	vld.idx.msk [tilespmem:v7+s0+$0x8000 ss:$0x1], $0xffff;
	v8 =	vadd.f32 v9, v8;
	v9 =	vmul.f32 v15, v14  }
0xd5: {  	v62 =	vld.idx.msk [tilespmem:v7+s0+$0x8850 ss:$0x1], $0xffff  }
0xd6: {  	v10 =	vld.idx.msk [tilespmem:v7+s1+$0x8880 ss:$0x1], $0xffff;
	v8 =	vadd.f32 v9, v8;
	v9 =	vmul.f32 v17, v16  }
0xd7: {  	v11 =	vld.idx.msk [tilespmem:v7+s1+$0x8090 ss:$0x1], $0xffff  }
0xd8: {  	v12 =	vld.idx.msk [tilespmem:v7+s1+$0x8890 ss:$0x1], $0xffff;
	v8 =	vadd.f32 v9, v8;
	v9 =	vmul.f32 v19, v18  }
0xd9: {  	v13 =	vld.idx.msk [tilespmem:v7+s1+$0x80A0 ss:$0x1], $0xffff  }
0xda: {  	v14 =	vld.idx.msk [tilespmem:v7+s1+$0x88A0 ss:$0x1], $0xffff;
	v8 =	vadd.f32 v9, v8;
	v9 =	vmul.f32 v21, v20  }
0xdb: {  	v15 =	vld.idx.msk [tilespmem:v7+s1+$0x80B0 ss:$0x1], $0xffff  }
0xdc: {  	v16 =	vld.idx.msk [tilespmem:v7+s1+$0x88B0 ss:$0x1], $0xffff;
	v8 =	vadd.f32 v9, v8;
	v9 =	vmul.f32 v23, v22  }
0xdd: {  	v17 =	vld.idx.msk [tilespmem:v7+s1+$0x80C0 ss:$0x1], $0xffff  }
0xde: {  	v18 =	vld.idx.msk [tilespmem:v7+s1+$0x88C0 ss:$0x1], $0xffff;
	v8 =	vadd.f32 v9, v8;
	v9 =	vmul.f32 v10, v24  }
0xdf: {  	v19 =	vld.idx.msk [tilespmem:v7+s1+$0x80D0 ss:$0x1], $0xffff  }
0xe0: {  	v8 =	vadd.f32 v9, v8;
	v9 =	vmul.f32 v12, v11;
	v11 =	vld.idx.msk [tilespmem:v7+s0+$0x8800 ss:$0x1], $0xffff  }
0xe1: {  	v12 =	vld.idx.msk [tilespmem:v7+s0+$0x8010 ss:$0x1], $0xffff  }
0xe2: {  	v8 =	vadd.f32 v9, v8;
	v9 =	vmul.f32 v14, v13;
	v13 =	vld.idx.msk [tilespmem:v7+s0+$0x8810 ss:$0x1], $0xffff  }
0xe3: {  	v10 =	vld.idx.msk [tilespmem:v7+s1+$0x88F0 ss:$0x1], $0xffff  }
0xe4: {  	v14 =	vld.idx.msk [tilespmem:v7+s0+$0x8020 ss:$0x1], $0xffff;
	v8 =	vadd.f32 v9, v8;
	v9 =	vmul.f32 v16, v15  }
0xe5: {  	v15 =	vld.idx.msk [tilespmem:v7+s0+$0x8820 ss:$0x1], $0xffff  }
0xe6: {  	v16 =	vld.idx.msk [tilespmem:v7+s0+$0x8030 ss:$0x1], $0xffff;
	v8 =	vadd.f32 v9, v8;
	v9 =	vmul.f32 v18, v17  }
0xe7: {  	v11 =	vmul.f32 v11, v61;
	v17 =	vld.idx.msk [tilespmem:v7+s0+$0x8830 ss:$0x1], $0xffff;
	v12 =	vmul.f32 v13, v12  }
0xe8: {  	v18 =	vld.idx.msk [tilespmem:v7+s0+$0x8040 ss:$0x1], $0xffff;
	v8 =	vadd.f32 v9, v8;
	v9 =	vmul.f32 v57, v19  }
0xe9: {  	v19 =	vld.idx.msk [tilespmem:v7+s0+$0x8840 ss:$0x1], $0xffff;
	v11 =	vadd.f32 v12, v11  }
0xea: {  	v13 =	vld.idx.msk [tilespmem:v7+s0+$0x8050 ss:$0x1], $0xffff;
	v12 =	vmul.f32 v15, v14;
	v8 =	vadd.f32 v9, v8;
	v9 =	vmul.f32 v59, v58  }
0xeb: {  	v10 =	vmul.f32 v10, v60;
	v14 =	vld.idx.msk [tilespmem:v7+s0+$0x8060 ss:$0x1], $0xffff  }
0xec: {  	v15 =	vld.idx.msk [tilespmem:v7+s0+$0x8070 ss:$0x1], $0xffff;
	v11 =	vadd.f32 v12, v11;
	v12 =	vmul.f32 v17, v16;
	v8 =	vadd.f32 v9, v8  }
0xed: {  	v9 =	vld.idx.msk [tilespmem:v7+s0+$0x8860 ss:$0x1], $0xffff  }
0xee: {  	v16 =	vld.idx.msk [tilespmem:v7+s0+$0x8870 ss:$0x1], $0xffff;
	v8 =	vadd.f32 v10, v8;
	v10 =	vadd.f32 v12, v11;
	v11 =	vmul.f32 v19, v18  }
0xef: {  	v17 =	vld.idx.msk [tilespmem:v7+s0+$0x8880 ss:$0x1], $0xffff  }
0xf0: {  	v12 =	vld.idx.msk [tilespmem:v7+s0+$0x8080 ss:$0x1], $0xffff;
	v18 =	vperm.xlane v8, v0;
	v10 =	vadd.f32 v11, v10;
	v11 =	vmul.f32 v62, v13  }
0xf1: {  	v19 =	vld.idx.msk [tilespmem:v7+s0+$0x8890 ss:$0x1], $0xffff  }
0xf2: {  	v13 =	vld.idx.msk [tilespmem:v7+s0+$0x8090 ss:$0x1], $0xffff;
	v9 =	vmul.f32 v9, v14;
	v8 =	vadd.f32 v8, v18;
	v10 =	vadd.f32 v11, v10  }
0xf3: {  	v14 =	vld.idx.msk [tilespmem:v7+s0+$0x88A0 ss:$0x1], $0xffff  }
0xf4: {  	v11 =	vld.idx.msk [tilespmem:v7+s0+$0x80A0 ss:$0x1], $0xffff;
	v18 =	vperm.xlane v8, v1;
	v9 =	vadd.f32 v9, v10;
	v10 =	vmul.f32 v16, v15  }
0xf5: {  	v15 =	vld.idx.msk [tilespmem:v7+s0+$0x80B0 ss:$0x1], $0xffff  }
0xf6: {  	v16 =	vld.idx.msk [tilespmem:v7+s0+$0x88B0 ss:$0x1], $0xffff;
	v8 =	vadd.f32 v8, v18;
	v9 =	vadd.f32 v10, v9;
	v10 =	vmul.f32 v17, v12  }
0xf7: {  	v63 =	vld.idx.msk [tilespmem:v7+s0+$0x88D0 ss:$0x1], $0xffff  }
0xf8: {  	v17 =	vld.idx.msk [tilespmem:v7+s0+$0x80C0 ss:$0x1], $0xffff;
	v12 =	vperm.xlane v8, v2;
	v9 =	vadd.f32 v10, v9;
	v10 =	vmul.f32 v19, v13  }
0xf9: {  	v18 =	vld.idx.msk [tilespmem:v7+s0+$0x88C0 ss:$0x1], $0xffff  }
0xfa: {  	v19 =	vld.idx.msk [tilespmem:v7+s0+$0x80D0 ss:$0x1], $0xffff;
	v8 =	vadd.f32 v8, v12;
	v10 =	vadd.f32 v10, v9;
	v12 =	vmul.f32 v14, v11  }
0xfb: {  	v15 =	vmul.f32 v16, v15;
	v9 =	vld.idx.msk [tilespmem:v7+s0+$0x80E0 ss:$0x1], $0xffff  }
0xfc: {  	s1 =	simm.s32 $0x200;
	v16 =	vmov s28;
	v11 =	vld.idx.msk [tilespmem:v7+s0+$0x88E0 ss:$0x1], $0xffff;
	v13 =	vperm.xlane v8, v4;
	v14 =	vadd.f32 v12, v10  }
0xfd: {  	vm0 =	veq.s32 v16, v5;
	v16 =	vld.idx.msk [tilespmem:v7+s1+$0x8800 ss:$0x1], $0xffff  }
0xfe: {  	v10 =	vld.idx.msk [tilespmem:v7+s0+$0x80F0 ss:$0x1], $0xffff;
	v8 =	vadd.f32 v8, v13;
	v13 =	vadd.f32 v15, v14;
	v14 =	vmul.f32 v18, v17  }
0xff: {  	v12 =	vld.idx.msk [tilespmem:v7+s0+$0x88F0 ss:$0x1], $0xffff  }
0x100: {  	v15 =	vld.idx.msk [tilespmem:v7+s1+$0x8000 ss:$0x1], $0xffff;
	v17 =	vimm.f32 $0.0e+00;
	v13 =	vadd.f32 v14, v13;
	v14 =	vmul.f32 v63, v19  }
0x101: {  	s31 =	simm.s32 $0x0;
	s0 =	simm.s32 $0xC00;
	v8 =	vsel vm0, v8, v17;
	v17 =	vld.idx.msk [tilespmem:v7+s1+$0x8010 ss:$0x1], $0xffff  }
.LBB2_10:
0x102: {  	p0 =	sne.s32 s0, $0x1C00;
	v18 =	vld.idx.msk [tilespmem:v7+s1+$0x8810 ss:$0x1], $0xffff;
	v13 =	vadd.f32 v14, v13;
	v9 =	vmul.f32 v11, v9  }
0x103: {  	v11 =	vld.idx.msk [tilespmem:v7+s1+$0x8020 ss:$0x1], $0xffff  }
0x104: {  	v10 =	vmul.f32 v12, v10;
	v14 =	vld.idx.msk [tilespmem:v7+s1+$0x8820 ss:$0x1], $0xffff;
	v9 =	vadd.f32 v9, v13  }
0x105: {  	v12 =	vld.idx.msk [tilespmem:v7+s1+$0x8030 ss:$0x1], $0xffff  }
0x106: {  	v13 =	vld.idx.msk [tilespmem:v7+s1+$0x8830 ss:$0x1], $0xffff;
	v9 =	vadd.f32 v10, v9  }
0x107: {  	v10 =	vmul.f32 v16, v15;
	v15 =	vld.idx.msk [tilespmem:v7+s1+$0x8040 ss:$0x1], $0xffff  }
0x108: {  	v16 =	vmul.f32 v18, v17;
	v17 =	vld.idx.msk [tilespmem:v7+s1+$0x8840 ss:$0x1], $0xffff;
	v18 =	vperm.xlane v9, v0  }
0x109: {  	v19 =	vld.idx.msk [tilespmem:v7+s1+$0x8050 ss:$0x1], $0xffff  }
0x10a: {  	v10 =	vadd.f32 v16, v10;
	v11 =	vmul.f32 v14, v11;
	v14 =	vld.idx.msk [tilespmem:v7+s1+$0x8850 ss:$0x1], $0xffff;
	v9 =	vadd.f32 v9, v18  }
0x10b: {  	v16 =	vld.idx.msk [tilespmem:v7+s1+$0x8060 ss:$0x1], $0xffff  }
0x10c: {  	v10 =	vadd.f32 v11, v10;
	v11 =	vmul.f32 v13, v12;
	v12 =	vld.idx.msk [tilespmem:v7+s1+$0x8860 ss:$0x1], $0xffff;
	v13 =	vperm.xlane v9, v1  }
0x10d: {  	v18 =	vld.idx.msk [tilespmem:v7+s1+$0x8070 ss:$0x1], $0xffff  }
0x10e: {  	v10 =	vadd.f32 v11, v10;
	v11 =	vmul.f32 v17, v15;
	v15 =	vld.idx.msk [tilespmem:v7+s1+$0x8870 ss:$0x1], $0xffff;
	v9 =	vadd.f32 v9, v13  }
0x10f: {  	v13 =	vld.idx.msk [tilespmem:v7+s1+$0x8080 ss:$0x1], $0xffff  }
0x110: {  	v10 =	vadd.f32 v11, v10;
	v11 =	vmul.f32 v14, v19;
	v14 =	vld.idx.msk [tilespmem:v7+s1+$0x8880 ss:$0x1], $0xffff;
	v17 =	vperm.xlane v9, v2  }
0x111: {  	v19 =	vld.idx.msk [tilespmem:v7+s1+$0x8090 ss:$0x1], $0xffff  }
0x112: {  	v10 =	vadd.f32 v11, v10;
	v11 =	vmul.f32 v12, v16;
	v12 =	vld.idx.msk [tilespmem:v7+s1+$0x8890 ss:$0x1], $0xffff;
	v9 =	vadd.f32 v9, v17  }
0x113: {  	v16 =	vld.idx.msk [tilespmem:v7+s1+$0x80A0 ss:$0x1], $0xffff  }
0x114: {  	s31 =	sadd.s32 $0x1, s31;
	v10 =	vadd.f32 v11, v10;
	v11 =	vmul.f32 v15, v18;
	v15 =	vld.idx.msk [tilespmem:v7+s1+$0x88A0 ss:$0x1], $0xffff;
	v17 =	vperm.xlane v9, v4  }
0x115: {  	v20 =	vmov s31;
	v18 =	vld.idx.msk [tilespmem:v7+s1+$0x80B0 ss:$0x1], $0xffff  }
0x116: {  	v10 =	vadd.f32 v11, v10;
	v11 =	vmul.f32 v14, v13;
	v13 =	vld.idx.msk [tilespmem:v7+s1+$0x88B0 ss:$0x1], $0xffff;
	v9 =	vadd.f32 v9, v17  }
0x117: {  	vm0 =	veq.s32 v20, v5;
	v14 =	vld.idx.msk [tilespmem:v7+s1+$0x80C0 ss:$0x1], $0xffff  }
0x118: {  	v10 =	vadd.f32 v11, v10;
	v11 =	vmul.f32 v12, v19;
	v12 =	vld.idx.msk [tilespmem:v7+s1+$0x88C0 ss:$0x1], $0xffff;
	v8 =	vsel vm0, v9, v8  }
0x119: {  	v17 =	vld.idx.msk [tilespmem:v7+s1+$0x80D0 ss:$0x1], $0xffff  }
0x11a: {  	v10 =	vadd.f32 v11, v10;
	v11 =	vmul.f32 v15, v16;
	v19 =	vld.idx.msk [tilespmem:v7+s1+$0x88D0 ss:$0x1], $0xffff  }
0x11b: {  	v9 =	vld.idx.msk [tilespmem:v7+s1+$0x80E0 ss:$0x1], $0xffff  }
0x11c: {  	v15 =	vadd.f32 v11, v10;
	v13 =	vmul.f32 v13, v18;
	v11 =	vld.idx.msk [tilespmem:v7+s1+$0x88E0 ss:$0x1], $0xffff  }
.Ltmp3:
0x11d: {  	v10 =	vld.idx.msk [tilespmem:v7+s1+$0x80F0 ss:$0x1], $0xffff;
	(pc) =	sbr.rel @p0 .LBB2_10-.Ltmp3, $4  }
0x11e: {  	v13 =	vadd.f32 v13, v15;
	v14 =	vmul.f32 v12, v14;
	v12 =	vld.idx.msk [tilespmem:v7+s1+$0x88F0 ss:$0x1], $0xffff;
	s1 =	sshra.s32 s0, $0x2  }
0x11f: {  	v15 =	vld.idx.msk [tilespmem:v7+s1+$0x8000 ss:$0x1], $0xffff  }
0x120: {  	v13 =	vadd.f32 v14, v13;
	v14 =	vmul.f32 v19, v17;
	v16 =	vld.idx.msk [tilespmem:v7+s1+$0x8800 ss:$0x1], $0xffff  }
0x121: {  	s0 =	sadd.s32 $0x400, s0;
	v17 =	vld.idx.msk [tilespmem:v7+s1+$0x8010 ss:$0x1], $0xffff  }
0x122: {  	_ =	sdelay $0x3  }
0x123: {  	v18 =	vld.idx.msk [tilespmem:v7+s1+$0x8810 ss:$0x1], $0xffff  }
0x124: {  	v19 =	vld.idx.msk [tilespmem:v7+s1+$0x8020 ss:$0x1], $0xffff  }
0x125: {  	v20 =	vld.idx.msk [tilespmem:v7+s1+$0x8820 ss:$0x1], $0xffff  }
0x126: {  	v21 =	vld.idx.msk [tilespmem:v7+s1+$0x8030 ss:$0x1], $0xffff  }
0x127: {  	v22 =	vld.idx.msk [tilespmem:v7+s1+$0x8830 ss:$0x1], $0xffff  }
0x128: {  	v36 =	vld.idx.msk [tilespmem:v7+s1+$0x8040 ss:$0x1], $0xffff;
	v15 =	vmul.f32 v16, v15;
	v17 =	vmul.f32 v18, v17  }
0x129: {  	v37 =	vld.idx.msk [tilespmem:v7+s1+$0x8840 ss:$0x1], $0xffff  }
0x12a: {  	v38 =	vld.idx.msk [tilespmem:v7+s1+$0x8050 ss:$0x1], $0xffff;
	v19 =	vmul.f32 v20, v19;
	v15 =	vadd.f32 v17, v15  }
0x12b: {  	v39 =	vld.idx.msk [tilespmem:v7+s1+$0x8850 ss:$0x1], $0xffff  }
0x12c: {  	v40 =	vld.idx.msk [tilespmem:v7+s1+$0x8060 ss:$0x1], $0xffff;
	v21 =	vmul.f32 v22, v21;
	v15 =	vadd.f32 v19, v15  }
0x12d: {  	v41 =	vld.idx.msk [tilespmem:v7+s1+$0x8860 ss:$0x1], $0xffff  }
0x12e: {  	v42 =	vld.idx.msk [tilespmem:v7+s1+$0x8070 ss:$0x1], $0xffff;
	v16 =	vmul.f32 v37, v36;
	v15 =	vadd.f32 v21, v15  }
0x12f: {  	v43 =	vld.idx.msk [tilespmem:v7+s1+$0x8870 ss:$0x1], $0xffff  }
0x130: {  	v44 =	vld.idx.msk [tilespmem:v7+s1+$0x8080 ss:$0x1], $0xffff;
	v17 =	vmul.f32 v39, v38;
	v15 =	vadd.f32 v16, v15  }
0x131: {  	v45 =	vld.idx.msk [tilespmem:v7+s1+$0x8880 ss:$0x1], $0xffff  }
0x132: {  	v46 =	vld.idx.msk [tilespmem:v7+s1+$0x8090 ss:$0x1], $0xffff;
	v19 =	vmul.f32 v41, v40;
	v15 =	vadd.f32 v17, v15  }
0x133: {  	v47 =	vld.idx.msk [tilespmem:v7+s1+$0x8890 ss:$0x1], $0xffff  }
0x134: {  	v48 =	vld.idx.msk [tilespmem:v7+s1+$0x80A0 ss:$0x1], $0xffff;
	v18 =	vmul.f32 v43, v42;
	v15 =	vadd.f32 v19, v15  }
0x135: {  	v49 =	vld.idx.msk [tilespmem:v7+s1+$0x88A0 ss:$0x1], $0xffff  }
0x136: {  	v50 =	vld.idx.msk [tilespmem:v7+s1+$0x80B0 ss:$0x1], $0xffff;
	v16 =	vmul.f32 v45, v44;
	v15 =	vadd.f32 v18, v15  }
0x137: {  	v51 =	vld.idx.msk [tilespmem:v7+s1+$0x88B0 ss:$0x1], $0xffff  }
0x138: {  	v52 =	vld.idx.msk [tilespmem:v7+s1+$0x80C0 ss:$0x1], $0xffff;
	v17 =	vmul.f32 v47, v46;
	v15 =	vadd.f32 v16, v15  }
0x139: {  	v53 =	vld.idx.msk [tilespmem:v7+s1+$0x88C0 ss:$0x1], $0xffff  }
0x13a: {  	v54 =	vld.idx.msk [tilespmem:v7+s1+$0x80D0 ss:$0x1], $0xffff;
	v19 =	vmul.f32 v49, v48;
	v15 =	vadd.f32 v17, v15  }
0x13b: {  	v55 =	vld.idx.msk [tilespmem:v7+s1+$0x88D0 ss:$0x1], $0xffff  }
0x13c: {  	v56 =	vld.idx.msk [tilespmem:v7+s1+$0x80E0 ss:$0x1], $0xffff;
	v18 =	vmul.f32 v51, v50;
	v15 =	vadd.f32 v19, v15  }
0x13d: {  	v57 =	vld.idx.msk [tilespmem:v7+s1+$0x88E0 ss:$0x1], $0xffff  }
0x13e: {  	v58 =	vld.idx.msk [tilespmem:v7+s1+$0x80F0 ss:$0x1], $0xffff;
	v16 =	vmul.f32 v53, v52;
	v15 =	vadd.f32 v18, v15  }
0x13f: {  	v7 =	vld.idx.msk [tilespmem:v7+s1+$0x88F0 ss:$0x1], $0xffff  }
0x140: {  	v59 =	vmul.f32 v55, v54;
	v15 =	vadd.f32 v16, v15  }
0x141: {  	v13 =	vadd.f32 v14, v13;
	v9 =	vmul.f32 v11, v9  }
0x142: {  	v61 =	vmul.f32 v57, v56;
	v60 =	vadd.f32 v59, v15  }
0x143: {  	v10 =	vmul.f32 v12, v10;
	v9 =	vadd.f32 v9, v13  }
0x144: {  	v7 =	vmul.f32 v7, v58;
	v11 =	vadd.f32 v61, v60  }
0x145: {  	v9 =	vadd.f32 v10, v9  }
0x146: {  	v7 =	vadd.f32 v7, v11  }
0x147: {  	v10 =	vperm.xlane v9, v0  }
0x148: {  	v11 =	vperm.xlane v7, v0  }
0x149: {  	v9 =	vadd.f32 v9, v10  }
0x14a: {  	v7 =	vadd.f32 v7, v11  }
0x14b: {  	v10 =	vperm.xlane v9, v1  }
0x14c: {  	v11 =	vperm.xlane v7, v1  }
0x14d: {  	v9 =	vadd.f32 v9, v10  }
0x14e: {  	v7 =	vadd.f32 v7, v11  }
0x14f: {  	v10 =	vperm.xlane v9, v2  }
0x150: {  	v11 =	vperm.xlane v7, v2  }
0x151: {  	v9 =	vadd.f32 v9, v10  }
0x152: {  	v7 =	vadd.f32 v7, v11  }
0x153: {  	v10 =	vperm.xlane v9, v4  }
0x154: {  	s0 =	sadd.s32 $0x1, s31;
	v11 =	vperm.xlane v7, v4  }
0x155: {  	v62 =	vmov s0;
	s0 =	sadd.s32 $0x1, s0;
	v9 =	vadd.f32 v9, v10  }
0x156: {  	vm0 =	veq.s32 v62, v5;
	v63 =	vmov s0;
	v7 =	vadd.f32 v7, v11  }
0x157: {  	vm15 =	veq.s32 v63, v5;
	v8 =	vsel vm0, v9, v8  }
0x158: {  	v7 =	vsel vm15, v7, v8  }
0x159: {  	v7 =	vmul.f32 $6.250000000e-02, v7;
	_ =	sdelay $0x1  }
0x15a: {  	v7 =	vmul.f32 $1.442695020e+00, v7;
	_ =	sdelay $0x1  }
0x15b: {  	(erf) = vpow2.f32 v7;
	_ =	sdelay $0x3  }
0x15c: {  	s31 =	sshll.u32 s30, $0x4;
	s30 =	sadd.s32 $0x1, s30  }
0x15d: {  	p0 =	sne.s32 s30, $0x8  }
.Ltmp4:
0x15e: {  	_ = 	snop;
	(pc) =	sbr.rel @p0 .LBB2_9-.Ltmp4, $3  }
0x15f: {  	_ =	sdelay $0x1  }
0x160: {  	s0 =	sand.u32 $0x3FFFFFF0, s31;
	v7 =	vpop (erf)  }
0x161: {  	s29 =	sadd.s32 $0x1000, s29;
	[tilespmem:v6+s0+$0x0 ss:$0x1] =	vst.idx.msk $0xffff, v7  }
0x162: {  	p0 =	sne.s32 s26, $0x7  }
0x163: {  	s0 =	sshll.u32 @!p0 s24, $0x6  }
0x164: {  	s24 =	simm.s32 @!p0 $0x40;
	s1 =	sadd.s32 @!p0 $0x2800, s0;
	s0 =	sadd.s32 @!p0 s4, s0  }
0x165: {  	[spmem:s2] =	stream.indirect.scatter.add.f32 @!p0 [tilespmem:s25], [sflag:$0x3], $0x10, s1, s24, $0xb8;
	[tilespmem:$0x19300] =	vst v63  }
0x166: {  	s0 =	sshll.u32 @!p0 s0, $0x1  }
0x167: {  	s0 =	sand.u32 @!p0 $0x1FFFFF80, s0  }
0x168: {  	s23 =	sadd.s32 $0x1, s23;
	s1 =	simm.s32 @!p0 $0x0;
	s0 =	sadd.s32 @!p0 s6, s0  }
0x169: {  	[hbm4b:s0+s1] =	stream.linear.scatter @!p0 [tilespmem:s25], [sflag:$0x4], $0x400, $0x38;
	[tilespmem:$0x19300] =	vst v63  }
0x16a: {  	p0 =	sne.s32 s23, $0x140  }
.Ltmp5:
0x16b: {  	_ = 	snop;
	(pc) =	sbr.rel @p0 .LBB2_4-.Ltmp5, $1  }
0x16c: {  	_ =	sdelay $0x3  }
0x16d: {  	_ =	swait.ge [sflag:s20], $0x400  }
0x16e: {  	[sflag:s20] =	ssyncset.done $0x0  }
0x16f: {  	[sflag:s20] =	ssyncadd.s32 $0xFFFFFC00  }
0x170: {  	_ =	swait.ge [sflag:s21], $0x400  }
0x171: {  	[sflag:s21] =	ssyncset.done $0x0  }
0x172: {  	[sflag:s21] =	ssyncadd.s32 $0xFFFFFC00  }
0x173: {  	_ =	swait.ge [sflag:s20], $0x400  }
0x174: {  	[sflag:s20] =	ssyncset.done $0x0  }
0x175: {  	[sflag:s20] =	ssyncadd.s32 $0xFFFFFC00  }
0x176: {  	_ =	swait.ge [sflag:s21], $0x400  }
0x177: {  	[sflag:s21] =	ssyncset.done $0x0  }
0x178: {  	[sflag:s21] =	ssyncadd.s32 $0xFFFFFC00  }
0x179: {  	[bflag:$0x0] =	sbarrier.arrive $0xFFFF  }
0x17a: {  	[tilespmem:s14], [sflag:$0x5] =	stream.linear.gather [spmem:s9], $0x2780, $0x38;
	[tilespmem:$0x19300] =	vst v63  }
0x17b: {  	s22 =	sadd.s32 $0x1, s22;
	_ =	swait.ge [sflag:s12], $0x2780  }
0x17c: {  	p0 =	sne.s32 s22, s11;
	[sflag:s12] =	ssyncset.done $0x0  }
.Ltmp6:
0x17d: {  	[sflag:s12] =	ssyncadd.s32 $0xFFFFD880;
	(pc) =	sbr.rel @p0 .LBB2_1-.Ltmp6, $4  }
0x17e: {  	[hbm4b:s10+s3] =	stream.linear.scatter [tilespmem:s14], [sflag:$0x5], $0x2780, $0x38;
	[tilespmem:$0x19300] =	vst v63  }
0x17f: {  	_ =	swait.ge [sflag:s12], $0x2780  }
0x180: {  	[sflag:s12] =	ssyncset.done $0x0  }
0x181: {  	[sflag:s12] =	ssyncadd.s32 $0xFFFFD880  }
0x182: {  	_ =	sfence.sel $0x180000  }
0x183: {  	[bflag:$0x0] =	sbarrier.arrive $0xFFFF  }
0x184: {  	_ =	strace $0x9000004A  }
0x185: {  	s0 =	stileid.u32;
	[bflag:$0x2] =	sbarrier.arrive $0xFFFF  }
0x186: {  	p0 =	sne.s32 s0, $0x0;
	s0 =	rddreg [dreg:$0x2]  }
0x187: {  	s0 =	sadd.s32 @!p0 $0x100000, s0  }
0x188: {  	[sflag:s0] =	ssyncadd.tile.s32 @!p0 $0x1;
	_ =	shalt  }
.Lfunc_end2:
_tile_overlayer_lowered:
.L_overlay_start_2:
0x189: {  	(tag) =	ssettag $0x2  }
0x18a: {  	s0 =	rddreg [dreg:$0x0];
	s2 =	stileid.u32  }
0x18b: {  	s1 =	rddreg [dreg:$0x1];
	p0 =	sne.s32 s2, $0x0  }
0x18c: {  	s3 =	rddreg [dreg:$0x2];
	[bflag:$0x3] =	sbarrier.arrive $0xFFFF;
	s2 =	simm.s32 @!p0 $0x1C05  }
0x18d: {  	[timem:s3], [sflag:s2] =	dma.local @!p0 [hbm:s0], s1  }
0x18e: {  	s0 =	simm.s32 @!p0 $0x5  }
0x18f: {  	_ =	swait.ge @!p0 [sflag:s0], s1  }
0x190: {  	s1 =	ssub.s32 @!p0 $0x0, s1;
	[sflag:s0] =	ssyncset.done @!p0 $0x0  }
0x191: {  	[sflag:s0] =	ssyncadd.s32 @!p0 s1  }
0x192: {  	[bflag:$0x3] =	sbarrier.arrive $0xFFFF  }
0x193: {  	_ =	shalt  }

// kernel: sparse-core-data-format-call.cloned.1.call-start
scs
called_computation_lowered:
.L_overlay_start_0:
0x0: {  	s1 =	sld [smem:$0x3FD9]  }
0x1: {  	s2 =	sld [smem:$0x3FFE];
	_ =	sdelay $0x1  }
0x2: {  	s3 =	srdreg.scid  }
0x3: {  	s0 =	sand.u32 $0x1, s3  }
0x4: {  	s17 =	sshll.u32 s0, $0xA;
	s1 =	sadd.s32 s2, s1  }
0x5: {  	s1 =	sadd.s32 s1, s17  }
0x6: {  	[smem:$0x3FBB] =	sst s1  }
0x7: {  	_ = 	snop  }
0x8: {  	(tm) =	ssettm $0x1  }
0x9: {  	s18 =	sld [smem:$0x3FFB];
	_ =	sdelay $0x3  }
0xa: {  	_ =	strace s18  }
0xb: {  	s1 =	sld [smem:$0x3FFC];
	_ =	sdelay $0x3  }
0xc: {  	_ =	strace s1  }
0xd: {  	s1 =	sld [smem:$0x3FFD];
	_ =	sdelay $0x3  }
0xe: {  	_ =	strace s1  }
0xf: {  	_ =	strace $0x8FFFFFFF  }
0x10: {  	s19 =	sld [smem:$0x3FDB];
	_ =	sdelay $0x1  }
0x11: {  	s20 =	simm.s32 $_scs_section_size  }
0x12: {  	s4 =	simm.s32 $_size__tile_overlayer_lowered;
	s5 =	simm.s32 $_tile_overlayer_lowered  }
0x13: {  	s23 =	simm.s32 $0x1BFF;
	s22 =	sshll.u32 s5, $0x1;
	s1 =	sadd.s32 s20, s19  }
0x14: {  	s6 =	simm.s32 $0x0;
	s21 =	sshll.u32 s4, $0x1;
	s4 =	sadd.s32 s22, s1  }
0x15: {  	[timem:s6], [sflag:s23] =	dma.local [hbm:s4], s21  }
0x16: {  	_ =	swait.ge [sflag:s23], s21  }
0x17: {  	s2 =	ssub.s32 $0x0, s21;
	[sflag:s23] =	ssyncset.done $0x0  }
0x18: {  	[sflag:s23] =	ssyncadd.s32 s2;
	_ =	sdelay $0x1  }
0x19: {  	s24 =	simm.s32 $0x1B8B  }
0x1a: {  	_ =	swait.ge [sflag:s24], $0x1  }
0x1b: {  	[sflag:s24] =	ssyncset.done $0x0  }
0x1c: {  	s26 =	simm.s32 $0x1B8E;
	s25 =	sld [smem:$0x3FFE];
	[sflag:s24] =	ssyncadd.s32 $0xFFFFFFFF  }
0x1d: {  	s27 =	simm.s32 $execute0_lowered;
	[smem:$0x3FD2] =	sst s26  }
0x1e: {  	s4 =	sshll.u32 s27, $0x1;
	_ =	strace $0x80000046;
	[dreg:$0x1] =	wrdreg $0xFFFFFFFF  }
0x1f: {  	s28 =	simm.s32 $_size_execute0_lowered;
	s1 =	sadd.s32 s1, s4;
	[dreg:$0x0] =	wrdreg $0x0  }
0x20: {  	s4 =	sshll.u32 s28, $0x1;
	[dreg:$0x2] =	wrdreg s1  }
0x21: {  	[dreg:$0x3] =	wrdreg s4  }
0x22: {  	[dreg:$0x4] =	wrdreg $0xC0  }
0x23: {  	_ =	task [dreg:s6], $0x5FFFF  }
0x24: {  	[dreg:$0x1] =	wrdreg $0xFFFFFFFF  }
0x25: {  	[dreg:$0x0] =	wrdreg $0x60  }
0x26: {  	[dreg:$0x2] =	wrdreg s25  }
0x27: {  	[dreg:$0x3] =	wrdreg $0x9  }
0x28: {  	_ =	task.clear_ibuf [dreg:s6], $0x4FFFF;
	_ =	strace $0x90000046  }
0x29: {  	s29 =	simm.s32 $0x9;
	_ =	strace $0x80000048  }
0x2a: {  	_ =	swait.ge [sflag:s29], $0x1  }
0x2b: {  	[sflag:s29] =	ssyncadd.s32 $0xFFFFFFFF  }
0x2c: {  	_ =	strace $0x90000048  }
0x2d: {  	_ =	sfence  }
0x2e: {  	s30 =	sld [smem:$0x0];
	_ =	sdelay $0x2  }
0x2f: {  	s31 =	sshll.u32 s3, $0xD;
	s3 =	sshrl.u32 s3, $0x2  }
0x30: {  	s2 =	sand.u32 $0x4000, s31;
	s1 =	sadd.s32 s3, s30  }
0x31: {  	s0 =	sor.u32 s2, s0;
	s1 =	sshll.u32 s1, $0x11  }
0x32: {  	s0 =	sor.u32 s1, s0  }
0x33: {  	s0 =	sadd.s32 $0x8F2B, s0  }
0x34: {  	[sflag:s0] =	ssyncadd.remote.s32 $0x1  }
0x35: {  	_ =	sfence.sel $0xFFFF  }
0x36: {  	[dreg:$0x0] =	wrdreg $0xFFFFFFFF;
	(pc) =	sbr.abs _section_cstart, $3  }
0x37: {  	[dreg:$0x1] =	wrdreg $0xFFFFFFFF  }
0x38: {  	_ =	task.clear_ibuf [dreg:s6], $0x2FFFF;
	_ =	strace $0x9FFFFFFF  }
0x39: {  	(tm) =	ssettm $0x7FFFFFFF  }
tec
execute0_lowered:
.L_overlay_start_1:
0x0: {  	(tag) =	ssettag $0x1  }
0x1: {  	s1 =	rddreg [dreg:$0x0]  }
0x2: {  	s0 =	rddreg [dreg:$0x1]  }
0x3: {  	_ =	strace $0x80000047;
	s4 =	srdreg.scid;
	s6 =	simm.s32 $0x2  }
.Ltmp0:
0x4: {  	p0 =	por $0x0, $0x0;
	s9 =	simm.s32 $0x0;
	(pc) =	sbr.rel .LBB1_1-.Ltmp0, $4  }
0x5: {  	s2 =	sadd.s32 $0x2A2E00, s1;
	s3 =	sadd.s32 $0x7A2E00, s1;
	s5 =	sshll.u32 s4, $0x4  }
0x6: {  	s1 =	stileid.u32;
	s4 =	simm.s32 $0x1;
	s5 =	sand.u32 $0x10, s5  }
0x7: {  	s7 =	simm.s32 $0x0;
	[sflag:s4] =	ssyncpa.u1 $0x0;
	s5 =	sor.u32 s1, s5  }
0x8: {  	[sflag:s6] =	ssyncpa.u1 $0x0;
	s6 =	simm.s32 $0x0;
	s8 =	smov.u32 s5  }
.LBB1_7:
0x9: {  	s11 =	sadd.s32 $0x20, s8  }
0xa: {  	p1 =	slt.u32 s7, $0x2;
	s7 =	sadd.s32 $0x1, s7;
	p2 =	sgt.s32 s11, $0x9FF  }
0xb: {  	s11 =	smov.u32 @p2 s5;
	p2 =	sne.s32 s7, $0x52  }
.Ltmp1:
0xc: {  	_ = 	snop;
	(pc) =	sbr.rel @!p2 .LBB1_8-.Ltmp1, $4  }
0xd: {  	s10 =	simm.s32 @!p1 $0x2  }
0xe: {  	_ =	swait.ge @!p1 [sflag:s10], $0x4000  }
0xf: {  	s9 =	smov.u32 s8;
	[sflag:s10] =	ssyncset.done @!p1 $0x0  }
0x10: {  	p0 =	por !p0, !p0;
	s8 =	smov.u32 s11;
	[sflag:s10] =	ssyncadd.s32 @!p1 $0xFFFFC000  }
.LBB1_1:
0x11: {  	p1 =	sgt.u32 s7, $0x4F  }
0x12: {  	s10 =	sxor.u32 @!p1 $0xFFFFFFFF, s7  }
0x13: {  	s11 =	sshll.u32 @!p1 s8, $0xB;
	s10 =	sshll.u32 @!p1 s10, $0xE  }
0x14: {  	s12 =	simm.s32 @!p1 $0x0;
	s11 =	sadd.s32 @!p1 s2, s11;
	s10 =	sand.u32 @!p1 $0x4000, s10  }
0x15: {  	[tilespmem:s10], [sflag:$0x1] =	stream.linear.gather @!p1 [hbm4b:s11+s12], $0x4000, $0x38;
	[tilespmem:$0x10000] =	vst v63  }
0x16: {  	p1 =	seq.s32 s7, $0x0  }
0x17: {  	p2 =	seq.s32 @!p1 s7, $0x51  }
0x18: {  	p1 =	por p1, p2  }
.Ltmp2:
0x19: {  	_ = 	snop;
	(pc) =	sbr.rel @p1 .LBB1_7-.Ltmp2, $1  }
0x1a: {  	_ =	sdelay $0x3  }
0x1b: {  	s10 =	simm.s32 $0x1;
	_ =	swait.ge [sflag:s4], $0x4000;
	s12 =	sshll.u32 s7, $0xE  }
0x1c: {  	s13 =	simm.s32 $0x0;
	s10 =	simm.s32 @!p0 $0x0;
	[sflag:s4] =	ssyncset.done $0x0  }
0x1d: {  	s12 =	sand.u32 $0x4000, s12;
	s11 =	sshll.u32 s10, $0xE;
	[sflag:s4] =	ssyncadd.s32 $0xFFFFC000  }
0x1e: {  	s12 =	sor.u32 $0x8000, s12;
	s10 =	sor.u32 $0x8040, s11;
	s11 =	sor.u32 $0x40, s11  }
.LBB1_3:
0x1f: {  	v0 =	vmov s11;
	_ =	sdelay $0x3  }
0x20: {  	s15 =	simm.s32 $0x0  }
0x21: {  	v6 =	vld.idx.msk [tilespmem:v0+s15+$0x30 ss:$0x1], $0xffff  }
0x22: {  	v7 =	vld.idx.msk [tilespmem:v0+s15+$0xFFFFFFC0 ss:$0x1], $0xffff  }
0x23: {  	v5 =	vld.idx.msk [tilespmem:v0+s15+$0xFFFFFFD0 ss:$0x1], $0xffff  }
0x24: {  	v4 =	vld.idx.msk [tilespmem:v0+s15+$0xFFFFFFE0 ss:$0x1], $0xffff  }
0x25: {  	v3 =	vld.idx.msk [tilespmem:v0+s15+$0xFFFFFFF0 ss:$0x1], $0xffff  }
0x26: {  	v1 =	vld.idx.msk [tilespmem:v0+s15+$0x0 ss:$0x1], $0xffff  }
0x27: {  	v2 =	vld.idx.msk [tilespmem:v0+s15+$0x10 ss:$0x1], $0xffff;
	[tilespmem:s10+$0x30] =	vst v6  }
0x28: {  	s14 =	simm.s32 $0x80;
	s16 =	simm.s32 $0x400;
	[tilespmem:s10+$0xFFFFFFC0] =	vst v7;
	v6 =	vld.idx.msk [tilespmem:v0+s15+$0x20 ss:$0x1], $0xffff;
	s15 =	smov.u32 s10  }
.LBB1_4:
0x29: {  	p1 =	sne.s32 s16, $0xE00;
	v7 =	vld.idx.msk [tilespmem:v0+s14+$0x30 ss:$0x1], $0xffff;
	[tilespmem:s15+$0xFFFFFFD0] =	vst v5  }
0x2a: {  	v8 =	vld.idx.msk [tilespmem:v0+s14+$0xFFFFFFC0 ss:$0x1], $0xffff;
	[tilespmem:s15+$0xFFFFFFE0] =	vst v4  }
0x2b: {  	v5 =	vld.idx.msk [tilespmem:v0+s14+$0xFFFFFFD0 ss:$0x1], $0xffff;
	[tilespmem:s15+$0xFFFFFFF0] =	vst v3  }
.Ltmp3:
0x2c: {  	v4 =	vld.idx.msk [tilespmem:v0+s14+$0xFFFFFFE0 ss:$0x1], $0xffff;
	[tilespmem:s15+$0x0] =	vst v1;
	(pc) =	sbr.rel @p1 .LBB1_4-.Ltmp3, $4  }
0x2d: {  	v3 =	vld.idx.msk [tilespmem:v0+s14+$0xFFFFFFF0 ss:$0x1], $0xffff;
	[tilespmem:s15+$0x10] =	vst v2  }
0x2e: {  	v1 =	vld.idx.msk [tilespmem:v0+s14+$0x0 ss:$0x1], $0xffff;
	[tilespmem:s15+$0x20] =	vst v6;
	s15 =	sadd.s32 $0x800, s15  }
0x2f: {  	v2 =	vld.idx.msk [tilespmem:v0+s14+$0x10 ss:$0x1], $0xffff;
	[tilespmem:s15+$0x30] =	vst v7  }
0x30: {  	[tilespmem:s15+$0xFFFFFFC0] =	vst v8;
	v6 =	vld.idx.msk [tilespmem:v0+s14+$0x20 ss:$0x1], $0xffff;
	s14 =	sshra.s32 s16, $0x2;
	s16 =	sadd.s32 $0x200, s16  }
0x31: {  	_ =	sdelay $0x2  }
0x32: {  	[tilespmem:s15+$0xFFFFFFD0] =	vst v5  }
0x33: {  	v56 =	vld.idx.msk [tilespmem:v0+s14+$0x30 ss:$0x1], $0xffff;
	[tilespmem:s15+$0xFFFFFFE0] =	vst v4  }
0x34: {  	v57 =	vld.idx.msk [tilespmem:v0+s14+$0xFFFFFFC0 ss:$0x1], $0xffff;
	[tilespmem:s15+$0xFFFFFFF0] =	vst v3  }
0x35: {  	v58 =	vld.idx.msk [tilespmem:v0+s14+$0xFFFFFFD0 ss:$0x1], $0xffff;
	[tilespmem:s15+$0x0] =	vst v1  }
0x36: {  	v59 =	vld.idx.msk [tilespmem:v0+s14+$0xFFFFFFE0 ss:$0x1], $0xffff;
	[tilespmem:s15+$0x10] =	vst v2  }
0x37: {  	v60 =	vld.idx.msk [tilespmem:v0+s14+$0xFFFFFFF0 ss:$0x1], $0xffff;
	s31 =	sadd.s32 $0x800, s15;
	[tilespmem:s15+$0x20] =	vst v6  }
0x38: {  	v61 =	vld.idx.msk [tilespmem:v0+s14+$0x0 ss:$0x1], $0xffff;
	[tilespmem:s31+$0x30] =	vst v56  }
0x39: {  	v62 =	vld.idx.msk [tilespmem:v0+s14+$0x10 ss:$0x1], $0xffff;
	s13 =	sadd.s32 $0x1, s13;
	[tilespmem:s31+$0xFFFFFFC0] =	vst v57  }
0x3a: {  	v63 =	vld.idx.msk [tilespmem:v0+s14+$0x20 ss:$0x1], $0xffff;
	p1 =	sne.s32 s13, $0x10;
	[tilespmem:s31+$0xFFFFFFD0] =	vst v58  }
.Ltmp4:
0x3b: {  	[tilespmem:s31+$0xFFFFFFE0] =	vst v59;
	(pc) =	sbr.rel @p1 .LBB1_3-.Ltmp4, $4  }
0x3c: {  	[tilespmem:s31+$0xFFFFFFF0] =	vst v60  }
0x3d: {  	[tilespmem:s31+$0x0] =	vst v61  }
0x3e: {  	[tilespmem:s31+$0x10] =	vst v62  }
0x3f: {  	s10 =	sadd.s32 $0x80, s10;
	s11 =	sadd.s32 $0x400, s11;
	[tilespmem:s31+$0x20] =	vst v63  }
.Ltmp5:
0x40: {  	(pc) =	sbr.rel .LBB1_7-.Ltmp5, $4  }
0x41: {  	_ = 	snop  }
0x42: {  	s9 =	sshll.u32 s9, $0xB  }
0x43: {  	s9 =	sadd.s32 s3, s9  }
0x44: {  	[hbm4b:s9+s6] =	stream.linear.scatter [tilespmem:s12], [sflag:$0x2], $0x4000, $0x38;
	[tilespmem:$0x10000] =	vst v63  }
.LBB1_8:
0x45: {  	_ =	sfence.sel $0x180000  }
0x46: {  	s2 =	simm.s32 $0x1;
	[bflag:$0x0] =	sbarrier.arrive $0xFFFF  }
0x47: {  	s31 =	simm.s32 $0x2;
	[sflag:s2] =	ssyncpa.u1 $0x1  }
0x48: {  	[sflag:s31] =	ssyncpa.u1 $0x1  }
0x49: {  	p0 =	sne.s32 s1, $0x0;
	_ =	strace $0x90000047  }
0x4a: {  	s0 =	sadd.s32 @!p0 $0x100000, s0;
	[bflag:$0x2] =	sbarrier.arrive $0xFFFF  }
0x4b: {  	[sflag:s0] =	ssyncadd.tile.s32 @!p0 $0x1;
	_ =	shalt  }
.Lfunc_end1:
_tile_overlayer_lowered:
.L_overlay_start_2:
0x4c: {  	(tag) =	ssettag $0x2  }
0x4d: {  	s0 =	rddreg [dreg:$0x0];
	s2 =	stileid.u32  }
0x4e: {  	s1 =	rddreg [dreg:$0x1];
	p0 =	sne.s32 s2, $0x0  }
0x4f: {  	s3 =	rddreg [dreg:$0x2];
	[bflag:$0x3] =	sbarrier.arrive $0xFFFF;
	s2 =	simm.s32 @!p0 $0x1C01  }
0x50: {  	[timem:s3], [sflag:s2] =	dma.local @!p0 [hbm:s0], s1  }
0x51: {  	s0 =	simm.s32 @!p0 $0x1  }
0x52: {  	_ =	swait.ge @!p0 [sflag:s0], s1  }
0x53: {  	s1 =	ssub.s32 @!p0 $0x0, s1;
	[sflag:s0] =	ssyncset.done @!p0 $0x0  }
0x54: {  	[sflag:s0] =	ssyncadd.s32 @!p0 s1  }
0x55: {  	[bflag:$0x3] =	sbarrier.arrive $0xFFFF  }
0x56: {  	_ =	shalt  }

</sc_bundles>
